<compile_context>
chip_gen: v7x
topology: tpu7x:2x2x1
jax: 0.10.2.dev20260603
libtpu: 0.0.44.dev20260713+nightly
codegen_flags: <defaults>
</compile_context>

<pallas_src>
import functools

import jax
import jax.numpy as jnp
from jax import lax
from jax.experimental import pallas as pl
from jax.experimental.pallas import tpu as pltpu
from jax.experimental.pallas import tpu_sc as plsc

B = 4096
D = 64
DFF = 2048
M = 50000
DD = D * D

NC = 2
NS = 16
NW = NC * NS
L = 16
BPW = B // NW
GROUPS = BPW // L

_sc_mesh = plsc.VectorSubcoreMesh(core_axis_name="c", subcore_axis_name="s")


@functools.partial(
    pl.kernel,
    out_type=jax.ShapeDtypeStruct((B, DD), jnp.float32),
    mesh=_sc_mesh,
    scratch_types=[
        pltpu.VMEM((BPW,), jnp.int32),
        pltpu.VMEM((L, DD), jnp.float32),
        pltpu.SemaphoreType.DMA,
    ],
)
def _sc_gather(states_hbm, ids_hbm, out_hbm, idx_v, rows_v, sem):
  wid = lax.axis_index("s") * NC + lax.axis_index("c")
  base = wid * BPW
  pltpu.sync_copy(ids_hbm.at[pl.ds(base, BPW)], idx_v)
  for g in range(GROUPS):
    idxs = idx_v[pl.ds(g * L, L)]
    pltpu.async_copy(states_hbm.at[idxs], rows_v, sem).wait()
    pltpu.sync_copy(rows_v, out_hbm.at[pl.ds(base + g * L, L)])


@functools.partial(
    pl.kernel,
    out_type=(),
    mesh=_sc_mesh,
    scratch_types=[
        pltpu.VMEM((BPW,), jnp.int32),
        pltpu.VMEM((BPW,), jnp.int32),
        pltpu.VMEM((L, DD), jnp.float32),
        pltpu.SemaphoreType.DMA,
    ],
)
def _sc_scatter(new_hbm, ids_hbm, win_hbm, states_ref, idx_v, win_v, rows_v, sem):
  wid = lax.axis_index("s") * NC + lax.axis_index("c")
  base = wid * BPW
  pltpu.sync_copy(ids_hbm.at[pl.ds(base, BPW)], idx_v)
  pltpu.sync_copy(win_hbm.at[pl.ds(base, BPW)], win_v)
  for g in range(GROUPS):
    wins = win_v[pl.ds(g * L, L)]
    pltpu.async_copy(new_hbm.at[wins], rows_v, sem).wait()
    dsts = idx_v[pl.ds(g * L, L)]
    pltpu.async_copy(rows_v, states_ref.at[dsts], sem).wait()


_sc_gather_ref = _sc_gather



TCOLS = 512
TGRID = (M + TCOLS - 1) // TCOLS


def _tp_body(src_ref, dst_ref):
  dst_ref[...] = src_ref[...].T


def _tc_transpose(st_t):
  return pl.pallas_call(
      _tp_body,
      grid=(TGRID,),
      in_specs=[pl.BlockSpec((DD, TCOLS), lambda i: (0, i))],
      out_specs=pl.BlockSpec((TCOLS, DD), lambda i: (i, 0)),
      out_shape=jax.ShapeDtypeStruct((M, DD), jnp.float32),
      compiler_params=pltpu.CompilerParams(
          dimension_semantics=("arbitrary",)),
  )(st_t)


def _tpo_body(src_ref, dst_ref):
  dst_ref[...] = src_ref[...].T


def _tc_transpose_out(st_rm):
  return pl.pallas_call(
      _tpo_body,
      grid=(TGRID,),
      in_specs=[pl.BlockSpec((TCOLS, DD), lambda i: (i, 0))],
      out_specs=pl.BlockSpec((DD, TCOLS), lambda i: (0, i)),
      out_shape=jax.ShapeDtypeStruct((DD, M), jnp.float32),
      compiler_params=pltpu.CompilerParams(
          dimension_semantics=("arbitrary",)),
  )(st_rm)



WSZ = 256
WGRID = B // WSZ


def _win_body(ids_row_ref, ids_col_ref, win_ref):
  eq = ids_col_ref[...] == ids_row_ref[...]
  pos = lax.broadcasted_iota(jnp.int32, (WSZ, B), 1)
  win_ref[0, 0, :] = jnp.max(jnp.where(eq, pos, -1), axis=1)


def _win_idx(ids_row, ids_col):
  return pl.pallas_call(
      _win_body,
      grid=(WGRID,),
      in_specs=[
          pl.BlockSpec((1, B), lambda i: (0, 0)),
          pl.BlockSpec((WSZ, 1), lambda i: (i, 0)),
      ],
      out_specs=pl.BlockSpec((1, 1, WSZ), lambda i: (i, 0, 0)),
      out_shape=jax.ShapeDtypeStruct((WGRID, 1, WSZ), jnp.int32),
      compiler_params=pltpu.CompilerParams(
          dimension_semantics=("arbitrary",)),
  )(ids_row, ids_col)



BSZ = 128
GRID = B // BSZ


def _ln(x, g, b):
  mu = jnp.mean(x, axis=-1, keepdims=True)
  var = jnp.mean((x - mu) * (x - mu), axis=-1, keepdims=True)
  return (x - mu) * lax.rsqrt(var + 1e-5) * g + b


def _l2norm(x):
  n = jnp.sqrt(jnp.sum(x * x, axis=-1, keepdims=True))
  return x / jnp.maximum(n, 1e-12)


def _dot_t(a, b):
  return lax.dot_general(a, b, (((1,), (1,)), ((), ())),
                         preferred_element_type=jnp.float32)


def _dot(a, b):
  return lax.dot_general(a, b, (((1,), (0,)), ((), ())),
                         preferred_element_type=jnp.float32)


def _tc_body(use_ref, item_ref, old_ref, rep_ref, exp_ref, seg_ref,
             Wq_ref, Wk_ref, Wv_ref, Wo_ref, bo_ref, wa_ref, ba_ref,
             we_ref, be_ref, W1_ref, b1_ref, W2_ref, b2_ref,
             g1_ref, c1_ref, g2_ref, c2_ref,
             ude_ref, new_ref):
  use = use_ref[...]
  item = item_ref[...]
  old = old_ref[...]
  rep = rep_ref[...]
  expm = exp_ref[...]
  seg = seg_ref[...]
  g1, c1 = g1_ref[...], c1_ref[...]
  g2, c2 = g2_ref[...], c2_ref[...]

  x_norm = _ln(use, g1, c1)
  q = _l2norm(_dot_t(x_norm, Wq_ref[...]))
  qrep = _dot(q, rep)
  read_content = _dot(old * qrep, seg)
  attn = _dot_t(read_content, Wo_ref[...]) + bo_ref[...]
  x = use + attn
  x2 = _ln(x, g2, c2)
  h = jnp.maximum(_dot_t(x2, W1_ref[...]) + b1_ref[...], 0.0)
  ffn = _dot_t(h, W2_ref[...]) + b2_ref[...]
  ude_ref[...] = x + ffn

  i_norm = _ln(item, g1, c1)
  k = _l2norm(_dot_t(i_norm, Wk_ref[...]))
  v = _dot_t(i_norm, Wv_ref[...])
  alpha = jax.nn.sigmoid(
      jnp.sum(i_norm * wa_ref[...], axis=1, keepdims=True) + ba_ref[0, 0])
  eta = jax.nn.sigmoid(
      jnp.sum(i_norm * we_ref[...], axis=1, keepdims=True) + be_ref[0, 0]
  ) * (D ** -0.5)
  krep = _dot(k, rep)
  pred = _dot(old * krep, seg)
  err = v - pred
  errrep = _dot(err, expm)
  new_ref[...] = (1.0 - alpha) * old + eta * (errrep * krep)


def _tc_dense(use, item, old2, rep, expm, seg, Wq, Wk, Wv, Wout, bout,
              w_alpha, b_alpha, w_eta, b_eta, W1, b1, W2, b2,
              ln1_g, ln1_b, ln2_g, ln2_b):
  full = lambda s: pl.BlockSpec(s, lambda i: tuple(0 for _ in s))
  return pl.pallas_call(
      _tc_body,
      grid=(GRID,),
      in_specs=[
          pl.BlockSpec((BSZ, D), lambda i: (i, 0)),
          pl.BlockSpec((BSZ, D), lambda i: (i, 0)),
          pl.BlockSpec((BSZ, DD), lambda i: (i, 0)),
          full((D, DD)), full((D, DD)), full((DD, D)),
          full((D, D)), full((D, D)), full((D, D)), full((D, D)),
          full((1, D)),
          full((1, D)), full((1, 1)),
          full((1, D)), full((1, 1)),
          full((DFF, D)), full((1, DFF)),
          full((D, DFF)), full((1, D)),
          full((1, D)), full((1, D)), full((1, D)), full((1, D)),
      ],
      out_specs=[
          pl.BlockSpec((BSZ, D), lambda i: (i, 0)),
          pl.BlockSpec((BSZ, DD), lambda i: (i, 0)),
      ],
      out_shape=[
          jax.ShapeDtypeStruct((B, D), jnp.float32),
          jax.ShapeDtypeStruct((B, DD), jnp.float32),
      ],
      compiler_params=pltpu.CompilerParams(
          dimension_semantics=("arbitrary",)),
  )(use, item, old2, rep, expm, seg, Wq, Wk, Wv, Wout, bout,
    w_alpha, b_alpha, w_eta, b_eta, W1, b1, W2, b2,
    ln1_g, ln1_b, ln2_g, ln2_b)


def kernel(user_ids, user_static_emb, item_emb, states, Wq, Wk, Wv, Wout, bout,
           w_alpha, b_alpha, w_eta, b_eta, W1, b1, W2, b2,
           ln1_g, ln1_b, ln2_g, ln2_b):
  ids = user_ids.astype(jnp.int32)
  st_t = states.transpose(1, 2, 0).reshape(DD, M)
  st_ref = jax.new_ref(_tc_transpose(st_t))

  old_flat = _sc_gather_ref(st_ref, ids)

  win3 = _win_idx(ids.reshape(1, B), ids.reshape(B, 1))

  pcol = lax.broadcasted_iota(jnp.int32, (D, DD), 1)
  prow = lax.broadcasted_iota(jnp.int32, (D, DD), 0)
  rep = (pcol % D == prow).astype(jnp.float32)
  expm = (pcol // D == prow).astype(jnp.float32)
  seg = expm.T

  ude, new2 = _tc_dense(
      user_static_emb, item_emb, old_flat, rep, expm, seg,
      Wq, Wk, Wv, Wout, bout.reshape(1, D),
      w_alpha, b_alpha.reshape(1, 1), w_eta, b_eta.reshape(1, 1),
      W1, b1.reshape(1, DFF), W2, b2.reshape(1, D),
      ln1_g.reshape(1, D), ln1_b.reshape(1, D),
      ln2_g.reshape(1, D), ln2_b.reshape(1, D))

  _sc_scatter(new2, ids, win3.reshape(B), st_ref)
  out_t = _tc_transpose_out(st_ref[...])
  return ude, out_t.reshape(D, D, M).transpose(2, 0, 1)

# --- scband reference (transcript-rebuilt; emitter-appended) ---
"""Pipeline reference for scband-dual-tower-titans-70119636075187 (READ-ONLY COPY).

The authoritative reference and input builder live on the scoring server;
editing this copy changes nothing except your own understanding.
"""

import jax, jax.numpy as jnp
import numpy as np

B = 4096
D = 64
DFF = 2048
M = 50000

def _ln(x, g, b):
    mu = jnp.mean(x, axis=-1, keepdims=True)
    var = jnp.var(x, axis=-1, keepdims=True)
    return (x - mu) / jnp.sqrt(var + 1e-5) * g + b

def _l2norm(x):
    n = jnp.linalg.norm(x, axis=-1, keepdims=True)
    return x / jnp.clip(n, 1e-12)

def setup_inputs(seed: int = 0) -> dict:
    key = jax.random.key(seed)
    ks = jax.random.split(key, 24)
    s = 0.02
    return {
        'user_ids': jax.random.randint(ks[0], (B,), 0, M, dtype=jnp.int64) if jax.config.jax_enable_x64 else jax.random.randint(ks[0], (B,), 0, M).astype(jnp.int32),
        'user_static_emb': jax.random.normal(ks[1], (B, D), dtype=jnp.float32),
        'item_emb': jax.random.normal(ks[2], (B, D), dtype=jnp.float32),
        'states': jax.random.normal(ks[3], (M, D, D), dtype=jnp.float32) * 0.01,
        'Wq': jax.random.normal(ks[4], (D, D), dtype=jnp.float32) * s,
        'Wk': jax.random.normal(ks[5], (D, D), dtype=jnp.float32) * s,
        'Wv': jax.random.normal(ks[6], (D, D), dtype=jnp.float32) * s,
        'Wout': jax.random.normal(ks[7], (D, D), dtype=jnp.float32) * s,
        'bout': jnp.zeros((D,), dtype=jnp.float32),
        'w_alpha': jax.random.normal(ks[8], (1, D), dtype=jnp.float32) * s,
        'b_alpha': jnp.zeros((1,), dtype=jnp.float32),
        'w_eta': jax.random.normal(ks[9], (1, D), dtype=jnp.float32) * s,
        'b_eta': jnp.zeros((1,), dtype=jnp.float32),
        'W1': jax.random.normal(ks[10], (DFF, D), dtype=jnp.float32) * s,
        'b1': jnp.zeros((DFF,), dtype=jnp.float32),
        'W2': jax.random.normal(ks[11], (D, DFF), dtype=jnp.float32) * s,
        'b2': jnp.zeros((D,), dtype=jnp.float32),
        'ln1_g': jnp.ones((D,), dtype=jnp.float32),
        'ln1_b': jnp.zeros((D,), dtype=jnp.float32),
        'ln2_g': jnp.ones((D,), dtype=jnp.float32),
        'ln2_b': jnp.zeros((D,), dtype=jnp.float32),
    }

def reference(user_ids, user_static_emb, item_emb, states, Wq, Wk, Wv, Wout, bout,
              w_alpha, b_alpha, w_eta, b_eta, W1, b1, W2, b2, ln1_g, ln1_b, ln2_g, ln2_b):
    # --- MemoryBank.get_batch_states: gather per-user state matrices ---
    old_state = jnp.take(states, user_ids, axis=0)  # [B, D, D]

    # --- TitansLayer.predict (read) ---
    x_norm = _ln(user_static_emb, ln1_g, ln1_b)
    q = _l2norm(x_norm @ Wq.T)
    read_content = jnp.einsum('bij,bj->bi', old_state, q)
    attn_output = read_content @ Wout.T + bout
    x = user_static_emb + attn_output  # dropout1 = identity (eval)
    x2 = _ln(x, ln2_g, ln2_b)
    ffn = jax.nn.relu(x2 @ W1.T + b1) @ W2.T + b2
    user_dynamic_emb = x + ffn

    # --- TitansLayer.update (write, delta rule) ---
    i_norm = _ln(item_emb, ln1_g, ln1_b)
    k = _l2norm(i_norm @ Wk.T)
    v = i_norm @ Wv.T
    alpha = jax.nn.sigmoid(i_norm @ w_alpha.T + b_alpha)  # [B, 1]
    eta = jax.nn.sigmoid(i_norm @ w_eta.T + b_eta) * (D ** -0.5)  # [B, 1]
    pred = jnp.einsum('bij,bj->bi', old_state, k)
    error = v - pred
    update_term = error[:, :, None] * k[:, None, :]  # outer product [B, D, D]
    new_state = (1.0 - alpha[:, :, None]) * old_state + eta[:, :, None] * update_term

    # --- MemoryBank.update_batch_states: detached scatter-overwrite ---
    states_new = states.at[user_ids].set(jax.lax.stop_gradient(new_state))
    return user_dynamic_emb, states_new

if __name__ == "__main__":
    import jax
    _d = setup_inputs()
    print(jax.jit(kernel)(*tuple(_d.values())))

</pallas_src>

<mosaic_0001>
#map = affine_map<(d0, d1) -> (0, 0)>
#map1 = affine_map<(d0, d1) -> (0)>
module attributes {stable_mosaic.version = 14 : i64} {
  func.func @new_body(%arg0: i32, %arg1: i32, %arg2: memref<4096x4096xf32, #tpu.memory_space<hbm>>, %arg3: memref<4096xi32, #tpu.memory_space<hbm>>, %arg4: memref<4096xi32, #tpu.memory_space<hbm>>, %arg5: memref<50000x4096xf32, #tpu.memory_space<hbm>>, %arg6: memref<50000x4096xf32, #tpu.memory_space<hbm>>, %arg7: memref<128xi32, #tpu.memory_space<vmem>>, %arg8: memref<128xi32, #tpu.memory_space<vmem>>, %arg9: memref<16x4096xf32, #tpu.memory_space<vmem>>, %arg10: memref<!tpu.dma_semaphore, #tpu.memory_space<semaphore_mem>>) attributes {dimension_semantics = [#tpu.dimension_semantics<core_parallel>, #tpu.dimension_semantics<subcore_parallel>], iteration_bounds = array<i64: 2, 16>, scalar_prefetch = 0 : i64, scratch_operands = 4 : i64, tpu.core_type = #tpu.core_type<sc_vector_subcore>, window_params = [{transform_indices = #map}, {transform_indices = #map1}, {transform_indices = #map1}, {transform_indices = #map}, {transform_indices = #map}]} {
    %mul3A = arith.constant 2 : i32
    %mul3A_0 = arith.muli %arg1, %mul3A : i32
    %add3A = arith.addi %mul3A_0, %arg0 : i32
    %mul3A_1 = arith.constant 128 : i32
    %mul3A_2 = arith.muli %add3A, %mul3A_1 : i32
    "tpu.region"() ({
      %run_scoped3A = tpu.sem_alloc : memref<!tpu.dma_semaphore, #tpu.memory_space<semaphore_mem>>
      %dma_start3A_144 = tpu.memref_slice %arg3[%mul3A_2] : memref<4096xi32, #tpu.memory_space<hbm>> -> memref<128xi32, #tpu.memory_space<hbm>>
      %dma_start3A_145 = tpu.memref_slice %arg3[%mul3A_2] : memref<4096xi32, #tpu.memory_space<hbm>> -> memref<128xi32, #tpu.memory_space<hbm>>
      tpu.enqueue_dma source(%dma_start3A_145 : memref<128xi32, #tpu.memory_space<hbm>>) target(%arg7 : memref<128xi32, #tpu.memory_space<vmem>>) target_semaphore(%run_scoped3A : memref<!tpu.dma_semaphore, #tpu.memory_space<semaphore_mem>>)
      %dma_wait3A_146 = tpu.memref_slice %arg3[%mul3A_2] : memref<4096xi32, #tpu.memory_space<hbm>> -> memref<128xi32, #tpu.memory_space<hbm>>
      %dma_wait3A_147 = tpu.memref_slice %arg3[%mul3A_2] : memref<4096xi32, #tpu.memory_space<hbm>> -> memref<128xi32, #tpu.memory_space<hbm>>
      tpu.wait_dma2 semaphore(%run_scoped3A : memref<!tpu.dma_semaphore, #tpu.memory_space<semaphore_mem>>) src(%dma_wait3A_147 : memref<128xi32, #tpu.memory_space<hbm>>) dst(%arg7 : memref<128xi32, #tpu.memory_space<vmem>>)
      tpu.yield
    }) : () -> ()
    "tpu.region"() ({
      %run_scoped3A = tpu.sem_alloc : memref<!tpu.dma_semaphore, #tpu.memory_space<semaphore_mem>>
      %dma_start3A_144 = tpu.memref_slice %arg4[%mul3A_2] : memref<4096xi32, #tpu.memory_space<hbm>> -> memref<128xi32, #tpu.memory_space<hbm>>
      %dma_start3A_145 = tpu.memref_slice %arg4[%mul3A_2] : memref<4096xi32, #tpu.memory_space<hbm>> -> memref<128xi32, #tpu.memory_space<hbm>>
      tpu.enqueue_dma source(%dma_start3A_145 : memref<128xi32, #tpu.memory_space<hbm>>) target(%arg8 : memref<128xi32, #tpu.memory_space<vmem>>) target_semaphore(%run_scoped3A : memref<!tpu.dma_semaphore, #tpu.memory_space<semaphore_mem>>)
      %dma_wait3A_146 = tpu.memref_slice %arg4[%mul3A_2] : memref<4096xi32, #tpu.memory_space<hbm>> -> memref<128xi32, #tpu.memory_space<hbm>>
      %dma_wait3A_147 = tpu.memref_slice %arg4[%mul3A_2] : memref<4096xi32, #tpu.memory_space<hbm>> -> memref<128xi32, #tpu.memory_space<hbm>>
      tpu.wait_dma2 semaphore(%run_scoped3A : memref<!tpu.dma_semaphore, #tpu.memory_space<semaphore_mem>>) src(%dma_wait3A_147 : memref<128xi32, #tpu.memory_space<hbm>>) dst(%arg8 : memref<128xi32, #tpu.memory_space<vmem>>)
      tpu.yield
    }) : () -> ()
    %get3A = arith.constant 0 : index
    %get3A_3 = tpu.vector_load %arg8[%get3A] {strides = array<i32>} : memref<128xi32, #tpu.memory_space<vmem>>, vector<16xi32>,
    %get3A_4 = vector.shape_cast %get3A_3 : vector<16xi32> to vector<16xi32>
    %dma_start3A = arith.constant 0 : i32
    %dma_start3A_5 = arith.constant 0 : i32
    %dma_start3A_6 = tpu.memref_slice %arg2[%dma_start3A, %dma_start3A_5] : memref<4096x4096xf32, #tpu.memory_space<hbm>> -> memref<4096x4096xf32, #tpu.memory_space<hbm>>
    tpu.enqueue_indirect_dma source(%dma_start3A_6 : memref<4096x4096xf32, #tpu.memory_space<hbm>>) target(%arg9 : memref<16x4096xf32, #tpu.memory_space<vmem>>) offsets(%get3A_4 : vector<16xi32>) semaphore(%arg10 : memref<!tpu.dma_semaphore, #tpu.memory_space<semaphore_mem>>)
    %dma_wait3A = arith.constant 0 : i32
    %dma_wait3A_7 = arith.constant 0 : i32
    %dma_wait3A_8 = tpu.memref_slice %arg2[%dma_wait3A, %dma_wait3A_7] : memref<4096x4096xf32, #tpu.memory_space<hbm>> -> memref<4096x4096xf32, #tpu.memory_space<hbm>>
    tpu.wait_indirect_dma semaphore(%arg10 : memref<!tpu.dma_semaphore, #tpu.memory_space<semaphore_mem>>) src(%dma_wait3A_8 : memref<4096x4096xf32, #tpu.memory_space<hbm>>) dst(%arg9 : memref<16x4096xf32, #tpu.memory_space<vmem>>)
    %get3A_9 = arith.constant 0 : index
    %get3A_10 = tpu.vector_load %arg7[%get3A_9] {strides = array<i32>} : memref<128xi32, #tpu.memory_space<vmem>>, vector<16xi32>,
    %get3A_11 = vector.shape_cast %get3A_10 : vector<16xi32> to vector<16xi32>
    %dma_start3A_12 = arith.constant 0 : i32
    %dma_start3A_13 = arith.constant 0 : i32
    %dma_start3A_14 = tpu.memref_slice %arg5[%dma_start3A_12, %dma_start3A_13] : memref<50000x4096xf32, #tpu.memory_space<hbm>> -> memref<50000x4096xf32, #tpu.memory_space<hbm>>
    tpu.enqueue_indirect_dma source(%arg9 : memref<16x4096xf32, #tpu.memory_space<vmem>>) target(%dma_start3A_14 : memref<50000x4096xf32, #tpu.memory_space<hbm>>) offsets(%get3A_11 : vector<16xi32>) semaphore(%arg10 : memref<!tpu.dma_semaphore, #tpu.memory_space<semaphore_mem>>)
    %dma_wait3A_15 = arith.constant 0 : i32
    %dma_wait3A_16 = arith.constant 0 : i32
    %dma_wait3A_17 = tpu.memref_slice %arg5[%dma_wait3A_15, %dma_wait3A_16] : memref<50000x4096xf32, #tpu.memory_space<hbm>> -> memref<50000x4096xf32, #tpu.memory_space<hbm>>
    tpu.wait_indirect_dma semaphore(%arg10 : memref<!tpu.dma_semaphore, #tpu.memory_space<semaphore_mem>>) src(%arg9 : memref<16x4096xf32, #tpu.memory_space<vmem>>) dst(%dma_wait3A_17 : memref<50000x4096xf32, #tpu.memory_space<hbm>>)
    %get3A_18 = arith.constant 16 : index
    %get3A_19 = tpu.vector_load %arg8[%get3A_18] {strides = array<i32>} : memref<128xi32, #tpu.memory_space<vmem>>, vector<16xi32>,
    %get3A_20 = vector.shape_cast %get3A_19 : vector<16xi32> to vector<16xi32>
    %dma_start3A_21 = arith.constant 0 : i32
    %dma_start3A_22 = arith.constant 0 : i32
    %dma_start3A_23 = tpu.memref_slice %arg2[%dma_start3A_21, %dma_start3A_22] : memref<4096x4096xf32, #tpu.memory_space<hbm>> -> memref<4096x4096xf32, #tpu.memory_space<hbm>>
    tpu.enqueue_indirect_dma source(%dma_start3A_23 : memref<4096x4096xf32, #tpu.memory_space<hbm>>) target(%arg9 : memref<16x4096xf32, #tpu.memory_space<vmem>>) offsets(%get3A_20 : vector<16xi32>) semaphore(%arg10 : memref<!tpu.dma_semaphore, #tpu.memory_space<semaphore_mem>>)
    %dma_wait3A_24 = arith.constant 0 : i32
    %dma_wait3A_25 = arith.constant 0 : i32
    %dma_wait3A_26 = tpu.memref_slice %arg2[%dma_wait3A_24, %dma_wait3A_25] : memref<4096x4096xf32, #tpu.memory_space<hbm>> -> memref<4096x4096xf32, #tpu.memory_space<hbm>>
    tpu.wait_indirect_dma semaphore(%arg10 : memref<!tpu.dma_semaphore, #tpu.memory_space<semaphore_mem>>) src(%dma_wait3A_26 : memref<4096x4096xf32, #tpu.memory_space<hbm>>) dst(%arg9 : memref<16x4096xf32, #tpu.memory_space<vmem>>)
    %get3A_27 = arith.constant 16 : index
    %get3A_28 = tpu.vector_load %arg7[%get3A_27] {strides = array<i32>} : memref<128xi32, #tpu.memory_space<vmem>>, vector<16xi32>,
    %get3A_29 = vector.shape_cast %get3A_28 : vector<16xi32> to vector<16xi32>
    %dma_start3A_30 = arith.constant 0 : i32
    %dma_start3A_31 = arith.constant 0 : i32
    %dma_start3A_32 = tpu.memref_slice %arg5[%dma_start3A_30, %dma_start3A_31] : memref<50000x4096xf32, #tpu.memory_space<hbm>> -> memref<50000x4096xf32, #tpu.memory_space<hbm>>
    tpu.enqueue_indirect_dma source(%arg9 : memref<16x4096xf32, #tpu.memory_space<vmem>>) target(%dma_start3A_32 : memref<50000x4096xf32, #tpu.memory_space<hbm>>) offsets(%get3A_29 : vector<16xi32>) semaphore(%arg10 : memref<!tpu.dma_semaphore, #tpu.memory_space<semaphore_mem>>)
    %dma_wait3A_33 = arith.constant 0 : i32
    %dma_wait3A_34 = arith.constant 0 : i32
    %dma_wait3A_35 = tpu.memref_slice %arg5[%dma_wait3A_33, %dma_wait3A_34] : memref<50000x4096xf32, #tpu.memory_space<hbm>> -> memref<50000x4096xf32, #tpu.memory_space<hbm>>
    tpu.wait_indirect_dma semaphore(%arg10 : memref<!tpu.dma_semaphore, #tpu.memory_space<semaphore_mem>>) src(%arg9 : memref<16x4096xf32, #tpu.memory_space<vmem>>) dst(%dma_wait3A_35 : memref<50000x4096xf32, #tpu.memory_space<hbm>>)
    %get3A_36 = arith.constant 32 : index
    %get3A_37 = tpu.vector_load %arg8[%get3A_36] {strides = array<i32>} : memref<128xi32, #tpu.memory_space<vmem>>, vector<16xi32>,
    %get3A_38 = vector.shape_cast %get3A_37 : vector<16xi32> to vector<16xi32>
    %dma_start3A_39 = arith.constant 0 : i32
    %dma_start3A_40 = arith.constant 0 : i32
    %dma_start3A_41 = tpu.memref_slice %arg2[%dma_start3A_39, %dma_start3A_40] : memref<4096x4096xf32, #tpu.memory_space<hbm>> -> memref<4096x4096xf32, #tpu.memory_space<hbm>>
    tpu.enqueue_indirect_dma source(%dma_start3A_41 : memref<4096x4096xf32, #tpu.memory_space<hbm>>) target(%arg9 : memref<16x4096xf32, #tpu.memory_space<vmem>>) offsets(%get3A_38 : vector<16xi32>) semaphore(%arg10 : memref<!tpu.dma_semaphore, #tpu.memory_space<semaphore_mem>>)
    %dma_wait3A_42 = arith.constant 0 : i32
    %dma_wait3A_43 = arith.constant 0 : i32
    %dma_wait3A_44 = tpu.memref_slice %arg2[%dma_wait3A_42, %dma_wait3A_43] : memref<4096x4096xf32, #tpu.memory_space<hbm>> -> memref<4096x4096xf32, #tpu.memory_space<hbm>>
    tpu.wait_indirect_dma semaphore(%arg10 : memref<!tpu.dma_semaphore, #tpu.memory_space<semaphore_mem>>) src(%dma_wait3A_44 : memref<4096x4096xf32, #tpu.memory_space<hbm>>) dst(%arg9 : memref<16x4096xf32, #tpu.memory_space<vmem>>)
    %get3A_45 = arith.constant 32 : index
    %get3A_46 = tpu.vector_load %arg7[%get3A_45] {strides = array<i32>} : memref<128xi32, #tpu.memory_space<vmem>>, vector<16xi32>,
    %get3A_47 = vector.shape_cast %get3A_46 : vector<16xi32> to vector<16xi32>
    %dma_start3A_48 = arith.constant 0 : i32
    %dma_start3A_49 = arith.constant 0 : i32
    %dma_start3A_50 = tpu.memref_slice %arg5[%dma_start3A_48, %dma_start3A_49] : memref<50000x4096xf32, #tpu.memory_space<hbm>> -> memref<50000x4096xf32, #tpu.memory_space<hbm>>
    tpu.enqueue_indirect_dma source(%arg9 : memref<16x4096xf32, #tpu.memory_space<vmem>>) target(%dma_start3A_50 : memref<50000x4096xf32, #tpu.memory_space<hbm>>) offsets(%get3A_47 : vector<16xi32>) semaphore(%arg10 : memref<!tpu.dma_semaphore, #tpu.memory_space<semaphore_mem>>)
    %dma_wait3A_51 = arith.constant 0 : i32
    %dma_wait3A_52 = arith.constant 0 : i32
    %dma_wait3A_53 = tpu.memref_slice %arg5[%dma_wait3A_51, %dma_wait3A_52] : memref<50000x4096xf32, #tpu.memory_space<hbm>> -> memref<50000x4096xf32, #tpu.memory_space<hbm>>
    tpu.wait_indirect_dma semaphore(%arg10 : memref<!tpu.dma_semaphore, #tpu.memory_space<semaphore_mem>>) src(%arg9 : memref<16x4096xf32, #tpu.memory_space<vmem>>) dst(%dma_wait3A_53 : memref<50000x4096xf32, #tpu.memory_space<hbm>>)
    %get3A_54 = arith.constant 48 : index
    %get3A_55 = tpu.vector_load %arg8[%get3A_54] {strides = array<i32>} : memref<128xi32, #tpu.memory_space<vmem>>, vector<16xi32>,
    %get3A_56 = vector.shape_cast %get3A_55 : vector<16xi32> to vector<16xi32>
    %dma_start3A_57 = arith.constant 0 : i32
    %dma_start3A_58 = arith.constant 0 : i32
    %dma_start3A_59 = tpu.memref_slice %arg2[%dma_start3A_57, %dma_start3A_58] : memref<4096x4096xf32, #tpu.memory_space<hbm>> -> memref<4096x4096xf32, #tpu.memory_space<hbm>>
    tpu.enqueue_indirect_dma source(%dma_start3A_59 : memref<4096x4096xf32, #tpu.memory_space<hbm>>) target(%arg9 : memref<16x4096xf32, #tpu.memory_space<vmem>>) offsets(%get3A_56 : vector<16xi32>) semaphore(%arg10 : memref<!tpu.dma_semaphore, #tpu.memory_space<semaphore_mem>>)
    %dma_wait3A_60 = arith.constant 0 : i32
    %dma_wait3A_61 = arith.constant 0 : i32
    %dma_wait3A_62 = tpu.memref_slice %arg2[%dma_wait3A_60, %dma_wait3A_61] : memref<4096x4096xf32, #tpu.memory_space<hbm>> -> memref<4096x4096xf32, #tpu.memory_space<hbm>>
    tpu.wait_indirect_dma semaphore(%arg10 : memref<!tpu.dma_semaphore, #tpu.memory_space<semaphore_mem>>) src(%dma_wait3A_62 : memref<4096x4096xf32, #tpu.memory_space<hbm>>) dst(%arg9 : memref<16x4096xf32, #tpu.memory_space<vmem>>)
    %get3A_63 = arith.constant 48 : index
    %get3A_64 = tpu.vector_load %arg7[%get3A_63] {strides = array<i32>} : memref<128xi32, #tpu.memory_space<vmem>>, vector<16xi32>,
    %get3A_65 = vector.shape_cast %get3A_64 : vector<16xi32> to vector<16xi32>
    %dma_start3A_66 = arith.constant 0 : i32
    %dma_start3A_67 = arith.constant 0 : i32
    %dma_start3A_68 = tpu.memref_slice %arg5[%dma_start3A_66, %dma_start3A_67] : memref<50000x4096xf32, #tpu.memory_space<hbm>> -> memref<50000x4096xf32, #tpu.memory_space<hbm>>
    tpu.enqueue_indirect_dma source(%arg9 : memref<16x4096xf32, #tpu.memory_space<vmem>>) target(%dma_start3A_68 : memref<50000x4096xf32, #tpu.memory_space<hbm>>) offsets(%get3A_65 : vector<16xi32>) semaphore(%arg10 : memref<!tpu.dma_semaphore, #tpu.memory_space<semaphore_mem>>)
    %dma_wait3A_69 = arith.constant 0 : i32
    %dma_wait3A_70 = arith.constant 0 : i32
    %dma_wait3A_71 = tpu.memref_slice %arg5[%dma_wait3A_69, %dma_wait3A_70] : memref<50000x4096xf32, #tpu.memory_space<hbm>> -> memref<50000x4096xf32, #tpu.memory_space<hbm>>
    tpu.wait_indirect_dma semaphore(%arg10 : memref<!tpu.dma_semaphore, #tpu.memory_space<semaphore_mem>>) src(%arg9 : memref<16x4096xf32, #tpu.memory_space<vmem>>) dst(%dma_wait3A_71 : memref<50000x4096xf32, #tpu.memory_space<hbm>>)
    %get3A_72 = arith.constant 64 : index
    %get3A_73 = tpu.vector_load %arg8[%get3A_72] {strides = array<i32>} : memref<128xi32, #tpu.memory_space<vmem>>, vector<16xi32>,
    %get3A_74 = vector.shape_cast %get3A_73 : vector<16xi32> to vector<16xi32>
    %dma_start3A_75 = arith.constant 0 : i32
    %dma_start3A_76 = arith.constant 0 : i32
    %dma_start3A_77 = tpu.memref_slice %arg2[%dma_start3A_75, %dma_start3A_76] : memref<4096x4096xf32, #tpu.memory_space<hbm>> -> memref<4096x4096xf32, #tpu.memory_space<hbm>>
    tpu.enqueue_indirect_dma source(%dma_start3A_77 : memref<4096x4096xf32, #tpu.memory_space<hbm>>) target(%arg9 : memref<16x4096xf32, #tpu.memory_space<vmem>>) offsets(%get3A_74 : vector<16xi32>) semaphore(%arg10 : memref<!tpu.dma_semaphore, #tpu.memory_space<semaphore_mem>>)
    %dma_wait3A_78 = arith.constant 0 : i32
    %dma_wait3A_79 = arith.constant 0 : i32
    %dma_wait3A_80 = tpu.memref_slice %arg2[%dma_wait3A_78, %dma_wait3A_79] : memref<4096x4096xf32, #tpu.memory_space<hbm>> -> memref<4096x4096xf32, #tpu.memory_space<hbm>>
    tpu.wait_indirect_dma semaphore(%arg10 : memref<!tpu.dma_semaphore, #tpu.memory_space<semaphore_mem>>) src(%dma_wait3A_80 : memref<4096x4096xf32, #tpu.memory_space<hbm>>) dst(%arg9 : memref<16x4096xf32, #tpu.memory_space<vmem>>)
    %get3A_81 = arith.constant 64 : index
    %get3A_82 = tpu.vector_load %arg7[%get3A_81] {strides = array<i32>} : memref<128xi32, #tpu.memory_space<vmem>>, vector<16xi32>,
    %get3A_83 = vector.shape_cast %get3A_82 : vector<16xi32> to vector<16xi32>
    %dma_start3A_84 = arith.constant 0 : i32
    %dma_start3A_85 = arith.constant 0 : i32
    %dma_start3A_86 = tpu.memref_slice %arg5[%dma_start3A_84, %dma_start3A_85] : memref<50000x4096xf32, #tpu.memory_space<hbm>> -> memref<50000x4096xf32, #tpu.memory_space<hbm>>
    tpu.enqueue_indirect_dma source(%arg9 : memref<16x4096xf32, #tpu.memory_space<vmem>>) target(%dma_start3A_86 : memref<50000x4096xf32, #tpu.memory_space<hbm>>) offsets(%get3A_83 : vector<16xi32>) semaphore(%arg10 : memref<!tpu.dma_semaphore, #tpu.memory_space<semaphore_mem>>)
    %dma_wait3A_87 = arith.constant 0 : i32
    %dma_wait3A_88 = arith.constant 0 : i32
    %dma_wait3A_89 = tpu.memref_slice %arg5[%dma_wait3A_87, %dma_wait3A_88] : memref<50000x4096xf32, #tpu.memory_space<hbm>> -> memref<50000x4096xf32, #tpu.memory_space<hbm>>
    tpu.wait_indirect_dma semaphore(%arg10 : memref<!tpu.dma_semaphore, #tpu.memory_space<semaphore_mem>>) src(%arg9 : memref<16x4096xf32, #tpu.memory_space<vmem>>) dst(%dma_wait3A_89 : memref<50000x4096xf32, #tpu.memory_space<hbm>>)
    %get3A_90 = arith.constant 80 : index
    %get3A_91 = tpu.vector_load %arg8[%get3A_90] {strides = array<i32>} : memref<128xi32, #tpu.memory_space<vmem>>, vector<16xi32>,
    %get3A_92 = vector.shape_cast %get3A_91 : vector<16xi32> to vector<16xi32>
    %dma_start3A_93 = arith.constant 0 : i32
    %dma_start3A_94 = arith.constant 0 : i32
    %dma_start3A_95 = tpu.memref_slice %arg2[%dma_start3A_93, %dma_start3A_94] : memref<4096x4096xf32, #tpu.memory_space<hbm>> -> memref<4096x4096xf32, #tpu.memory_space<hbm>>
    tpu.enqueue_indirect_dma source(%dma_start3A_95 : memref<4096x4096xf32, #tpu.memory_space<hbm>>) target(%arg9 : memref<16x4096xf32, #tpu.memory_space<vmem>>) offsets(%get3A_92 : vector<16xi32>) semaphore(%arg10 : memref<!tpu.dma_semaphore, #tpu.memory_space<semaphore_mem>>)
    %dma_wait3A_96 = arith.constant 0 : i32
    %dma_wait3A_97 = arith.constant 0 : i32
    %dma_wait3A_98 = tpu.memref_slice %arg2[%dma_wait3A_96, %dma_wait3A_97] : memref<4096x4096xf32, #tpu.memory_space<hbm>> -> memref<4096x4096xf32, #tpu.memory_space<hbm>>
    tpu.wait_indirect_dma semaphore(%arg10 : memref<!tpu.dma_semaphore, #tpu.memory_space<semaphore_mem>>) src(%dma_wait3A_98 : memref<4096x4096xf32, #tpu.memory_space<hbm>>) dst(%arg9 : memref<16x4096xf32, #tpu.memory_space<vmem>>)
    %get3A_99 = arith.constant 80 : index
    %get3A_100 = tpu.vector_load %arg7[%get3A_99] {strides = array<i32>} : memref<128xi32, #tpu.memory_space<vmem>>, vector<16xi32>,
    %get3A_101 = vector.shape_cast %get3A_100 : vector<16xi32> to vector<16xi32>
    %dma_start3A_102 = arith.constant 0 : i32
    %dma_start3A_103 = arith.constant 0 : i32
    %dma_start3A_104 = tpu.memref_slice %arg5[%dma_start3A_102, %dma_start3A_103] : memref<50000x4096xf32, #tpu.memory_space<hbm>> -> memref<50000x4096xf32, #tpu.memory_space<hbm>>
    tpu.enqueue_indirect_dma source(%arg9 : memref<16x4096xf32, #tpu.memory_space<vmem>>) target(%dma_start3A_104 : memref<50000x4096xf32, #tpu.memory_space<hbm>>) offsets(%get3A_101 : vector<16xi32>) semaphore(%arg10 : memref<!tpu.dma_semaphore, #tpu.memory_space<semaphore_mem>>)
    %dma_wait3A_105 = arith.constant 0 : i32
    %dma_wait3A_106 = arith.constant 0 : i32
    %dma_wait3A_107 = tpu.memref_slice %arg5[%dma_wait3A_105, %dma_wait3A_106] : memref<50000x4096xf32, #tpu.memory_space<hbm>> -> memref<50000x4096xf32, #tpu.memory_space<hbm>>
    tpu.wait_indirect_dma semaphore(%arg10 : memref<!tpu.dma_semaphore, #tpu.memory_space<semaphore_mem>>) src(%arg9 : memref<16x4096xf32, #tpu.memory_space<vmem>>) dst(%dma_wait3A_107 : memref<50000x4096xf32, #tpu.memory_space<hbm>>)
    %get3A_108 = arith.constant 96 : index
    %get3A_109 = tpu.vector_load %arg8[%get3A_108] {strides = array<i32>} : memref<128xi32, #tpu.memory_space<vmem>>, vector<16xi32>,
    %get3A_110 = vector.shape_cast %get3A_109 : vector<16xi32> to vector<16xi32>
    %dma_start3A_111 = arith.constant 0 : i32
    %dma_start3A_112 = arith.constant 0 : i32
    %dma_start3A_113 = tpu.memref_slice %arg2[%dma_start3A_111, %dma_start3A_112] : memref<4096x4096xf32, #tpu.memory_space<hbm>> -> memref<4096x4096xf32, #tpu.memory_space<hbm>>
    tpu.enqueue_indirect_dma source(%dma_start3A_113 : memref<4096x4096xf32, #tpu.memory_space<hbm>>) target(%arg9 : memref<16x4096xf32, #tpu.memory_space<vmem>>) offsets(%get3A_110 : vector<16xi32>) semaphore(%arg10 : memref<!tpu.dma_semaphore, #tpu.memory_space<semaphore_mem>>)
    %dma_wait3A_114 = arith.constant 0 : i32
    %dma_wait3A_115 = arith.constant 0 : i32
    %dma_wait3A_116 = tpu.memref_slice %arg2[%dma_wait3A_114, %dma_wait3A_115] : memref<4096x4096xf32, #tpu.memory_space<hbm>> -> memref<4096x4096xf32, #tpu.memory_space<hbm>>
    tpu.wait_indirect_dma semaphore(%arg10 : memref<!tpu.dma_semaphore, #tpu.memory_space<semaphore_mem>>) src(%dma_wait3A_116 : memref<4096x4096xf32, #tpu.memory_space<hbm>>) dst(%arg9 : memref<16x4096xf32, #tpu.memory_space<vmem>>)
    %get3A_117 = arith.constant 96 : index
    %get3A_118 = tpu.vector_load %arg7[%get3A_117] {strides = array<i32>} : memref<128xi32, #tpu.memory_space<vmem>>, vector<16xi32>,
    %get3A_119 = vector.shape_cast %get3A_118 : vector<16xi32> to vector<16xi32>
    %dma_start3A_120 = arith.constant 0 : i32
    %dma_start3A_121 = arith.constant 0 : i32
    %dma_start3A_122 = tpu.memref_slice %arg5[%dma_start3A_120, %dma_start3A_121] : memref<50000x4096xf32, #tpu.memory_space<hbm>> -> memref<50000x4096xf32, #tpu.memory_space<hbm>>
    tpu.enqueue_indirect_dma source(%arg9 : memref<16x4096xf32, #tpu.memory_space<vmem>>) target(%dma_start3A_122 : memref<50000x4096xf32, #tpu.memory_space<hbm>>) offsets(%get3A_119 : vector<16xi32>) semaphore(%arg10 : memref<!tpu.dma_semaphore, #tpu.memory_space<semaphore_mem>>)
    %dma_wait3A_123 = arith.constant 0 : i32
    %dma_wait3A_124 = arith.constant 0 : i32
    %dma_wait3A_125 = tpu.memref_slice %arg5[%dma_wait3A_123, %dma_wait3A_124] : memref<50000x4096xf32, #tpu.memory_space<hbm>> -> memref<50000x4096xf32, #tpu.memory_space<hbm>>
    tpu.wait_indirect_dma semaphore(%arg10 : memref<!tpu.dma_semaphore, #tpu.memory_space<semaphore_mem>>) src(%arg9 : memref<16x4096xf32, #tpu.memory_space<vmem>>) dst(%dma_wait3A_125 : memref<50000x4096xf32, #tpu.memory_space<hbm>>)
    %get3A_126 = arith.constant 112 : index
    %get3A_127 = tpu.vector_load %arg8[%get3A_126] {strides = array<i32>} : memref<128xi32, #tpu.memory_space<vmem>>, vector<16xi32>,
    %get3A_128 = vector.shape_cast %get3A_127 : vector<16xi32> to vector<16xi32>
    %dma_start3A_129 = arith.constant 0 : i32
    %dma_start3A_130 = arith.constant 0 : i32
    %dma_start3A_131 = tpu.memref_slice %arg2[%dma_start3A_129, %dma_start3A_130] : memref<4096x4096xf32, #tpu.memory_space<hbm>> -> memref<4096x4096xf32, #tpu.memory_space<hbm>>
    tpu.enqueue_indirect_dma source(%dma_start3A_131 : memref<4096x4096xf32, #tpu.memory_space<hbm>>) target(%arg9 : memref<16x4096xf32, #tpu.memory_space<vmem>>) offsets(%get3A_128 : vector<16xi32>) semaphore(%arg10 : memref<!tpu.dma_semaphore, #tpu.memory_space<semaphore_mem>>)
    %dma_wait3A_132 = arith.constant 0 : i32
    %dma_wait3A_133 = arith.constant 0 : i32
    %dma_wait3A_134 = tpu.memref_slice %arg2[%dma_wait3A_132, %dma_wait3A_133] : memref<4096x4096xf32, #tpu.memory_space<hbm>> -> memref<4096x4096xf32, #tpu.memory_space<hbm>>
    tpu.wait_indirect_dma semaphore(%arg10 : memref<!tpu.dma_semaphore, #tpu.memory_space<semaphore_mem>>) src(%dma_wait3A_134 : memref<4096x4096xf32, #tpu.memory_space<hbm>>) dst(%arg9 : memref<16x4096xf32, #tpu.memory_space<vmem>>)
    %get3A_135 = arith.constant 112 : index
    %get3A_136 = tpu.vector_load %arg7[%get3A_135] {strides = array<i32>} : memref<128xi32, #tpu.memory_space<vmem>>, vector<16xi32>,
    %get3A_137 = vector.shape_cast %get3A_136 : vector<16xi32> to vector<16xi32>
    %dma_start3A_138 = arith.constant 0 : i32
    %dma_start3A_139 = arith.constant 0 : i32
    %dma_start3A_140 = tpu.memref_slice %arg5[%dma_start3A_138, %dma_start3A_139] : memref<50000x4096xf32, #tpu.memory_space<hbm>> -> memref<50000x4096xf32, #tpu.memory_space<hbm>>
    tpu.enqueue_indirect_dma source(%arg9 : memref<16x4096xf32, #tpu.memory_space<vmem>>) target(%dma_start3A_140 : memref<50000x4096xf32, #tpu.memory_space<hbm>>) offsets(%get3A_137 : vector<16xi32>) semaphore(%arg10 : memref<!tpu.dma_semaphore, #tpu.memory_space<semaphore_mem>>)
    %dma_wait3A_141 = arith.constant 0 : i32
    %dma_wait3A_142 = arith.constant 0 : i32
    %dma_wait3A_143 = tpu.memref_slice %arg5[%dma_wait3A_141, %dma_wait3A_142] : memref<50000x4096xf32, #tpu.memory_space<hbm>> -> memref<50000x4096xf32, #tpu.memory_space<hbm>>
    tpu.wait_indirect_dma semaphore(%arg10 : memref<!tpu.dma_semaphore, #tpu.memory_space<semaphore_mem>>) src(%arg9 : memref<16x4096xf32, #tpu.memory_space<vmem>>) dst(%dma_wait3A_143 : memref<50000x4096xf32, #tpu.memory_space<hbm>>)
    return
  }
}

#map = affine_map<(d0, d1) -> (0, 0)>
#map1 = affine_map<(d0, d1) -> (0)>
module attributes {stable_mosaic.version = 14 : i64} {
  func.func @new_body(%arg0: i32, %arg1: i32, %arg2: memref<50000x4096xf32, #tpu.memory_space<hbm>>, %arg3: memref<4096xi32, #tpu.memory_space<hbm>>, %arg4: memref<4096x4096xf32, #tpu.memory_space<hbm>>, %arg5: memref<50000x4096xf32, #tpu.memory_space<hbm>>, %arg6: memref<128xi32, #tpu.memory_space<vmem>>, %arg7: memref<16x4096xf32, #tpu.memory_space<vmem>>, %arg8: memref<!tpu.dma_semaphore, #tpu.memory_space<semaphore_mem>>) attributes {dimension_semantics = [#tpu.dimension_semantics<core_parallel>, #tpu.dimension_semantics<subcore_parallel>], iteration_bounds = array<i64: 2, 16>, scalar_prefetch = 0 : i64, scratch_operands = 3 : i64, tpu.core_type = #tpu.core_type<sc_vector_subcore>, window_params = [{transform_indices = #map}, {transform_indices = #map1}, {transform_indices = #map}, {transform_indices = #map}]} {
    %mul3A = arith.constant 2 : i32
    %mul3A_0 = arith.muli %arg1, %mul3A : i32
    %add3A = arith.addi %mul3A_0, %arg0 : i32
    %mul3A_1 = arith.constant 128 : i32
    %mul3A_2 = arith.muli %add3A, %mul3A_1 : i32
    "tpu.region"() ({
      %run_scoped3A = tpu.sem_alloc : memref<!tpu.dma_semaphore, #tpu.memory_space<semaphore_mem>>
      %dma_start3A_88 = tpu.memref_slice %arg3[%mul3A_2] : memref<4096xi32, #tpu.memory_space<hbm>> -> memref<128xi32, #tpu.memory_space<hbm>>
      %dma_start3A_89 = tpu.memref_slice %arg3[%mul3A_2] : memref<4096xi32, #tpu.memory_space<hbm>> -> memref<128xi32, #tpu.memory_space<hbm>>
      tpu.enqueue_dma source(%dma_start3A_89 : memref<128xi32, #tpu.memory_space<hbm>>) target(%arg6 : memref<128xi32, #tpu.memory_space<vmem>>) target_semaphore(%run_scoped3A : memref<!tpu.dma_semaphore, #tpu.memory_space<semaphore_mem>>)
      %dma_wait3A_90 = tpu.memref_slice %arg3[%mul3A_2] : memref<4096xi32, #tpu.memory_space<hbm>> -> memref<128xi32, #tpu.memory_space<hbm>>
      %dma_wait3A_91 = tpu.memref_slice %arg3[%mul3A_2] : memref<4096xi32, #tpu.memory_space<hbm>> -> memref<128xi32, #tpu.memory_space<hbm>>
      tpu.wait_dma2 semaphore(%run_scoped3A : memref<!tpu.dma_semaphore, #tpu.memory_space<semaphore_mem>>) src(%dma_wait3A_91 : memref<128xi32, #tpu.memory_space<hbm>>) dst(%arg6 : memref<128xi32, #tpu.memory_space<vmem>>)
      tpu.yield
    }) : () -> ()
    %get3A = arith.constant 0 : index
    %get3A_3 = tpu.vector_load %arg6[%get3A] {strides = array<i32>} : memref<128xi32, #tpu.memory_space<vmem>>, vector<16xi32>,
    %get3A_4 = vector.shape_cast %get3A_3 : vector<16xi32> to vector<16xi32>
    %dma_start3A = arith.constant 0 : i32
    %dma_start3A_5 = arith.constant 0 : i32
    %dma_start3A_6 = tpu.memref_slice %arg2[%dma_start3A, %dma_start3A_5] : memref<50000x4096xf32, #tpu.memory_space<hbm>> -> memref<50000x4096xf32, #tpu.memory_space<hbm>>
    tpu.enqueue_indirect_dma source(%dma_start3A_6 : memref<50000x4096xf32, #tpu.memory_space<hbm>>) target(%arg7 : memref<16x4096xf32, #tpu.memory_space<vmem>>) offsets(%get3A_4 : vector<16xi32>) semaphore(%arg8 : memref<!tpu.dma_semaphore, #tpu.memory_space<semaphore_mem>>)
    %dma_wait3A = arith.constant 0 : i32
    %dma_wait3A_7 = arith.constant 0 : i32
    %dma_wait3A_8 = tpu.memref_slice %arg2[%dma_wait3A, %dma_wait3A_7] : memref<50000x4096xf32, #tpu.memory_space<hbm>> -> memref<50000x4096xf32, #tpu.memory_space<hbm>>
    tpu.wait_indirect_dma semaphore(%arg8 : memref<!tpu.dma_semaphore, #tpu.memory_space<semaphore_mem>>) src(%dma_wait3A_8 : memref<50000x4096xf32, #tpu.memory_space<hbm>>) dst(%arg7 : memref<16x4096xf32, #tpu.memory_space<vmem>>)
    %add3A_9 = arith.constant 0 : i32
    %add3A_10 = arith.addi %mul3A_2, %add3A_9 : i32
    "tpu.region"() ({
      %run_scoped3A = tpu.sem_alloc : memref<!tpu.dma_semaphore, #tpu.memory_space<semaphore_mem>>
      %dma_start3A_88 = arith.constant 0 : i32
      %dma_start3A_89 = tpu.memref_slice %arg4[%add3A_10, %dma_start3A_88] : memref<4096x4096xf32, #tpu.memory_space<hbm>> -> memref<16x4096xf32, #tpu.memory_space<hbm>>
      %dma_start3A_90 = arith.constant 0 : i32
      %dma_start3A_91 = tpu.memref_slice %arg4[%add3A_10, %dma_start3A_90] : memref<4096x4096xf32, #tpu.memory_space<hbm>> -> memref<16x4096xf32, #tpu.memory_space<hbm>>
      tpu.enqueue_dma source(%arg7 : memref<16x4096xf32, #tpu.memory_space<vmem>>) target(%dma_start3A_91 : memref<16x4096xf32, #tpu.memory_space<hbm>>) target_semaphore(%run_scoped3A : memref<!tpu.dma_semaphore, #tpu.memory_space<semaphore_mem>>)
      %dma_wait3A_92 = arith.constant 0 : i32
      %dma_wait3A_93 = tpu.memref_slice %arg4[%add3A_10, %dma_wait3A_92] : memref<4096x4096xf32, #tpu.memory_space<hbm>> -> memref<16x4096xf32, #tpu.memory_space<hbm>>
      %dma_wait3A_94 = arith.constant 0 : i32
      %dma_wait3A_95 = tpu.memref_slice %arg4[%add3A_10, %dma_wait3A_94] : memref<4096x4096xf32, #tpu.memory_space<hbm>> -> memref<16x4096xf32, #tpu.memory_space<hbm>>
      tpu.wait_dma2 semaphore(%run_scoped3A : memref<!tpu.dma_semaphore, #tpu.memory_space<semaphore_mem>>) src(%arg7 : memref<16x4096xf32, #tpu.memory_space<vmem>>) dst(%dma_wait3A_95 : memref<16x4096xf32, #tpu.memory_space<hbm>>)
      tpu.yield
    }) : () -> ()
    %get3A_11 = arith.constant 16 : index
    %get3A_12 = tpu.vector_load %arg6[%get3A_11] {strides = array<i32>} : memref<128xi32, #tpu.memory_space<vmem>>, vector<16xi32>,
    %get3A_13 = vector.shape_cast %get3A_12 : vector<16xi32> to vector<16xi32>
    %dma_start3A_14 = arith.constant 0 : i32
    %dma_start3A_15 = arith.constant 0 : i32
    %dma_start3A_16 = tpu.memref_slice %arg2[%dma_start3A_14, %dma_start3A_15] : memref<50000x4096xf32, #tpu.memory_space<hbm>> -> memref<50000x4096xf32, #tpu.memory_space<hbm>>
    tpu.enqueue_indirect_dma source(%dma_start3A_16 : memref<50000x4096xf32, #tpu.memory_space<hbm>>) target(%arg7 : memref<16x4096xf32, #tpu.memory_space<vmem>>) offsets(%get3A_13 : vector<16xi32>) semaphore(%arg8 : memref<!tpu.dma_semaphore, #tpu.memory_space<semaphore_mem>>)
    %dma_wait3A_17 = arith.constant 0 : i32
    %dma_wait3A_18 = arith.constant 0 : i32
    %dma_wait3A_19 = tpu.memref_slice %arg2[%dma_wait3A_17, %dma_wait3A_18] : memref<50000x4096xf32, #tpu.memory_space<hbm>> -> memref<50000x4096xf32, #tpu.memory_space<hbm>>
    tpu.wait_indirect_dma semaphore(%arg8 : memref<!tpu.dma_semaphore, #tpu.memory_space<semaphore_mem>>) src(%dma_wait3A_19 : memref<50000x4096xf32, #tpu.memory_space<hbm>>) dst(%arg7 : memref<16x4096xf32, #tpu.memory_space<vmem>>)
    %add3A_20 = arith.constant 16 : i32
    %add3A_21 = arith.addi %mul3A_2, %add3A_20 : i32
    "tpu.region"() ({
      %run_scoped3A = tpu.sem_alloc : memref<!tpu.dma_semaphore, #tpu.memory_space<semaphore_mem>>
      %dma_start3A_88 = arith.constant 0 : i32
      %dma_start3A_89 = tpu.memref_slice %arg4[%add3A_21, %dma_start3A_88] : memref<4096x4096xf32, #tpu.memory_space<hbm>> -> memref<16x4096xf32, #tpu.memory_space<hbm>>
      %dma_start3A_90 = arith.constant 0 : i32
      %dma_start3A_91 = tpu.memref_slice %arg4[%add3A_21, %dma_start3A_90] : memref<4096x4096xf32, #tpu.memory_space<hbm>> -> memref<16x4096xf32, #tpu.memory_space<hbm>>
      tpu.enqueue_dma source(%arg7 : memref<16x4096xf32, #tpu.memory_space<vmem>>) target(%dma_start3A_91 : memref<16x4096xf32, #tpu.memory_space<hbm>>) target_semaphore(%run_scoped3A : memref<!tpu.dma_semaphore, #tpu.memory_space<semaphore_mem>>)
      %dma_wait3A_92 = arith.constant 0 : i32
      %dma_wait3A_93 = tpu.memref_slice %arg4[%add3A_21, %dma_wait3A_92] : memref<4096x4096xf32, #tpu.memory_space<hbm>> -> memref<16x4096xf32, #tpu.memory_space<hbm>>
      %dma_wait3A_94 = arith.constant 0 : i32
      %dma_wait3A_95 = tpu.memref_slice %arg4[%add3A_21, %dma_wait3A_94] : memref<4096x4096xf32, #tpu.memory_space<hbm>> -> memref<16x4096xf32, #tpu.memory_space<hbm>>
      tpu.wait_dma2 semaphore(%run_scoped3A : memref<!tpu.dma_semaphore, #tpu.memory_space<semaphore_mem>>) src(%arg7 : memref<16x4096xf32, #tpu.memory_space<vmem>>) dst(%dma_wait3A_95 : memref<16x4096xf32, #tpu.memory_space<hbm>>)
      tpu.yield
    }) : () -> ()
    %get3A_22 = arith.constant 32 : index
    %get3A_23 = tpu.vector_load %arg6[%get3A_22] {strides = array<i32>} : memref<128xi32, #tpu.memory_space<vmem>>, vector<16xi32>,
    %get3A_24 = vector.shape_cast %get3A_23 : vector<16xi32> to vector<16xi32>
    %dma_start3A_25 = arith.constant 0 : i32
    %dma_start3A_26 = arith.constant 0 : i32
    %dma_start3A_27 = tpu.memref_slice %arg2[%dma_start3A_25, %dma_start3A_26] : memref<50000x4096xf32, #tpu.memory_space<hbm>> -> memref<50000x4096xf32, #tpu.memory_space<hbm>>
    tpu.enqueue_indirect_dma source(%dma_start3A_27 : memref<50000x4096xf32, #tpu.memory_space<hbm>>) target(%arg7 : memref<16x4096xf32, #tpu.memory_space<vmem>>) offsets(%get3A_24 : vector<16xi32>) semaphore(%arg8 : memref<!tpu.dma_semaphore, #tpu.memory_space<semaphore_mem>>)
    %dma_wait3A_28 = arith.constant 0 : i32
    %dma_wait3A_29 = arith.constant 0 : i32
    %dma_wait3A_30 = tpu.memref_slice %arg2[%dma_wait3A_28, %dma_wait3A_29] : memref<50000x4096xf32, #tpu.memory_space<hbm>> -> memref<50000x4096xf32, #tpu.memory_space<hbm>>
    tpu.wait_indirect_dma semaphore(%arg8 : memref<!tpu.dma_semaphore, #tpu.memory_space<semaphore_mem>>) src(%dma_wait3A_30 : memref<50000x4096xf32, #tpu.memory_space<hbm>>) dst(%arg7 : memref<16x4096xf32, #tpu.memory_space<vmem>>)
    %add3A_31 = arith.constant 32 : i32
    %add3A_32 = arith.addi %mul3A_2, %add3A_31 : i32
    "tpu.region"() ({
      %run_scoped3A = tpu.sem_alloc : memref<!tpu.dma_semaphore, #tpu.memory_space<semaphore_mem>>
      %dma_start3A_88 = arith.constant 0 : i32
      %dma_start3A_89 = tpu.memref_slice %arg4[%add3A_32, %dma_start3A_88] : memref<4096x4096xf32, #tpu.memory_space<hbm>> -> memref<16x4096xf32, #tpu.memory_space<hbm>>
      %dma_start3A_90 = arith.constant 0 : i32
      %dma_start3A_91 = tpu.memref_slice %arg4[%add3A_32, %dma_start3A_90] : memref<4096x4096xf32, #tpu.memory_space<hbm>> -> memref<16x4096xf32, #tpu.memory_space<hbm>>
      tpu.enqueue_dma source(%arg7 : memref<16x4096xf32, #tpu.memory_space<vmem>>) target(%dma_start3A_91 : memref<16x4096xf32, #tpu.memory_space<hbm>>) target_semaphore(%run_scoped3A : memref<!tpu.dma_semaphore, #tpu.memory_space<semaphore_mem>>)
      %dma_wait3A_92 = arith.constant 0 : i32
      %dma_wait3A_93 = tpu.memref_slice %arg4[%add3A_32, %dma_wait3A_92] : memref<4096x4096xf32, #tpu.memory_space<hbm>> -> memref<16x4096xf32, #tpu.memory_space<hbm>>
      %dma_wait3A_94 = arith.constant 0 : i32
      %dma_wait3A_95 = tpu.memref_slice %arg4[%add3A_32, %dma_wait3A_94] : memref<4096x4096xf32, #tpu.memory_space<hbm>> -> memref<16x4096xf32, #tpu.memory_space<hbm>>
      tpu.wait_dma2 semaphore(%run_scoped3A : memref<!tpu.dma_semaphore, #tpu.memory_space<semaphore_mem>>) src(%arg7 : memref<16x4096xf32, #tpu.memory_space<vmem>>) dst(%dma_wait3A_95 : memref<16x4096xf32, #tpu.memory_space<hbm>>)
      tpu.yield
    }) : () -> ()
    %get3A_33 = arith.constant 48 : index
    %get3A_34 = tpu.vector_load %arg6[%get3A_33] {strides = array<i32>} : memref<128xi32, #tpu.memory_space<vmem>>, vector<16xi32>,
    %get3A_35 = vector.shape_cast %get3A_34 : vector<16xi32> to vector<16xi32>
    %dma_start3A_36 = arith.constant 0 : i32
    %dma_start3A_37 = arith.constant 0 : i32
    %dma_start3A_38 = tpu.memref_slice %arg2[%dma_start3A_36, %dma_start3A_37] : memref<50000x4096xf32, #tpu.memory_space<hbm>> -> memref<50000x4096xf32, #tpu.memory_space<hbm>>
    tpu.enqueue_indirect_dma source(%dma_start3A_38 : memref<50000x4096xf32, #tpu.memory_space<hbm>>) target(%arg7 : memref<16x4096xf32, #tpu.memory_space<vmem>>) offsets(%get3A_35 : vector<16xi32>) semaphore(%arg8 : memref<!tpu.dma_semaphore, #tpu.memory_space<semaphore_mem>>)
    %dma_wait3A_39 = arith.constant 0 : i32
    %dma_wait3A_40 = arith.constant 0 : i32
    %dma_wait3A_41 = tpu.memref_slice %arg2[%dma_wait3A_39, %dma_wait3A_40] : memref<50000x4096xf32, #tpu.memory_space<hbm>> -> memref<50000x4096xf32, #tpu.memory_space<hbm>>
    tpu.wait_indirect_dma semaphore(%arg8 : memref<!tpu.dma_semaphore, #tpu.memory_space<semaphore_mem>>) src(%dma_wait3A_41 : memref<50000x4096xf32, #tpu.memory_space<hbm>>) dst(%arg7 : memref<16x4096xf32, #tpu.memory_space<vmem>>)
    %add3A_42 = arith.constant 48 : i32
    %add3A_43 = arith.addi %mul3A_2, %add3A_42 : i32
    "tpu.region"() ({
      %run_scoped3A = tpu.sem_alloc : memref<!tpu.dma_semaphore, #tpu.memory_space<semaphore_mem>>
      %dma_start3A_88 = arith.constant 0 : i32
      %dma_start3A_89 = tpu.memref_slice %arg4[%add3A_43, %dma_start3A_88] : memref<4096x4096xf32, #tpu.memory_space<hbm>> -> memref<16x4096xf32, #tpu.memory_space<hbm>>
      %dma_start3A_90 = arith.constant 0 : i32
      %dma_start3A_91 = tpu.memref_slice %arg4[%add3A_43, %dma_start3A_90] : memref<4096x4096xf32, #tpu.memory_space<hbm>> -> memref<16x4096xf32, #tpu.memory_space<hbm>>
      tpu.enqueue_dma source(%arg7 : memref<16x4096xf32, #tpu.memory_space<vmem>>) target(%dma_start3A_91 : memref<16x4096xf32, #tpu.memory_space<hbm>>) target_semaphore(%run_scoped3A : memref<!tpu.dma_semaphore, #tpu.memory_space<semaphore_mem>>)
      %dma_wait3A_92 = arith.constant 0 : i32
      %dma_wait3A_93 = tpu.memref_slice %arg4[%add3A_43, %dma_wait3A_92] : memref<4096x4096xf32, #tpu.memory_space<hbm>> -> memref<16x4096xf32, #tpu.memory_space<hbm>>
      %dma_wait3A_94 = arith.constant 0 : i32
      %dma_wait3A_95 = tpu.memref_slice %arg4[%add3A_43, %dma_wait3A_94] : memref<4096x4096xf32, #tpu.memory_space<hbm>> -> memref<16x4096xf32, #tpu.memory_space<hbm>>
      tpu.wait_dma2 semaphore(%run_scoped3A : memref<!tpu.dma_semaphore, #tpu.memory_space<semaphore_mem>>) src(%arg7 : memref<16x4096xf32, #tpu.memory_space<vmem>>) dst(%dma_wait3A_95 : memref<16x4096xf32, #tpu.memory_space<hbm>>)
      tpu.yield
    }) : () -> ()
    %get3A_44 = arith.constant 64 : index
    %get3A_45 = tpu.vector_load %arg6[%get3A_44] {strides = array<i32>} : memref<128xi32, #tpu.memory_space<vmem>>, vector<16xi32>,
    %get3A_46 = vector.shape_cast %get3A_45 : vector<16xi32> to vector<16xi32>
    %dma_start3A_47 = arith.constant 0 : i32
    %dma_start3A_48 = arith.constant 0 : i32
    %dma_start3A_49 = tpu.memref_slice %arg2[%dma_start3A_47, %dma_start3A_48] : memref<50000x4096xf32, #tpu.memory_space<hbm>> -> memref<50000x4096xf32, #tpu.memory_space<hbm>>
    tpu.enqueue_indirect_dma source(%dma_start3A_49 : memref<50000x4096xf32, #tpu.memory_space<hbm>>) target(%arg7 : memref<16x4096xf32, #tpu.memory_space<vmem>>) offsets(%get3A_46 : vector<16xi32>) semaphore(%arg8 : memref<!tpu.dma_semaphore, #tpu.memory_space<semaphore_mem>>)
    %dma_wait3A_50 = arith.constant 0 : i32
    %dma_wait3A_51 = arith.constant 0 : i32
    %dma_wait3A_52 = tpu.memref_slice %arg2[%dma_wait3A_50, %dma_wait3A_51] : memref<50000x4096xf32, #tpu.memory_space<hbm>> -> memref<50000x4096xf32, #tpu.memory_space<hbm>>
    tpu.wait_indirect_dma semaphore(%arg8 : memref<!tpu.dma_semaphore, #tpu.memory_space<semaphore_mem>>) src(%dma_wait3A_52 : memref<50000x4096xf32, #tpu.memory_space<hbm>>) dst(%arg7 : memref<16x4096xf32, #tpu.memory_space<vmem>>)
    %add3A_53 = arith.constant 64 : i32
    %add3A_54 = arith.addi %mul3A_2, %add3A_53 : i32
    "tpu.region"() ({
      %run_scoped3A = tpu.sem_alloc : memref<!tpu.dma_semaphore, #tpu.memory_space<semaphore_mem>>
      %dma_start3A_88 = arith.constant 0 : i32
      %dma_start3A_89 = tpu.memref_slice %arg4[%add3A_54, %dma_start3A_88] : memref<4096x4096xf32, #tpu.memory_space<hbm>> -> memref<16x4096xf32, #tpu.memory_space<hbm>>
      %dma_start3A_90 = arith.constant 0 : i32
      %dma_start3A_91 = tpu.memref_slice %arg4[%add3A_54, %dma_start3A_90] : memref<4096x4096xf32, #tpu.memory_space<hbm>> -> memref<16x4096xf32, #tpu.memory_space<hbm>>
      tpu.enqueue_dma source(%arg7 : memref<16x4096xf32, #tpu.memory_space<vmem>>) target(%dma_start3A_91 : memref<16x4096xf32, #tpu.memory_space<hbm>>) target_semaphore(%run_scoped3A : memref<!tpu.dma_semaphore, #tpu.memory_space<semaphore_mem>>)
      %dma_wait3A_92 = arith.constant 0 : i32
      %dma_wait3A_93 = tpu.memref_slice %arg4[%add3A_54, %dma_wait3A_92] : memref<4096x4096xf32, #tpu.memory_space<hbm>> -> memref<16x4096xf32, #tpu.memory_space<hbm>>
      %dma_wait3A_94 = arith.constant 0 : i32
      %dma_wait3A_95 = tpu.memref_slice %arg4[%add3A_54, %dma_wait3A_94] : memref<4096x4096xf32, #tpu.memory_space<hbm>> -> memref<16x4096xf32, #tpu.memory_space<hbm>>
      tpu.wait_dma2 semaphore(%run_scoped3A : memref<!tpu.dma_semaphore, #tpu.memory_space<semaphore_mem>>) src(%arg7 : memref<16x4096xf32, #tpu.memory_space<vmem>>) dst(%dma_wait3A_95 : memref<16x4096xf32, #tpu.memory_space<hbm>>)
      tpu.yield
    }) : () -> ()
    %get3A_55 = arith.constant 80 : index
    %get3A_56 = tpu.vector_load %arg6[%get3A_55] {strides = array<i32>} : memref<128xi32, #tpu.memory_space<vmem>>, vector<16xi32>,
    %get3A_57 = vector.shape_cast %get3A_56 : vector<16xi32> to vector<16xi32>
    %dma_start3A_58 = arith.constant 0 : i32
    %dma_start3A_59 = arith.constant 0 : i32
    %dma_start3A_60 = tpu.memref_slice %arg2[%dma_start3A_58, %dma_start3A_59] : memref<50000x4096xf32, #tpu.memory_space<hbm>> -> memref<50000x4096xf32, #tpu.memory_space<hbm>>
    tpu.enqueue_indirect_dma source(%dma_start3A_60 : memref<50000x4096xf32, #tpu.memory_space<hbm>>) target(%arg7 : memref<16x4096xf32, #tpu.memory_space<vmem>>) offsets(%get3A_57 : vector<16xi32>) semaphore(%arg8 : memref<!tpu.dma_semaphore, #tpu.memory_space<semaphore_mem>>)
    %dma_wait3A_61 = arith.constant 0 : i32
    %dma_wait3A_62 = arith.constant 0 : i32
    %dma_wait3A_63 = tpu.memref_slice %arg2[%dma_wait3A_61, %dma_wait3A_62] : memref<50000x4096xf32, #tpu.memory_space<hbm>> -> memref<50000x4096xf32, #tpu.memory_space<hbm>>
    tpu.wait_indirect_dma semaphore(%arg8 : memref<!tpu.dma_semaphore, #tpu.memory_space<semaphore_mem>>) src(%dma_wait3A_63 : memref<50000x4096xf32, #tpu.memory_space<hbm>>) dst(%arg7 : memref<16x4096xf32, #tpu.memory_space<vmem>>)
    %add3A_64 = arith.constant 80 : i32
    %add3A_65 = arith.addi %mul3A_2, %add3A_64 : i32
    "tpu.region"() ({
      %run_scoped3A = tpu.sem_alloc : memref<!tpu.dma_semaphore, #tpu.memory_space<semaphore_mem>>
      %dma_start3A_88 = arith.constant 0 : i32
      %dma_start3A_89 = tpu.memref_slice %arg4[%add3A_65, %dma_start3A_88] : memref<4096x4096xf32, #tpu.memory_space<hbm>> -> memref<16x4096xf32, #tpu.memory_space<hbm>>
      %dma_start3A_90 = arith.constant 0 : i32
      %dma_start3A_91 = tpu.memref_slice %arg4[%add3A_65, %dma_start3A_90] : memref<4096x4096xf32, #tpu.memory_space<hbm>> -> memref<16x4096xf32, #tpu.memory_space<hbm>>
      tpu.enqueue_dma source(%arg7 : memref<16x4096xf32, #tpu.memory_space<vmem>>) target(%dma_start3A_91 : memref<16x4096xf32, #tpu.memory_space<hbm>>) target_semaphore(%run_scoped3A : memref<!tpu.dma_semaphore, #tpu.memory_space<semaphore_mem>>)
      %dma_wait3A_92 = arith.constant 0 : i32
      %dma_wait3A_93 = tpu.memref_slice %arg4[%add3A_65, %dma_wait3A_92] : memref<4096x4096xf32, #tpu.memory_space<hbm>> -> memref<16x4096xf32, #tpu.memory_space<hbm>>
      %dma_wait3A_94 = arith.constant 0 : i32
      %dma_wait3A_95 = tpu.memref_slice %arg4[%add3A_65, %dma_wait3A_94] : memref<4096x4096xf32, #tpu.memory_space<hbm>> -> memref<16x4096xf32, #tpu.memory_space<hbm>>
      tpu.wait_dma2 semaphore(%run_scoped3A : memref<!tpu.dma_semaphore, #tpu.memory_space<semaphore_mem>>) src(%arg7 : memref<16x4096xf32, #tpu.memory_space<vmem>>) dst(%dma_wait3A_95 : memref<16x4096xf32, #tpu.memory_space<hbm>>)
      tpu.yield
    }) : () -> ()
    %get3A_66 = arith.constant 96 : index
    %get3A_67 = tpu.vector_load %arg6[%get3A_66] {strides = array<i32>} : memref<128xi32, #tpu.memory_space<vmem>>, vector<16xi32>,
    %get3A_68 = vector.shape_cast %get3A_67 : vector<16xi32> to vector<16xi32>
    %dma_start3A_69 = arith.constant 0 : i32
    %dma_start3A_70 = arith.constant 0 : i32
    %dma_start3A_71 = tpu.memref_slice %arg2[%dma_start3A_69, %dma_start3A_70] : memref<50000x4096xf32, #tpu.memory_space<hbm>> -> memref<50000x4096xf32, #tpu.memory_space<hbm>>
    tpu.enqueue_indirect_dma source(%dma_start3A_71 : memref<50000x4096xf32, #tpu.memory_space<hbm>>) target(%arg7 : memref<16x4096xf32, #tpu.memory_space<vmem>>) offsets(%get3A_68 : vector<16xi32>) semaphore(%arg8 : memref<!tpu.dma_semaphore, #tpu.memory_space<semaphore_mem>>)
    %dma_wait3A_72 = arith.constant 0 : i32
    %dma_wait3A_73 = arith.constant 0 : i32
    %dma_wait3A_74 = tpu.memref_slice %arg2[%dma_wait3A_72, %dma_wait3A_73] : memref<50000x4096xf32, #tpu.memory_space<hbm>> -> memref<50000x4096xf32, #tpu.memory_space<hbm>>
    tpu.wait_indirect_dma semaphore(%arg8 : memref<!tpu.dma_semaphore, #tpu.memory_space<semaphore_mem>>) src(%dma_wait3A_74 : memref<50000x4096xf32, #tpu.memory_space<hbm>>) dst(%arg7 : memref<16x4096xf32, #tpu.memory_space<vmem>>)
    %add3A_75 = arith.constant 96 : i32
    %add3A_76 = arith.addi %mul3A_2, %add3A_75 : i32
    "tpu.region"() ({
      %run_scoped3A = tpu.sem_alloc : memref<!tpu.dma_semaphore, #tpu.memory_space<semaphore_mem>>
      %dma_start3A_88 = arith.constant 0 : i32
      %dma_start3A_89 = tpu.memref_slice %arg4[%add3A_76, %dma_start3A_88] : memref<4096x4096xf32, #tpu.memory_space<hbm>> -> memref<16x4096xf32, #tpu.memory_space<hbm>>
      %dma_start3A_90 = arith.constant 0 : i32
      %dma_start3A_91 = tpu.memref_slice %arg4[%add3A_76, %dma_start3A_90] : memref<4096x4096xf32, #tpu.memory_space<hbm>> -> memref<16x4096xf32, #tpu.memory_space<hbm>>
      tpu.enqueue_dma source(%arg7 : memref<16x4096xf32, #tpu.memory_space<vmem>>) target(%dma_start3A_91 : memref<16x4096xf32, #tpu.memory_space<hbm>>) target_semaphore(%run_scoped3A : memref<!tpu.dma_semaphore, #tpu.memory_space<semaphore_mem>>)
      %dma_wait3A_92 = arith.constant 0 : i32
      %dma_wait3A_93 = tpu.memref_slice %arg4[%add3A_76, %dma_wait3A_92] : memref<4096x4096xf32, #tpu.memory_space<hbm>> -> memref<16x4096xf32, #tpu.memory_space<hbm>>
      %dma_wait3A_94 = arith.constant 0 : i32
      %dma_wait3A_95 = tpu.memref_slice %arg4[%add3A_76, %dma_wait3A_94] : memref<4096x4096xf32, #tpu.memory_space<hbm>> -> memref<16x4096xf32, #tpu.memory_space<hbm>>
      tpu.wait_dma2 semaphore(%run_scoped3A : memref<!tpu.dma_semaphore, #tpu.memory_space<semaphore_mem>>) src(%arg7 : memref<16x4096xf32, #tpu.memory_space<vmem>>) dst(%dma_wait3A_95 : memref<16x4096xf32, #tpu.memory_space<hbm>>)
      tpu.yield
    }) : () -> ()
    %get3A_77 = arith.constant 112 : index
    %get3A_78 = tpu.vector_load %arg6[%get3A_77] {strides = array<i32>} : memref<128xi32, #tpu.memory_space<vmem>>, vector<16xi32>,
    %get3A_79 = vector.shape_cast %get3A_78 : vector<16xi32> to vector<16xi32>
    %dma_start3A_80 = arith.constant 0 : i32
    %dma_start3A_81 = arith.constant 0 : i32
    %dma_start3A_82 = tpu.memref_slice %arg2[%dma_start3A_80, %dma_start3A_81] : memref<50000x4096xf32, #tpu.memory_space<hbm>> -> memref<50000x4096xf32, #tpu.memory_space<hbm>>
    tpu.enqueue_indirect_dma source(%dma_start3A_82 : memref<50000x4096xf32, #tpu.memory_space<hbm>>) target(%arg7 : memref<16x4096xf32, #tpu.memory_space<vmem>>) offsets(%get3A_79 : vector<16xi32>) semaphore(%arg8 : memref<!tpu.dma_semaphore, #tpu.memory_space<semaphore_mem>>)
    %dma_wait3A_83 = arith.constant 0 : i32
    %dma_wait3A_84 = arith.constant 0 : i32
    %dma_wait3A_85 = tpu.memref_slice %arg2[%dma_wait3A_83, %dma_wait3A_84] : memref<50000x4096xf32, #tpu.memory_space<hbm>> -> memref<50000x4096xf32, #tpu.memory_space<hbm>>
    tpu.wait_indirect_dma semaphore(%arg8 : memref<!tpu.dma_semaphore, #tpu.memory_space<semaphore_mem>>) src(%dma_wait3A_85 : memref<50000x4096xf32, #tpu.memory_space<hbm>>) dst(%arg7 : memref<16x4096xf32, #tpu.memory_space<vmem>>)
    %add3A_86 = arith.constant 112 : i32
    %add3A_87 = arith.addi %mul3A_2, %add3A_86 : i32
    "tpu.region"() ({
      %run_scoped3A = tpu.sem_alloc : memref<!tpu.dma_semaphore, #tpu.memory_space<semaphore_mem>>
      %dma_start3A_88 = arith.constant 0 : i32
      %dma_start3A_89 = tpu.memref_slice %arg4[%add3A_87, %dma_start3A_88] : memref<4096x4096xf32, #tpu.memory_space<hbm>> -> memref<16x4096xf32, #tpu.memory_space<hbm>>
      %dma_start3A_90 = arith.constant 0 : i32
      %dma_start3A_91 = tpu.memref_slice %arg4[%add3A_87, %dma_start3A_90] : memref<4096x4096xf32, #tpu.memory_space<hbm>> -> memref<16x4096xf32, #tpu.memory_space<hbm>>
      tpu.enqueue_dma source(%arg7 : memref<16x4096xf32, #tpu.memory_space<vmem>>) target(%dma_start3A_91 : memref<16x4096xf32, #tpu.memory_space<hbm>>) target_semaphore(%run_scoped3A : memref<!tpu.dma_semaphore, #tpu.memory_space<semaphore_mem>>)
      %dma_wait3A_92 = arith.constant 0 : i32
      %dma_wait3A_93 = tpu.memref_slice %arg4[%add3A_87, %dma_wait3A_92] : memref<4096x4096xf32, #tpu.memory_space<hbm>> -> memref<16x4096xf32, #tpu.memory_space<hbm>>
      %dma_wait3A_94 = arith.constant 0 : i32
      %dma_wait3A_95 = tpu.memref_slice %arg4[%add3A_87, %dma_wait3A_94] : memref<4096x4096xf32, #tpu.memory_space<hbm>> -> memref<16x4096xf32, #tpu.memory_space<hbm>>
      tpu.wait_dma2 semaphore(%run_scoped3A : memref<!tpu.dma_semaphore, #tpu.memory_space<semaphore_mem>>) src(%arg7 : memref<16x4096xf32, #tpu.memory_space<vmem>>) dst(%dma_wait3A_95 : memref<16x4096xf32, #tpu.memory_space<hbm>>)
      tpu.yield
    }) : () -> ()
    return
  }
}

module attributes {stable_mosaic.version = 14 : i64} {
  func.func @_tp_body(%arg0: i32, %arg1: memref<4096x512xf32, #tpu.memory_space<vmem>>, %arg2: memref<512x4096xf32, #tpu.memory_space<vmem>>) attributes {dimension_semantics = [#tpu.dimension_semantics<arbitrary>], iteration_bounds = array<i64: 98>, scalar_prefetch = 0 : i64, scratch_operands = 0 : i64, tpu.core_type = #tpu.core_type<tc>, window_params = [{transform_indices = @transform_0, window_bounds = array<i64: 4096, 512>}, {transform_indices = @transform_1, window_bounds = array<i64: 512, 4096>}]} {
    %get3A = arith.constant 0 : index
    %get3A_0 = arith.constant 0 : index
    %get3A_1 = vector.load %arg1[%get3A, %get3A_0] : memref<4096x512xf32, #tpu.memory_space<vmem>>, vector<4096x512xf32>
    %transpose3A = tpu.transpose %get3A_1, [1, 0] : vector<4096x512xf32> -> vector<512x4096xf32>
    %swap3A = arith.constant 0 : index
    %swap3A_2 = arith.constant 0 : index
    %swap3A_3 = vector.load %arg2[%swap3A, %swap3A_2] : memref<512x4096xf32, #tpu.memory_space<vmem>>, vector<512x4096xf32>
    tpu.vector_store %arg2[%swap3A, %swap3A_2], %transpose3A {strides = array<i32>} : memref<512x4096xf32, #tpu.memory_space<vmem>>, vector<512x4096xf32>,
    return
  }
  func.func @transform_0(%arg0: i32) -> (i32, i32) {
    %c0_i32 = arith.constant 0 : i32
    %c0_i32_0 = arith.constant 0 : i32
    return %c0_i32, %arg0 : i32, i32
  }
  func.func @transform_1(%arg0: i32) -> (i32, i32) {
    %c0_i32 = arith.constant 0 : i32
    %c0_i32_0 = arith.constant 0 : i32
    return %arg0, %c0_i32 : i32, i32
  }
}

module attributes {stable_mosaic.version = 14 : i64} {
  func.func @_win_body(%arg0: i32, %arg1: memref<1x4096xi32, #tpu.memory_space<vmem>>, %arg2: memref<256x1xi32, #tpu.memory_space<vmem>>, %arg3: memref<1x1x256xi32, #tpu.memory_space<vmem>>) attributes {dimension_semantics = [#tpu.dimension_semantics<arbitrary>], iteration_bounds = array<i64: 16>, scalar_prefetch = 0 : i64, scratch_operands = 0 : i64, tpu.core_type = #tpu.core_type<tc>, window_params = [{pipeline_mode = #tpu.pipeline_mode<synchronous>, transform_indices = @transform_0, window_bounds = array<i64: 1, 4096>}, {transform_indices = @transform_1, window_bounds = array<i64: 256, 1>}, {transform_indices = @transform_2, window_bounds = array<i64: 1, 1, 256>}]} {
    %get3A = arith.constant 0 : index
    %get3A_0 = arith.constant 0 : index
    %get3A_1 = vector.load %arg2[%get3A, %get3A_0] : memref<256x1xi32, #tpu.memory_space<vmem>>, vector<256x1xi32>
    %get3A_2 = arith.constant 0 : index
    %get3A_3 = arith.constant 0 : index
    %get3A_4 = vector.load %arg1[%get3A_2, %get3A_3] : memref<1x4096xi32, #tpu.memory_space<vmem>>, vector<1x4096xi32>
    %eq3A = vector.broadcast %get3A_1 : vector<256x1xi32> to vector<256x4096xi32>
    %eq3A_5 = vector.broadcast %get3A_4 : vector<1x4096xi32> to vector<256x4096xi32>
    %eq3A_6 = arith.cmpi eq, %eq3A, %eq3A_5 : vector<256x4096xi32>
    %iota3A = tpu.iota {dimensions = array<i32: 1>} : vector<256x4096xi32>
    %jit3A = arith.constant -1 : i32
    %broadcast_in_dim3A = vector.broadcast %jit3A : i32 to vector<256x4096xi32>
    %select_n3A = arith.select %eq3A_6, %iota3A, %broadcast_in_dim3A : vector<256x4096xi1>, vector<256x4096xi32>
    %reduce_max3A = arith.constant dense<-2147483648> : vector<256xi32>
    %reduce_max3A_7 = vector.multi_reduction <maxsi>, %select_n3A, %reduce_max3A [1] : vector<256x4096xi32> to vector<256xi32>
    %swap3A = arith.constant 0 : index
    %swap3A_8 = arith.constant 0 : index
    %swap3A_9 = arith.constant 0 : index
    %swap3A_10 = vector.load %arg3[%swap3A, %swap3A_8, %swap3A_9] : memref<1x1x256xi32, #tpu.memory_space<vmem>>, vector<1x1x256xi32>
    %swap3A_11 = vector.shape_cast %swap3A_10 : vector<1x1x256xi32> to vector<256xi32>
    %swap3A_12 = vector.shape_cast %reduce_max3A_7 : vector<256xi32> to vector<1x1x256xi32>
    tpu.vector_store %arg3[%swap3A, %swap3A_8, %swap3A_9], %swap3A_12 {strides = array<i32>} : memref<1x1x256xi32, #tpu.memory_space<vmem>>, vector<1x1x256xi32>,
    return
  }
  func.func @transform_0(%arg0: i32) -> (i32, i32) {
    %c0_i32 = arith.constant 0 : i32
    %c0_i32_0 = arith.constant 0 : i32
    %c0_i32_1 = arith.constant 0 : i32
    return %c0_i32, %c0_i32_0 : i32, i32
  }
  func.func @transform_1(%arg0: i32) -> (i32, i32) {
    %c0_i32 = arith.constant 0 : i32
    %c0_i32_0 = arith.constant 0 : i32
    return %arg0, %c0_i32 : i32, i32
  }
  func.func @transform_2(%arg0: i32) -> (i32, i32, i32) {
    %c0_i32 = arith.constant 0 : i32
    %c0_i32_0 = arith.constant 0 : i32
    %c0_i32_1 = arith.constant 0 : i32
    return %arg0, %c0_i32, %c0_i32_0 : i32, i32, i32
  }
}

module attributes {stable_mosaic.version = 14 : i64} {
  func.func @_tc_body(%arg0: i32, %arg1: memref<128x64xf32, #tpu.memory_space<vmem>>, %arg2: memref<128x64xf32, #tpu.memory_space<vmem>>, %arg3: memref<128x4096xf32, #tpu.memory_space<vmem>>, %arg4: memref<64x4096xf32, #tpu.memory_space<vmem>>, %arg5: memref<64x4096xf32, #tpu.memory_space<vmem>>, %arg6: memref<4096x64xf32, #tpu.memory_space<vmem>>, %arg7: memref<64x64xf32, #tpu.memory_space<vmem>>, %arg8: memref<64x64xf32, #tpu.memory_space<vmem>>, %arg9: memref<64x64xf32, #tpu.memory_space<vmem>>, %arg10: memref<64x64xf32, #tpu.memory_space<vmem>>, %arg11: memref<1x64xf32, #tpu.memory_space<vmem>>, %arg12: memref<1x64xf32, #tpu.memory_space<vmem>>, %arg13: memref<1x1xf32, #tpu.memory_space<vmem>>, %arg14: memref<1x64xf32, #tpu.memory_space<vmem>>, %arg15: memref<1x1xf32, #tpu.memory_space<vmem>>, %arg16: memref<2048x64xf32, #tpu.memory_space<vmem>>, %arg17: memref<1x2048xf32, #tpu.memory_space<vmem>>, %arg18: memref<64x2048xf32, #tpu.memory_space<vmem>>, %arg19: memref<1x64xf32, #tpu.memory_space<vmem>>, %arg20: memref<1x64xf32, #tpu.memory_space<vmem>>, %arg21: memref<1x64xf32, #tpu.memory_space<vmem>>, %arg22: memref<1x64xf32, #tpu.memory_space<vmem>>, %arg23: memref<1x64xf32, #tpu.memory_space<vmem>>, %arg24: memref<128x64xf32, #tpu.memory_space<vmem>>, %arg25: memref<128x4096xf32, #tpu.memory_space<vmem>>) attributes {dimension_semantics = [#tpu.dimension_semantics<arbitrary>], iteration_bounds = array<i64: 32>, scalar_prefetch = 0 : i64, scratch_operands = 0 : i64, tpu.core_type = #tpu.core_type<tc>, window_params = [{transform_indices = @transform_0, window_bounds = array<i64: 128, 64>}, {transform_indices = @transform_1, window_bounds = array<i64: 128, 64>}, {transform_indices = @transform_2, window_bounds = array<i64: 128, 4096>}, {pipeline_mode = #tpu.pipeline_mode<synchronous>, transform_indices = @transform_3, window_bounds = array<i64: 64, 4096>}, {pipeline_mode = #tpu.pipeline_mode<synchronous>, transform_indices = @transform_4, window_bounds = array<i64: 64, 4096>}, {pipeline_mode = #tpu.pipeline_mode<synchronous>, transform_indices = @transform_5, window_bounds = array<i64: 4096, 64>}, {pipeline_mode = #tpu.pipeline_mode<synchronous>, transform_indices = @transform_6, window_bounds = array<i64: 64, 64>}, {pipeline_mode = #tpu.pipeline_mode<synchronous>, transform_indices = @transform_7, window_bounds = array<i64: 64, 64>}, {pipeline_mode = #tpu.pipeline_mode<synchronous>, transform_indices = @transform_8, window_bounds = array<i64: 64, 64>}, {pipeline_mode = #tpu.pipeline_mode<synchronous>, transform_indices = @transform_9, window_bounds = array<i64: 64, 64>}, {pipeline_mode = #tpu.pipeline_mode<synchronous>, transform_indices = @transform_10, window_bounds = array<i64: 1, 64>}, {pipeline_mode = #tpu.pipeline_mode<synchronous>, transform_indices = @transform_11, window_bounds = array<i64: 1, 64>}, {pipeline_mode = #tpu.pipeline_mode<synchronous>, transform_indices = @transform_12, window_bounds = array<i64: 1, 1>}, {pipeline_mode = #tpu.pipeline_mode<synchronous>, transform_indices = @transform_13, window_bounds = array<i64: 1, 64>}, {pipeline_mode = #tpu.pipeline_mode<synchronous>, transform_indices = @transform_14, window_bounds = array<i64: 1, 1>}, {pipeline_mode = #tpu.pipeline_mode<synchronous>, transform_indices = @transform_15, window_bounds = array<i64: 2048, 64>}, {pipeline_mode = #tpu.pipeline_mode<synchronous>, transform_indices = @transform_16, window_bounds = array<i64: 1, 2048>}, {pipeline_mode = #tpu.pipeline_mode<synchronous>, transform_indices = @transform_17, window_bounds = array<i64: 64, 2048>}, {pipeline_mode = #tpu.pipeline_mode<synchronous>, transform_indices = @transform_18, window_bounds = array<i64: 1, 64>}, {pipeline_mode = #tpu.pipeline_mode<synchronous>, transform_indices = @transform_19, window_bounds = array<i64: 1, 64>}, {pipeline_mode = #tpu.pipeline_mode<synchronous>, transform_indices = @transform_20, window_bounds = array<i64: 1, 64>}, {pipeline_mode = #tpu.pipeline_mode<synchronous>, transform_indices = @transform_21, window_bounds = array<i64: 1, 64>}, {pipeline_mode = #tpu.pipeline_mode<synchronous>, transform_indices = @transform_22, window_bounds = array<i64: 1, 64>}, {transform_indices = @transform_23, window_bounds = array<i64: 128, 64>}, {transform_indices = @transform_24, window_bounds = array<i64: 128, 4096>}]} {
    %get3A = arith.constant 0 : index
    %get3A_0 = arith.constant 0 : index
    %get3A_1 = vector.load %arg1[%get3A, %get3A_0] : memref<128x64xf32, #tpu.memory_space<vmem>>, vector<128x64xf32>
    %get3A_2 = arith.constant 0 : index
    %get3A_3 = arith.constant 0 : index
    %get3A_4 = vector.load %arg2[%get3A_2, %get3A_3] : memref<128x64xf32, #tpu.memory_space<vmem>>, vector<128x64xf32>
    %get3A_5 = arith.constant 0 : index
    %get3A_6 = arith.constant 0 : index
    %get3A_7 = vector.load %arg3[%get3A_5, %get3A_6] : memref<128x4096xf32, #tpu.memory_space<vmem>>, vector<128x4096xf32>
    %get3A_8 = arith.constant 0 : index
    %get3A_9 = arith.constant 0 : index
    %get3A_10 = vector.load %arg4[%get3A_8, %get3A_9] : memref<64x4096xf32, #tpu.memory_space<vmem>>, vector<64x4096xf32>
    %get3A_11 = arith.constant 0 : index
    %get3A_12 = arith.constant 0 : index
    %get3A_13 = vector.load %arg5[%get3A_11, %get3A_12] : memref<64x4096xf32, #tpu.memory_space<vmem>>, vector<64x4096xf32>
    %get3A_14 = arith.constant 0 : index
    %get3A_15 = arith.constant 0 : index
    %get3A_16 = vector.load %arg6[%get3A_14, %get3A_15] : memref<4096x64xf32, #tpu.memory_space<vmem>>, vector<4096x64xf32>
    %get3A_17 = arith.constant 0 : index
    %get3A_18 = arith.constant 0 : index
    %get3A_19 = vector.load %arg20[%get3A_17, %get3A_18] : memref<1x64xf32, #tpu.memory_space<vmem>>, vector<1x64xf32>
    %get3A_20 = arith.constant 0 : index
    %get3A_21 = arith.constant 0 : index
    %get3A_22 = vector.load %arg21[%get3A_20, %get3A_21] : memref<1x64xf32, #tpu.memory_space<vmem>>, vector<1x64xf32>
    %get3A_23 = arith.constant 0 : index
    %get3A_24 = arith.constant 0 : index
    %get3A_25 = vector.load %arg22[%get3A_23, %get3A_24] : memref<1x64xf32, #tpu.memory_space<vmem>>, vector<1x64xf32>
    %get3A_26 = arith.constant 0 : index
    %get3A_27 = arith.constant 0 : index
    %get3A_28 = vector.load %arg23[%get3A_26, %get3A_27] : memref<1x64xf32, #tpu.memory_space<vmem>>, vector<1x64xf32>
    %reduce_sum3A = arith.constant dense<0.000000e+00> : vector<128xf32>
    %reduce_sum3A_29 = vector.multi_reduction <add>, %get3A_1, %reduce_sum3A [1] : vector<128x64xf32> to vector<128xf32>
    %broadcast_in_dim3A = vector.shape_cast %reduce_sum3A_29 : vector<128xf32> to vector<128x1xf32>
    %div3A = arith.constant 6.400000e+01 : f32
    %div3A_30 = vector.broadcast %div3A : f32 to vector<128x1xf32>
    %div3A_31 = arith.divf %broadcast_in_dim3A, %div3A_30 : vector<128x1xf32>
    %jit3A = arith.constant 0 : i32
    %reduce_sum3A_32 = arith.constant dense<0.000000e+00> : vector<128xf32>
    %reduce_sum3A_33 = vector.multi_reduction <add>, %get3A_1, %reduce_sum3A_32 [1] : vector<128x64xf32> to vector<128xf32>
    %broadcast_in_dim3A_34 = vector.shape_cast %reduce_sum3A_33 : vector<128xf32> to vector<128x1xf32>
    %div3A_35 = arith.constant 6.400000e+01 : f32
    %div3A_36 = vector.broadcast %div3A_35 : f32 to vector<128x1xf32>
    %div3A_37 = arith.divf %broadcast_in_dim3A_34, %div3A_36 : vector<128x1xf32>
    %sub3A = vector.broadcast %div3A_37 : vector<128x1xf32> to vector<128x64xf32>
    %sub3A_38 = arith.subf %get3A_1, %sub3A : vector<128x64xf32>
    %square3A = arith.mulf %sub3A_38, %sub3A_38 : vector<128x64xf32>
    %convert_element_type3A = arith.sitofp %jit3A : i32 to f32
    %sub3A_39 = arith.constant 6.400000e+01 : f32
    %sub3A_40 = arith.subf %sub3A_39, %convert_element_type3A : f32
    %reduce_sum3A_41 = arith.constant dense<0.000000e+00> : vector<128xf32>
    %reduce_sum3A_42 = vector.multi_reduction <add>, %square3A, %reduce_sum3A_41 [1] : vector<128x64xf32> to vector<128xf32>
    %broadcast_in_dim3A_43 = vector.shape_cast %reduce_sum3A_42 : vector<128xf32> to vector<128x1xf32>
    %div3A_44 = vector.broadcast %sub3A_40 : f32 to vector<128x1xf32>
    %div3A_45 = arith.divf %broadcast_in_dim3A_43, %div3A_44 : vector<128x1xf32>
    %gt3A = arith.constant 0.000000e+00 : f32
    %gt3A_46 = arith.cmpf ogt, %sub3A_40, %gt3A : f32
    %jit3A_47 = arith.constant 0x7FC00000 : f32
    %broadcast_in_dim3A_48 = vector.broadcast %jit3A_47 : f32 to vector<128x1xf32>
    %select_n3A = arith.select %gt3A_46, %div3A_45, %broadcast_in_dim3A_48 : vector<128x1xf32>
    %sub3A_49 = vector.broadcast %div3A_31 : vector<128x1xf32> to vector<128x64xf32>
    %sub3A_50 = arith.subf %get3A_1, %sub3A_49 : vector<128x64xf32>
    %add3A = arith.constant 9.99999974E-6 : f32
    %add3A_51 = vector.broadcast %add3A : f32 to vector<128x1xf32>
    %add3A_52 = arith.addf %select_n3A, %add3A_51 : vector<128x1xf32>
    %sqrt3A = math.sqrt %add3A_52 : vector<128x1xf32>
    %div3A_53 = vector.broadcast %sqrt3A : vector<128x1xf32> to vector<128x64xf32>
    %div3A_54 = arith.divf %sub3A_50, %div3A_53 : vector<128x64xf32>
    %mul3A = vector.broadcast %get3A_19 : vector<1x64xf32> to vector<128x64xf32>
    %mul3A_55 = arith.mulf %div3A_54, %mul3A : vector<128x64xf32>
    %add3A_56 = vector.broadcast %get3A_22 : vector<1x64xf32> to vector<128x64xf32>
    %add3A_57 = arith.addf %mul3A_55, %add3A_56 : vector<128x64xf32>
    %get3A_58 = arith.constant 0 : index
    %get3A_59 = arith.constant 0 : index
    %get3A_60 = vector.load %arg7[%get3A_58, %get3A_59] : memref<64x64xf32, #tpu.memory_space<vmem>>, vector<64x64xf32>
    %dot_general3A = arith.constant dense<0.000000e+00> : vector<128x64xf32>
    %dot_general3A_61 = tpu.matmul %add3A_57, %get3A_60, %dot_general3A {dimension_numbers = #tpu.dot_dimension_numbers<[1], [1], [0], [0], [0, 0, 1, 0], [], []>, transpose_lhs_hint = false} : vector<128x64xf32>, vector<64x64xf32>, vector<128x64xf32> -> vector<128x64xf32>
    %mul3A_62 = arith.mulf %dot_general3A_61, %dot_general3A_61 : vector<128x64xf32>
    %reduce_sum3A_63 = arith.constant dense<0.000000e+00> : vector<128xf32>
    %reduce_sum3A_64 = vector.multi_reduction <add>, %mul3A_62, %reduce_sum3A_63 [1] : vector<128x64xf32> to vector<128xf32>
    %broadcast_in_dim3A_65 = vector.shape_cast %reduce_sum3A_64 : vector<128xf32> to vector<128x1xf32>
    %sqrt3A_66 = math.sqrt %broadcast_in_dim3A_65 : vector<128x1xf32>
    %jit3A_67 = arith.constant 9.99999996E-13 : f32
    %max3A = vector.broadcast %jit3A_67 : f32 to vector<128x1xf32>
    %max3A_68 = arith.maximumf %max3A, %sqrt3A_66 : vector<128x1xf32>
    %div3A_69 = vector.broadcast %max3A_68 : vector<128x1xf32> to vector<128x64xf32>
    %div3A_70 = arith.divf %dot_general3A_61, %div3A_69 : vector<128x64xf32>
    %dot_general3A_71 = arith.constant dense<0.000000e+00> : vector<128x4096xf32>
    %dot_general3A_72 = tpu.matmul %div3A_70, %get3A_10, %dot_general3A_71 {dimension_numbers = #tpu.dot_dimension_numbers<[1], [0], [0], [1], [0, 0, 1, 1], [], []>, transpose_lhs_hint = false} : vector<128x64xf32>, vector<64x4096xf32>, vector<128x4096xf32> -> vector<128x4096xf32>
    %mul3A_73 = arith.mulf %get3A_7, %dot_general3A_72 : vector<128x4096xf32>
    %dot_general3A_74 = arith.constant dense<0.000000e+00> : vector<128x64xf32>
    %dot_general3A_75 = tpu.matmul %mul3A_73, %get3A_16, %dot_general3A_74 {dimension_numbers = #tpu.dot_dimension_numbers<[1], [0], [0], [1], [0, 0, 1, 1], [], []>, transpose_lhs_hint = false} : vector<128x4096xf32>, vector<4096x64xf32>, vector<128x64xf32> -> vector<128x64xf32>
    %get3A_76 = arith.constant 0 : index
    %get3A_77 = arith.constant 0 : index
    %get3A_78 = vector.load %arg10[%get3A_76, %get3A_77] : memref<64x64xf32, #tpu.memory_space<vmem>>, vector<64x64xf32>
    %dot_general3A_79 = arith.constant dense<0.000000e+00> : vector<128x64xf32>
    %dot_general3A_80 = tpu.matmul %dot_general3A_75, %get3A_78, %dot_general3A_79 {dimension_numbers = #tpu.dot_dimension_numbers<[1], [1], [0], [0], [0, 0, 1, 0], [], []>, transpose_lhs_hint = false} : vector<128x64xf32>, vector<64x64xf32>, vector<128x64xf32> -> vector<128x64xf32>
    %get3A_81 = arith.constant 0 : index
    %get3A_82 = arith.constant 0 : index
    %get3A_83 = vector.load %arg11[%get3A_81, %get3A_82] : memref<1x64xf32, #tpu.memory_space<vmem>>, vector<1x64xf32>
    %add3A_84 = vector.broadcast %get3A_83 : vector<1x64xf32> to vector<128x64xf32>
    %add3A_85 = arith.addf %dot_general3A_80, %add3A_84 : vector<128x64xf32>
    %add3A_86 = arith.addf %get3A_1, %add3A_85 : vector<128x64xf32>
    %reduce_sum3A_87 = arith.constant dense<0.000000e+00> : vector<128xf32>
    %reduce_sum3A_88 = vector.multi_reduction <add>, %add3A_86, %reduce_sum3A_87 [1] : vector<128x64xf32> to vector<128xf32>
    %broadcast_in_dim3A_89 = vector.shape_cast %reduce_sum3A_88 : vector<128xf32> to vector<128x1xf32>
    %div3A_90 = arith.constant 6.400000e+01 : f32
    %div3A_91 = vector.broadcast %div3A_90 : f32 to vector<128x1xf32>
    %div3A_92 = arith.divf %broadcast_in_dim3A_89, %div3A_91 : vector<128x1xf32>
    %jit3A_93 = arith.constant 0 : i32
    %reduce_sum3A_94 = arith.constant dense<0.000000e+00> : vector<128xf32>
    %reduce_sum3A_95 = vector.multi_reduction <add>, %add3A_86, %reduce_sum3A_94 [1] : vector<128x64xf32> to vector<128xf32>
    %broadcast_in_dim3A_96 = vector.shape_cast %reduce_sum3A_95 : vector<128xf32> to vector<128x1xf32>
    %div3A_97 = arith.constant 6.400000e+01 : f32
    %div3A_98 = vector.broadcast %div3A_97 : f32 to vector<128x1xf32>
    %div3A_99 = arith.divf %broadcast_in_dim3A_96, %div3A_98 : vector<128x1xf32>
    %sub3A_100 = vector.broadcast %div3A_99 : vector<128x1xf32> to vector<128x64xf32>
    %sub3A_101 = arith.subf %add3A_86, %sub3A_100 : vector<128x64xf32>
    %square3A_102 = arith.mulf %sub3A_101, %sub3A_101 : vector<128x64xf32>
    %convert_element_type3A_103 = arith.sitofp %jit3A_93 : i32 to f32
    %sub3A_104 = arith.constant 6.400000e+01 : f32
    %sub3A_105 = arith.subf %sub3A_104, %convert_element_type3A_103 : f32
    %reduce_sum3A_106 = arith.constant dense<0.000000e+00> : vector<128xf32>
    %reduce_sum3A_107 = vector.multi_reduction <add>, %square3A_102, %reduce_sum3A_106 [1] : vector<128x64xf32> to vector<128xf32>
    %broadcast_in_dim3A_108 = vector.shape_cast %reduce_sum3A_107 : vector<128xf32> to vector<128x1xf32>
    %div3A_109 = vector.broadcast %sub3A_105 : f32 to vector<128x1xf32>
    %div3A_110 = arith.divf %broadcast_in_dim3A_108, %div3A_109 : vector<128x1xf32>
    %gt3A_111 = arith.constant 0.000000e+00 : f32
    %gt3A_112 = arith.cmpf ogt, %sub3A_105, %gt3A_111 : f32
    %jit3A_113 = arith.constant 0x7FC00000 : f32
    %broadcast_in_dim3A_114 = vector.broadcast %jit3A_113 : f32 to vector<128x1xf32>
    %select_n3A_115 = arith.select %gt3A_112, %div3A_110, %broadcast_in_dim3A_114 : vector<128x1xf32>
    %sub3A_116 = vector.broadcast %div3A_92 : vector<128x1xf32> to vector<128x64xf32>
    %sub3A_117 = arith.subf %add3A_86, %sub3A_116 : vector<128x64xf32>
    %add3A_118 = arith.constant 9.99999974E-6 : f32
    %add3A_119 = vector.broadcast %add3A_118 : f32 to vector<128x1xf32>
    %add3A_120 = arith.addf %select_n3A_115, %add3A_119 : vector<128x1xf32>
    %sqrt3A_121 = math.sqrt %add3A_120 : vector<128x1xf32>
    %div3A_122 = vector.broadcast %sqrt3A_121 : vector<128x1xf32> to vector<128x64xf32>
    %div3A_123 = arith.divf %sub3A_117, %div3A_122 : vector<128x64xf32>
    %mul3A_124 = vector.broadcast %get3A_25 : vector<1x64xf32> to vector<128x64xf32>
    %mul3A_125 = arith.mulf %div3A_123, %mul3A_124 : vector<128x64xf32>
    %add3A_126 = vector.broadcast %get3A_28 : vector<1x64xf32> to vector<128x64xf32>
    %add3A_127 = arith.addf %mul3A_125, %add3A_126 : vector<128x64xf32>
    %get3A_128 = arith.constant 0 : index
    %get3A_129 = arith.constant 0 : index
    %get3A_130 = vector.load %arg16[%get3A_128, %get3A_129] : memref<2048x64xf32, #tpu.memory_space<vmem>>, vector<2048x64xf32>
    %dot_general3A_131 = arith.constant dense<0.000000e+00> : vector<128x2048xf32>
    %dot_general3A_132 = tpu.matmul %add3A_127, %get3A_130, %dot_general3A_131 {dimension_numbers = #tpu.dot_dimension_numbers<[1], [1], [0], [0], [0, 0, 1, 0], [], []>, transpose_lhs_hint = false} : vector<128x64xf32>, vector<2048x64xf32>, vector<128x2048xf32> -> vector<128x2048xf32>
    %get3A_133 = arith.constant 0 : index
    %get3A_134 = arith.constant 0 : index
    %get3A_135 = vector.load %arg17[%get3A_133, %get3A_134] : memref<1x2048xf32, #tpu.memory_space<vmem>>, vector<1x2048xf32>
    %add3A_136 = vector.broadcast %get3A_135 : vector<1x2048xf32> to vector<128x2048xf32>
    %add3A_137 = arith.addf %dot_general3A_132, %add3A_136 : vector<128x2048xf32>
    %max3A_138 = arith.constant 0.000000e+00 : f32
    %max3A_139 = vector.broadcast %max3A_138 : f32 to vector<128x2048xf32>
    %max3A_140 = arith.maximumf %add3A_137, %max3A_139 : vector<128x2048xf32>
    %get3A_141 = arith.constant 0 : index
    %get3A_142 = arith.constant 0 : index
    %get3A_143 = vector.load %arg18[%get3A_141, %get3A_142] : memref<64x2048xf32, #tpu.memory_space<vmem>>, vector<64x2048xf32>
    %dot_general3A_144 = arith.constant dense<0.000000e+00> : vector<128x64xf32>
    %dot_general3A_145 = tpu.matmul %max3A_140, %get3A_143, %dot_general3A_144 {dimension_numbers = #tpu.dot_dimension_numbers<[1], [1], [0], [0], [0, 0, 1, 0], [], []>, transpose_lhs_hint = false} : vector<128x2048xf32>, vector<64x2048xf32>, vector<128x64xf32> -> vector<128x64xf32>
    %get3A_146 = arith.constant 0 : index
    %get3A_147 = arith.constant 0 : index
    %get3A_148 = vector.load %arg19[%get3A_146, %get3A_147] : memref<1x64xf32, #tpu.memory_space<vmem>>, vector<1x64xf32>
    %add3A_149 = vector.broadcast %get3A_148 : vector<1x64xf32> to vector<128x64xf32>
    %add3A_150 = arith.addf %dot_general3A_145, %add3A_149 : vector<128x64xf32>
    %add3A_151 = arith.addf %add3A_86, %add3A_150 : vector<128x64xf32>
    %swap3A = arith.constant 0 : index
    %swap3A_152 = arith.constant 0 : index
    %swap3A_153 = vector.load %arg24[%swap3A, %swap3A_152] : memref<128x64xf32, #tpu.memory_space<vmem>>, vector<128x64xf32>
    tpu.vector_store %arg24[%swap3A, %swap3A_152], %add3A_151 {strides = array<i32>} : memref<128x64xf32, #tpu.memory_space<vmem>>, vector<128x64xf32>,
    %reduce_sum3A_154 = arith.constant dense<0.000000e+00> : vector<128xf32>
    %reduce_sum3A_155 = vector.multi_reduction <add>, %get3A_4, %reduce_sum3A_154 [1] : vector<128x64xf32> to vector<128xf32>
    %broadcast_in_dim3A_156 = vector.shape_cast %reduce_sum3A_155 : vector<128xf32> to vector<128x1xf32>
    %div3A_157 = arith.constant 6.400000e+01 : f32
    %div3A_158 = vector.broadcast %div3A_157 : f32 to vector<128x1xf32>
    %div3A_159 = arith.divf %broadcast_in_dim3A_156, %div3A_158 : vector<128x1xf32>
    %jit3A_160 = arith.constant 0 : i32
    %reduce_sum3A_161 = arith.constant dense<0.000000e+00> : vector<128xf32>
    %reduce_sum3A_162 = vector.multi_reduction <add>, %get3A_4, %reduce_sum3A_161 [1] : vector<128x64xf32> to vector<128xf32>
    %broadcast_in_dim3A_163 = vector.shape_cast %reduce_sum3A_162 : vector<128xf32> to vector<128x1xf32>
    %div3A_164 = arith.constant 6.400000e+01 : f32
    %div3A_165 = vector.broadcast %div3A_164 : f32 to vector<128x1xf32>
    %div3A_166 = arith.divf %broadcast_in_dim3A_163, %div3A_165 : vector<128x1xf32>
    %sub3A_167 = vector.broadcast %div3A_166 : vector<128x1xf32> to vector<128x64xf32>
    %sub3A_168 = arith.subf %get3A_4, %sub3A_167 : vector<128x64xf32>
    %square3A_169 = arith.mulf %sub3A_168, %sub3A_168 : vector<128x64xf32>
    %convert_element_type3A_170 = arith.sitofp %jit3A_160 : i32 to f32
    %sub3A_171 = arith.constant 6.400000e+01 : f32
    %sub3A_172 = arith.subf %sub3A_171, %convert_element_type3A_170 : f32
    %reduce_sum3A_173 = arith.constant dense<0.000000e+00> : vector<128xf32>
    %reduce_sum3A_174 = vector.multi_reduction <add>, %square3A_169, %reduce_sum3A_173 [1] : vector<128x64xf32> to vector<128xf32>
    %broadcast_in_dim3A_175 = vector.shape_cast %reduce_sum3A_174 : vector<128xf32> to vector<128x1xf32>
    %div3A_176 = vector.broadcast %sub3A_172 : f32 to vector<128x1xf32>
    %div3A_177 = arith.divf %broadcast_in_dim3A_175, %div3A_176 : vector<128x1xf32>
    %gt3A_178 = arith.constant 0.000000e+00 : f32
    %gt3A_179 = arith.cmpf ogt, %sub3A_172, %gt3A_178 : f32
    %jit3A_180 = arith.constant 0x7FC00000 : f32
    %broadcast_in_dim3A_181 = vector.broadcast %jit3A_180 : f32 to vector<128x1xf32>
    %select_n3A_182 = arith.select %gt3A_179, %div3A_177, %broadcast_in_dim3A_181 : vector<128x1xf32>
    %sub3A_183 = vector.broadcast %div3A_159 : vector<128x1xf32> to vector<128x64xf32>
    %sub3A_184 = arith.subf %get3A_4, %sub3A_183 : vector<128x64xf32>
    %add3A_185 = arith.constant 9.99999974E-6 : f32
    %add3A_186 = vector.broadcast %add3A_185 : f32 to vector<128x1xf32>
    %add3A_187 = arith.addf %select_n3A_182, %add3A_186 : vector<128x1xf32>
    %sqrt3A_188 = math.sqrt %add3A_187 : vector<128x1xf32>
    %div3A_189 = vector.broadcast %sqrt3A_188 : vector<128x1xf32> to vector<128x64xf32>
    %div3A_190 = arith.divf %sub3A_184, %div3A_189 : vector<128x64xf32>
    %mul3A_191 = vector.broadcast %get3A_19 : vector<1x64xf32> to vector<128x64xf32>
    %mul3A_192 = arith.mulf %div3A_190, %mul3A_191 : vector<128x64xf32>
    %add3A_193 = vector.broadcast %get3A_22 : vector<1x64xf32> to vector<128x64xf32>
    %add3A_194 = arith.addf %mul3A_192, %add3A_193 : vector<128x64xf32>
    %get3A_195 = arith.constant 0 : index
    %get3A_196 = arith.constant 0 : index
    %get3A_197 = vector.load %arg8[%get3A_195, %get3A_196] : memref<64x64xf32, #tpu.memory_space<vmem>>, vector<64x64xf32>
    %dot_general3A_198 = arith.constant dense<0.000000e+00> : vector<128x64xf32>
    %dot_general3A_199 = tpu.matmul %add3A_194, %get3A_197, %dot_general3A_198 {dimension_numbers = #tpu.dot_dimension_numbers<[1], [1], [0], [0], [0, 0, 1, 0], [], []>, transpose_lhs_hint = false} : vector<128x64xf32>, vector<64x64xf32>, vector<128x64xf32> -> vector<128x64xf32>
    %mul3A_200 = arith.mulf %dot_general3A_199, %dot_general3A_199 : vector<128x64xf32>
    %reduce_sum3A_201 = arith.constant dense<0.000000e+00> : vector<128xf32>
    %reduce_sum3A_202 = vector.multi_reduction <add>, %mul3A_200, %reduce_sum3A_201 [1] : vector<128x64xf32> to vector<128xf32>
    %broadcast_in_dim3A_203 = vector.shape_cast %reduce_sum3A_202 : vector<128xf32> to vector<128x1xf32>
    %sqrt3A_204 = math.sqrt %broadcast_in_dim3A_203 : vector<128x1xf32>
    %jit3A_205 = arith.constant 9.99999996E-13 : f32
    %max3A_206 = vector.broadcast %jit3A_205 : f32 to vector<128x1xf32>
    %max3A_207 = arith.maximumf %max3A_206, %sqrt3A_204 : vector<128x1xf32>
    %div3A_208 = vector.broadcast %max3A_207 : vector<128x1xf32> to vector<128x64xf32>
    %div3A_209 = arith.divf %dot_general3A_199, %div3A_208 : vector<128x64xf32>
    %get3A_210 = arith.constant 0 : index
    %get3A_211 = arith.constant 0 : index
    %get3A_212 = vector.load %arg9[%get3A_210, %get3A_211] : memref<64x64xf32, #tpu.memory_space<vmem>>, vector<64x64xf32>
    %dot_general3A_213 = arith.constant dense<0.000000e+00> : vector<128x64xf32>
    %dot_general3A_214 = tpu.matmul %add3A_194, %get3A_212, %dot_general3A_213 {dimension_numbers = #tpu.dot_dimension_numbers<[1], [1], [0], [0], [0, 0, 1, 0], [], []>, transpose_lhs_hint = false} : vector<128x64xf32>, vector<64x64xf32>, vector<128x64xf32> -> vector<128x64xf32>
    %get3A_215 = arith.constant 0 : index
    %get3A_216 = arith.constant 0 : index
    %get3A_217 = vector.load %arg12[%get3A_215, %get3A_216] : memref<1x64xf32, #tpu.memory_space<vmem>>, vector<1x64xf32>
    %mul3A_218 = vector.broadcast %get3A_217 : vector<1x64xf32> to vector<128x64xf32>
    %mul3A_219 = arith.mulf %add3A_194, %mul3A_218 : vector<128x64xf32>
    %reduce_sum3A_220 = arith.constant dense<0.000000e+00> : vector<128xf32>
    %reduce_sum3A_221 = vector.multi_reduction <add>, %mul3A_219, %reduce_sum3A_220 [1] : vector<128x64xf32> to vector<128xf32>
    %broadcast_in_dim3A_222 = vector.shape_cast %reduce_sum3A_221 : vector<128xf32> to vector<128x1xf32>
    %get3A_223 = arith.constant 0 : index
    %get3A_224 = arith.constant 0 : index
    %get3A_225 = vector.load %arg13[%get3A_223, %get3A_224] : memref<1x1xf32, #tpu.memory_space<vmem>>, vector<1x1xf32>
    %get3A_226 = vector.extract %get3A_225[0, 0] : f32 from vector<1x1xf32>
    %add3A_227 = vector.broadcast %get3A_226 : f32 to vector<128x1xf32>
    %add3A_228 = arith.addf %broadcast_in_dim3A_222, %add3A_227 : vector<128x1xf32>
    %logistic3A = arith.negf %add3A_228 : vector<128x1xf32>
    %logistic3A_229 = math.exp %logistic3A : vector<128x1xf32>
    %logistic3A_230 = arith.constant 1.000000e+00 : f32
    %logistic3A_231 = vector.broadcast %logistic3A_230 : f32 to vector<128x1xf32>
    %logistic3A_232 = arith.addf %logistic3A_231, %logistic3A_229 : vector<128x1xf32>
    %logistic3A_233 = arith.divf %logistic3A_231, %logistic3A_232 : vector<128x1xf32>
    %get3A_234 = arith.constant 0 : index
    %get3A_235 = arith.constant 0 : index
    %get3A_236 = vector.load %arg14[%get3A_234, %get3A_235] : memref<1x64xf32, #tpu.memory_space<vmem>>, vector<1x64xf32>
    %mul3A_237 = vector.broadcast %get3A_236 : vector<1x64xf32> to vector<128x64xf32>
    %mul3A_238 = arith.mulf %add3A_194, %mul3A_237 : vector<128x64xf32>
    %reduce_sum3A_239 = arith.constant dense<0.000000e+00> : vector<128xf32>
    %reduce_sum3A_240 = vector.multi_reduction <add>, %mul3A_238, %reduce_sum3A_239 [1] : vector<128x64xf32> to vector<128xf32>
    %broadcast_in_dim3A_241 = vector.shape_cast %reduce_sum3A_240 : vector<128xf32> to vector<128x1xf32>
    %get3A_242 = arith.constant 0 : index
    %get3A_243 = arith.constant 0 : index
    %get3A_244 = vector.load %arg15[%get3A_242, %get3A_243] : memref<1x1xf32, #tpu.memory_space<vmem>>, vector<1x1xf32>
    %get3A_245 = vector.extract %get3A_244[0, 0] : f32 from vector<1x1xf32>
    %add3A_246 = vector.broadcast %get3A_245 : f32 to vector<128x1xf32>
    %add3A_247 = arith.addf %broadcast_in_dim3A_241, %add3A_246 : vector<128x1xf32>
    %logistic3A_248 = arith.negf %add3A_247 : vector<128x1xf32>
    %logistic3A_249 = math.exp %logistic3A_248 : vector<128x1xf32>
    %logistic3A_250 = arith.constant 1.000000e+00 : f32
    %logistic3A_251 = vector.broadcast %logistic3A_250 : f32 to vector<128x1xf32>
    %logistic3A_252 = arith.addf %logistic3A_251, %logistic3A_249 : vector<128x1xf32>
    %logistic3A_253 = arith.divf %logistic3A_251, %logistic3A_252 : vector<128x1xf32>
    %mul3A_254 = arith.constant 1.250000e-01 : f32
    %mul3A_255 = vector.broadcast %mul3A_254 : f32 to vector<128x1xf32>
    %mul3A_256 = arith.mulf %logistic3A_253, %mul3A_255 : vector<128x1xf32>
    %dot_general3A_257 = arith.constant dense<0.000000e+00> : vector<128x4096xf32>
    %dot_general3A_258 = tpu.matmul %div3A_209, %get3A_10, %dot_general3A_257 {dimension_numbers = #tpu.dot_dimension_numbers<[1], [0], [0], [1], [0, 0, 1, 1], [], []>, transpose_lhs_hint = false} : vector<128x64xf32>, vector<64x4096xf32>, vector<128x4096xf32> -> vector<128x4096xf32>
    %mul3A_259 = arith.mulf %get3A_7, %dot_general3A_258 : vector<128x4096xf32>
    %dot_general3A_260 = arith.constant dense<0.000000e+00> : vector<128x64xf32>
    %dot_general3A_261 = tpu.matmul %mul3A_259, %get3A_16, %dot_general3A_260 {dimension_numbers = #tpu.dot_dimension_numbers<[1], [0], [0], [1], [0, 0, 1, 1], [], []>, transpose_lhs_hint = false} : vector<128x4096xf32>, vector<4096x64xf32>, vector<128x64xf32> -> vector<128x64xf32>
    %sub3A_262 = arith.subf %dot_general3A_214, %dot_general3A_261 : vector<128x64xf32>
    %dot_general3A_263 = arith.constant dense<0.000000e+00> : vector<128x4096xf32>
    %dot_general3A_264 = tpu.matmul %sub3A_262, %get3A_13, %dot_general3A_263 {dimension_numbers = #tpu.dot_dimension_numbers<[1], [0], [0], [1], [0, 0, 1, 1], [], []>, transpose_lhs_hint = false} : vector<128x64xf32>, vector<64x4096xf32>, vector<128x4096xf32> -> vector<128x4096xf32>
    %sub3A_265 = arith.constant 1.000000e+00 : f32
    %sub3A_266 = vector.broadcast %sub3A_265 : f32 to vector<128x1xf32>
    %sub3A_267 = arith.subf %sub3A_266, %logistic3A_233 : vector<128x1xf32>
    %mul3A_268 = vector.broadcast %sub3A_267 : vector<128x1xf32> to vector<128x4096xf32>
    %mul3A_269 = arith.mulf %mul3A_268, %get3A_7 : vector<128x4096xf32>
    %mul3A_270 = arith.mulf %dot_general3A_264, %dot_general3A_258 : vector<128x4096xf32>
    %mul3A_271 = vector.broadcast %mul3A_256 : vector<128x1xf32> to vector<128x4096xf32>
    %mul3A_272 = arith.mulf %mul3A_271, %mul3A_270 : vector<128x4096xf32>
    %add3A_273 = arith.addf %mul3A_269, %mul3A_272 : vector<128x4096xf32>
    %swap3A_274 = arith.constant 0 : index
    %swap3A_275 = arith.constant 0 : index
    %swap3A_276 = vector.load %arg25[%swap3A_274, %swap3A_275] : memref<128x4096xf32, #tpu.memory_space<vmem>>, vector<128x4096xf32>
    tpu.vector_store %arg25[%swap3A_274, %swap3A_275], %add3A_273 {strides = array<i32>} : memref<128x4096xf32, #tpu.memory_space<vmem>>, vector<128x4096xf32>,
    return
  }
  func.func @transform_0(%arg0: i32) -> (i32, i32) {
    %c0_i32 = arith.constant 0 : i32
    %c0_i32_0 = arith.constant 0 : i32
    return %arg0, %c0_i32 : i32, i32
  }
  func.func @transform_1(%arg0: i32) -> (i32, i32) {
    %c0_i32 = arith.constant 0 : i32
    %c0_i32_0 = arith.constant 0 : i32
    return %arg0, %c0_i32 : i32, i32
  }
  func.func @transform_2(%arg0: i32) -> (i32, i32) {
    %c0_i32 = arith.constant 0 : i32
    %c0_i32_0 = arith.constant 0 : i32
    return %arg0, %c0_i32 : i32, i32
  }
  func.func @transform_3(%arg0: i32) -> (i32, i32) {
    %c0_i32 = arith.constant 0 : i32
    %c0_i32_0 = arith.constant 0 : i32
    %c0_i32_1 = arith.constant 0 : i32
    return %c0_i32, %c0_i32_0 : i32, i32
  }
  func.func @transform_4(%arg0: i32) -> (i32, i32) {
    %c0_i32 = arith.constant 0 : i32
    %c0_i32_0 = arith.constant 0 : i32
    %c0_i32_1 = arith.constant 0 : i32
    return %c0_i32, %c0_i32_0 : i32, i32
  }
  func.func @transform_5(%arg0: i32) -> (i32, i32) {
    %c0_i32 = arith.constant 0 : i32
    %c0_i32_0 = arith.constant 0 : i32
    %c0_i32_1 = arith.constant 0 : i32
    return %c0_i32, %c0_i32_0 : i32, i32
  }
  func.func @transform_6(%arg0: i32) -> (i32, i32) {
    %c0_i32 = arith.constant 0 : i32
    %c0_i32_0 = arith.constant 0 : i32
    %c0_i32_1 = arith.constant 0 : i32
    return %c0_i32, %c0_i32_0 : i32, i32
  }
  func.func @transform_7(%arg0: i32) -> (i32, i32) {
    %c0_i32 = arith.constant 0 : i32
    %c0_i32_0 = arith.constant 0 : i32
    %c0_i32_1 = arith.constant 0 : i32
    return %c0_i32, %c0_i32_0 : i32, i32
  }
  func.func @transform_8(%arg0: i32) -> (i32, i32) {
    %c0_i32 = arith.constant 0 : i32
    %c0_i32_0 = arith.constant 0 : i32
    %c0_i32_1 = arith.constant 0 : i32
    return %c0_i32, %c0_i32_0 : i32, i32
  }
  func.func @transform_9(%arg0: i32) -> (i32, i32) {
    %c0_i32 = arith.constant 0 : i32
    %c0_i32_0 = arith.constant 0 : i32
    %c0_i32_1 = arith.constant 0 : i32
    return %c0_i32, %c0_i32_0 : i32, i32
  }
  func.func @transform_10(%arg0: i32) -> (i32, i32) {
    %c0_i32 = arith.constant 0 : i32
    %c0_i32_0 = arith.constant 0 : i32
    %c0_i32_1 = arith.constant 0 : i32
    return %c0_i32, %c0_i32_0 : i32, i32
  }
  func.func @transform_11(%arg0: i32) -> (i32, i32) {
    %c0_i32 = arith.constant 0 : i32
    %c0_i32_0 = arith.constant 0 : i32
    %c0_i32_1 = arith.constant 0 : i32
    return %c0_i32, %c0_i32_0 : i32, i32
  }
  func.func @transform_12(%arg0: i32) -> (i32, i32) {
    %c0_i32 = arith.constant 0 : i32
    %c0_i32_0 = arith.constant 0 : i32
    %c0_i32_1 = arith.constant 0 : i32
    return %c0_i32, %c0_i32_0 : i32, i32
  }
  func.func @transform_13(%arg0: i32) -> (i32, i32) {
    %c0_i32 = arith.constant 0 : i32
    %c0_i32_0 = arith.constant 0 : i32
    %c0_i32_1 = arith.constant 0 : i32
    return %c0_i32, %c0_i32_0 : i32, i32
  }
  func.func @transform_14(%arg0: i32) -> (i32, i32) {
    %c0_i32 = arith.constant 0 : i32
    %c0_i32_0 = arith.constant 0 : i32
    %c0_i32_1 = arith.constant 0 : i32
    return %c0_i32, %c0_i32_0 : i32, i32
  }
  func.func @transform_15(%arg0: i32) -> (i32, i32) {
    %c0_i32 = arith.constant 0 : i32
    %c0_i32_0 = arith.constant 0 : i32
    %c0_i32_1 = arith.constant 0 : i32
    return %c0_i32, %c0_i32_0 : i32, i32
  }
  func.func @transform_16(%arg0: i32) -> (i32, i32) {
    %c0_i32 = arith.constant 0 : i32
    %c0_i32_0 = arith.constant 0 : i32
    %c0_i32_1 = arith.constant 0 : i32
    return %c0_i32, %c0_i32_0 : i32, i32
  }
  func.func @transform_17(%arg0: i32) -> (i32, i32) {
    %c0_i32 = arith.constant 0 : i32
    %c0_i32_0 = arith.constant 0 : i32
    %c0_i32_1 = arith.constant 0 : i32
    return %c0_i32, %c0_i32_0 : i32, i32
  }
  func.func @transform_18(%arg0: i32) -> (i32, i32) {
    %c0_i32 = arith.constant 0 : i32
    %c0_i32_0 = arith.constant 0 : i32
    %c0_i32_1 = arith.constant 0 : i32
    return %c0_i32, %c0_i32_0 : i32, i32
  }
  func.func @transform_19(%arg0: i32) -> (i32, i32) {
    %c0_i32 = arith.constant 0 : i32
    %c0_i32_0 = arith.constant 0 : i32
    %c0_i32_1 = arith.constant 0 : i32
    return %c0_i32, %c0_i32_0 : i32, i32
  }
  func.func @transform_20(%arg0: i32) -> (i32, i32) {
    %c0_i32 = arith.constant 0 : i32
    %c0_i32_0 = arith.constant 0 : i32
    %c0_i32_1 = arith.constant 0 : i32
    return %c0_i32, %c0_i32_0 : i32, i32
  }
  func.func @transform_21(%arg0: i32) -> (i32, i32) {
    %c0_i32 = arith.constant 0 : i32
    %c0_i32_0 = arith.constant 0 : i32
    %c0_i32_1 = arith.constant 0 : i32
    return %c0_i32, %c0_i32_0 : i32, i32
  }
  func.func @transform_22(%arg0: i32) -> (i32, i32) {
    %c0_i32 = arith.constant 0 : i32
    %c0_i32_0 = arith.constant 0 : i32
    %c0_i32_1 = arith.constant 0 : i32
    return %c0_i32, %c0_i32_0 : i32, i32
  }
  func.func @transform_23(%arg0: i32) -> (i32, i32) {
    %c0_i32 = arith.constant 0 : i32
    %c0_i32_0 = arith.constant 0 : i32
    return %arg0, %c0_i32 : i32, i32
  }
  func.func @transform_24(%arg0: i32) -> (i32, i32) {
    %c0_i32 = arith.constant 0 : i32
    %c0_i32_0 = arith.constant 0 : i32
    return %arg0, %c0_i32 : i32, i32
  }
}

module attributes {stable_mosaic.version = 14 : i64} {
  func.func @_tpo_body(%arg0: i32, %arg1: memref<512x4096xf32, #tpu.memory_space<vmem>>, %arg2: memref<4096x512xf32, #tpu.memory_space<vmem>>) attributes {dimension_semantics = [#tpu.dimension_semantics<arbitrary>], iteration_bounds = array<i64: 98>, scalar_prefetch = 0 : i64, scratch_operands = 0 : i64, tpu.core_type = #tpu.core_type<tc>, window_params = [{transform_indices = @transform_0, window_bounds = array<i64: 512, 4096>}, {transform_indices = @transform_1, window_bounds = array<i64: 4096, 512>}]} {
    %get3A = arith.constant 0 : index
    %get3A_0 = arith.constant 0 : index
    %get3A_1 = vector.load %arg1[%get3A, %get3A_0] : memref<512x4096xf32, #tpu.memory_space<vmem>>, vector<512x4096xf32>
    %transpose3A = tpu.transpose %get3A_1, [1, 0] : vector<512x4096xf32> -> vector<4096x512xf32>
    %swap3A = arith.constant 0 : index
    %swap3A_2 = arith.constant 0 : index
    %swap3A_3 = vector.load %arg2[%swap3A, %swap3A_2] : memref<4096x512xf32, #tpu.memory_space<vmem>>, vector<4096x512xf32>
    tpu.vector_store %arg2[%swap3A, %swap3A_2], %transpose3A {strides = array<i32>} : memref<4096x512xf32, #tpu.memory_space<vmem>>, vector<4096x512xf32>,
    return
  }
  func.func @transform_0(%arg0: i32) -> (i32, i32) {
    %c0_i32 = arith.constant 0 : i32
    %c0_i32_0 = arith.constant 0 : i32
    return %arg0, %c0_i32 : i32, i32
  }
  func.func @transform_1(%arg0: i32) -> (i32, i32) {
    %c0_i32 = arith.constant 0 : i32
    %c0_i32_0 = arith.constant 0 : i32
    return %c0_i32, %arg0 : i32, i32
  }
}

</mosaic_0001>

<sc_bundles>
// kernel: kernel.11.cloned.1.call-start
scs
__scs_entry_jumppad:
0x0: {  	(pc) =	sbr.rel $0x88, $3  }
0x1: {  	(tag) =	ssettag $0x0;
	lr =	simm.s32 $0x1  }
0x2: {  	[smem:$0x3F8C] =	sst lr;
	_ =	strace $0xD0000000  }
0x3: {  	_ = 	snop  }
0x4: {  	_ = 	snop  }
0x5: {  	_ = 	snop  }
0x6: {  	_ = 	snop  }
0x7: {  	_ = 	snop  }
__scs_overlays_trampoline_lowered:
0x8: {  	[smem:$0x3F9B] =	sst s0  }
0x9: {  	[smem:$0x3F9C] =	sst s1  }
0xa: {  	[smem:$0x3F9D] =	sst s2  }
0xb: {  	[smem:$0x3F9E] =	sst s3  }
0xc: {  	[smem:$0x3F9F] =	sst s4  }
0xd: {  	[smem:$0x3FA0] =	sst s5  }
0xe: {  	[smem:$0x3FA1] =	sst s6  }
0xf: {  	[smem:$0x3FA2] =	sst s7  }
0x10: {  	[smem:$0x3FA3] =	sst s8  }
0x11: {  	[smem:$0x3FA4] =	sst s9;
	s0 =	simm.s32 @!p0 $0x0  }
0x12: {  	s1 =	sld [smem:$0x3F8A];
	s0 =	simm.s32 @p0 $0x1  }
0x13: {  	[smem:$0x3FA5] =	sst s0;
	s0 =	simm.s32 @!p1 $0x0  }
0x14: {  	s2 =	sld [smem:$0x3F89];
	s0 =	simm.s32 @p1 $0x1  }
0x15: {  	[smem:$0x3FA6] =	sst s0;
	s0 =	simm.s32 @!p2 $0x0  }
0x16: {  	s3 =	sld [smem:$0x3FDB];
	s0 =	simm.s32 @p2 $0x1  }
0x17: {  	s4 =	simm.s32 $0x1BF5;
	[smem:$0x3FA8] =	sst s0  }
0x18: {  	s0 =	sld [smem:$0x3F8B];
	_ =	swait.ge [sflag:s4], $0x0  }
0x19: {  	s7 =	sld [smem:$0x3F8C]  }
0x1a: {  	s8 =	sadd.s32 $0xFFFFE003, lr  }
0x1b: {  	s9 =	sadd.s32 $0xFFFFFEF7, lr;
	s5 =	simm.s32 $0xFFFFFFFF;
	p2 =	slt.u32 s8, $0xFFFFF086  }
0x1c: {  	p1 =	slt.u32 s9, $0xF7A;
	s5 =	simm.s32 @!p2 $0x0  }
0x1d: {  	s5 =	simm.s32 @p1 $0x1;
	p0 =	seq.s32 s7, s2  }
0x1e: {  	s7 =	smul.u32 @!p0 $0xF7A, s2;
	p2 =	seq.s32 @!p0 s5, $0x0  }
0x1f: {  	s9 =	smul.u32 $0xF7A, s1;
	s8 =	simm.s32 @!p0 $0x1BF5;
	p2 =	por !p2, p0  }
0x20: {  	[sflag:s8] =	ssyncset.s32 @!p0 $0xFFFFF086;
	s6 =	sadd.s32 @!p0 s3, s7;
	s7 =	simm.s32 @!p0 $0x108  }
0x21: {  	s3 =	sadd.s32 s3, s9;
	s6 =	sadd.s32 @!p0 $0x88, s6;
	s7 =	simm.s32 @p2 $0x1082  }
0x22: {  	[simem:s7], [sflag:s8] =	dma.local @!p0 [hbm:s6], $0xF7A  }
0x23: {  	s9 =	sor.u32 $0xD0000000, s2;
	s6 =	simm.s32 $0x108;
	_ =	swait.ge @!p0 [sflag:s8], $0x0  }
0x24: {  	s3 =	sadd.s32 $0x88, s3;
	s6 =	simm.s32 @!p1 $0x1082;
	[sflag:s4] =	ssyncset.s32 $0xFFFFF086  }
0x25: {  	[simem:s6], [sflag:s4] =	dma.local [hbm:s3], $0xF7A  }
0x26: {  	[smem:$0x3F8C] =	sst s1;
	(tag) =	ssettag s2;
	_ =	strace s9  }
0x27: {  	s1 =	sld [smem:$0x3F9C]  }
0x28: {  	s2 =	sld [smem:$0x3F9D]  }
0x29: {  	s4 =	sld [smem:$0x3F9F]  }
0x2a: {  	p0 =	seq.s32 s5, $0x0;
	s5 =	sld [smem:$0x3FA0]  }
0x2b: {  	s6 =	sld [smem:$0x3FA1]  }
0x2c: {  	s7 =	sld [smem:$0x3FA2]  }
0x2d: {  	s3 =	simm.s32 $0x108;
	s8 =	sld [smem:$0x3FA3]  }
0x2e: {  	s3 =	simm.s32 @!p0 $0x1082;
	s9 =	sld [smem:$0x3FA4]  }
0x2f: {  	lr =	sadd.s32 s0, s3;
	s0 =	sld [smem:$0x3F9B]  }
0x30: {  	s3 =	sld [smem:$0x3F9E]  }
0x31: {  	[smem:$0x3FA7] =	sst s10  }
0x32: {  	s10 =	sld [smem:$0x3FA5];
	_ =	sdelay $0x3  }
0x33: {  	p0 =	seq.s32 s10, $0x1;
	s10 =	sld [smem:$0x3FA7];
	_ =	sdelay $0x3  }
0x34: {  	[smem:$0x3FA7] =	sst s10  }
0x35: {  	s10 =	sld [smem:$0x3FA6];
	_ =	sdelay $0x3  }
0x36: {  	p1 =	seq.s32 s10, $0x1;
	s10 =	sld [smem:$0x3FA7];
	_ =	sdelay $0x3  }
0x37: {  	[smem:$0x3FA7] =	sst s10  }
0x38: {  	s10 =	sld [smem:$0x3FA8]  }
0x39: {  	_ = 	snop;
	(pc) =	sbr.ind lr, $3  }
0x3a: {  	_ = 	snop  }
0x3b: {  	_ = 	snop  }
0x3c: {  	p2 =	seq.s32 s10, $0x1;
	s10 =	sld [smem:$0x3FA7]  }
0x3d: {  	_ =	shalt  }
0x3e: {  	_ =	shalt  }
0x3f: {  	_ =	shalt  }
0x40: {  	_ =	shalt  }
0x41: {  	_ =	shalt  }
0x42: {  	_ =	shalt  }
0x43: {  	_ =	shalt  }
0x44: {  	_ =	shalt  }
0x45: {  	_ =	shalt  }
0x46: {  	_ =	shalt  }
0x47: {  	_ =	shalt  }
0x48: {  	_ =	shalt  }
0x49: {  	_ =	shalt  }
0x4a: {  	_ =	shalt  }
0x4b: {  	_ =	shalt  }
0x4c: {  	_ =	shalt  }
0x4d: {  	_ =	shalt  }
0x4e: {  	_ =	shalt  }
0x4f: {  	_ =	shalt  }
0x50: {  	_ =	shalt  }
0x51: {  	_ =	shalt  }
0x52: {  	_ =	shalt  }
0x53: {  	_ =	shalt  }
0x54: {  	_ =	shalt  }
0x55: {  	_ =	shalt  }
0x56: {  	_ =	shalt  }
0x57: {  	_ =	shalt  }
0x58: {  	_ =	shalt  }
0x59: {  	_ =	shalt  }
0x5a: {  	_ =	shalt  }
0x5b: {  	_ =	shalt  }
0x5c: {  	_ =	shalt  }
0x5d: {  	_ =	shalt  }
0x5e: {  	_ =	shalt  }
0x5f: {  	_ =	shalt  }
0x60: {  	_ =	shalt  }
0x61: {  	_ =	shalt  }
0x62: {  	_ =	shalt  }
0x63: {  	_ =	shalt  }
0x64: {  	_ =	shalt  }
0x65: {  	_ =	shalt  }
0x66: {  	_ =	shalt  }
0x67: {  	_ =	shalt  }
0x68: {  	_ =	shalt  }
0x69: {  	_ =	shalt  }
0x6a: {  	_ =	shalt  }
0x6b: {  	_ =	shalt  }
0x6c: {  	_ =	shalt  }
0x6d: {  	_ =	shalt  }
0x6e: {  	_ =	shalt  }
0x6f: {  	_ =	shalt  }
0x70: {  	_ =	shalt  }
0x71: {  	_ =	shalt  }
0x72: {  	_ =	shalt  }
0x73: {  	_ =	shalt  }
0x74: {  	_ =	shalt  }
0x75: {  	_ =	shalt  }
0x76: {  	_ =	shalt  }
0x77: {  	_ =	shalt  }
0x78: {  	_ =	shalt  }
0x79: {  	_ =	shalt  }
0x7a: {  	_ =	shalt  }
0x7b: {  	_ =	shalt  }
0x7c: {  	_ =	shalt  }
0x7d: {  	_ =	shalt  }
0x7e: {  	_ =	shalt  }
0x7f: {  	_ =	shalt  }
0x80: {  	_ =	shalt  }
0x81: {  	_ =	shalt  }
0x82: {  	_ =	shalt  }
0x83: {  	_ =	shalt  }
0x84: {  	_ =	shalt  }
0x85: {  	_ =	shalt  }
0x86: {  	_ =	shalt  }
0x87: {  	_ =	shalt  }
.Lfunc_end0:
.L_simem_size_0:
called_computation.1_lowered:
.L_overlay_start_0:
0x88: {  	s2 =	sld [smem:$0x3FD9]  }
0x89: {  	s3 =	sld [smem:$0x3FFE];
	_ =	sdelay $0x1  }
0x8a: {  	s1 =	srdreg.scid  }
0x8b: {  	s0 =	sand.u32 $0x1, s1  }
0x8c: {  	s14 =	sshll.u32 s0, $0xA;
	s2 =	sadd.s32 s3, s2  }
0x8d: {  	s2 =	sadd.s32 s2, s14  }
0x8e: {  	[smem:$0x3FB3] =	sst s2  }
0x8f: {  	_ = 	snop  }
0x90: {  	s2 =	sld [smem:$0x3FD0];
	_ =	sdelay $0x2  }
0x91: {  	s4 =	simm.s32 $0xA;
	s5 =	simm.s32 $0x10;
	s15 =	sld [smem:$0x3FC9]  }
0x92: {  	[smem:s5], [sflag:s4] =	dma.local [hbm:s2], $0x1  }
0x93: {  	_ =	swait.eq [sflag:s4], $0x1  }
0x94: {  	[sflag:s4] =	ssyncset.done $0x0  }
0x95: {  	[sflag:s4] =	ssyncadd.s32 $0xFFFFFFFF  }
0x96: {  	s16 =	sld [smem:$0x11];
	(tm) =	ssettm $0x1  }
0x97: {  	s17 =	sld [smem:$0x3FFB];
	_ =	sdelay $0x3  }
0x98: {  	_ =	strace s17  }
0x99: {  	s4 =	sld [smem:$0x3FFC];
	_ =	sdelay $0x3  }
0x9a: {  	_ =	strace s4  }
0x9b: {  	s4 =	sld [smem:$0x3FFD];
	_ =	sdelay $0x3  }
0x9c: {  	_ =	strace s4  }
0x9d: {  	_ =	strace $0x8FFFFFFF  }
0x9e: {  	s18 =	sld [smem:$0x3FDB];
	_ =	sdelay $0x1  }
0x9f: {  	s19 =	simm.s32 $_scs_section_size  }
0xa0: {  	s6 =	simm.s32 $_size__tile_overlayer_lowered;
	s7 =	simm.s32 $_tile_overlayer_lowered  }
0xa1: {  	s22 =	simm.s32 $0x1BFF;
	s21 =	sshll.u32 s7, $0x1;
	s4 =	sadd.s32 s19, s18  }
0xa2: {  	s8 =	simm.s32 $0x0;
	s20 =	sshll.u32 s6, $0x1;
	s6 =	sadd.s32 s21, s4  }
0xa3: {  	[timem:s8], [sflag:s22] =	dma.local [hbm:s6], s20  }
0xa4: {  	_ =	swait.ge [sflag:s22], s20  }
0xa5: {  	s5 =	ssub.s32 $0x0, s20;
	[sflag:s22] =	ssyncset.done $0x0  }
0xa6: {  	[sflag:s22] =	ssyncadd.s32 s5;
	_ =	sdelay $0x1  }
0xa7: {  	s23 =	simm.s32 $0x1B8B  }
0xa8: {  	_ =	swait.ge [sflag:s23], $0x1  }
0xa9: {  	[sflag:s23] =	ssyncset.done $0x0  }
0xaa: {  	s25 =	simm.s32 $0x1B8E;
	s24 =	sld [smem:$0x3FFE];
	[sflag:s23] =	ssyncadd.s32 $0xFFFFFFFF  }
0xab: {  	s26 =	simm.s32 $execute0_lowered;
	[smem:$0x3FD2] =	sst s25  }
0xac: {  	s6 =	sshll.u32 s26, $0x1;
	_ =	strace $0x80000049;
	[dreg:$0x1] =	wrdreg $0xFFFFFFFF  }
0xad: {  	s28 =	simm.s32 $_size_execute0_lowered;
	s4 =	sadd.s32 s4, s6;
	[dreg:$0x0] =	wrdreg $0x0  }
0xae: {  	s6 =	sshll.u32 s28, $0x1;
	[dreg:$0x2] =	wrdreg s4  }
0xaf: {  	[dreg:$0x3] =	wrdreg s6  }
0xb0: {  	[dreg:$0x4] =	wrdreg $0xC0  }
0xb1: {  	_ =	task [dreg:s8], $0x5FFFF  }
0xb2: {  	[dreg:$0x1] =	wrdreg $0xFFFFFFFF  }
0xb3: {  	[dreg:$0x0] =	wrdreg $0x60  }
0xb4: {  	[dreg:$0x2] =	wrdreg s16  }
0xb5: {  	[dreg:$0x3] =	wrdreg s15  }
0xb6: {  	[dreg:$0x4] =	wrdreg s24  }
0xb7: {  	[dreg:$0x5] =	wrdreg $0x9  }
0xb8: {  	_ =	task.clear_ibuf [dreg:s8], $0x6FFFF;
	_ =	strace $0x90000049  }
0xb9: {  	s29 =	simm.s32 $0x9;
	_ =	strace $0x8000004B  }
0xba: {  	_ =	swait.ge [sflag:s29], $0x1  }
0xbb: {  	[sflag:s29] =	ssyncadd.s32 $0xFFFFFFFF  }
0xbc: {  	_ =	strace $0x9000004B  }
0xbd: {  	_ =	sfence  }
0xbe: {  	s30 =	sld [smem:$0x0];
	_ =	sdelay $0x2  }
0xbf: {  	s31 =	sshll.u32 s1, $0xD;
	s1 =	sshrl.u32 s1, $0x2  }
0xc0: {  	s3 =	sand.u32 $0x4000, s31;
	s1 =	sadd.s32 s1, s30  }
0xc1: {  	s0 =	sor.u32 s3, s0;
	s1 =	sshll.u32 s1, $0x11  }
0xc2: {  	s0 =	sor.u32 s1, s0  }
0xc3: {  	s0 =	sadd.s32 $0x8F2B, s0  }
0xc4: {  	[sflag:s0] =	ssyncadd.remote.s32 $0x1  }
0xc5: {  	_ =	sfence.sel $0xFFFF  }
0xc6: {  	[dreg:$0x0] =	wrdreg $0xFFFFFFFF;
	(pc) =	sbr.abs _section_cstart, $3  }
0xc7: {  	[dreg:$0x1] =	wrdreg $0xFFFFFFFF  }
0xc8: {  	_ =	task.clear_ibuf [dreg:s8], $0x2FFFF;
	_ =	strace $0x9FFFFFFF  }
0xc9: {  	(tm) =	ssettm $0x7FFFFFFF  }
tec
execute0_lowered:
.L_overlay_start_1:
0x0: {  	(tag) =	ssettag $0x1  }
0x1: {  	s6 =	rddreg [dreg:$0x0]  }
0x2: {  	s0 =	rddreg [dreg:$0x1]  }
0x3: {  	s1 =	rddreg [dreg:$0x2];
	s3 =	simm.s32 $0x0  }
0x4: {  	[smem:$0x7FF] =	sst s3;
	s7 =	sadd.s32 $0x3A00, s1  }
0x5: {  	s26 =	sadd.s32 $0x100, s6;
	_ =	strace $0x8000004A;
	[dreg:$0x7] =	wrdreg s7  }
0x6: {  	s28 =	sadd.s32 $0x200, s6;
	[dreg:$0x8] =	wrdreg s26  }
0x7: {  	s29 =	sadd.s32 $0x300, s6;
	[dreg:$0x9] =	wrdreg s28  }
0x8: {  	s30 =	sadd.s32 $0x400, s6;
	[dreg:$0xa] =	wrdreg s29  }
0x9: {  	s31 =	sadd.s32 $0x500, s6;
	[dreg:$0xb] =	wrdreg s30  }
0xa: {  	s8 =	sadd.s32 $0x3E00, s1;
	[dreg:$0xc] =	wrdreg s31  }
0xb: {  	s9 =	sadd.s32 $0x3F00, s1;
	[dreg:$0x10] =	wrdreg s8  }
0xc: {  	s10 =	sadd.s32 $0x4000, s1;
	[dreg:$0x11] =	wrdreg s9  }
0xd: {  	s11 =	sadd.s32 $0x4100, s1;
	[dreg:$0x12] =	wrdreg s10  }
0xe: {  	s12 =	sadd.s32 $0x4200, s1;
	[dreg:$0x13] =	wrdreg s11  }
0xf: {  	s13 =	sadd.s32 $0x4300, s1;
	[dreg:$0x14] =	wrdreg s12  }
0x10: {  	s14 =	sadd.s32 $0x4400, s1;
	[dreg:$0x15] =	wrdreg s13  }
0x11: {  	s15 =	sadd.s32 $0x4500, s1;
	[dreg:$0x16] =	wrdreg s14  }
0x12: {  	s16 =	sadd.s32 $0x4600, s1;
	[dreg:$0x17] =	wrdreg s15  }
0x13: {  	s17 =	sadd.s32 $0x4700, s1;
	[dreg:$0x18] =	wrdreg s16  }
0x14: {  	s18 =	simm.s32 $0x80;
	[dreg:$0x19] =	wrdreg s17  }
0x15: {  	s19 =	sadd.s32 $0x4800, s1;
	[dreg:$0x6] =	wrdreg s18  }
0x16: {  	s20 =	sadd.s32 $0x4900, s1;
	[dreg:$0x1a] =	wrdreg s19  }
0x17: {  	s21 =	sadd.s32 $0x600, s6;
	[dreg:$0x1b] =	wrdreg s20  }
0x18: {  	s22 =	sadd.s32 $0x700, s6;
	[dreg:$0x1d] =	wrdreg s21  }
0x19: {  	s2 =	srdreg.scid;
	s23 =	sadd.s32 $0x800, s6;
	[dreg:$0x1e] =	wrdreg s22  }
0x1a: {  	s4 =	stileid.u32;
	s7 =	sadd.s32 $0x3D00, s1;
	[dreg:$0x1f] =	wrdreg s23  }
0x1b: {  	s2 =	sand.u32 $0x1, s2;
	s26 =	sadd.s32 $0xB00, s6;
	[dreg:$0xf] =	wrdreg s7  }
0x1c: {  	s4 =	sshll.u32 s4, $0x5;
	s28 =	sadd.s32 $0xC00, s6;
	[smem:$0x7F9] =	sst s26  }
0x1d: {  	s5 =	sshll.u32 s2, $0x4;
	s29 =	sadd.s32 $0xD00, s6;
	[smem:$0x7FA] =	sst s28  }
0x1e: {  	s2 =	ssub.s32 $0x2, s2;
	s30 =	sadd.s32 $0xE00, s6;
	[smem:$0x7FB] =	sst s29  }
0x1f: {  	s31 =	sadd.s32 $0xF00, s6;
	s4 =	sor.u32 s5, s4;
	[smem:$0x7FC] =	sst s30  }
0x20: {  	s24 =	sshrl.u32 s2, $0x1;
	[smem:$0x7FD] =	sst s31;
	s0 =	sadd.s32 s0, s4  }
0x21: {  	s5 =	sadd.s32 s4, s1;
	s4 =	sadd.s32 $0x3B00, s1;
	[dreg:$0x4] =	wrdreg s0  }
0x22: {  	s2 =	ssub.s32 s2, s24;
	s24 =	sadd.s32 $0x900, s6;
	[dreg:$0xd] =	wrdreg s4  }
0x23: {  	s25 =	sadd.s32 $0x1A6DC00, s5;
	[smem:$0x7F7] =	sst s24  }
0x24: {  	v2 =	vlaneseq.u32;
	s5 =	sadd.s32 $0x3C00, s1;
	[dreg:$0x5] =	wrdreg s25  }
0x25: {  	vm0 =	vmmov $0xffff;
	v1 =	vshrl.u32 v2, $0x3;
	[dreg:$0xe] =	wrdreg s5;
	s25 =	sadd.s32 $0xA00, s6  }
0x26: {  	v0 =	vand.u32 $0x7, v2;
	v2 =	vor.u32 $0x8, v2;
	v1 =	vmul.u32 $0x8, v1;
	s7 =	smax.u32 s2, $0x1;
	[smem:$0x7F8] =	sst s25  }
.LBB2_1:
0x27: {  	[dreg:$0x1c] =	wrdreg s7  }
0x28: {  	s6 =	rddreg [dreg:$0x4];
	s0 =	simm.s32 $0x2  }
0x29: {  	[tilespmem:s3], [sflag:$0x2] =	stream.linear.gather [hbm4b:s6+s3], $0x80, $0x38;
	[tilespmem:$0x10100] =	vst v63  }
0x2a: {  	_ =	swait.ge [sflag:s0], $0x80  }
0x2b: {  	s4 =	rddreg [dreg:$0x5];
	[sflag:s0] =	ssyncset.done $0x0  }
0x2c: {  	s5 =	rddreg [dreg:$0x6];
	[sflag:s0] =	ssyncadd.s32 $0xFFFFFF80  }
0x2d: {  	[tilespmem:s5], [sflag:$0x2] =	stream.linear.gather [hbm4b:s4+s3], $0x80, $0x38;
	[tilespmem:$0x10100] =	vst v63  }
0x2e: {  	_ =	swait.ge [sflag:s0], $0x80  }
0x2f: {  	[sflag:s0] =	ssyncset.done $0x0  }
0x30: {  	[sflag:s0] =	ssyncadd.s32 $0xFFFFFF80  }
0x31: {  	v3 =	vld [tilespmem:$0x80];
	_ =	sdelay $0x4  }
0x32: {  	v4 =	vshll.u32 v3, $0x5  }
0x33: {  	v3 =	vand.u32 $0x7, v3;
	v4 =	vand.u32 $0xFFFFFF00, v4  }
0x34: {  	v3 =	vor.u32 v3, v4  }
0x35: {  	v4 =	vperm.xlane v3, v0;
	_ =	sdelay $0x1  }
0x36: {  	v4 =	vadd.s32 v1, v4;
	_ =	sdelay $0x2  }
0x37: {  	s1 =	rddreg [dreg:$0x8]  }
0x38: {  	s9 =	simm.s32 $0x100;
	s8 =	rddreg [dreg:$0x0]  }
0x39: {  	[tilespmem:s9], [sflag:$0x1] =	stream.indirect_vreg.gather [hbm4b:s8+s3], $0x80, v4, vm0, $0xb8;
	[tilespmem:$0x10100] =	vst v63  }
0x3a: {  	s10 =	simm.s32 $0x900;
	s11 =	rddreg [dreg:$0x9]  }
0x3b: {  	[tilespmem:s10], [sflag:$0x1] =	stream.indirect_vreg.gather [hbm4b:s1+s3], $0x80, v4, vm0, $0xb8;
	[tilespmem:$0x10100] =	vst v63  }
0x3c: {  	s12 =	simm.s32 $0x1100;
	s14 =	rddreg [dreg:$0xa]  }
0x3d: {  	[tilespmem:s12], [sflag:$0x1] =	stream.indirect_vreg.gather [hbm4b:s11+s3], $0x80, v4, vm0, $0xb8;
	[tilespmem:$0x10100] =	vst v63  }
0x3e: {  	s16 =	simm.s32 $0x1900;
	s18 =	rddreg [dreg:$0xc]  }
0x3f: {  	[tilespmem:s16], [sflag:$0x1] =	stream.indirect_vreg.gather [hbm4b:s14+s3], $0x80, v4, vm0, $0xb8;
	[tilespmem:$0x10100] =	vst v63  }
0x40: {  	s17 =	simm.s32 $0x2100;
	s24 =	smov.u32 s11;
	s11 =	rddreg [dreg:$0xb]  }
0x41: {  	[tilespmem:s17], [sflag:$0x1] =	stream.indirect_vreg.gather [hbm4b:s11+s3], $0x80, v4, vm0, $0xb8;
	[tilespmem:$0x10100] =	vst v63  }
0x42: {  	s19 =	simm.s32 $0x2900;
	s20 =	rddreg [dreg:$0x1d]  }
0x43: {  	[tilespmem:s19], [sflag:$0x1] =	stream.indirect_vreg.gather [hbm4b:s18+s3], $0x80, v4, vm0, $0xb8;
	[tilespmem:$0x10100] =	vst v63  }
0x44: {  	s21 =	simm.s32 $0x3100;
	s22 =	rddreg [dreg:$0x1e]  }
0x45: {  	[tilespmem:s21], [sflag:$0x1] =	stream.indirect_vreg.gather [hbm4b:s20+s3], $0x80, v4, vm0, $0xb8;
	[tilespmem:$0x10100] =	vst v63  }
0x46: {  	s23 =	simm.s32 $0x3900;
	s6 =	rddreg [dreg:$0x1f]  }
0x47: {  	[tilespmem:s23], [sflag:$0x1] =	stream.indirect_vreg.gather [hbm4b:s22+s3], $0x80, v4, vm0, $0xb8;
	[tilespmem:$0x10100] =	vst v63  }
0x48: {  	s25 =	simm.s32 $0x4100;
	s9 =	sld [smem:$0x7F7]  }
0x49: {  	[tilespmem:s25], [sflag:$0x1] =	stream.indirect_vreg.gather [hbm4b:s6+s3], $0x80, v4, vm0, $0xb8;
	[tilespmem:$0x10100] =	vst v63  }
0x4a: {  	s26 =	simm.s32 $0x4900;
	s5 =	sld [smem:$0x7F8]  }
0x4b: {  	[tilespmem:s26], [sflag:$0x1] =	stream.indirect_vreg.gather [hbm4b:s9+s3], $0x80, v4, vm0, $0xb8;
	[tilespmem:$0x10100] =	vst v63  }
0x4c: {  	s28 =	simm.s32 $0x5100;
	s2 =	sld [smem:$0x7F9]  }
0x4d: {  	[tilespmem:s28], [sflag:$0x1] =	stream.indirect_vreg.gather [hbm4b:s5+s3], $0x80, v4, vm0, $0xb8;
	[tilespmem:$0x10100] =	vst v63  }
0x4e: {  	s29 =	simm.s32 $0x5900;
	s4 =	sld [smem:$0x7FA]  }
0x4f: {  	[tilespmem:s29], [sflag:$0x1] =	stream.indirect_vreg.gather [hbm4b:s2+s3], $0x80, v4, vm0, $0xb8;
	[tilespmem:$0x10100] =	vst v63  }
0x50: {  	s15 =	smov.u32 s1;
	s1 =	simm.s32 $0x6100;
	s25 =	sld [smem:$0x7FB]  }
0x51: {  	[tilespmem:s1], [sflag:$0x1] =	stream.indirect_vreg.gather [hbm4b:s4+s3], $0x80, v4, vm0, $0xb8;
	[tilespmem:$0x10100] =	vst v63  }
0x52: {  	s7 =	simm.s32 $0x6900;
	s26 =	sld [smem:$0x7FC]  }
0x53: {  	[tilespmem:s7], [sflag:$0x1] =	stream.indirect_vreg.gather [hbm4b:s25+s3], $0x80, v4, vm0, $0xb8;
	[tilespmem:$0x10100] =	vst v63  }
0x54: {  	v3 =	vperm.xlane v3, v2;
	s29 =	simm.s32 $0x7100  }
0x55: {  	[tilespmem:s29], [sflag:$0x1] =	stream.indirect_vreg.gather [hbm4b:s26+s3], $0x80, v4, vm0, $0xb8;
	[tilespmem:$0x10100] =	vst v63  }
0x56: {  	v3 =	vadd.s32 v1, v3;
	s1 =	smov.u32 s26;
	s26 =	sld [smem:$0x7FD];
	_ =	sdelay $0x1  }
0x57: {  	s0 =	simm.s32 $0x7900  }
0x58: {  	[tilespmem:s0], [sflag:$0x1] =	stream.indirect_vreg.gather [hbm4b:s26+s3], $0x80, v4, vm0, $0xb8;
	[tilespmem:$0x10100] =	vst v63  }
0x59: {  	s7 =	simm.s32 $0x8100;
	s0 =	rddreg [dreg:$0x0]  }
0x5a: {  	[tilespmem:s7], [sflag:$0x1] =	stream.indirect_vreg.gather [hbm4b:s0+s3], $0x80, v3, vm0, $0xb8;
	[tilespmem:$0x10100] =	vst v63  }
0x5b: {  	s0 =	simm.s32 $0x8900  }
0x5c: {  	[tilespmem:s0], [sflag:$0x1] =	stream.indirect_vreg.gather [hbm4b:s15+s3], $0x80, v3, vm0, $0xb8;
	[tilespmem:$0x10100] =	vst v63  }
0x5d: {  	s15 =	simm.s32 $0x9100  }
0x5e: {  	[tilespmem:s15], [sflag:$0x1] =	stream.indirect_vreg.gather [hbm4b:s24+s3], $0x80, v3, vm0, $0xb8;
	[tilespmem:$0x10100] =	vst v63  }
0x5f: {  	s31 =	smov.u32 s14;
	s24 =	simm.s32 $0x9900  }
0x60: {  	[tilespmem:s24], [sflag:$0x1] =	stream.indirect_vreg.gather [hbm4b:s31+s3], $0x80, v3, vm0, $0xb8;
	[tilespmem:$0x10100] =	vst v63  }
0x61: {  	s31 =	simm.s32 $0xA100  }
0x62: {  	[tilespmem:s31], [sflag:$0x1] =	stream.indirect_vreg.gather [hbm4b:s11+s3], $0x80, v3, vm0, $0xb8;
	[tilespmem:$0x10100] =	vst v63  }
0x63: {  	s8 =	smov.u32 s18;
	s0 =	simm.s32 $0xA900  }
0x64: {  	[tilespmem:s0], [sflag:$0x1] =	stream.indirect_vreg.gather [hbm4b:s8+s3], $0x80, v3, vm0, $0xb8;
	[tilespmem:$0x10100] =	vst v63  }
0x65: {  	s10 =	smov.u32 s20;
	s8 =	simm.s32 $0xB100  }
0x66: {  	[tilespmem:s8], [sflag:$0x1] =	stream.indirect_vreg.gather [hbm4b:s10+s3], $0x80, v3, vm0, $0xb8;
	[tilespmem:$0x10100] =	vst v63  }
0x67: {  	s23 =	smov.u32 s22;
	s11 =	simm.s32 $0xB900  }
0x68: {  	[tilespmem:s11], [sflag:$0x1] =	stream.indirect_vreg.gather [hbm4b:s23+s3], $0x80, v3, vm0, $0xb8;
	[tilespmem:$0x10100] =	vst v63  }
0x69: {  	s15 =	simm.s32 $0xC100  }
0x6a: {  	[tilespmem:s15], [sflag:$0x1] =	stream.indirect_vreg.gather [hbm4b:s6+s3], $0x80, v3, vm0, $0xb8;
	[tilespmem:$0x10100] =	vst v63  }
0x6b: {  	s24 =	simm.s32 $0xC900  }
0x6c: {  	[tilespmem:s24], [sflag:$0x1] =	stream.indirect_vreg.gather [hbm4b:s9+s3], $0x80, v3, vm0, $0xb8;
	[tilespmem:$0x10100] =	vst v63  }
0x6d: {  	s31 =	simm.s32 $0xD100  }
0x6e: {  	[tilespmem:s31], [sflag:$0x1] =	stream.indirect_vreg.gather [hbm4b:s5+s3], $0x80, v3, vm0, $0xb8;
	[tilespmem:$0x10100] =	vst v63  }
0x6f: {  	s0 =	simm.s32 $0xD900  }
0x70: {  	[tilespmem:s0], [sflag:$0x1] =	stream.indirect_vreg.gather [hbm4b:s2+s3], $0x80, v3, vm0, $0xb8;
	[tilespmem:$0x10100] =	vst v63  }
0x71: {  	s2 =	simm.s32 $0xE100  }
0x72: {  	[tilespmem:s2], [sflag:$0x1] =	stream.indirect_vreg.gather [hbm4b:s4+s3], $0x80, v3, vm0, $0xb8;
	[tilespmem:$0x10100] =	vst v63  }
0x73: {  	s4 =	simm.s32 $0xE900  }
0x74: {  	[tilespmem:s4], [sflag:$0x1] =	stream.indirect_vreg.gather [hbm4b:s25+s3], $0x80, v3, vm0, $0xb8;
	[tilespmem:$0x10100] =	vst v63  }
0x75: {  	s5 =	simm.s32 $0xF100  }
0x76: {  	[tilespmem:s5], [sflag:$0x1] =	stream.indirect_vreg.gather [hbm4b:s1+s3], $0x80, v3, vm0, $0xb8;
	[tilespmem:$0x10100] =	vst v63  }
0x77: {  	s8 =	simm.s32 $0x1;
	s6 =	simm.s32 $0xF900  }
0x78: {  	[tilespmem:s6], [sflag:$0x1] =	stream.indirect_vreg.gather [hbm4b:s26+s3], $0x80, v3, vm0, $0xb8;
	[tilespmem:$0x10100] =	vst v63  }
0x79: {  	_ =	swait.ge [sflag:s8], $0x10000  }
0x7a: {  	[sflag:s8] =	ssyncset.done $0x0  }
0x7b: {  	[sflag:s8] =	ssyncadd.s32 $0xFFFF0000  }
0x7c: {  	v3 =	vld [tilespmem:$0x0];
	_ =	sdelay $0x4  }
0x7d: {  	v49 =	vshll.u32 v3, $0x5  }
0x7e: {  	v3 =	vand.u32 $0x7, v3;
	v4 =	vand.u32 $0xFFFFFF00, v49  }
0x7f: {  	v3 =	vor.u32 v3, v4  }
0x80: {  	v4 =	vperm.xlane v3, v0;
	_ =	sdelay $0x1  }
0x81: {  	v4 =	vadd.s32 v1, v4;
	_ =	sdelay $0x3  }
0x82: {  	s9 =	simm.s32 $0x100;
	s15 =	rddreg [dreg:$0x7]  }
0x83: {  	[hbm4b:s15+s3] =	stream.indirect_vreg.scatter [tilespmem:s9], [sflag:$0x1], $0x80, v4, vm0, $0xb8;
	[tilespmem:$0x10100] =	vst v63  }
0x84: {  	s13 =	simm.s32 $0x900;
	s10 =	rddreg [dreg:$0xd]  }
0x85: {  	[hbm4b:s10+s3] =	stream.indirect_vreg.scatter [tilespmem:s13], [sflag:$0x1], $0x80, v4, vm0, $0xb8;
	[tilespmem:$0x10100] =	vst v63  }
0x86: {  	s11 =	rddreg [dreg:$0xe];
	s13 =	simm.s32 $0x1100  }
0x87: {  	[hbm4b:s11+s3] =	stream.indirect_vreg.scatter [tilespmem:s13], [sflag:$0x1], $0x80, v4, vm0, $0xb8;
	[tilespmem:$0x10100] =	vst v63  }
0x88: {  	s30 =	simm.s32 $0x1900;
	s31 =	rddreg [dreg:$0xf]  }
0x89: {  	[hbm4b:s31+s3] =	stream.indirect_vreg.scatter [tilespmem:s30], [sflag:$0x1], $0x80, v4, vm0, $0xb8;
	[tilespmem:$0x10100] =	vst v63  }
0x8a: {  	s12 =	simm.s32 $0x2900;
	s14 =	simm.s32 $0x2100;
	s1 =	rddreg [dreg:$0x10]  }
0x8b: {  	[hbm4b:s1+s3] =	stream.indirect_vreg.scatter [tilespmem:s14], [sflag:$0x1], $0x80, v4, vm0, $0xb8;
	[tilespmem:$0x10100] =	vst v63  }
0x8c: {  	s16 =	simm.s32 $0x3100;
	s8 =	smov.u32 s10;
	s30 =	rddreg [dreg:$0x11]  }
0x8d: {  	[hbm4b:s30+s3] =	stream.indirect_vreg.scatter [tilespmem:s12], [sflag:$0x1], $0x80, v4, vm0, $0xb8;
	[tilespmem:$0x10100] =	vst v63  }
0x8e: {  	s10 =	smov.u32 s11;
	s11 =	smov.u32 s31;
	s31 =	rddreg [dreg:$0x12]  }
0x8f: {  	[hbm4b:s31+s3] =	stream.indirect_vreg.scatter [tilespmem:s16], [sflag:$0x1], $0x80, v4, vm0, $0xb8;
	[tilespmem:$0x10100] =	vst v63  }
0x90: {  	s17 =	simm.s32 $0x3900;
	s7 =	rddreg [dreg:$0x13]  }
0x91: {  	[hbm4b:s7+s3] =	stream.indirect_vreg.scatter [tilespmem:s17], [sflag:$0x1], $0x80, v4, vm0, $0xb8;
	[tilespmem:$0x10100] =	vst v63  }
0x92: {  	s18 =	simm.s32 $0x4100;
	s12 =	rddreg [dreg:$0x14]  }
0x93: {  	[hbm4b:s12+s3] =	stream.indirect_vreg.scatter [tilespmem:s18], [sflag:$0x1], $0x80, v4, vm0, $0xb8;
	[tilespmem:$0x10100] =	vst v63  }
0x94: {  	s19 =	simm.s32 $0x4900;
	s13 =	rddreg [dreg:$0x15]  }
0x95: {  	[hbm4b:s13+s3] =	stream.indirect_vreg.scatter [tilespmem:s19], [sflag:$0x1], $0x80, v4, vm0, $0xb8;
	[tilespmem:$0x10100] =	vst v63  }
0x96: {  	s20 =	simm.s32 $0x5100;
	s14 =	rddreg [dreg:$0x16]  }
0x97: {  	[hbm4b:s14+s3] =	stream.indirect_vreg.scatter [tilespmem:s20], [sflag:$0x1], $0x80, v4, vm0, $0xb8;
	[tilespmem:$0x10100] =	vst v63  }
0x98: {  	s21 =	simm.s32 $0x5900;
	s16 =	rddreg [dreg:$0x17]  }
0x99: {  	[hbm4b:s16+s3] =	stream.indirect_vreg.scatter [tilespmem:s21], [sflag:$0x1], $0x80, v4, vm0, $0xb8;
	[tilespmem:$0x10100] =	vst v63  }
0x9a: {  	s22 =	simm.s32 $0x6100;
	s18 =	smov.u32 s12;
	s12 =	rddreg [dreg:$0x18]  }
0x9b: {  	[hbm4b:s12+s3] =	stream.indirect_vreg.scatter [tilespmem:s22], [sflag:$0x1], $0x80, v4, vm0, $0xb8;
	[tilespmem:$0x10100] =	vst v63  }
0x9c: {  	s28 =	simm.s32 $0x6900;
	v3 =	vperm.xlane v3, v2;
	s21 =	smov.u32 s16;
	s16 =	rddreg [dreg:$0x19]  }
0x9d: {  	[hbm4b:s16+s3] =	stream.indirect_vreg.scatter [tilespmem:s28], [sflag:$0x1], $0x80, v4, vm0, $0xb8;
	[tilespmem:$0x10100] =	vst v63  }
0x9e: {  	s29 =	simm.s32 $0x7100;
	v3 =	vadd.s32 v1, v3;
	s19 =	smov.u32 s13;
	s13 =	rddreg [dreg:$0x1a]  }
0x9f: {  	[hbm4b:s13+s3] =	stream.indirect_vreg.scatter [tilespmem:s29], [sflag:$0x1], $0x80, v4, vm0, $0xb8;
	[tilespmem:$0x10100] =	vst v63  }
0xa0: {  	s20 =	smov.u32 s14;
	s14 =	rddreg [dreg:$0x1b];
	s29 =	simm.s32 $0x7900  }
0xa1: {  	[hbm4b:s14+s3] =	stream.indirect_vreg.scatter [tilespmem:s29], [sflag:$0x1], $0x80, v4, vm0, $0xb8;
	[tilespmem:$0x10100] =	vst v63  }
0xa2: {  	s22 =	smov.u32 s12;
	s12 =	simm.s32 $0x8100  }
0xa3: {  	[hbm4b:s15+s3] =	stream.indirect_vreg.scatter [tilespmem:s12], [sflag:$0x1], $0x80, v3, vm0, $0xb8;
	[tilespmem:$0x10100] =	vst v63  }
0xa4: {  	s28 =	smov.u32 s13;
	s13 =	simm.s32 $0x8900  }
0xa5: {  	[hbm4b:s8+s3] =	stream.indirect_vreg.scatter [tilespmem:s13], [sflag:$0x1], $0x80, v3, vm0, $0xb8;
	[tilespmem:$0x10100] =	vst v63  }
0xa6: {  	s29 =	smov.u32 s14;
	s14 =	simm.s32 $0x9100  }
0xa7: {  	[hbm4b:s10+s3] =	stream.indirect_vreg.scatter [tilespmem:s14], [sflag:$0x1], $0x80, v3, vm0, $0xb8;
	[tilespmem:$0x10100] =	vst v63  }
0xa8: {  	s8 =	simm.s32 $0x9900  }
0xa9: {  	[hbm4b:s11+s3] =	stream.indirect_vreg.scatter [tilespmem:s8], [sflag:$0x1], $0x80, v3, vm0, $0xb8;
	[tilespmem:$0x10100] =	vst v63  }
0xaa: {  	s9 =	smov.u32 s1;
	s10 =	simm.s32 $0xA100  }
0xab: {  	[hbm4b:s9+s3] =	stream.indirect_vreg.scatter [tilespmem:s10], [sflag:$0x1], $0x80, v3, vm0, $0xb8;
	[tilespmem:$0x10100] =	vst v63  }
0xac: {  	s11 =	simm.s32 $0xA900  }
0xad: {  	[hbm4b:s30+s3] =	stream.indirect_vreg.scatter [tilespmem:s11], [sflag:$0x1], $0x80, v3, vm0, $0xb8;
	[tilespmem:$0x10100] =	vst v63  }
0xae: {  	s12 =	simm.s32 $0xB100  }
0xaf: {  	[hbm4b:s31+s3] =	stream.indirect_vreg.scatter [tilespmem:s12], [sflag:$0x1], $0x80, v3, vm0, $0xb8;
	[tilespmem:$0x10100] =	vst v63  }
0xb0: {  	s17 =	smov.u32 s7;
	s13 =	simm.s32 $0xB900  }
0xb1: {  	[hbm4b:s17+s3] =	stream.indirect_vreg.scatter [tilespmem:s13], [sflag:$0x1], $0x80, v3, vm0, $0xb8;
	[tilespmem:$0x10100] =	vst v63  }
0xb2: {  	s14 =	simm.s32 $0xC100  }
0xb3: {  	[hbm4b:s18+s3] =	stream.indirect_vreg.scatter [tilespmem:s14], [sflag:$0x1], $0x80, v3, vm0, $0xb8;
	[tilespmem:$0x10100] =	vst v63  }
0xb4: {  	s8 =	simm.s32 $0xC900  }
0xb5: {  	[hbm4b:s19+s3] =	stream.indirect_vreg.scatter [tilespmem:s8], [sflag:$0x1], $0x80, v3, vm0, $0xb8;
	[tilespmem:$0x10100] =	vst v63  }
0xb6: {  	s9 =	simm.s32 $0xD100  }
0xb7: {  	[hbm4b:s20+s3] =	stream.indirect_vreg.scatter [tilespmem:s9], [sflag:$0x1], $0x80, v3, vm0, $0xb8;
	[tilespmem:$0x10100] =	vst v63  }
0xb8: {  	s10 =	simm.s32 $0xD900  }
0xb9: {  	[hbm4b:s21+s3] =	stream.indirect_vreg.scatter [tilespmem:s10], [sflag:$0x1], $0x80, v3, vm0, $0xb8;
	[tilespmem:$0x10100] =	vst v63  }
0xba: {  	s11 =	simm.s32 $0xE100  }
0xbb: {  	[hbm4b:s22+s3] =	stream.indirect_vreg.scatter [tilespmem:s11], [sflag:$0x1], $0x80, v3, vm0, $0xb8;
	[tilespmem:$0x10100] =	vst v63  }
0xbc: {  	s12 =	simm.s32 $0xE900  }
0xbd: {  	[hbm4b:s16+s3] =	stream.indirect_vreg.scatter [tilespmem:s12], [sflag:$0x1], $0x80, v3, vm0, $0xb8;
	[tilespmem:$0x10100] =	vst v63  }
0xbe: {  	s13 =	simm.s32 $0xF100  }
0xbf: {  	[hbm4b:s28+s3] =	stream.indirect_vreg.scatter [tilespmem:s13], [sflag:$0x1], $0x80, v3, vm0, $0xb8;
	[tilespmem:$0x10100] =	vst v63  }
0xc0: {  	s24 =	simm.s32 $0x1;
	s14 =	simm.s32 $0xF900  }
0xc1: {  	[hbm4b:s29+s3] =	stream.indirect_vreg.scatter [tilespmem:s14], [sflag:$0x1], $0x80, v3, vm0, $0xb8;
	[tilespmem:$0x10100] =	vst v63  }
0xc2: {  	_ =	swait.ge [sflag:s24], $0x10000  }
0xc3: {  	[sflag:s24] =	ssyncset.done $0x0  }
0xc4: {  	[sflag:s24] =	ssyncadd.s32 $0xFFFF0000  }
0xc5: {  	v3 =	vld [tilespmem:$0x90];
	_ =	sdelay $0x4  }
0xc6: {  	v50 =	vshll.u32 v3, $0x5  }
0xc7: {  	v3 =	vand.u32 $0x7, v3;
	v4 =	vand.u32 $0xFFFFFF00, v50  }
0xc8: {  	v3 =	vor.u32 v3, v4  }
0xc9: {  	v4 =	vperm.xlane v3, v0;
	_ =	sdelay $0x1  }
0xca: {  	v4 =	vadd.s32 v1, v4;
	_ =	sdelay $0x3  }
0xcb: {  	s2 =	simm.s32 $0x100;
	s14 =	rddreg [dreg:$0x0]  }
0xcc: {  	[tilespmem:s2], [sflag:$0x1] =	stream.indirect_vreg.gather [hbm4b:s14+s3], $0x80, v4, vm0, $0xb8;
	[tilespmem:$0x10100] =	vst v63  }
0xcd: {  	s4 =	simm.s32 $0x900;
	s2 =	rddreg [dreg:$0x8]  }
0xce: {  	[tilespmem:s4], [sflag:$0x1] =	stream.indirect_vreg.gather [hbm4b:s2+s3], $0x80, v4, vm0, $0xb8;
	[tilespmem:$0x10100] =	vst v63  }
0xcf: {  	s5 =	simm.s32 $0x1100;
	s4 =	rddreg [dreg:$0x9]  }
0xd0: {  	[tilespmem:s5], [sflag:$0x1] =	stream.indirect_vreg.gather [hbm4b:s4+s3], $0x80, v4, vm0, $0xb8;
	[tilespmem:$0x10100] =	vst v63  }
0xd1: {  	s6 =	simm.s32 $0x1900;
	s5 =	rddreg [dreg:$0xa]  }
0xd2: {  	[tilespmem:s6], [sflag:$0x1] =	stream.indirect_vreg.gather [hbm4b:s5+s3], $0x80, v4, vm0, $0xb8;
	[tilespmem:$0x10100] =	vst v63  }
0xd3: {  	s8 =	simm.s32 $0x2100;
	s6 =	rddreg [dreg:$0xb]  }
0xd4: {  	[tilespmem:s8], [sflag:$0x1] =	stream.indirect_vreg.gather [hbm4b:s6+s3], $0x80, v4, vm0, $0xb8;
	[tilespmem:$0x10100] =	vst v63  }
0xd5: {  	s9 =	simm.s32 $0x2900;
	s7 =	rddreg [dreg:$0xc]  }
0xd6: {  	[tilespmem:s9], [sflag:$0x1] =	stream.indirect_vreg.gather [hbm4b:s7+s3], $0x80, v4, vm0, $0xb8;
	[tilespmem:$0x10100] =	vst v63  }
0xd7: {  	s10 =	simm.s32 $0x3100;
	s8 =	rddreg [dreg:$0x1d]  }
0xd8: {  	[tilespmem:s10], [sflag:$0x1] =	stream.indirect_vreg.gather [hbm4b:s8+s3], $0x80, v4, vm0, $0xb8;
	[tilespmem:$0x10100] =	vst v63  }
0xd9: {  	s1 =	simm.s32 $0x3900  }
0xda: {  	[tilespmem:s1], [sflag:$0x1] =	stream.indirect_vreg.gather [hbm4b:s23+s3], $0x80, v4, vm0, $0xb8;
	[tilespmem:$0x10100] =	vst v63  }
0xdb: {  	s0 =	simm.s32 $0x4100;
	s1 =	rddreg [dreg:$0x1f]  }
0xdc: {  	[tilespmem:s0], [sflag:$0x1] =	stream.indirect_vreg.gather [hbm4b:s1+s3], $0x80, v4, vm0, $0xb8;
	[tilespmem:$0x10100] =	vst v63  }
0xdd: {  	s0 =	sld [smem:$0x7F7];
	_ =	sdelay $0x1  }
0xde: {  	s11 =	simm.s32 $0x4900;
	s10 =	sld [smem:$0x7F8]  }
0xdf: {  	[tilespmem:s11], [sflag:$0x1] =	stream.indirect_vreg.gather [hbm4b:s0+s3], $0x80, v4, vm0, $0xb8;
	[tilespmem:$0x10100] =	vst v63  }
0xe0: {  	s12 =	simm.s32 $0x5100;
	s11 =	sld [smem:$0x7F9]  }
0xe1: {  	[tilespmem:s12], [sflag:$0x1] =	stream.indirect_vreg.gather [hbm4b:s10+s3], $0x80, v4, vm0, $0xb8;
	[tilespmem:$0x10100] =	vst v63  }
0xe2: {  	s13 =	simm.s32 $0x5900  }
0xe3: {  	[tilespmem:s13], [sflag:$0x1] =	stream.indirect_vreg.gather [hbm4b:s11+s3], $0x80, v4, vm0, $0xb8;
	[tilespmem:$0x10100] =	vst v63  }
0xe4: {  	s13 =	sld [smem:$0x7FA];
	_ =	sdelay $0x1  }
0xe5: {  	s9 =	smov.u32 s23;
	s23 =	simm.s32 $0x6100  }
0xe6: {  	[tilespmem:s23], [sflag:$0x1] =	stream.indirect_vreg.gather [hbm4b:s13+s3], $0x80, v4, vm0, $0xb8;
	[tilespmem:$0x10100] =	vst v63  }
0xe7: {  	v3 =	vperm.xlane v3, v2;
	s12 =	sld [smem:$0x7FC];
	s23 =	simm.s32 $0x6900  }
0xe8: {  	[tilespmem:s23], [sflag:$0x1] =	stream.indirect_vreg.gather [hbm4b:s25+s3], $0x80, v4, vm0, $0xb8;
	[tilespmem:$0x10100] =	vst v63  }
0xe9: {  	v3 =	vadd.s32 v1, v3;
	s23 =	simm.s32 $0x7100  }
0xea: {  	[tilespmem:s23], [sflag:$0x1] =	stream.indirect_vreg.gather [hbm4b:s12+s3], $0x80, v4, vm0, $0xb8;
	[tilespmem:$0x10100] =	vst v63  }
0xeb: {  	s23 =	simm.s32 $0x7900  }
0xec: {  	[tilespmem:s23], [sflag:$0x1] =	stream.indirect_vreg.gather [hbm4b:s26+s3], $0x80, v4, vm0, $0xb8;
	[tilespmem:$0x10100] =	vst v63  }
0xed: {  	s23 =	simm.s32 $0x8100  }
0xee: {  	[tilespmem:s23], [sflag:$0x1] =	stream.indirect_vreg.gather [hbm4b:s14+s3], $0x80, v3, vm0, $0xb8;
	[tilespmem:$0x10100] =	vst v63  }
0xef: {  	s14 =	simm.s32 $0x8900  }
0xf0: {  	[tilespmem:s14], [sflag:$0x1] =	stream.indirect_vreg.gather [hbm4b:s2+s3], $0x80, v3, vm0, $0xb8;
	[tilespmem:$0x10100] =	vst v63  }
0xf1: {  	s23 =	simm.s32 $0x9100  }
0xf2: {  	[tilespmem:s23], [sflag:$0x1] =	stream.indirect_vreg.gather [hbm4b:s4+s3], $0x80, v3, vm0, $0xb8;
	[tilespmem:$0x10100] =	vst v63  }
0xf3: {  	s4 =	simm.s32 $0x9900  }
0xf4: {  	[tilespmem:s4], [sflag:$0x1] =	stream.indirect_vreg.gather [hbm4b:s5+s3], $0x80, v3, vm0, $0xb8;
	[tilespmem:$0x10100] =	vst v63  }
0xf5: {  	s14 =	simm.s32 $0xA100  }
0xf6: {  	[tilespmem:s14], [sflag:$0x1] =	stream.indirect_vreg.gather [hbm4b:s6+s3], $0x80, v3, vm0, $0xb8;
	[tilespmem:$0x10100] =	vst v63  }
0xf7: {  	s23 =	simm.s32 $0xA900  }
0xf8: {  	[tilespmem:s23], [sflag:$0x1] =	stream.indirect_vreg.gather [hbm4b:s7+s3], $0x80, v3, vm0, $0xb8;
	[tilespmem:$0x10100] =	vst v63  }
0xf9: {  	s4 =	simm.s32 $0xB100  }
0xfa: {  	[tilespmem:s4], [sflag:$0x1] =	stream.indirect_vreg.gather [hbm4b:s8+s3], $0x80, v3, vm0, $0xb8;
	[tilespmem:$0x10100] =	vst v63  }
0xfb: {  	s5 =	simm.s32 $0xB900  }
0xfc: {  	[tilespmem:s5], [sflag:$0x1] =	stream.indirect_vreg.gather [hbm4b:s9+s3], $0x80, v3, vm0, $0xb8;
	[tilespmem:$0x10100] =	vst v63  }
0xfd: {  	s6 =	simm.s32 $0xC100  }
0xfe: {  	[tilespmem:s6], [sflag:$0x1] =	stream.indirect_vreg.gather [hbm4b:s1+s3], $0x80, v3, vm0, $0xb8;
	[tilespmem:$0x10100] =	vst v63  }
0xff: {  	s7 =	simm.s32 $0xC900  }
0x100: {  	[tilespmem:s7], [sflag:$0x1] =	stream.indirect_vreg.gather [hbm4b:s0+s3], $0x80, v3, vm0, $0xb8;
	[tilespmem:$0x10100] =	vst v63  }
0x101: {  	s8 =	simm.s32 $0xD100  }
0x102: {  	[tilespmem:s8], [sflag:$0x1] =	stream.indirect_vreg.gather [hbm4b:s10+s3], $0x80, v3, vm0, $0xb8;
	[tilespmem:$0x10100] =	vst v63  }
0x103: {  	s23 =	smov.u32 s9;
	s9 =	simm.s32 $0xD900  }
0x104: {  	[tilespmem:s9], [sflag:$0x1] =	stream.indirect_vreg.gather [hbm4b:s11+s3], $0x80, v3, vm0, $0xb8;
	[tilespmem:$0x10100] =	vst v63  }
0x105: {  	s10 =	simm.s32 $0xE100  }
0x106: {  	[tilespmem:s10], [sflag:$0x1] =	stream.indirect_vreg.gather [hbm4b:s13+s3], $0x80, v3, vm0, $0xb8;
	[tilespmem:$0x10100] =	vst v63  }
0x107: {  	s11 =	simm.s32 $0xE900  }
0x108: {  	[tilespmem:s11], [sflag:$0x1] =	stream.indirect_vreg.gather [hbm4b:s25+s3], $0x80, v3, vm0, $0xb8;
	[tilespmem:$0x10100] =	vst v63  }
0x109: {  	s13 =	simm.s32 $0xF100  }
0x10a: {  	[tilespmem:s13], [sflag:$0x1] =	stream.indirect_vreg.gather [hbm4b:s12+s3], $0x80, v3, vm0, $0xb8;
	[tilespmem:$0x10100] =	vst v63  }
0x10b: {  	s7 =	simm.s32 $0xF900  }
0x10c: {  	[tilespmem:s7], [sflag:$0x1] =	stream.indirect_vreg.gather [hbm4b:s26+s3], $0x80, v3, vm0, $0xb8;
	[tilespmem:$0x10100] =	vst v63  }
0x10d: {  	_ =	swait.ge [sflag:s24], $0x10000  }
0x10e: {  	[sflag:s24] =	ssyncset.done $0x0  }
0x10f: {  	[sflag:s24] =	ssyncadd.s32 $0xFFFF0000  }
0x110: {  	v3 =	vld [tilespmem:$0x10];
	_ =	sdelay $0x4  }
0x111: {  	v51 =	vshll.u32 v3, $0x5  }
0x112: {  	v3 =	vand.u32 $0x7, v3;
	v4 =	vand.u32 $0xFFFFFF00, v51  }
0x113: {  	v3 =	vor.u32 v3, v4  }
0x114: {  	v4 =	vperm.xlane v3, v0;
	_ =	sdelay $0x1  }
0x115: {  	v4 =	vadd.s32 v1, v4;
	_ =	sdelay $0x3  }
0x116: {  	s13 =	simm.s32 $0x100  }
0x117: {  	[hbm4b:s15+s3] =	stream.indirect_vreg.scatter [tilespmem:s13], [sflag:$0x1], $0x80, v4, vm0, $0xb8;
	[tilespmem:$0x10100] =	vst v63  }
0x118: {  	s0 =	simm.s32 $0x900;
	s5 =	rddreg [dreg:$0xd]  }
0x119: {  	[hbm4b:s5+s3] =	stream.indirect_vreg.scatter [tilespmem:s0], [sflag:$0x1], $0x80, v4, vm0, $0xb8;
	[tilespmem:$0x10100] =	vst v63  }
0x11a: {  	s1 =	simm.s32 $0x1100;
	s11 =	rddreg [dreg:$0xe]  }
0x11b: {  	[hbm4b:s11+s3] =	stream.indirect_vreg.scatter [tilespmem:s1], [sflag:$0x1], $0x80, v4, vm0, $0xb8;
	[tilespmem:$0x10100] =	vst v63  }
0x11c: {  	s2 =	simm.s32 $0x1900;
	s12 =	smov.u32 s15;
	s15 =	rddreg [dreg:$0xf]  }
0x11d: {  	[hbm4b:s15+s3] =	stream.indirect_vreg.scatter [tilespmem:s2], [sflag:$0x1], $0x80, v4, vm0, $0xb8;
	[tilespmem:$0x10100] =	vst v63  }
0x11e: {  	s4 =	simm.s32 $0x2100;
	s8 =	rddreg [dreg:$0x10]  }
0x11f: {  	[hbm4b:s8+s3] =	stream.indirect_vreg.scatter [tilespmem:s4], [sflag:$0x1], $0x80, v4, vm0, $0xb8;
	[tilespmem:$0x10100] =	vst v63  }
0x120: {  	s6 =	simm.s32 $0x2900  }
0x121: {  	[hbm4b:s30+s3] =	stream.indirect_vreg.scatter [tilespmem:s6], [sflag:$0x1], $0x80, v4, vm0, $0xb8;
	[tilespmem:$0x10100] =	vst v63  }
0x122: {  	s9 =	simm.s32 $0x3100  }
0x123: {  	[hbm4b:s31+s3] =	stream.indirect_vreg.scatter [tilespmem:s9], [sflag:$0x1], $0x80, v4, vm0, $0xb8;
	[tilespmem:$0x10100] =	vst v63  }
0x124: {  	s14 =	simm.s32 $0x3900  }
0x125: {  	[hbm4b:s17+s3] =	stream.indirect_vreg.scatter [tilespmem:s14], [sflag:$0x1], $0x80, v4, vm0, $0xb8;
	[tilespmem:$0x10100] =	vst v63  }
0x126: {  	s14 =	simm.s32 $0x4100  }
0x127: {  	[hbm4b:s18+s3] =	stream.indirect_vreg.scatter [tilespmem:s14], [sflag:$0x1], $0x80, v4, vm0, $0xb8;
	[tilespmem:$0x10100] =	vst v63  }
0x128: {  	s14 =	simm.s32 $0x4900  }
0x129: {  	[hbm4b:s19+s3] =	stream.indirect_vreg.scatter [tilespmem:s14], [sflag:$0x1], $0x80, v4, vm0, $0xb8;
	[tilespmem:$0x10100] =	vst v63  }
0x12a: {  	s14 =	simm.s32 $0x5100  }
0x12b: {  	[hbm4b:s20+s3] =	stream.indirect_vreg.scatter [tilespmem:s14], [sflag:$0x1], $0x80, v4, vm0, $0xb8;
	[tilespmem:$0x10100] =	vst v63  }
0x12c: {  	s14 =	simm.s32 $0x5900  }
0x12d: {  	[hbm4b:s21+s3] =	stream.indirect_vreg.scatter [tilespmem:s14], [sflag:$0x1], $0x80, v4, vm0, $0xb8;
	[tilespmem:$0x10100] =	vst v63  }
0x12e: {  	s14 =	simm.s32 $0x6100  }
0x12f: {  	[hbm4b:s22+s3] =	stream.indirect_vreg.scatter [tilespmem:s14], [sflag:$0x1], $0x80, v4, vm0, $0xb8;
	[tilespmem:$0x10100] =	vst v63  }
0x130: {  	v3 =	vperm.xlane v3, v2;
	s14 =	simm.s32 $0x6900  }
0x131: {  	[hbm4b:s16+s3] =	stream.indirect_vreg.scatter [tilespmem:s14], [sflag:$0x1], $0x80, v4, vm0, $0xb8;
	[tilespmem:$0x10100] =	vst v63  }
0x132: {  	v3 =	vadd.s32 v1, v3;
	s14 =	simm.s32 $0x7100  }
0x133: {  	[hbm4b:s28+s3] =	stream.indirect_vreg.scatter [tilespmem:s14], [sflag:$0x1], $0x80, v4, vm0, $0xb8;
	[tilespmem:$0x10100] =	vst v63  }
0x134: {  	s10 =	simm.s32 $0x7900  }
0x135: {  	[hbm4b:s29+s3] =	stream.indirect_vreg.scatter [tilespmem:s10], [sflag:$0x1], $0x80, v4, vm0, $0xb8;
	[tilespmem:$0x10100] =	vst v63  }
0x136: {  	s10 =	simm.s32 $0x8100  }
0x137: {  	[hbm4b:s12+s3] =	stream.indirect_vreg.scatter [tilespmem:s10], [sflag:$0x1], $0x80, v3, vm0, $0xb8;
	[tilespmem:$0x10100] =	vst v63  }
0x138: {  	s12 =	simm.s32 $0x8900  }
0x139: {  	[hbm4b:s5+s3] =	stream.indirect_vreg.scatter [tilespmem:s12], [sflag:$0x1], $0x80, v3, vm0, $0xb8;
	[tilespmem:$0x10100] =	vst v63  }
0x13a: {  	s10 =	simm.s32 $0x9100  }
0x13b: {  	[hbm4b:s11+s3] =	stream.indirect_vreg.scatter [tilespmem:s10], [sflag:$0x1], $0x80, v3, vm0, $0xb8;
	[tilespmem:$0x10100] =	vst v63  }
0x13c: {  	s12 =	simm.s32 $0x9900  }
0x13d: {  	[hbm4b:s15+s3] =	stream.indirect_vreg.scatter [tilespmem:s12], [sflag:$0x1], $0x80, v3, vm0, $0xb8;
	[tilespmem:$0x10100] =	vst v63  }
0x13e: {  	s10 =	simm.s32 $0xA100  }
0x13f: {  	[hbm4b:s8+s3] =	stream.indirect_vreg.scatter [tilespmem:s10], [sflag:$0x1], $0x80, v3, vm0, $0xb8;
	[tilespmem:$0x10100] =	vst v63  }
0x140: {  	s11 =	simm.s32 $0xA900  }
0x141: {  	[hbm4b:s30+s3] =	stream.indirect_vreg.scatter [tilespmem:s11], [sflag:$0x1], $0x80, v3, vm0, $0xb8;
	[tilespmem:$0x10100] =	vst v63  }
0x142: {  	s12 =	simm.s32 $0xB100  }
0x143: {  	[hbm4b:s31+s3] =	stream.indirect_vreg.scatter [tilespmem:s12], [sflag:$0x1], $0x80, v3, vm0, $0xb8;
	[tilespmem:$0x10100] =	vst v63  }
0x144: {  	s8 =	simm.s32 $0xB900  }
0x145: {  	[hbm4b:s17+s3] =	stream.indirect_vreg.scatter [tilespmem:s8], [sflag:$0x1], $0x80, v3, vm0, $0xb8;
	[tilespmem:$0x10100] =	vst v63  }
0x146: {  	s10 =	simm.s32 $0xC100  }
0x147: {  	[hbm4b:s18+s3] =	stream.indirect_vreg.scatter [tilespmem:s10], [sflag:$0x1], $0x80, v3, vm0, $0xb8;
	[tilespmem:$0x10100] =	vst v63  }
0x148: {  	s11 =	simm.s32 $0xC900  }
0x149: {  	[hbm4b:s19+s3] =	stream.indirect_vreg.scatter [tilespmem:s11], [sflag:$0x1], $0x80, v3, vm0, $0xb8;
	[tilespmem:$0x10100] =	vst v63  }
0x14a: {  	s12 =	simm.s32 $0xD100  }
0x14b: {  	[hbm4b:s20+s3] =	stream.indirect_vreg.scatter [tilespmem:s12], [sflag:$0x1], $0x80, v3, vm0, $0xb8;
	[tilespmem:$0x10100] =	vst v63  }
0x14c: {  	s8 =	simm.s32 $0xD900  }
0x14d: {  	[hbm4b:s21+s3] =	stream.indirect_vreg.scatter [tilespmem:s8], [sflag:$0x1], $0x80, v3, vm0, $0xb8;
	[tilespmem:$0x10100] =	vst v63  }
0x14e: {  	s10 =	simm.s32 $0xE100  }
0x14f: {  	[hbm4b:s22+s3] =	stream.indirect_vreg.scatter [tilespmem:s10], [sflag:$0x1], $0x80, v3, vm0, $0xb8;
	[tilespmem:$0x10100] =	vst v63  }
0x150: {  	s11 =	simm.s32 $0xE900  }
0x151: {  	[hbm4b:s16+s3] =	stream.indirect_vreg.scatter [tilespmem:s11], [sflag:$0x1], $0x80, v3, vm0, $0xb8;
	[tilespmem:$0x10100] =	vst v63  }
0x152: {  	s12 =	simm.s32 $0xF100  }
0x153: {  	[hbm4b:s28+s3] =	stream.indirect_vreg.scatter [tilespmem:s12], [sflag:$0x1], $0x80, v3, vm0, $0xb8;
	[tilespmem:$0x10100] =	vst v63  }
0x154: {  	_ = 	snop  }
0x155: {  	[hbm4b:s29+s3] =	stream.indirect_vreg.scatter [tilespmem:s7], [sflag:$0x1], $0x80, v3, vm0, $0xb8;
	[tilespmem:$0x10100] =	vst v63  }
0x156: {  	_ =	swait.ge [sflag:s24], $0x10000  }
0x157: {  	[sflag:s24] =	ssyncset.done $0x0  }
0x158: {  	[sflag:s24] =	ssyncadd.s32 $0xFFFF0000  }
0x159: {  	v3 =	vld [tilespmem:$0xA0];
	_ =	sdelay $0x4  }
0x15a: {  	v52 =	vshll.u32 v3, $0x5  }
0x15b: {  	v3 =	vand.u32 $0x7, v3;
	v4 =	vand.u32 $0xFFFFFF00, v52  }
0x15c: {  	v3 =	vor.u32 v3, v4  }
0x15d: {  	v4 =	vperm.xlane v3, v0;
	_ =	sdelay $0x1  }
0x15e: {  	v4 =	vadd.s32 v1, v4;
	_ =	sdelay $0x3  }
0x15f: {  	s12 =	rddreg [dreg:$0x0]  }
0x160: {  	[tilespmem:s13], [sflag:$0x1] =	stream.indirect_vreg.gather [hbm4b:s12+s3], $0x80, v4, vm0, $0xb8;
	[tilespmem:$0x10100] =	vst v63  }
0x161: {  	s5 =	rddreg [dreg:$0x8]  }
0x162: {  	[tilespmem:s0], [sflag:$0x1] =	stream.indirect_vreg.gather [hbm4b:s5+s3], $0x80, v4, vm0, $0xb8;
	[tilespmem:$0x10100] =	vst v63  }
0x163: {  	s8 =	rddreg [dreg:$0x9]  }
0x164: {  	[tilespmem:s1], [sflag:$0x1] =	stream.indirect_vreg.gather [hbm4b:s8+s3], $0x80, v4, vm0, $0xb8;
	[tilespmem:$0x10100] =	vst v63  }
0x165: {  	s11 =	rddreg [dreg:$0xa]  }
0x166: {  	[tilespmem:s2], [sflag:$0x1] =	stream.indirect_vreg.gather [hbm4b:s11+s3], $0x80, v4, vm0, $0xb8;
	[tilespmem:$0x10100] =	vst v63  }
0x167: {  	s7 =	rddreg [dreg:$0xb]  }
0x168: {  	[tilespmem:s4], [sflag:$0x1] =	stream.indirect_vreg.gather [hbm4b:s7+s3], $0x80, v4, vm0, $0xb8;
	[tilespmem:$0x10100] =	vst v63  }
0x169: {  	s0 =	rddreg [dreg:$0xc]  }
0x16a: {  	[tilespmem:s6], [sflag:$0x1] =	stream.indirect_vreg.gather [hbm4b:s0+s3], $0x80, v4, vm0, $0xb8;
	[tilespmem:$0x10100] =	vst v63  }
0x16b: {  	s13 =	rddreg [dreg:$0x1d]  }
0x16c: {  	[tilespmem:s9], [sflag:$0x1] =	stream.indirect_vreg.gather [hbm4b:s13+s3], $0x80, v4, vm0, $0xb8;
	[tilespmem:$0x10100] =	vst v63  }
0x16d: {  	s4 =	rddreg [dreg:$0x1f];
	s6 =	simm.s32 $0x3900  }
0x16e: {  	[tilespmem:s6], [sflag:$0x1] =	stream.indirect_vreg.gather [hbm4b:s23+s3], $0x80, v4, vm0, $0xb8;
	[tilespmem:$0x10100] =	vst v63  }
0x16f: {  	s9 =	simm.s32 $0x4100;
	s6 =	sld [smem:$0x7F7]  }
0x170: {  	[tilespmem:s9], [sflag:$0x1] =	stream.indirect_vreg.gather [hbm4b:s4+s3], $0x80, v4, vm0, $0xb8;
	[tilespmem:$0x10100] =	vst v63  }
0x171: {  	s10 =	simm.s32 $0x4900  }
0x172: {  	[tilespmem:s10], [sflag:$0x1] =	stream.indirect_vreg.gather [hbm4b:s6+s3], $0x80, v4, vm0, $0xb8;
	[tilespmem:$0x10100] =	vst v63  }
0x173: {  	s10 =	sld [smem:$0x7F8];
	_ =	sdelay $0x1  }
0x174: {  	s1 =	sld [smem:$0x7F9];
	s2 =	simm.s32 $0x5100  }
0x175: {  	[tilespmem:s2], [sflag:$0x1] =	stream.indirect_vreg.gather [hbm4b:s10+s3], $0x80, v4, vm0, $0xb8;
	[tilespmem:$0x10100] =	vst v63  }
0x176: {  	s9 =	simm.s32 $0x5900  }
0x177: {  	[tilespmem:s9], [sflag:$0x1] =	stream.indirect_vreg.gather [hbm4b:s1+s3], $0x80, v4, vm0, $0xb8;
	[tilespmem:$0x10100] =	vst v63  }
0x178: {  	s2 =	sld [smem:$0x7FA];
	_ =	sdelay $0x1  }
0x179: {  	s9 =	simm.s32 $0x6100  }
0x17a: {  	[tilespmem:s9], [sflag:$0x1] =	stream.indirect_vreg.gather [hbm4b:s2+s3], $0x80, v4, vm0, $0xb8;
	[tilespmem:$0x10100] =	vst v63  }
0x17b: {  	s9 =	simm.s32 $0x6900  }
0x17c: {  	[tilespmem:s9], [sflag:$0x1] =	stream.indirect_vreg.gather [hbm4b:s25+s3], $0x80, v4, vm0, $0xb8;
	[tilespmem:$0x10100] =	vst v63  }
0x17d: {  	v3 =	vperm.xlane v3, v2;
	s9 =	sld [smem:$0x7FC];
	_ =	sdelay $0x1  }
0x17e: {  	v3 =	vadd.s32 v1, v3  }
0x17f: {  	[tilespmem:s14], [sflag:$0x1] =	stream.indirect_vreg.gather [hbm4b:s9+s3], $0x80, v4, vm0, $0xb8;
	[tilespmem:$0x10100] =	vst v63  }
0x180: {  	s14 =	simm.s32 $0x7900  }
0x181: {  	[tilespmem:s14], [sflag:$0x1] =	stream.indirect_vreg.gather [hbm4b:s26+s3], $0x80, v4, vm0, $0xb8;
	[tilespmem:$0x10100] =	vst v63  }
0x182: {  	s14 =	simm.s32 $0x8100  }
0x183: {  	[tilespmem:s14], [sflag:$0x1] =	stream.indirect_vreg.gather [hbm4b:s12+s3], $0x80, v3, vm0, $0xb8;
	[tilespmem:$0x10100] =	vst v63  }
0x184: {  	s12 =	simm.s32 $0x8900  }
0x185: {  	[tilespmem:s12], [sflag:$0x1] =	stream.indirect_vreg.gather [hbm4b:s5+s3], $0x80, v3, vm0, $0xb8;
	[tilespmem:$0x10100] =	vst v63  }
0x186: {  	s14 =	simm.s32 $0x9100  }
0x187: {  	[tilespmem:s14], [sflag:$0x1] =	stream.indirect_vreg.gather [hbm4b:s8+s3], $0x80, v3, vm0, $0xb8;
	[tilespmem:$0x10100] =	vst v63  }
0x188: {  	s8 =	simm.s32 $0x9900  }
0x189: {  	[tilespmem:s8], [sflag:$0x1] =	stream.indirect_vreg.gather [hbm4b:s11+s3], $0x80, v3, vm0, $0xb8;
	[tilespmem:$0x10100] =	vst v63  }
0x18a: {  	s11 =	simm.s32 $0xA100  }
0x18b: {  	[tilespmem:s11], [sflag:$0x1] =	stream.indirect_vreg.gather [hbm4b:s7+s3], $0x80, v3, vm0, $0xb8;
	[tilespmem:$0x10100] =	vst v63  }
0x18c: {  	s12 =	simm.s32 $0xA900  }
0x18d: {  	[tilespmem:s12], [sflag:$0x1] =	stream.indirect_vreg.gather [hbm4b:s0+s3], $0x80, v3, vm0, $0xb8;
	[tilespmem:$0x10100] =	vst v63  }
0x18e: {  	s14 =	simm.s32 $0xB100  }
0x18f: {  	[tilespmem:s14], [sflag:$0x1] =	stream.indirect_vreg.gather [hbm4b:s13+s3], $0x80, v3, vm0, $0xb8;
	[tilespmem:$0x10100] =	vst v63  }
0x190: {  	s5 =	simm.s32 $0xB900  }
0x191: {  	[tilespmem:s5], [sflag:$0x1] =	stream.indirect_vreg.gather [hbm4b:s23+s3], $0x80, v3, vm0, $0xb8;
	[tilespmem:$0x10100] =	vst v63  }
0x192: {  	s8 =	simm.s32 $0xC100  }
0x193: {  	[tilespmem:s8], [sflag:$0x1] =	stream.indirect_vreg.gather [hbm4b:s4+s3], $0x80, v3, vm0, $0xb8;
	[tilespmem:$0x10100] =	vst v63  }
0x194: {  	s5 =	simm.s32 $0xC900  }
0x195: {  	[tilespmem:s5], [sflag:$0x1] =	stream.indirect_vreg.gather [hbm4b:s6+s3], $0x80, v3, vm0, $0xb8;
	[tilespmem:$0x10100] =	vst v63  }
0x196: {  	s6 =	simm.s32 $0xD100  }
0x197: {  	[tilespmem:s6], [sflag:$0x1] =	stream.indirect_vreg.gather [hbm4b:s10+s3], $0x80, v3, vm0, $0xb8;
	[tilespmem:$0x10100] =	vst v63  }
0x198: {  	s7 =	smov.u32 s0;
	s0 =	simm.s32 $0xD900  }
0x199: {  	[tilespmem:s0], [sflag:$0x1] =	stream.indirect_vreg.gather [hbm4b:s1+s3], $0x80, v3, vm0, $0xb8;
	[tilespmem:$0x10100] =	vst v63  }
0x19a: {  	s1 =	simm.s32 $0xE100  }
0x19b: {  	[tilespmem:s1], [sflag:$0x1] =	stream.indirect_vreg.gather [hbm4b:s2+s3], $0x80, v3, vm0, $0xb8;
	[tilespmem:$0x10100] =	vst v63  }
0x19c: {  	s2 =	simm.s32 $0xE900  }
0x19d: {  	[tilespmem:s2], [sflag:$0x1] =	stream.indirect_vreg.gather [hbm4b:s25+s3], $0x80, v3, vm0, $0xb8;
	[tilespmem:$0x10100] =	vst v63  }
0x19e: {  	s4 =	simm.s32 $0xF100  }
0x19f: {  	[tilespmem:s4], [sflag:$0x1] =	stream.indirect_vreg.gather [hbm4b:s9+s3], $0x80, v3, vm0, $0xb8;
	[tilespmem:$0x10100] =	vst v63  }
0x1a0: {  	s9 =	simm.s32 $0xF900  }
0x1a1: {  	[tilespmem:s9], [sflag:$0x1] =	stream.indirect_vreg.gather [hbm4b:s26+s3], $0x80, v3, vm0, $0xb8;
	[tilespmem:$0x10100] =	vst v63  }
0x1a2: {  	_ =	swait.ge [sflag:s24], $0x10000  }
0x1a3: {  	[sflag:s24] =	ssyncset.done $0x0  }
0x1a4: {  	[sflag:s24] =	ssyncadd.s32 $0xFFFF0000  }
0x1a5: {  	v3 =	vld [tilespmem:$0x20];
	_ =	sdelay $0x4  }
0x1a6: {  	v53 =	vshll.u32 v3, $0x5  }
0x1a7: {  	v3 =	vand.u32 $0x7, v3;
	v4 =	vand.u32 $0xFFFFFF00, v53  }
0x1a8: {  	v3 =	vor.u32 v3, v4  }
0x1a9: {  	v4 =	vperm.xlane v3, v0;
	_ =	sdelay $0x1  }
0x1aa: {  	v4 =	vadd.s32 v1, v4;
	_ =	sdelay $0x3  }
0x1ab: {  	s10 =	simm.s32 $0x100;
	s9 =	rddreg [dreg:$0x7]  }
0x1ac: {  	[hbm4b:s9+s3] =	stream.indirect_vreg.scatter [tilespmem:s10], [sflag:$0x1], $0x80, v4, vm0, $0xb8;
	[tilespmem:$0x10100] =	vst v63  }
0x1ad: {  	s11 =	simm.s32 $0x900;
	s8 =	rddreg [dreg:$0xd]  }
0x1ae: {  	[hbm4b:s8+s3] =	stream.indirect_vreg.scatter [tilespmem:s11], [sflag:$0x1], $0x80, v4, vm0, $0xb8;
	[tilespmem:$0x10100] =	vst v63  }
0x1af: {  	s14 =	simm.s32 $0x1100;
	s10 =	rddreg [dreg:$0xe]  }
0x1b0: {  	[hbm4b:s10+s3] =	stream.indirect_vreg.scatter [tilespmem:s14], [sflag:$0x1], $0x80, v4, vm0, $0xb8;
	[tilespmem:$0x10100] =	vst v63  }
0x1b1: {  	s26 =	simm.s32 $0x1900  }
0x1b2: {  	[hbm4b:s15+s3] =	stream.indirect_vreg.scatter [tilespmem:s26], [sflag:$0x1], $0x80, v4, vm0, $0xb8;
	[tilespmem:$0x10100] =	vst v63  }
0x1b3: {  	s14 =	simm.s32 $0x2100;
	s26 =	rddreg [dreg:$0x10]  }
0x1b4: {  	[hbm4b:s26+s3] =	stream.indirect_vreg.scatter [tilespmem:s14], [sflag:$0x1], $0x80, v4, vm0, $0xb8;
	[tilespmem:$0x10100] =	vst v63  }
0x1b5: {  	s14 =	simm.s32 $0x2900  }
0x1b6: {  	[hbm4b:s30+s3] =	stream.indirect_vreg.scatter [tilespmem:s14], [sflag:$0x1], $0x80, v4, vm0, $0xb8;
	[tilespmem:$0x10100] =	vst v63  }
0x1b7: {  	s14 =	simm.s32 $0x3100  }
0x1b8: {  	[hbm4b:s31+s3] =	stream.indirect_vreg.scatter [tilespmem:s14], [sflag:$0x1], $0x80, v4, vm0, $0xb8;
	[tilespmem:$0x10100] =	vst v63  }
0x1b9: {  	s14 =	simm.s32 $0x3900  }
0x1ba: {  	[hbm4b:s17+s3] =	stream.indirect_vreg.scatter [tilespmem:s14], [sflag:$0x1], $0x80, v4, vm0, $0xb8;
	[tilespmem:$0x10100] =	vst v63  }
0x1bb: {  	s14 =	simm.s32 $0x4100  }
0x1bc: {  	[hbm4b:s18+s3] =	stream.indirect_vreg.scatter [tilespmem:s14], [sflag:$0x1], $0x80, v4, vm0, $0xb8;
	[tilespmem:$0x10100] =	vst v63  }
0x1bd: {  	s14 =	simm.s32 $0x4900  }
0x1be: {  	[hbm4b:s19+s3] =	stream.indirect_vreg.scatter [tilespmem:s14], [sflag:$0x1], $0x80, v4, vm0, $0xb8;
	[tilespmem:$0x10100] =	vst v63  }
0x1bf: {  	s14 =	simm.s32 $0x5100  }
0x1c0: {  	[hbm4b:s20+s3] =	stream.indirect_vreg.scatter [tilespmem:s14], [sflag:$0x1], $0x80, v4, vm0, $0xb8;
	[tilespmem:$0x10100] =	vst v63  }
0x1c1: {  	s14 =	simm.s32 $0x5900  }
0x1c2: {  	[hbm4b:s21+s3] =	stream.indirect_vreg.scatter [tilespmem:s14], [sflag:$0x1], $0x80, v4, vm0, $0xb8;
	[tilespmem:$0x10100] =	vst v63  }
0x1c3: {  	s14 =	simm.s32 $0x6100  }
0x1c4: {  	[hbm4b:s22+s3] =	stream.indirect_vreg.scatter [tilespmem:s14], [sflag:$0x1], $0x80, v4, vm0, $0xb8;
	[tilespmem:$0x10100] =	vst v63  }
0x1c5: {  	v3 =	vperm.xlane v3, v2;
	s14 =	simm.s32 $0x6900  }
0x1c6: {  	[hbm4b:s16+s3] =	stream.indirect_vreg.scatter [tilespmem:s14], [sflag:$0x1], $0x80, v4, vm0, $0xb8;
	[tilespmem:$0x10100] =	vst v63  }
0x1c7: {  	v3 =	vadd.s32 v1, v3;
	s11 =	smov.u32 s16;
	s16 =	simm.s32 $0x7100  }
0x1c8: {  	[hbm4b:s28+s3] =	stream.indirect_vreg.scatter [tilespmem:s16], [sflag:$0x1], $0x80, v4, vm0, $0xb8;
	[tilespmem:$0x10100] =	vst v63  }
0x1c9: {  	s16 =	simm.s32 $0x7900  }
0x1ca: {  	[hbm4b:s29+s3] =	stream.indirect_vreg.scatter [tilespmem:s16], [sflag:$0x1], $0x80, v4, vm0, $0xb8;
	[tilespmem:$0x10100] =	vst v63  }
0x1cb: {  	s16 =	simm.s32 $0x8100  }
0x1cc: {  	[hbm4b:s9+s3] =	stream.indirect_vreg.scatter [tilespmem:s16], [sflag:$0x1], $0x80, v3, vm0, $0xb8;
	[tilespmem:$0x10100] =	vst v63  }
0x1cd: {  	s14 =	simm.s32 $0x8900  }
0x1ce: {  	[hbm4b:s8+s3] =	stream.indirect_vreg.scatter [tilespmem:s14], [sflag:$0x1], $0x80, v3, vm0, $0xb8;
	[tilespmem:$0x10100] =	vst v63  }
0x1cf: {  	s16 =	simm.s32 $0x9100  }
0x1d0: {  	[hbm4b:s10+s3] =	stream.indirect_vreg.scatter [tilespmem:s16], [sflag:$0x1], $0x80, v3, vm0, $0xb8;
	[tilespmem:$0x10100] =	vst v63  }
0x1d1: {  	s9 =	simm.s32 $0x9900  }
0x1d2: {  	[hbm4b:s15+s3] =	stream.indirect_vreg.scatter [tilespmem:s9], [sflag:$0x1], $0x80, v3, vm0, $0xb8;
	[tilespmem:$0x10100] =	vst v63  }
0x1d3: {  	s14 =	smov.u32 s10;
	s10 =	simm.s32 $0xA100  }
0x1d4: {  	[hbm4b:s26+s3] =	stream.indirect_vreg.scatter [tilespmem:s10], [sflag:$0x1], $0x80, v3, vm0, $0xb8;
	[tilespmem:$0x10100] =	vst v63  }
0x1d5: {  	s16 =	smov.u32 s15;
	s15 =	simm.s32 $0xA900  }
0x1d6: {  	[hbm4b:s30+s3] =	stream.indirect_vreg.scatter [tilespmem:s15], [sflag:$0x1], $0x80, v3, vm0, $0xb8;
	[tilespmem:$0x10100] =	vst v63  }
0x1d7: {  	s26 =	simm.s32 $0xB100  }
0x1d8: {  	[hbm4b:s31+s3] =	stream.indirect_vreg.scatter [tilespmem:s26], [sflag:$0x1], $0x80, v3, vm0, $0xb8;
	[tilespmem:$0x10100] =	vst v63  }
0x1d9: {  	s9 =	simm.s32 $0xB900  }
0x1da: {  	[hbm4b:s17+s3] =	stream.indirect_vreg.scatter [tilespmem:s9], [sflag:$0x1], $0x80, v3, vm0, $0xb8;
	[tilespmem:$0x10100] =	vst v63  }
0x1db: {  	s10 =	simm.s32 $0xC100  }
0x1dc: {  	[hbm4b:s18+s3] =	stream.indirect_vreg.scatter [tilespmem:s10], [sflag:$0x1], $0x80, v3, vm0, $0xb8;
	[tilespmem:$0x10100] =	vst v63  }
0x1dd: {  	_ = 	snop  }
0x1de: {  	[hbm4b:s19+s3] =	stream.indirect_vreg.scatter [tilespmem:s5], [sflag:$0x1], $0x80, v3, vm0, $0xb8;
	[tilespmem:$0x10100] =	vst v63  }
0x1df: {  	_ = 	snop  }
0x1e0: {  	[hbm4b:s20+s3] =	stream.indirect_vreg.scatter [tilespmem:s6], [sflag:$0x1], $0x80, v3, vm0, $0xb8;
	[tilespmem:$0x10100] =	vst v63  }
0x1e1: {  	_ = 	snop  }
0x1e2: {  	[hbm4b:s21+s3] =	stream.indirect_vreg.scatter [tilespmem:s0], [sflag:$0x1], $0x80, v3, vm0, $0xb8;
	[tilespmem:$0x10100] =	vst v63  }
0x1e3: {  	_ = 	snop  }
0x1e4: {  	[hbm4b:s22+s3] =	stream.indirect_vreg.scatter [tilespmem:s1], [sflag:$0x1], $0x80, v3, vm0, $0xb8;
	[tilespmem:$0x10100] =	vst v63  }
0x1e5: {  	_ = 	snop  }
0x1e6: {  	[hbm4b:s11+s3] =	stream.indirect_vreg.scatter [tilespmem:s2], [sflag:$0x1], $0x80, v3, vm0, $0xb8;
	[tilespmem:$0x10100] =	vst v63  }
0x1e7: {  	_ = 	snop  }
0x1e8: {  	[hbm4b:s28+s3] =	stream.indirect_vreg.scatter [tilespmem:s4], [sflag:$0x1], $0x80, v3, vm0, $0xb8;
	[tilespmem:$0x10100] =	vst v63  }
0x1e9: {  	s12 =	simm.s32 $0xF900  }
0x1ea: {  	[hbm4b:s29+s3] =	stream.indirect_vreg.scatter [tilespmem:s12], [sflag:$0x1], $0x80, v3, vm0, $0xb8;
	[tilespmem:$0x10100] =	vst v63  }
0x1eb: {  	_ =	swait.ge [sflag:s24], $0x10000  }
0x1ec: {  	[sflag:s24] =	ssyncset.done $0x0  }
0x1ed: {  	[sflag:s24] =	ssyncadd.s32 $0xFFFF0000  }
0x1ee: {  	v3 =	vld [tilespmem:$0xB0];
	_ =	sdelay $0x4  }
0x1ef: {  	v54 =	vshll.u32 v3, $0x5  }
0x1f0: {  	v3 =	vand.u32 $0x7, v3;
	v4 =	vand.u32 $0xFFFFFF00, v54  }
0x1f1: {  	v3 =	vor.u32 v3, v4  }
0x1f2: {  	v4 =	vperm.xlane v3, v0;
	_ =	sdelay $0x1  }
0x1f3: {  	v4 =	vadd.s32 v1, v4;
	_ =	sdelay $0x3  }
0x1f4: {  	s15 =	simm.s32 $0x100;
	s12 =	rddreg [dreg:$0x0]  }
0x1f5: {  	[tilespmem:s15], [sflag:$0x1] =	stream.indirect_vreg.gather [hbm4b:s12+s3], $0x80, v4, vm0, $0xb8;
	[tilespmem:$0x10100] =	vst v63  }
0x1f6: {  	s26 =	simm.s32 $0x900;
	s11 =	rddreg [dreg:$0x8]  }
0x1f7: {  	[tilespmem:s26], [sflag:$0x1] =	stream.indirect_vreg.gather [hbm4b:s11+s3], $0x80, v4, vm0, $0xb8;
	[tilespmem:$0x10100] =	vst v63  }
0x1f8: {  	s1 =	simm.s32 $0x1100;
	s8 =	rddreg [dreg:$0x9]  }
0x1f9: {  	[tilespmem:s1], [sflag:$0x1] =	stream.indirect_vreg.gather [hbm4b:s8+s3], $0x80, v4, vm0, $0xb8;
	[tilespmem:$0x10100] =	vst v63  }
0x1fa: {  	s2 =	simm.s32 $0x1900;
	s9 =	rddreg [dreg:$0xa]  }
0x1fb: {  	[tilespmem:s2], [sflag:$0x1] =	stream.indirect_vreg.gather [hbm4b:s9+s3], $0x80, v4, vm0, $0xb8;
	[tilespmem:$0x10100] =	vst v63  }
0x1fc: {  	s4 =	simm.s32 $0x2100;
	s10 =	rddreg [dreg:$0xb]  }
0x1fd: {  	[tilespmem:s4], [sflag:$0x1] =	stream.indirect_vreg.gather [hbm4b:s10+s3], $0x80, v4, vm0, $0xb8;
	[tilespmem:$0x10100] =	vst v63  }
0x1fe: {  	s5 =	simm.s32 $0x2900  }
0x1ff: {  	[tilespmem:s5], [sflag:$0x1] =	stream.indirect_vreg.gather [hbm4b:s7+s3], $0x80, v4, vm0, $0xb8;
	[tilespmem:$0x10100] =	vst v63  }
0x200: {  	s15 =	simm.s32 $0x3100  }
0x201: {  	[tilespmem:s15], [sflag:$0x1] =	stream.indirect_vreg.gather [hbm4b:s13+s3], $0x80, v4, vm0, $0xb8;
	[tilespmem:$0x10100] =	vst v63  }
0x202: {  	s26 =	simm.s32 $0x3900;
	s4 =	sld [smem:$0x7F7]  }
0x203: {  	[tilespmem:s26], [sflag:$0x1] =	stream.indirect_vreg.gather [hbm4b:s23+s3], $0x80, v4, vm0, $0xb8;
	[tilespmem:$0x10100] =	vst v63  }
0x204: {  	s6 =	smov.u32 s7;
	s1 =	simm.s32 $0x4100;
	s7 =	rddreg [dreg:$0x1f]  }
0x205: {  	[tilespmem:s1], [sflag:$0x1] =	stream.indirect_vreg.gather [hbm4b:s7+s3], $0x80, v4, vm0, $0xb8;
	[tilespmem:$0x10100] =	vst v63  }
0x206: {  	s2 =	simm.s32 $0x4900  }
0x207: {  	[tilespmem:s2], [sflag:$0x1] =	stream.indirect_vreg.gather [hbm4b:s4+s3], $0x80, v4, vm0, $0xb8;
	[tilespmem:$0x10100] =	vst v63  }
0x208: {  	s2 =	sld [smem:$0x7F8];
	_ =	sdelay $0x1  }
0x209: {  	s5 =	simm.s32 $0x5100;
	s1 =	sld [smem:$0x7F9]  }
0x20a: {  	[tilespmem:s5], [sflag:$0x1] =	stream.indirect_vreg.gather [hbm4b:s2+s3], $0x80, v4, vm0, $0xb8;
	[tilespmem:$0x10100] =	vst v63  }
0x20b: {  	s15 =	simm.s32 $0x5900;
	s5 =	sld [smem:$0x7FA]  }
0x20c: {  	[tilespmem:s15], [sflag:$0x1] =	stream.indirect_vreg.gather [hbm4b:s1+s3], $0x80, v4, vm0, $0xb8;
	[tilespmem:$0x10100] =	vst v63  }
0x20d: {  	s26 =	simm.s32 $0x6100  }
0x20e: {  	[tilespmem:s26], [sflag:$0x1] =	stream.indirect_vreg.gather [hbm4b:s5+s3], $0x80, v4, vm0, $0xb8;
	[tilespmem:$0x10100] =	vst v63  }
0x20f: {  	s0 =	sld [smem:$0x7FC];
	v3 =	vperm.xlane v3, v2;
	s15 =	simm.s32 $0x6900  }
0x210: {  	[tilespmem:s15], [sflag:$0x1] =	stream.indirect_vreg.gather [hbm4b:s25+s3], $0x80, v4, vm0, $0xb8;
	[tilespmem:$0x10100] =	vst v63  }
0x211: {  	v3 =	vadd.s32 v1, v3;
	s26 =	smov.u32 s25;
	s15 =	simm.s32 $0x7100;
	s25 =	sld [smem:$0x7FD]  }
0x212: {  	[tilespmem:s15], [sflag:$0x1] =	stream.indirect_vreg.gather [hbm4b:s0+s3], $0x80, v4, vm0, $0xb8;
	[tilespmem:$0x10100] =	vst v63  }
0x213: {  	s15 =	simm.s32 $0x7900  }
0x214: {  	[tilespmem:s15], [sflag:$0x1] =	stream.indirect_vreg.gather [hbm4b:s25+s3], $0x80, v4, vm0, $0xb8;
	[tilespmem:$0x10100] =	vst v63  }
0x215: {  	s15 =	simm.s32 $0x8100  }
0x216: {  	[tilespmem:s15], [sflag:$0x1] =	stream.indirect_vreg.gather [hbm4b:s12+s3], $0x80, v3, vm0, $0xb8;
	[tilespmem:$0x10100] =	vst v63  }
0x217: {  	s15 =	simm.s32 $0x8900  }
0x218: {  	[tilespmem:s15], [sflag:$0x1] =	stream.indirect_vreg.gather [hbm4b:s11+s3], $0x80, v3, vm0, $0xb8;
	[tilespmem:$0x10100] =	vst v63  }
0x219: {  	s12 =	simm.s32 $0x9100  }
0x21a: {  	[tilespmem:s12], [sflag:$0x1] =	stream.indirect_vreg.gather [hbm4b:s8+s3], $0x80, v3, vm0, $0xb8;
	[tilespmem:$0x10100] =	vst v63  }
0x21b: {  	s15 =	simm.s32 $0x9900  }
0x21c: {  	[tilespmem:s15], [sflag:$0x1] =	stream.indirect_vreg.gather [hbm4b:s9+s3], $0x80, v3, vm0, $0xb8;
	[tilespmem:$0x10100] =	vst v63  }
0x21d: {  	s12 =	simm.s32 $0xA100  }
0x21e: {  	[tilespmem:s12], [sflag:$0x1] =	stream.indirect_vreg.gather [hbm4b:s10+s3], $0x80, v3, vm0, $0xb8;
	[tilespmem:$0x10100] =	vst v63  }
0x21f: {  	s15 =	simm.s32 $0xA900  }
0x220: {  	[tilespmem:s15], [sflag:$0x1] =	stream.indirect_vreg.gather [hbm4b:s6+s3], $0x80, v3, vm0, $0xb8;
	[tilespmem:$0x10100] =	vst v63  }
0x221: {  	s8 =	smov.u32 s9;
	s9 =	simm.s32 $0xB100  }
0x222: {  	[tilespmem:s9], [sflag:$0x1] =	stream.indirect_vreg.gather [hbm4b:s13+s3], $0x80, v3, vm0, $0xb8;
	[tilespmem:$0x10100] =	vst v63  }
0x223: {  	s10 =	simm.s32 $0xB900  }
0x224: {  	[tilespmem:s10], [sflag:$0x1] =	stream.indirect_vreg.gather [hbm4b:s23+s3], $0x80, v3, vm0, $0xb8;
	[tilespmem:$0x10100] =	vst v63  }
0x225: {  	s12 =	simm.s32 $0xC100  }
0x226: {  	[tilespmem:s12], [sflag:$0x1] =	stream.indirect_vreg.gather [hbm4b:s7+s3], $0x80, v3, vm0, $0xb8;
	[tilespmem:$0x10100] =	vst v63  }
0x227: {  	s13 =	simm.s32 $0xC900  }
0x228: {  	[tilespmem:s13], [sflag:$0x1] =	stream.indirect_vreg.gather [hbm4b:s4+s3], $0x80, v3, vm0, $0xb8;
	[tilespmem:$0x10100] =	vst v63  }
0x229: {  	s15 =	simm.s32 $0xD100  }
0x22a: {  	[tilespmem:s15], [sflag:$0x1] =	stream.indirect_vreg.gather [hbm4b:s2+s3], $0x80, v3, vm0, $0xb8;
	[tilespmem:$0x10100] =	vst v63  }
0x22b: {  	s13 =	smov.u32 s4;
	s4 =	simm.s32 $0xD900  }
0x22c: {  	[tilespmem:s4], [sflag:$0x1] =	stream.indirect_vreg.gather [hbm4b:s1+s3], $0x80, v3, vm0, $0xb8;
	[tilespmem:$0x10100] =	vst v63  }
0x22d: {  	s9 =	simm.s32 $0xE100  }
0x22e: {  	[tilespmem:s9], [sflag:$0x1] =	stream.indirect_vreg.gather [hbm4b:s5+s3], $0x80, v3, vm0, $0xb8;
	[tilespmem:$0x10100] =	vst v63  }
0x22f: {  	s10 =	simm.s32 $0xE900  }
0x230: {  	[tilespmem:s10], [sflag:$0x1] =	stream.indirect_vreg.gather [hbm4b:s26+s3], $0x80, v3, vm0, $0xb8;
	[tilespmem:$0x10100] =	vst v63  }
0x231: {  	s12 =	simm.s32 $0xF100  }
0x232: {  	[tilespmem:s12], [sflag:$0x1] =	stream.indirect_vreg.gather [hbm4b:s0+s3], $0x80, v3, vm0, $0xb8;
	[tilespmem:$0x10100] =	vst v63  }
0x233: {  	s15 =	simm.s32 $0xF900  }
0x234: {  	[tilespmem:s15], [sflag:$0x1] =	stream.indirect_vreg.gather [hbm4b:s25+s3], $0x80, v3, vm0, $0xb8;
	[tilespmem:$0x10100] =	vst v63  }
0x235: {  	_ =	swait.ge [sflag:s24], $0x10000  }
0x236: {  	[sflag:s24] =	ssyncset.done $0x0  }
0x237: {  	[sflag:s24] =	ssyncadd.s32 $0xFFFF0000  }
0x238: {  	v3 =	vld [tilespmem:$0x30];
	_ =	sdelay $0x4  }
0x239: {  	v55 =	vshll.u32 v3, $0x5  }
0x23a: {  	v3 =	vand.u32 $0x7, v3;
	v4 =	vand.u32 $0xFFFFFF00, v55  }
0x23b: {  	v3 =	vor.u32 v3, v4  }
0x23c: {  	v4 =	vperm.xlane v3, v0;
	_ =	sdelay $0x1  }
0x23d: {  	v4 =	vadd.s32 v1, v4;
	_ =	sdelay $0x3  }
0x23e: {  	s1 =	simm.s32 $0x100;
	s4 =	rddreg [dreg:$0x7]  }
0x23f: {  	[hbm4b:s4+s3] =	stream.indirect_vreg.scatter [tilespmem:s1], [sflag:$0x1], $0x80, v4, vm0, $0xb8;
	[tilespmem:$0x10100] =	vst v63  }
0x240: {  	s0 =	simm.s32 $0x900;
	s9 =	rddreg [dreg:$0xd]  }
0x241: {  	[hbm4b:s9+s3] =	stream.indirect_vreg.scatter [tilespmem:s0], [sflag:$0x1], $0x80, v4, vm0, $0xb8;
	[tilespmem:$0x10100] =	vst v63  }
0x242: {  	s2 =	simm.s32 $0x1100  }
0x243: {  	[hbm4b:s14+s3] =	stream.indirect_vreg.scatter [tilespmem:s2], [sflag:$0x1], $0x80, v4, vm0, $0xb8;
	[tilespmem:$0x10100] =	vst v63  }
0x244: {  	s5 =	smov.u32 s14;
	s15 =	simm.s32 $0x1900  }
0x245: {  	[hbm4b:s16+s3] =	stream.indirect_vreg.scatter [tilespmem:s15], [sflag:$0x1], $0x80, v4, vm0, $0xb8;
	[tilespmem:$0x10100] =	vst v63  }
0x246: {  	s12 =	smov.u32 s16;
	s14 =	rddreg [dreg:$0x10];
	s16 =	simm.s32 $0x2100  }
0x247: {  	[hbm4b:s14+s3] =	stream.indirect_vreg.scatter [tilespmem:s16], [sflag:$0x1], $0x80, v4, vm0, $0xb8;
	[tilespmem:$0x10100] =	vst v63  }
0x248: {  	s16 =	simm.s32 $0x2900  }
0x249: {  	[hbm4b:s30+s3] =	stream.indirect_vreg.scatter [tilespmem:s16], [sflag:$0x1], $0x80, v4, vm0, $0xb8;
	[tilespmem:$0x10100] =	vst v63  }
0x24a: {  	s10 =	simm.s32 $0x3100  }
0x24b: {  	[hbm4b:s31+s3] =	stream.indirect_vreg.scatter [tilespmem:s10], [sflag:$0x1], $0x80, v4, vm0, $0xb8;
	[tilespmem:$0x10100] =	vst v63  }
0x24c: {  	s16 =	smov.u32 s31;
	s31 =	simm.s32 $0x3900  }
0x24d: {  	[hbm4b:s17+s3] =	stream.indirect_vreg.scatter [tilespmem:s31], [sflag:$0x1], $0x80, v4, vm0, $0xb8;
	[tilespmem:$0x10100] =	vst v63  }
0x24e: {  	s31 =	simm.s32 $0x4100  }
0x24f: {  	[hbm4b:s18+s3] =	stream.indirect_vreg.scatter [tilespmem:s31], [sflag:$0x1], $0x80, v4, vm0, $0xb8;
	[tilespmem:$0x10100] =	vst v63  }
0x250: {  	s31 =	simm.s32 $0x4900  }
0x251: {  	[hbm4b:s19+s3] =	stream.indirect_vreg.scatter [tilespmem:s31], [sflag:$0x1], $0x80, v4, vm0, $0xb8;
	[tilespmem:$0x10100] =	vst v63  }
0x252: {  	s31 =	simm.s32 $0x5100  }
0x253: {  	[hbm4b:s20+s3] =	stream.indirect_vreg.scatter [tilespmem:s31], [sflag:$0x1], $0x80, v4, vm0, $0xb8;
	[tilespmem:$0x10100] =	vst v63  }
0x254: {  	s31 =	simm.s32 $0x5900  }
0x255: {  	[hbm4b:s21+s3] =	stream.indirect_vreg.scatter [tilespmem:s31], [sflag:$0x1], $0x80, v4, vm0, $0xb8;
	[tilespmem:$0x10100] =	vst v63  }
0x256: {  	s31 =	simm.s32 $0x6100  }
0x257: {  	[hbm4b:s22+s3] =	stream.indirect_vreg.scatter [tilespmem:s31], [sflag:$0x1], $0x80, v4, vm0, $0xb8;
	[tilespmem:$0x10100] =	vst v63  }
0x258: {  	v3 =	vperm.xlane v3, v2;
	s10 =	simm.s32 $0x6900;
	s31 =	rddreg [dreg:$0x19]  }
0x259: {  	[hbm4b:s31+s3] =	stream.indirect_vreg.scatter [tilespmem:s10], [sflag:$0x1], $0x80, v4, vm0, $0xb8;
	[tilespmem:$0x10100] =	vst v63  }
0x25a: {  	v3 =	vadd.s32 v1, v3;
	s10 =	simm.s32 $0x7100  }
0x25b: {  	[hbm4b:s28+s3] =	stream.indirect_vreg.scatter [tilespmem:s10], [sflag:$0x1], $0x80, v4, vm0, $0xb8;
	[tilespmem:$0x10100] =	vst v63  }
0x25c: {  	s10 =	simm.s32 $0x7900  }
0x25d: {  	[hbm4b:s29+s3] =	stream.indirect_vreg.scatter [tilespmem:s10], [sflag:$0x1], $0x80, v4, vm0, $0xb8;
	[tilespmem:$0x10100] =	vst v63  }
0x25e: {  	s10 =	simm.s32 $0x8100  }
0x25f: {  	[hbm4b:s4+s3] =	stream.indirect_vreg.scatter [tilespmem:s10], [sflag:$0x1], $0x80, v3, vm0, $0xb8;
	[tilespmem:$0x10100] =	vst v63  }
0x260: {  	s10 =	simm.s32 $0x8900  }
0x261: {  	[hbm4b:s9+s3] =	stream.indirect_vreg.scatter [tilespmem:s10], [sflag:$0x1], $0x80, v3, vm0, $0xb8;
	[tilespmem:$0x10100] =	vst v63  }
0x262: {  	s11 =	simm.s32 $0x9100  }
0x263: {  	[hbm4b:s5+s3] =	stream.indirect_vreg.scatter [tilespmem:s11], [sflag:$0x1], $0x80, v3, vm0, $0xb8;
	[tilespmem:$0x10100] =	vst v63  }
0x264: {  	s5 =	simm.s32 $0x9900  }
0x265: {  	[hbm4b:s12+s3] =	stream.indirect_vreg.scatter [tilespmem:s5], [sflag:$0x1], $0x80, v3, vm0, $0xb8;
	[tilespmem:$0x10100] =	vst v63  }
0x266: {  	s9 =	simm.s32 $0xA100  }
0x267: {  	[hbm4b:s14+s3] =	stream.indirect_vreg.scatter [tilespmem:s9], [sflag:$0x1], $0x80, v3, vm0, $0xb8;
	[tilespmem:$0x10100] =	vst v63  }
0x268: {  	s11 =	smov.u32 s12;
	s12 =	simm.s32 $0xA900  }
0x269: {  	[hbm4b:s30+s3] =	stream.indirect_vreg.scatter [tilespmem:s12], [sflag:$0x1], $0x80, v3, vm0, $0xb8;
	[tilespmem:$0x10100] =	vst v63  }
0x26a: {  	s14 =	simm.s32 $0xB100  }
0x26b: {  	[hbm4b:s16+s3] =	stream.indirect_vreg.scatter [tilespmem:s14], [sflag:$0x1], $0x80, v3, vm0, $0xb8;
	[tilespmem:$0x10100] =	vst v63  }
0x26c: {  	s6 =	simm.s32 $0xB900  }
0x26d: {  	[hbm4b:s17+s3] =	stream.indirect_vreg.scatter [tilespmem:s6], [sflag:$0x1], $0x80, v3, vm0, $0xb8;
	[tilespmem:$0x10100] =	vst v63  }
0x26e: {  	s7 =	simm.s32 $0xC100  }
0x26f: {  	[hbm4b:s18+s3] =	stream.indirect_vreg.scatter [tilespmem:s7], [sflag:$0x1], $0x80, v3, vm0, $0xb8;
	[tilespmem:$0x10100] =	vst v63  }
0x270: {  	s16 =	simm.s32 $0xC900  }
0x271: {  	[hbm4b:s19+s3] =	stream.indirect_vreg.scatter [tilespmem:s16], [sflag:$0x1], $0x80, v3, vm0, $0xb8;
	[tilespmem:$0x10100] =	vst v63  }
0x272: {  	s17 =	simm.s32 $0xD100  }
0x273: {  	[hbm4b:s20+s3] =	stream.indirect_vreg.scatter [tilespmem:s17], [sflag:$0x1], $0x80, v3, vm0, $0xb8;
	[tilespmem:$0x10100] =	vst v63  }
0x274: {  	s18 =	simm.s32 $0xD900  }
0x275: {  	[hbm4b:s21+s3] =	stream.indirect_vreg.scatter [tilespmem:s18], [sflag:$0x1], $0x80, v3, vm0, $0xb8;
	[tilespmem:$0x10100] =	vst v63  }
0x276: {  	s19 =	simm.s32 $0xE100  }
0x277: {  	[hbm4b:s22+s3] =	stream.indirect_vreg.scatter [tilespmem:s19], [sflag:$0x1], $0x80, v3, vm0, $0xb8;
	[tilespmem:$0x10100] =	vst v63  }
0x278: {  	s20 =	simm.s32 $0xE900  }
0x279: {  	[hbm4b:s31+s3] =	stream.indirect_vreg.scatter [tilespmem:s20], [sflag:$0x1], $0x80, v3, vm0, $0xb8;
	[tilespmem:$0x10100] =	vst v63  }
0x27a: {  	s9 =	smov.u32 s21;
	s21 =	smov.u32 s22;
	s22 =	simm.s32 $0xF100  }
0x27b: {  	[hbm4b:s28+s3] =	stream.indirect_vreg.scatter [tilespmem:s22], [sflag:$0x1], $0x80, v3, vm0, $0xb8;
	[tilespmem:$0x10100] =	vst v63  }
0x27c: {  	s30 =	simm.s32 $0xF900  }
0x27d: {  	[hbm4b:s29+s3] =	stream.indirect_vreg.scatter [tilespmem:s30], [sflag:$0x1], $0x80, v3, vm0, $0xb8;
	[tilespmem:$0x10100] =	vst v63  }
0x27e: {  	_ =	swait.ge [sflag:s24], $0x10000  }
0x27f: {  	[sflag:s24] =	ssyncset.done $0x0  }
0x280: {  	[sflag:s24] =	ssyncadd.s32 $0xFFFF0000  }
0x281: {  	v3 =	vld [tilespmem:$0xC0];
	_ =	sdelay $0x4  }
0x282: {  	v56 =	vshll.u32 v3, $0x5  }
0x283: {  	v3 =	vand.u32 $0x7, v3;
	v4 =	vand.u32 $0xFFFFFF00, v56  }
0x284: {  	v3 =	vor.u32 v3, v4  }
0x285: {  	v4 =	vperm.xlane v3, v0;
	_ =	sdelay $0x1  }
0x286: {  	v4 =	vadd.s32 v1, v4;
	_ =	sdelay $0x3  }
0x287: {  	s17 =	rddreg [dreg:$0x0]  }
0x288: {  	[tilespmem:s1], [sflag:$0x1] =	stream.indirect_vreg.gather [hbm4b:s17+s3], $0x80, v4, vm0, $0xb8;
	[tilespmem:$0x10100] =	vst v63  }
0x289: {  	s6 =	rddreg [dreg:$0x8]  }
0x28a: {  	[tilespmem:s0], [sflag:$0x1] =	stream.indirect_vreg.gather [hbm4b:s6+s3], $0x80, v4, vm0, $0xb8;
	[tilespmem:$0x10100] =	vst v63  }
0x28b: {  	s4 =	rddreg [dreg:$0x9]  }
0x28c: {  	[tilespmem:s2], [sflag:$0x1] =	stream.indirect_vreg.gather [hbm4b:s4+s3], $0x80, v4, vm0, $0xb8;
	[tilespmem:$0x10100] =	vst v63  }
0x28d: {  	_ = 	snop  }
0x28e: {  	[tilespmem:s15], [sflag:$0x1] =	stream.indirect_vreg.gather [hbm4b:s8+s3], $0x80, v4, vm0, $0xb8;
	[tilespmem:$0x10100] =	vst v63  }
0x28f: {  	s5 =	rddreg [dreg:$0xb];
	s1 =	simm.s32 $0x2100  }
0x290: {  	[tilespmem:s1], [sflag:$0x1] =	stream.indirect_vreg.gather [hbm4b:s5+s3], $0x80, v4, vm0, $0xb8;
	[tilespmem:$0x10100] =	vst v63  }
0x291: {  	s7 =	rddreg [dreg:$0xc];
	s2 =	simm.s32 $0x2900  }
0x292: {  	[tilespmem:s2], [sflag:$0x1] =	stream.indirect_vreg.gather [hbm4b:s7+s3], $0x80, v4, vm0, $0xb8;
	[tilespmem:$0x10100] =	vst v63  }
0x293: {  	s20 =	smov.u32 s8;
	s8 =	simm.s32 $0x3100;
	s2 =	rddreg [dreg:$0x1d]  }
0x294: {  	[tilespmem:s8], [sflag:$0x1] =	stream.indirect_vreg.gather [hbm4b:s2+s3], $0x80, v4, vm0, $0xb8;
	[tilespmem:$0x10100] =	vst v63  }
0x295: {  	s19 =	simm.s32 $0x3900  }
0x296: {  	[tilespmem:s19], [sflag:$0x1] =	stream.indirect_vreg.gather [hbm4b:s23+s3], $0x80, v4, vm0, $0xb8;
	[tilespmem:$0x10100] =	vst v63  }
0x297: {  	s22 =	simm.s32 $0x4100;
	s8 =	rddreg [dreg:$0x1f]  }
0x298: {  	[tilespmem:s22], [sflag:$0x1] =	stream.indirect_vreg.gather [hbm4b:s8+s3], $0x80, v4, vm0, $0xb8;
	[tilespmem:$0x10100] =	vst v63  }
0x299: {  	s30 =	simm.s32 $0x4900;
	s22 =	sld [smem:$0x7F8]  }
0x29a: {  	[tilespmem:s30], [sflag:$0x1] =	stream.indirect_vreg.gather [hbm4b:s13+s3], $0x80, v4, vm0, $0xb8;
	[tilespmem:$0x10100] =	vst v63  }
0x29b: {  	s0 =	sld [smem:$0x7F9];
	s1 =	simm.s32 $0x5100  }
0x29c: {  	[tilespmem:s1], [sflag:$0x1] =	stream.indirect_vreg.gather [hbm4b:s22+s3], $0x80, v4, vm0, $0xb8;
	[tilespmem:$0x10100] =	vst v63  }
0x29d: {  	s19 =	simm.s32 $0x5900;
	s1 =	sld [smem:$0x7FA]  }
0x29e: {  	[tilespmem:s19], [sflag:$0x1] =	stream.indirect_vreg.gather [hbm4b:s0+s3], $0x80, v4, vm0, $0xb8;
	[tilespmem:$0x10100] =	vst v63  }
0x29f: {  	s30 =	simm.s32 $0x6100  }
0x2a0: {  	[tilespmem:s30], [sflag:$0x1] =	stream.indirect_vreg.gather [hbm4b:s1+s3], $0x80, v4, vm0, $0xb8;
	[tilespmem:$0x10100] =	vst v63  }
0x2a1: {  	s30 =	simm.s32 $0x6900  }
0x2a2: {  	[tilespmem:s30], [sflag:$0x1] =	stream.indirect_vreg.gather [hbm4b:s26+s3], $0x80, v4, vm0, $0xb8;
	[tilespmem:$0x10100] =	vst v63  }
0x2a3: {  	v3 =	vperm.xlane v3, v2;
	s30 =	sld [smem:$0x7FC];
	_ =	sdelay $0x1  }
0x2a4: {  	v3 =	vadd.s32 v1, v3;
	s19 =	simm.s32 $0x7100  }
0x2a5: {  	[tilespmem:s19], [sflag:$0x1] =	stream.indirect_vreg.gather [hbm4b:s30+s3], $0x80, v4, vm0, $0xb8;
	[tilespmem:$0x10100] =	vst v63  }
0x2a6: {  	s19 =	simm.s32 $0x7900  }
0x2a7: {  	[tilespmem:s19], [sflag:$0x1] =	stream.indirect_vreg.gather [hbm4b:s25+s3], $0x80, v4, vm0, $0xb8;
	[tilespmem:$0x10100] =	vst v63  }
0x2a8: {  	s19 =	simm.s32 $0x8100  }
0x2a9: {  	[tilespmem:s19], [sflag:$0x1] =	stream.indirect_vreg.gather [hbm4b:s17+s3], $0x80, v3, vm0, $0xb8;
	[tilespmem:$0x10100] =	vst v63  }
0x2aa: {  	_ = 	snop  }
0x2ab: {  	[tilespmem:s10], [sflag:$0x1] =	stream.indirect_vreg.gather [hbm4b:s6+s3], $0x80, v3, vm0, $0xb8;
	[tilespmem:$0x10100] =	vst v63  }
0x2ac: {  	s19 =	simm.s32 $0x9100  }
0x2ad: {  	[tilespmem:s19], [sflag:$0x1] =	stream.indirect_vreg.gather [hbm4b:s4+s3], $0x80, v3, vm0, $0xb8;
	[tilespmem:$0x10100] =	vst v63  }
0x2ae: {  	s10 =	simm.s32 $0x9900  }
0x2af: {  	[tilespmem:s10], [sflag:$0x1] =	stream.indirect_vreg.gather [hbm4b:s20+s3], $0x80, v3, vm0, $0xb8;
	[tilespmem:$0x10100] =	vst v63  }
0x2b0: {  	s17 =	smov.u32 s6;
	s6 =	simm.s32 $0xA100  }
0x2b1: {  	[tilespmem:s6], [sflag:$0x1] =	stream.indirect_vreg.gather [hbm4b:s5+s3], $0x80, v3, vm0, $0xb8;
	[tilespmem:$0x10100] =	vst v63  }
0x2b2: {  	s10 =	simm.s32 $0xA900  }
0x2b3: {  	[tilespmem:s10], [sflag:$0x1] =	stream.indirect_vreg.gather [hbm4b:s7+s3], $0x80, v3, vm0, $0xb8;
	[tilespmem:$0x10100] =	vst v63  }
0x2b4: {  	s5 =	simm.s32 $0xB100  }
0x2b5: {  	[tilespmem:s5], [sflag:$0x1] =	stream.indirect_vreg.gather [hbm4b:s2+s3], $0x80, v3, vm0, $0xb8;
	[tilespmem:$0x10100] =	vst v63  }
0x2b6: {  	s6 =	simm.s32 $0xB900  }
0x2b7: {  	[tilespmem:s6], [sflag:$0x1] =	stream.indirect_vreg.gather [hbm4b:s23+s3], $0x80, v3, vm0, $0xb8;
	[tilespmem:$0x10100] =	vst v63  }
0x2b8: {  	s7 =	simm.s32 $0xC100  }
0x2b9: {  	[tilespmem:s7], [sflag:$0x1] =	stream.indirect_vreg.gather [hbm4b:s8+s3], $0x80, v3, vm0, $0xb8;
	[tilespmem:$0x10100] =	vst v63  }
0x2ba: {  	s10 =	simm.s32 $0xC900  }
0x2bb: {  	[tilespmem:s10], [sflag:$0x1] =	stream.indirect_vreg.gather [hbm4b:s13+s3], $0x80, v3, vm0, $0xb8;
	[tilespmem:$0x10100] =	vst v63  }
0x2bc: {  	s13 =	simm.s32 $0xD100  }
0x2bd: {  	[tilespmem:s13], [sflag:$0x1] =	stream.indirect_vreg.gather [hbm4b:s22+s3], $0x80, v3, vm0, $0xb8;
	[tilespmem:$0x10100] =	vst v63  }
0x2be: {  	s19 =	smov.u32 s4;
	s4 =	simm.s32 $0xD900  }
0x2bf: {  	[tilespmem:s4], [sflag:$0x1] =	stream.indirect_vreg.gather [hbm4b:s0+s3], $0x80, v3, vm0, $0xb8;
	[tilespmem:$0x10100] =	vst v63  }
0x2c0: {  	s5 =	simm.s32 $0xE100  }
0x2c1: {  	[tilespmem:s5], [sflag:$0x1] =	stream.indirect_vreg.gather [hbm4b:s1+s3], $0x80, v3, vm0, $0xb8;
	[tilespmem:$0x10100] =	vst v63  }
0x2c2: {  	s6 =	simm.s32 $0xE900  }
0x2c3: {  	[tilespmem:s6], [sflag:$0x1] =	stream.indirect_vreg.gather [hbm4b:s26+s3], $0x80, v3, vm0, $0xb8;
	[tilespmem:$0x10100] =	vst v63  }
0x2c4: {  	s10 =	simm.s32 $0xF100  }
0x2c5: {  	[tilespmem:s10], [sflag:$0x1] =	stream.indirect_vreg.gather [hbm4b:s30+s3], $0x80, v3, vm0, $0xb8;
	[tilespmem:$0x10100] =	vst v63  }
0x2c6: {  	s13 =	simm.s32 $0xF900  }
0x2c7: {  	[tilespmem:s13], [sflag:$0x1] =	stream.indirect_vreg.gather [hbm4b:s25+s3], $0x80, v3, vm0, $0xb8;
	[tilespmem:$0x10100] =	vst v63  }
0x2c8: {  	_ =	swait.ge [sflag:s24], $0x10000  }
0x2c9: {  	[sflag:s24] =	ssyncset.done $0x0  }
0x2ca: {  	[sflag:s24] =	ssyncadd.s32 $0xFFFF0000  }
0x2cb: {  	v3 =	vld [tilespmem:$0x40];
	_ =	sdelay $0x4  }
0x2cc: {  	v57 =	vshll.u32 v3, $0x5  }
0x2cd: {  	v3 =	vand.u32 $0x7, v3;
	v4 =	vand.u32 $0xFFFFFF00, v57  }
0x2ce: {  	v3 =	vor.u32 v3, v4  }
0x2cf: {  	v4 =	vperm.xlane v3, v0;
	_ =	sdelay $0x1  }
0x2d0: {  	v4 =	vadd.s32 v1, v4;
	_ =	sdelay $0x3  }
0x2d1: {  	s14 =	simm.s32 $0x100;
	s6 =	rddreg [dreg:$0x7]  }
0x2d2: {  	[hbm4b:s6+s3] =	stream.indirect_vreg.scatter [tilespmem:s14], [sflag:$0x1], $0x80, v4, vm0, $0xb8;
	[tilespmem:$0x10100] =	vst v63  }
0x2d3: {  	s12 =	simm.s32 $0x900;
	s30 =	rddreg [dreg:$0xd]  }
0x2d4: {  	[hbm4b:s30+s3] =	stream.indirect_vreg.scatter [tilespmem:s12], [sflag:$0x1], $0x80, v4, vm0, $0xb8;
	[tilespmem:$0x10100] =	vst v63  }
0x2d5: {  	s7 =	smov.u32 s0;
	s0 =	simm.s32 $0x1100;
	s5 =	rddreg [dreg:$0xe]  }
0x2d6: {  	[hbm4b:s5+s3] =	stream.indirect_vreg.scatter [tilespmem:s0], [sflag:$0x1], $0x80, v4, vm0, $0xb8;
	[tilespmem:$0x10100] =	vst v63  }
0x2d7: {  	s15 =	simm.s32 $0x1900  }
0x2d8: {  	[hbm4b:s11+s3] =	stream.indirect_vreg.scatter [tilespmem:s15], [sflag:$0x1], $0x80, v4, vm0, $0xb8;
	[tilespmem:$0x10100] =	vst v63  }
0x2d9: {  	s16 =	simm.s32 $0x2100;
	s13 =	rddreg [dreg:$0x10]  }
0x2da: {  	[hbm4b:s13+s3] =	stream.indirect_vreg.scatter [tilespmem:s16], [sflag:$0x1], $0x80, v4, vm0, $0xb8;
	[tilespmem:$0x10100] =	vst v63  }
0x2db: {  	s18 =	simm.s32 $0x2900;
	s10 =	rddreg [dreg:$0x11]  }
0x2dc: {  	[hbm4b:s10+s3] =	stream.indirect_vreg.scatter [tilespmem:s18], [sflag:$0x1], $0x80, v4, vm0, $0xb8;
	[tilespmem:$0x10100] =	vst v63  }
0x2dd: {  	s14 =	rddreg [dreg:$0x12];
	s16 =	simm.s32 $0x3100  }
0x2de: {  	[hbm4b:s14+s3] =	stream.indirect_vreg.scatter [tilespmem:s16], [sflag:$0x1], $0x80, v4, vm0, $0xb8;
	[tilespmem:$0x10100] =	vst v63  }
0x2df: {  	s15 =	rddreg [dreg:$0x13];
	s18 =	simm.s32 $0x3900  }
0x2e0: {  	[hbm4b:s15+s3] =	stream.indirect_vreg.scatter [tilespmem:s18], [sflag:$0x1], $0x80, v4, vm0, $0xb8;
	[tilespmem:$0x10100] =	vst v63  }
0x2e1: {  	s2 =	simm.s32 $0x4100;
	s12 =	smov.u32 s11;
	s11 =	rddreg [dreg:$0x14]  }
0x2e2: {  	[hbm4b:s11+s3] =	stream.indirect_vreg.scatter [tilespmem:s2], [sflag:$0x1], $0x80, v4, vm0, $0xb8;
	[tilespmem:$0x10100] =	vst v63  }
0x2e3: {  	s8 =	smov.u32 s1;
	s4 =	simm.s32 $0x4900;
	s1 =	rddreg [dreg:$0x15]  }
0x2e4: {  	[hbm4b:s1+s3] =	stream.indirect_vreg.scatter [tilespmem:s4], [sflag:$0x1], $0x80, v4, vm0, $0xb8;
	[tilespmem:$0x10100] =	vst v63  }
0x2e5: {  	s16 =	simm.s32 $0x5100;
	s2 =	rddreg [dreg:$0x16]  }
0x2e6: {  	[hbm4b:s2+s3] =	stream.indirect_vreg.scatter [tilespmem:s16], [sflag:$0x1], $0x80, v4, vm0, $0xb8;
	[tilespmem:$0x10100] =	vst v63  }
0x2e7: {  	s18 =	simm.s32 $0x5900;
	s4 =	smov.u32 s9  }
0x2e8: {  	[hbm4b:s4+s3] =	stream.indirect_vreg.scatter [tilespmem:s18], [sflag:$0x1], $0x80, v4, vm0, $0xb8;
	[tilespmem:$0x10100] =	vst v63  }
0x2e9: {  	s16 =	simm.s32 $0x6100  }
0x2ea: {  	[hbm4b:s21+s3] =	stream.indirect_vreg.scatter [tilespmem:s16], [sflag:$0x1], $0x80, v4, vm0, $0xb8;
	[tilespmem:$0x10100] =	vst v63  }
0x2eb: {  	v3 =	vperm.xlane v3, v2;
	s18 =	simm.s32 $0x6900  }
0x2ec: {  	[hbm4b:s31+s3] =	stream.indirect_vreg.scatter [tilespmem:s18], [sflag:$0x1], $0x80, v4, vm0, $0xb8;
	[tilespmem:$0x10100] =	vst v63  }
0x2ed: {  	v3 =	vadd.s32 v1, v3;
	s18 =	simm.s32 $0x7100  }
0x2ee: {  	[hbm4b:s28+s3] =	stream.indirect_vreg.scatter [tilespmem:s18], [sflag:$0x1], $0x80, v4, vm0, $0xb8;
	[tilespmem:$0x10100] =	vst v63  }
0x2ef: {  	s18 =	simm.s32 $0x7900  }
0x2f0: {  	[hbm4b:s29+s3] =	stream.indirect_vreg.scatter [tilespmem:s18], [sflag:$0x1], $0x80, v4, vm0, $0xb8;
	[tilespmem:$0x10100] =	vst v63  }
0x2f1: {  	s18 =	simm.s32 $0x8100  }
0x2f2: {  	[hbm4b:s6+s3] =	stream.indirect_vreg.scatter [tilespmem:s18], [sflag:$0x1], $0x80, v3, vm0, $0xb8;
	[tilespmem:$0x10100] =	vst v63  }
0x2f3: {  	s18 =	simm.s32 $0x8900  }
0x2f4: {  	[hbm4b:s30+s3] =	stream.indirect_vreg.scatter [tilespmem:s18], [sflag:$0x1], $0x80, v3, vm0, $0xb8;
	[tilespmem:$0x10100] =	vst v63  }
0x2f5: {  	s16 =	simm.s32 $0x9100  }
0x2f6: {  	[hbm4b:s5+s3] =	stream.indirect_vreg.scatter [tilespmem:s16], [sflag:$0x1], $0x80, v3, vm0, $0xb8;
	[tilespmem:$0x10100] =	vst v63  }
0x2f7: {  	s18 =	simm.s32 $0x9900  }
0x2f8: {  	[hbm4b:s12+s3] =	stream.indirect_vreg.scatter [tilespmem:s18], [sflag:$0x1], $0x80, v3, vm0, $0xb8;
	[tilespmem:$0x10100] =	vst v63  }
0x2f9: {  	s12 =	simm.s32 $0xA100  }
0x2fa: {  	[hbm4b:s13+s3] =	stream.indirect_vreg.scatter [tilespmem:s12], [sflag:$0x1], $0x80, v3, vm0, $0xb8;
	[tilespmem:$0x10100] =	vst v63  }
0x2fb: {  	s18 =	simm.s32 $0xA900  }
0x2fc: {  	[hbm4b:s10+s3] =	stream.indirect_vreg.scatter [tilespmem:s18], [sflag:$0x1], $0x80, v3, vm0, $0xb8;
	[tilespmem:$0x10100] =	vst v63  }
0x2fd: {  	s13 =	simm.s32 $0xB100  }
0x2fe: {  	[hbm4b:s14+s3] =	stream.indirect_vreg.scatter [tilespmem:s13], [sflag:$0x1], $0x80, v3, vm0, $0xb8;
	[tilespmem:$0x10100] =	vst v63  }
0x2ff: {  	s14 =	simm.s32 $0xB900  }
0x300: {  	[hbm4b:s15+s3] =	stream.indirect_vreg.scatter [tilespmem:s14], [sflag:$0x1], $0x80, v3, vm0, $0xb8;
	[tilespmem:$0x10100] =	vst v63  }
0x301: {  	s16 =	simm.s32 $0xC100  }
0x302: {  	[hbm4b:s11+s3] =	stream.indirect_vreg.scatter [tilespmem:s16], [sflag:$0x1], $0x80, v3, vm0, $0xb8;
	[tilespmem:$0x10100] =	vst v63  }
0x303: {  	s10 =	simm.s32 $0xC900  }
0x304: {  	[hbm4b:s1+s3] =	stream.indirect_vreg.scatter [tilespmem:s10], [sflag:$0x1], $0x80, v3, vm0, $0xb8;
	[tilespmem:$0x10100] =	vst v63  }
0x305: {  	s16 =	smov.u32 s11;
	s11 =	simm.s32 $0xD100  }
0x306: {  	[hbm4b:s2+s3] =	stream.indirect_vreg.scatter [tilespmem:s11], [sflag:$0x1], $0x80, v3, vm0, $0xb8;
	[tilespmem:$0x10100] =	vst v63  }
0x307: {  	s12 =	simm.s32 $0xD900  }
0x308: {  	[hbm4b:s4+s3] =	stream.indirect_vreg.scatter [tilespmem:s12], [sflag:$0x1], $0x80, v3, vm0, $0xb8;
	[tilespmem:$0x10100] =	vst v63  }
0x309: {  	s13 =	simm.s32 $0xE100  }
0x30a: {  	[hbm4b:s21+s3] =	stream.indirect_vreg.scatter [tilespmem:s13], [sflag:$0x1], $0x80, v3, vm0, $0xb8;
	[tilespmem:$0x10100] =	vst v63  }
0x30b: {  	s9 =	smov.u32 s31;
	s21 =	simm.s32 $0xE900  }
0x30c: {  	[hbm4b:s9+s3] =	stream.indirect_vreg.scatter [tilespmem:s21], [sflag:$0x1], $0x80, v3, vm0, $0xb8;
	[tilespmem:$0x10100] =	vst v63  }
0x30d: {  	s14 =	simm.s32 $0xF100  }
0x30e: {  	[hbm4b:s28+s3] =	stream.indirect_vreg.scatter [tilespmem:s14], [sflag:$0x1], $0x80, v3, vm0, $0xb8;
	[tilespmem:$0x10100] =	vst v63  }
0x30f: {  	s15 =	simm.s32 $0xF900  }
0x310: {  	[hbm4b:s29+s3] =	stream.indirect_vreg.scatter [tilespmem:s15], [sflag:$0x1], $0x80, v3, vm0, $0xb8;
	[tilespmem:$0x10100] =	vst v63  }
0x311: {  	_ =	swait.ge [sflag:s24], $0x10000  }
0x312: {  	[sflag:s24] =	ssyncset.done $0x0  }
0x313: {  	[sflag:s24] =	ssyncadd.s32 $0xFFFF0000  }
0x314: {  	v3 =	vld [tilespmem:$0xD0];
	_ =	sdelay $0x4  }
0x315: {  	v58 =	vshll.u32 v3, $0x5  }
0x316: {  	v3 =	vand.u32 $0x7, v3;
	v4 =	vand.u32 $0xFFFFFF00, v58  }
0x317: {  	v3 =	vor.u32 v3, v4  }
0x318: {  	v4 =	vperm.xlane v3, v0;
	_ =	sdelay $0x1  }
0x319: {  	v4 =	vadd.s32 v1, v4;
	_ =	sdelay $0x3  }
0x31a: {  	s2 =	simm.s32 $0x100;
	s10 =	rddreg [dreg:$0x0]  }
0x31b: {  	[tilespmem:s2], [sflag:$0x1] =	stream.indirect_vreg.gather [hbm4b:s10+s3], $0x80, v4, vm0, $0xb8;
	[tilespmem:$0x10100] =	vst v63  }
0x31c: {  	s9 =	simm.s32 $0x900  }
0x31d: {  	[tilespmem:s9], [sflag:$0x1] =	stream.indirect_vreg.gather [hbm4b:s17+s3], $0x80, v4, vm0, $0xb8;
	[tilespmem:$0x10100] =	vst v63  }
0x31e: {  	_ = 	snop  }
0x31f: {  	[tilespmem:s0], [sflag:$0x1] =	stream.indirect_vreg.gather [hbm4b:s19+s3], $0x80, v4, vm0, $0xb8;
	[tilespmem:$0x10100] =	vst v63  }
0x320: {  	s11 =	simm.s32 $0x1900  }
0x321: {  	[tilespmem:s11], [sflag:$0x1] =	stream.indirect_vreg.gather [hbm4b:s20+s3], $0x80, v4, vm0, $0xb8;
	[tilespmem:$0x10100] =	vst v63  }
0x322: {  	s12 =	simm.s32 $0x2100;
	s1 =	rddreg [dreg:$0xb]  }
0x323: {  	[tilespmem:s12], [sflag:$0x1] =	stream.indirect_vreg.gather [hbm4b:s1+s3], $0x80, v4, vm0, $0xb8;
	[tilespmem:$0x10100] =	vst v63  }
0x324: {  	s14 =	simm.s32 $0x2900;
	s0 =	rddreg [dreg:$0xc]  }
0x325: {  	[tilespmem:s14], [sflag:$0x1] =	stream.indirect_vreg.gather [hbm4b:s0+s3], $0x80, v4, vm0, $0xb8;
	[tilespmem:$0x10100] =	vst v63  }
0x326: {  	s6 =	smov.u32 s5;
	s4 =	simm.s32 $0x3100;
	s13 =	rddreg [dreg:$0x1d]  }
0x327: {  	[tilespmem:s4], [sflag:$0x1] =	stream.indirect_vreg.gather [hbm4b:s13+s3], $0x80, v4, vm0, $0xb8;
	[tilespmem:$0x10100] =	vst v63  }
0x328: {  	s5 =	smov.u32 s20;
	s2 =	rddreg [dreg:$0x1f];
	s20 =	simm.s32 $0x3900  }
0x329: {  	[tilespmem:s20], [sflag:$0x1] =	stream.indirect_vreg.gather [hbm4b:s23+s3], $0x80, v4, vm0, $0xb8;
	[tilespmem:$0x10100] =	vst v63  }
0x32a: {  	s29 =	simm.s32 $0x4100;
	s4 =	sld [smem:$0x7F7]  }
0x32b: {  	[tilespmem:s29], [sflag:$0x1] =	stream.indirect_vreg.gather [hbm4b:s2+s3], $0x80, v4, vm0, $0xb8;
	[tilespmem:$0x10100] =	vst v63  }
0x32c: {  	s20 =	simm.s32 $0x4900  }
0x32d: {  	[tilespmem:s20], [sflag:$0x1] =	stream.indirect_vreg.gather [hbm4b:s4+s3], $0x80, v4, vm0, $0xb8;
	[tilespmem:$0x10100] =	vst v63  }
0x32e: {  	s20 =	simm.s32 $0x5100  }
0x32f: {  	[tilespmem:s20], [sflag:$0x1] =	stream.indirect_vreg.gather [hbm4b:s22+s3], $0x80, v4, vm0, $0xb8;
	[tilespmem:$0x10100] =	vst v63  }
0x330: {  	s20 =	simm.s32 $0x5900  }
0x331: {  	[tilespmem:s20], [sflag:$0x1] =	stream.indirect_vreg.gather [hbm4b:s7+s3], $0x80, v4, vm0, $0xb8;
	[tilespmem:$0x10100] =	vst v63  }
0x332: {  	s20 =	simm.s32 $0x6100  }
0x333: {  	[tilespmem:s20], [sflag:$0x1] =	stream.indirect_vreg.gather [hbm4b:s8+s3], $0x80, v4, vm0, $0xb8;
	[tilespmem:$0x10100] =	vst v63  }
0x334: {  	s31 =	simm.s32 $0x6900  }
0x335: {  	[tilespmem:s31], [sflag:$0x1] =	stream.indirect_vreg.gather [hbm4b:s26+s3], $0x80, v4, vm0, $0xb8;
	[tilespmem:$0x10100] =	vst v63  }
0x336: {  	v3 =	vperm.xlane v3, v2;
	s31 =	sld [smem:$0x7FC];
	_ =	sdelay $0x1  }
0x337: {  	v3 =	vadd.s32 v1, v3;
	s20 =	simm.s32 $0x7100  }
0x338: {  	[tilespmem:s20], [sflag:$0x1] =	stream.indirect_vreg.gather [hbm4b:s31+s3], $0x80, v4, vm0, $0xb8;
	[tilespmem:$0x10100] =	vst v63  }
0x339: {  	s20 =	simm.s32 $0x7900  }
0x33a: {  	[tilespmem:s20], [sflag:$0x1] =	stream.indirect_vreg.gather [hbm4b:s25+s3], $0x80, v4, vm0, $0xb8;
	[tilespmem:$0x10100] =	vst v63  }
0x33b: {  	s20 =	simm.s32 $0x8100  }
0x33c: {  	[tilespmem:s20], [sflag:$0x1] =	stream.indirect_vreg.gather [hbm4b:s10+s3], $0x80, v3, vm0, $0xb8;
	[tilespmem:$0x10100] =	vst v63  }
0x33d: {  	s20 =	simm.s32 $0x8900  }
0x33e: {  	[tilespmem:s20], [sflag:$0x1] =	stream.indirect_vreg.gather [hbm4b:s17+s3], $0x80, v3, vm0, $0xb8;
	[tilespmem:$0x10100] =	vst v63  }
0x33f: {  	s17 =	simm.s32 $0x9100  }
0x340: {  	[tilespmem:s17], [sflag:$0x1] =	stream.indirect_vreg.gather [hbm4b:s19+s3], $0x80, v3, vm0, $0xb8;
	[tilespmem:$0x10100] =	vst v63  }
0x341: {  	s19 =	simm.s32 $0x9900  }
0x342: {  	[tilespmem:s19], [sflag:$0x1] =	stream.indirect_vreg.gather [hbm4b:s5+s3], $0x80, v3, vm0, $0xb8;
	[tilespmem:$0x10100] =	vst v63  }
0x343: {  	s20 =	simm.s32 $0xA100  }
0x344: {  	[tilespmem:s20], [sflag:$0x1] =	stream.indirect_vreg.gather [hbm4b:s1+s3], $0x80, v3, vm0, $0xb8;
	[tilespmem:$0x10100] =	vst v63  }
0x345: {  	_ = 	snop  }
0x346: {  	[tilespmem:s18], [sflag:$0x1] =	stream.indirect_vreg.gather [hbm4b:s0+s3], $0x80, v3, vm0, $0xb8;
	[tilespmem:$0x10100] =	vst v63  }
0x347: {  	s19 =	smov.u32 s5;
	s5 =	simm.s32 $0xB100  }
0x348: {  	[tilespmem:s5], [sflag:$0x1] =	stream.indirect_vreg.gather [hbm4b:s13+s3], $0x80, v3, vm0, $0xb8;
	[tilespmem:$0x10100] =	vst v63  }
0x349: {  	s10 =	simm.s32 $0xB900  }
0x34a: {  	[tilespmem:s10], [sflag:$0x1] =	stream.indirect_vreg.gather [hbm4b:s23+s3], $0x80, v3, vm0, $0xb8;
	[tilespmem:$0x10100] =	vst v63  }
0x34b: {  	s20 =	smov.u32 s13;
	s13 =	simm.s32 $0xC100  }
0x34c: {  	[tilespmem:s13], [sflag:$0x1] =	stream.indirect_vreg.gather [hbm4b:s2+s3], $0x80, v3, vm0, $0xb8;
	[tilespmem:$0x10100] =	vst v63  }
0x34d: {  	s17 =	simm.s32 $0xC900  }
0x34e: {  	[tilespmem:s17], [sflag:$0x1] =	stream.indirect_vreg.gather [hbm4b:s4+s3], $0x80, v3, vm0, $0xb8;
	[tilespmem:$0x10100] =	vst v63  }
0x34f: {  	s1 =	smov.u32 s2;
	s2 =	simm.s32 $0xD100  }
0x350: {  	[tilespmem:s2], [sflag:$0x1] =	stream.indirect_vreg.gather [hbm4b:s22+s3], $0x80, v3, vm0, $0xb8;
	[tilespmem:$0x10100] =	vst v63  }
0x351: {  	s13 =	smov.u32 s4;
	s4 =	simm.s32 $0xD900  }
0x352: {  	[tilespmem:s4], [sflag:$0x1] =	stream.indirect_vreg.gather [hbm4b:s7+s3], $0x80, v3, vm0, $0xb8;
	[tilespmem:$0x10100] =	vst v63  }
0x353: {  	s5 =	simm.s32 $0xE100  }
0x354: {  	[tilespmem:s5], [sflag:$0x1] =	stream.indirect_vreg.gather [hbm4b:s8+s3], $0x80, v3, vm0, $0xb8;
	[tilespmem:$0x10100] =	vst v63  }
0x355: {  	_ = 	snop  }
0x356: {  	[tilespmem:s21], [sflag:$0x1] =	stream.indirect_vreg.gather [hbm4b:s26+s3], $0x80, v3, vm0, $0xb8;
	[tilespmem:$0x10100] =	vst v63  }
0x357: {  	s28 =	simm.s32 $0xF100  }
0x358: {  	[tilespmem:s28], [sflag:$0x1] =	stream.indirect_vreg.gather [hbm4b:s31+s3], $0x80, v3, vm0, $0xb8;
	[tilespmem:$0x10100] =	vst v63  }
0x359: {  	s15 =	simm.s32 $0xF900  }
0x35a: {  	[tilespmem:s15], [sflag:$0x1] =	stream.indirect_vreg.gather [hbm4b:s25+s3], $0x80, v3, vm0, $0xb8;
	[tilespmem:$0x10100] =	vst v63  }
0x35b: {  	_ =	swait.ge [sflag:s24], $0x10000  }
0x35c: {  	[sflag:s24] =	ssyncset.done $0x0  }
0x35d: {  	[sflag:s24] =	ssyncadd.s32 $0xFFFF0000  }
0x35e: {  	v3 =	vld [tilespmem:$0x50];
	_ =	sdelay $0x4  }
0x35f: {  	v59 =	vshll.u32 v3, $0x5  }
0x360: {  	v3 =	vand.u32 $0x7, v3;
	v4 =	vand.u32 $0xFFFFFF00, v59  }
0x361: {  	v3 =	vor.u32 v3, v4  }
0x362: {  	v4 =	vperm.xlane v3, v0;
	_ =	sdelay $0x1  }
0x363: {  	v4 =	vadd.s32 v1, v4;
	_ =	sdelay $0x3  }
0x364: {  	s28 =	smov.u32 s31;
	s31 =	simm.s32 $0x100;
	s21 =	rddreg [dreg:$0x7]  }
0x365: {  	[hbm4b:s21+s3] =	stream.indirect_vreg.scatter [tilespmem:s31], [sflag:$0x1], $0x80, v4, vm0, $0xb8;
	[tilespmem:$0x10100] =	vst v63  }
0x366: {  	_ = 	snop  }
0x367: {  	[hbm4b:s30+s3] =	stream.indirect_vreg.scatter [tilespmem:s9], [sflag:$0x1], $0x80, v4, vm0, $0xb8;
	[tilespmem:$0x10100] =	vst v63  }
0x368: {  	s10 =	simm.s32 $0x1100  }
0x369: {  	[hbm4b:s6+s3] =	stream.indirect_vreg.scatter [tilespmem:s10], [sflag:$0x1], $0x80, v4, vm0, $0xb8;
	[tilespmem:$0x10100] =	vst v63  }
0x36a: {  	s9 =	rddreg [dreg:$0xf]  }
0x36b: {  	[hbm4b:s9+s3] =	stream.indirect_vreg.scatter [tilespmem:s11], [sflag:$0x1], $0x80, v4, vm0, $0xb8;
	[tilespmem:$0x10100] =	vst v63  }
0x36c: {  	s10 =	rddreg [dreg:$0x10]  }
0x36d: {  	[hbm4b:s10+s3] =	stream.indirect_vreg.scatter [tilespmem:s12], [sflag:$0x1], $0x80, v4, vm0, $0xb8;
	[tilespmem:$0x10100] =	vst v63  }
0x36e: {  	s22 =	smov.u32 s8;
	s8 =	smov.u32 s6;
	s6 =	rddreg [dreg:$0x11]  }
0x36f: {  	[hbm4b:s6+s3] =	stream.indirect_vreg.scatter [tilespmem:s14], [sflag:$0x1], $0x80, v4, vm0, $0xb8;
	[tilespmem:$0x10100] =	vst v63  }
0x370: {  	s15 =	simm.s32 $0x3100;
	s11 =	rddreg [dreg:$0x12]  }
0x371: {  	[hbm4b:s11+s3] =	stream.indirect_vreg.scatter [tilespmem:s15], [sflag:$0x1], $0x80, v4, vm0, $0xb8;
	[tilespmem:$0x10100] =	vst v63  }
0x372: {  	s17 =	simm.s32 $0x3900;
	s12 =	rddreg [dreg:$0x13]  }
0x373: {  	[hbm4b:s12+s3] =	stream.indirect_vreg.scatter [tilespmem:s17], [sflag:$0x1], $0x80, v4, vm0, $0xb8;
	[tilespmem:$0x10100] =	vst v63  }
0x374: {  	s29 =	simm.s32 $0x4100  }
0x375: {  	[hbm4b:s16+s3] =	stream.indirect_vreg.scatter [tilespmem:s29], [sflag:$0x1], $0x80, v4, vm0, $0xb8;
	[tilespmem:$0x10100] =	vst v63  }
0x376: {  	s24 =	simm.s32 $0x4900;
	s14 =	rddreg [dreg:$0x15]  }
0x377: {  	[hbm4b:s14+s3] =	stream.indirect_vreg.scatter [tilespmem:s24], [sflag:$0x1], $0x80, v4, vm0, $0xb8;
	[tilespmem:$0x10100] =	vst v63  }
0x378: {  	s18 =	smov.u32 s0;
	s15 =	rddreg [dreg:$0x16];
	s29 =	simm.s32 $0x5100  }
0x379: {  	[hbm4b:s15+s3] =	stream.indirect_vreg.scatter [tilespmem:s29], [sflag:$0x1], $0x80, v4, vm0, $0xb8;
	[tilespmem:$0x10100] =	vst v63  }
0x37a: {  	s0 =	smov.u32 s16;
	s4 =	simm.s32 $0x5900;
	s16 =	rddreg [dreg:$0x17]  }
0x37b: {  	[hbm4b:s16+s3] =	stream.indirect_vreg.scatter [tilespmem:s4], [sflag:$0x1], $0x80, v4, vm0, $0xb8;
	[tilespmem:$0x10100] =	vst v63  }
0x37c: {  	s5 =	simm.s32 $0x6100;
	s17 =	rddreg [dreg:$0x18]  }
0x37d: {  	[hbm4b:s17+s3] =	stream.indirect_vreg.scatter [tilespmem:s5], [sflag:$0x1], $0x80, v4, vm0, $0xb8;
	[tilespmem:$0x10100] =	vst v63  }
0x37e: {  	s2 =	rddreg [dreg:$0x19];
	v3 =	vperm.xlane v3, v2;
	s24 =	simm.s32 $0x6900  }
0x37f: {  	[hbm4b:s2+s3] =	stream.indirect_vreg.scatter [tilespmem:s24], [sflag:$0x1], $0x80, v4, vm0, $0xb8;
	[tilespmem:$0x10100] =	vst v63  }
0x380: {  	v3 =	vadd.s32 v1, v3;
	s29 =	simm.s32 $0x7100;
	s5 =	rddreg [dreg:$0x1a]  }
0x381: {  	[hbm4b:s5+s3] =	stream.indirect_vreg.scatter [tilespmem:s29], [sflag:$0x1], $0x80, v4, vm0, $0xb8;
	[tilespmem:$0x10100] =	vst v63  }
0x382: {  	s4 =	simm.s32 $0x7900;
	s24 =	rddreg [dreg:$0x1b]  }
0x383: {  	[hbm4b:s24+s3] =	stream.indirect_vreg.scatter [tilespmem:s4], [sflag:$0x1], $0x80, v4, vm0, $0xb8;
	[tilespmem:$0x10100] =	vst v63  }
0x384: {  	s4 =	simm.s32 $0x8100  }
0x385: {  	[hbm4b:s21+s3] =	stream.indirect_vreg.scatter [tilespmem:s4], [sflag:$0x1], $0x80, v3, vm0, $0xb8;
	[tilespmem:$0x10100] =	vst v63  }
0x386: {  	s4 =	simm.s32 $0x8900  }
0x387: {  	[hbm4b:s30+s3] =	stream.indirect_vreg.scatter [tilespmem:s4], [sflag:$0x1], $0x80, v3, vm0, $0xb8;
	[tilespmem:$0x10100] =	vst v63  }
0x388: {  	s29 =	simm.s32 $0x9100  }
0x389: {  	[hbm4b:s8+s3] =	stream.indirect_vreg.scatter [tilespmem:s29], [sflag:$0x1], $0x80, v3, vm0, $0xb8;
	[tilespmem:$0x10100] =	vst v63  }
0x38a: {  	s8 =	simm.s32 $0x9900  }
0x38b: {  	[hbm4b:s9+s3] =	stream.indirect_vreg.scatter [tilespmem:s8], [sflag:$0x1], $0x80, v3, vm0, $0xb8;
	[tilespmem:$0x10100] =	vst v63  }
0x38c: {  	s8 =	smov.u32 s9;
	s9 =	simm.s32 $0xA100  }
0x38d: {  	[hbm4b:s10+s3] =	stream.indirect_vreg.scatter [tilespmem:s9], [sflag:$0x1], $0x80, v3, vm0, $0xb8;
	[tilespmem:$0x10100] =	vst v63  }
0x38e: {  	s21 =	simm.s32 $0xA900  }
0x38f: {  	[hbm4b:s6+s3] =	stream.indirect_vreg.scatter [tilespmem:s21], [sflag:$0x1], $0x80, v3, vm0, $0xb8;
	[tilespmem:$0x10100] =	vst v63  }
0x390: {  	s30 =	simm.s32 $0xB100  }
0x391: {  	[hbm4b:s11+s3] =	stream.indirect_vreg.scatter [tilespmem:s30], [sflag:$0x1], $0x80, v3, vm0, $0xb8;
	[tilespmem:$0x10100] =	vst v63  }
0x392: {  	s6 =	simm.s32 $0xB900  }
0x393: {  	[hbm4b:s12+s3] =	stream.indirect_vreg.scatter [tilespmem:s6], [sflag:$0x1], $0x80, v3, vm0, $0xb8;
	[tilespmem:$0x10100] =	vst v63  }
0x394: {  	s9 =	simm.s32 $0xC100  }
0x395: {  	[hbm4b:s0+s3] =	stream.indirect_vreg.scatter [tilespmem:s9], [sflag:$0x1], $0x80, v3, vm0, $0xb8;
	[tilespmem:$0x10100] =	vst v63  }
0x396: {  	s21 =	simm.s32 $0xC900  }
0x397: {  	[hbm4b:s14+s3] =	stream.indirect_vreg.scatter [tilespmem:s21], [sflag:$0x1], $0x80, v3, vm0, $0xb8;
	[tilespmem:$0x10100] =	vst v63  }
0x398: {  	s10 =	simm.s32 $0xD100  }
0x399: {  	[hbm4b:s15+s3] =	stream.indirect_vreg.scatter [tilespmem:s10], [sflag:$0x1], $0x80, v3, vm0, $0xb8;
	[tilespmem:$0x10100] =	vst v63  }
0x39a: {  	s11 =	simm.s32 $0xD900  }
0x39b: {  	[hbm4b:s16+s3] =	stream.indirect_vreg.scatter [tilespmem:s11], [sflag:$0x1], $0x80, v3, vm0, $0xb8;
	[tilespmem:$0x10100] =	vst v63  }
0x39c: {  	s12 =	simm.s32 $0xE100  }
0x39d: {  	[hbm4b:s17+s3] =	stream.indirect_vreg.scatter [tilespmem:s12], [sflag:$0x1], $0x80, v3, vm0, $0xb8;
	[tilespmem:$0x10100] =	vst v63  }
0x39e: {  	s14 =	simm.s32 $0xE900  }
0x39f: {  	[hbm4b:s2+s3] =	stream.indirect_vreg.scatter [tilespmem:s14], [sflag:$0x1], $0x80, v3, vm0, $0xb8;
	[tilespmem:$0x10100] =	vst v63  }
0x3a0: {  	s15 =	simm.s32 $0xF100  }
0x3a1: {  	[hbm4b:s5+s3] =	stream.indirect_vreg.scatter [tilespmem:s15], [sflag:$0x1], $0x80, v3, vm0, $0xb8;
	[tilespmem:$0x10100] =	vst v63  }
0x3a2: {  	s16 =	simm.s32 $0xF900;
	s17 =	simm.s32 $0x1  }
0x3a3: {  	[hbm4b:s24+s3] =	stream.indirect_vreg.scatter [tilespmem:s16], [sflag:$0x1], $0x80, v3, vm0, $0xb8;
	[tilespmem:$0x10100] =	vst v63  }
0x3a4: {  	_ =	swait.ge [sflag:s17], $0x10000  }
0x3a5: {  	[sflag:s17] =	ssyncset.done $0x0  }
0x3a6: {  	[sflag:s17] =	ssyncadd.s32 $0xFFFF0000  }
0x3a7: {  	v3 =	vld [tilespmem:$0xE0];
	_ =	sdelay $0x4  }
0x3a8: {  	v60 =	vshll.u32 v3, $0x5  }
0x3a9: {  	v3 =	vand.u32 $0x7, v3;
	v4 =	vand.u32 $0xFFFFFF00, v60  }
0x3aa: {  	v3 =	vor.u32 v3, v4  }
0x3ab: {  	v4 =	vperm.xlane v3, v0;
	_ =	sdelay $0x1  }
0x3ac: {  	v4 =	vadd.s32 v1, v4;
	_ =	sdelay $0x3  }
0x3ad: {  	s0 =	rddreg [dreg:$0x0]  }
0x3ae: {  	[tilespmem:s31], [sflag:$0x1] =	stream.indirect_vreg.gather [hbm4b:s0+s3], $0x80, v4, vm0, $0xb8;
	[tilespmem:$0x10100] =	vst v63  }
0x3af: {  	s24 =	simm.s32 $0x900;
	s6 =	rddreg [dreg:$0x8]  }
0x3b0: {  	[tilespmem:s24], [sflag:$0x1] =	stream.indirect_vreg.gather [hbm4b:s6+s3], $0x80, v4, vm0, $0xb8;
	[tilespmem:$0x10100] =	vst v63  }
0x3b1: {  	s5 =	rddreg [dreg:$0x9];
	s31 =	simm.s32 $0x1100  }
0x3b2: {  	[tilespmem:s31], [sflag:$0x1] =	stream.indirect_vreg.gather [hbm4b:s5+s3], $0x80, v4, vm0, $0xb8;
	[tilespmem:$0x10100] =	vst v63  }
0x3b3: {  	s4 =	simm.s32 $0x1900  }
0x3b4: {  	[tilespmem:s4], [sflag:$0x1] =	stream.indirect_vreg.gather [hbm4b:s19+s3], $0x80, v4, vm0, $0xb8;
	[tilespmem:$0x10100] =	vst v63  }
0x3b5: {  	s9 =	simm.s32 $0x2100;
	s4 =	rddreg [dreg:$0xb]  }
0x3b6: {  	[tilespmem:s9], [sflag:$0x1] =	stream.indirect_vreg.gather [hbm4b:s4+s3], $0x80, v4, vm0, $0xb8;
	[tilespmem:$0x10100] =	vst v63  }
0x3b7: {  	s10 =	simm.s32 $0x2900  }
0x3b8: {  	[tilespmem:s10], [sflag:$0x1] =	stream.indirect_vreg.gather [hbm4b:s18+s3], $0x80, v4, vm0, $0xb8;
	[tilespmem:$0x10100] =	vst v63  }
0x3b9: {  	s11 =	simm.s32 $0x3100  }
0x3ba: {  	[tilespmem:s11], [sflag:$0x1] =	stream.indirect_vreg.gather [hbm4b:s20+s3], $0x80, v4, vm0, $0xb8;
	[tilespmem:$0x10100] =	vst v63  }
0x3bb: {  	s12 =	simm.s32 $0x3900  }
0x3bc: {  	[tilespmem:s12], [sflag:$0x1] =	stream.indirect_vreg.gather [hbm4b:s23+s3], $0x80, v4, vm0, $0xb8;
	[tilespmem:$0x10100] =	vst v63  }
0x3bd: {  	s2 =	smov.u32 s1;
	s14 =	simm.s32 $0x4100  }
0x3be: {  	[tilespmem:s14], [sflag:$0x1] =	stream.indirect_vreg.gather [hbm4b:s2+s3], $0x80, v4, vm0, $0xb8;
	[tilespmem:$0x10100] =	vst v63  }
0x3bf: {  	s15 =	simm.s32 $0x4900;
	s1 =	sld [smem:$0x7F8]  }
0x3c0: {  	[tilespmem:s15], [sflag:$0x1] =	stream.indirect_vreg.gather [hbm4b:s13+s3], $0x80, v4, vm0, $0xb8;
	[tilespmem:$0x10100] =	vst v63  }
0x3c1: {  	s10 =	smov.u32 s20;
	s20 =	simm.s32 $0x5100  }
0x3c2: {  	[tilespmem:s20], [sflag:$0x1] =	stream.indirect_vreg.gather [hbm4b:s1+s3], $0x80, v4, vm0, $0xb8;
	[tilespmem:$0x10100] =	vst v63  }
0x3c3: {  	s9 =	smov.u32 s7;
	s11 =	simm.s32 $0x5900  }
0x3c4: {  	[tilespmem:s11], [sflag:$0x1] =	stream.indirect_vreg.gather [hbm4b:s9+s3], $0x80, v4, vm0, $0xb8;
	[tilespmem:$0x10100] =	vst v63  }
0x3c5: {  	s12 =	simm.s32 $0x6100  }
0x3c6: {  	[tilespmem:s12], [sflag:$0x1] =	stream.indirect_vreg.gather [hbm4b:s22+s3], $0x80, v4, vm0, $0xb8;
	[tilespmem:$0x10100] =	vst v63  }
0x3c7: {  	v3 =	vperm.xlane v3, v2;
	s14 =	simm.s32 $0x6900  }
0x3c8: {  	[tilespmem:s14], [sflag:$0x1] =	stream.indirect_vreg.gather [hbm4b:s26+s3], $0x80, v4, vm0, $0xb8;
	[tilespmem:$0x10100] =	vst v63  }
0x3c9: {  	v3 =	vadd.s32 v1, v3;
	s15 =	simm.s32 $0x7100  }
0x3ca: {  	[tilespmem:s15], [sflag:$0x1] =	stream.indirect_vreg.gather [hbm4b:s28+s3], $0x80, v4, vm0, $0xb8;
	[tilespmem:$0x10100] =	vst v63  }
0x3cb: {  	s20 =	smov.u32 s22;
	s22 =	simm.s32 $0x7900  }
0x3cc: {  	[tilespmem:s22], [sflag:$0x1] =	stream.indirect_vreg.gather [hbm4b:s25+s3], $0x80, v4, vm0, $0xb8;
	[tilespmem:$0x10100] =	vst v63  }
0x3cd: {  	s12 =	smov.u32 s25;
	s25 =	simm.s32 $0x8100  }
0x3ce: {  	[tilespmem:s25], [sflag:$0x1] =	stream.indirect_vreg.gather [hbm4b:s0+s3], $0x80, v3, vm0, $0xb8;
	[tilespmem:$0x10100] =	vst v63  }
0x3cf: {  	s11 =	smov.u32 s26;
	s26 =	simm.s32 $0x8900  }
0x3d0: {  	[tilespmem:s26], [sflag:$0x1] =	stream.indirect_vreg.gather [hbm4b:s6+s3], $0x80, v3, vm0, $0xb8;
	[tilespmem:$0x10100] =	vst v63  }
0x3d1: {  	_ = 	snop  }
0x3d2: {  	[tilespmem:s29], [sflag:$0x1] =	stream.indirect_vreg.gather [hbm4b:s5+s3], $0x80, v3, vm0, $0xb8;
	[tilespmem:$0x10100] =	vst v63  }
0x3d3: {  	s6 =	simm.s32 $0x9900  }
0x3d4: {  	[tilespmem:s6], [sflag:$0x1] =	stream.indirect_vreg.gather [hbm4b:s19+s3], $0x80, v3, vm0, $0xb8;
	[tilespmem:$0x10100] =	vst v63  }
0x3d5: {  	s7 =	simm.s32 $0xA100  }
0x3d6: {  	[tilespmem:s7], [sflag:$0x1] =	stream.indirect_vreg.gather [hbm4b:s4+s3], $0x80, v3, vm0, $0xb8;
	[tilespmem:$0x10100] =	vst v63  }
0x3d7: {  	s14 =	simm.s32 $0xA900  }
0x3d8: {  	[tilespmem:s14], [sflag:$0x1] =	stream.indirect_vreg.gather [hbm4b:s18+s3], $0x80, v3, vm0, $0xb8;
	[tilespmem:$0x10100] =	vst v63  }
0x3d9: {  	s15 =	simm.s32 $0xB100  }
0x3da: {  	[tilespmem:s15], [sflag:$0x1] =	stream.indirect_vreg.gather [hbm4b:s10+s3], $0x80, v3, vm0, $0xb8;
	[tilespmem:$0x10100] =	vst v63  }
0x3db: {  	s24 =	smov.u32 s18;
	s18 =	simm.s32 $0xB900  }
0x3dc: {  	[tilespmem:s18], [sflag:$0x1] =	stream.indirect_vreg.gather [hbm4b:s23+s3], $0x80, v3, vm0, $0xb8;
	[tilespmem:$0x10100] =	vst v63  }
0x3dd: {  	s26 =	smov.u32 s19;
	s19 =	simm.s32 $0xC100  }
0x3de: {  	[tilespmem:s19], [sflag:$0x1] =	stream.indirect_vreg.gather [hbm4b:s2+s3], $0x80, v3, vm0, $0xb8;
	[tilespmem:$0x10100] =	vst v63  }
0x3df: {  	_ = 	snop  }
0x3e0: {  	[tilespmem:s21], [sflag:$0x1] =	stream.indirect_vreg.gather [hbm4b:s13+s3], $0x80, v3, vm0, $0xb8;
	[tilespmem:$0x10100] =	vst v63  }
0x3e1: {  	s21 =	simm.s32 $0xD100  }
0x3e2: {  	[tilespmem:s21], [sflag:$0x1] =	stream.indirect_vreg.gather [hbm4b:s1+s3], $0x80, v3, vm0, $0xb8;
	[tilespmem:$0x10100] =	vst v63  }
0x3e3: {  	s1 =	simm.s32 $0xD900  }
0x3e4: {  	[tilespmem:s1], [sflag:$0x1] =	stream.indirect_vreg.gather [hbm4b:s9+s3], $0x80, v3, vm0, $0xb8;
	[tilespmem:$0x10100] =	vst v63  }
0x3e5: {  	s2 =	simm.s32 $0xE100  }
0x3e6: {  	[tilespmem:s2], [sflag:$0x1] =	stream.indirect_vreg.gather [hbm4b:s20+s3], $0x80, v3, vm0, $0xb8;
	[tilespmem:$0x10100] =	vst v63  }
0x3e7: {  	s29 =	smov.u32 s5;
	s5 =	simm.s32 $0xE900  }
0x3e8: {  	[tilespmem:s5], [sflag:$0x1] =	stream.indirect_vreg.gather [hbm4b:s11+s3], $0x80, v3, vm0, $0xb8;
	[tilespmem:$0x10100] =	vst v63  }
0x3e9: {  	s6 =	simm.s32 $0xF100  }
0x3ea: {  	[tilespmem:s6], [sflag:$0x1] =	stream.indirect_vreg.gather [hbm4b:s28+s3], $0x80, v3, vm0, $0xb8;
	[tilespmem:$0x10100] =	vst v63  }
0x3eb: {  	s30 =	simm.s32 $0x1;
	s21 =	smov.u32 s9;
	s9 =	simm.s32 $0xF900  }
0x3ec: {  	[tilespmem:s9], [sflag:$0x1] =	stream.indirect_vreg.gather [hbm4b:s12+s3], $0x80, v3, vm0, $0xb8;
	[tilespmem:$0x10100] =	vst v63  }
0x3ed: {  	_ =	swait.ge [sflag:s30], $0x10000  }
0x3ee: {  	[sflag:s30] =	ssyncset.done $0x0  }
0x3ef: {  	[sflag:s30] =	ssyncadd.s32 $0xFFFF0000  }
0x3f0: {  	v3 =	vld [tilespmem:$0x60];
	_ =	sdelay $0x4  }
0x3f1: {  	v61 =	vshll.u32 v3, $0x5  }
0x3f2: {  	v3 =	vand.u32 $0x7, v3;
	v4 =	vand.u32 $0xFFFFFF00, v61  }
0x3f3: {  	v3 =	vor.u32 v3, v4  }
0x3f4: {  	v4 =	vperm.xlane v3, v0;
	_ =	sdelay $0x1  }
0x3f5: {  	v4 =	vadd.s32 v1, v4;
	_ =	sdelay $0x3  }
0x3f6: {  	s22 =	smov.u32 s10;
	s10 =	simm.s32 $0x100;
	s14 =	rddreg [dreg:$0x7]  }
0x3f7: {  	[hbm4b:s14+s3] =	stream.indirect_vreg.scatter [tilespmem:s10], [sflag:$0x1], $0x80, v4, vm0, $0xb8;
	[tilespmem:$0x10100] =	vst v63  }
0x3f8: {  	s7 =	smov.u32 s11;
	s11 =	simm.s32 $0x900;
	s2 =	rddreg [dreg:$0xd]  }
0x3f9: {  	[hbm4b:s2+s3] =	stream.indirect_vreg.scatter [tilespmem:s11], [sflag:$0x1], $0x80, v4, vm0, $0xb8;
	[tilespmem:$0x10100] =	vst v63  }
0x3fa: {  	s19 =	smov.u32 s12;
	s12 =	simm.s32 $0x1100;
	s9 =	rddreg [dreg:$0xe]  }
0x3fb: {  	[hbm4b:s9+s3] =	stream.indirect_vreg.scatter [tilespmem:s12], [sflag:$0x1], $0x80, v4, vm0, $0xb8;
	[tilespmem:$0x10100] =	vst v63  }
0x3fc: {  	s25 =	smov.u32 s23;
	s23 =	smov.u32 s13;
	s13 =	simm.s32 $0x1900  }
0x3fd: {  	[hbm4b:s8+s3] =	stream.indirect_vreg.scatter [tilespmem:s13], [sflag:$0x1], $0x80, v4, vm0, $0xb8;
	[tilespmem:$0x10100] =	vst v63  }
0x3fe: {  	s16 =	simm.s32 $0x2100;
	s11 =	rddreg [dreg:$0x10]  }
0x3ff: {  	[hbm4b:s11+s3] =	stream.indirect_vreg.scatter [tilespmem:s16], [sflag:$0x1], $0x80, v4, vm0, $0xb8;
	[tilespmem:$0x10100] =	vst v63  }
0x400: {  	s31 =	simm.s32 $0x2900;
	s10 =	smov.u32 s8;
	s8 =	rddreg [dreg:$0x11]  }
0x401: {  	[hbm4b:s8+s3] =	stream.indirect_vreg.scatter [tilespmem:s31], [sflag:$0x1], $0x80, v4, vm0, $0xb8;
	[tilespmem:$0x10100] =	vst v63  }
0x402: {  	s15 =	simm.s32 $0x3100;
	s12 =	rddreg [dreg:$0x12]  }
0x403: {  	[hbm4b:s12+s3] =	stream.indirect_vreg.scatter [tilespmem:s15], [sflag:$0x1], $0x80, v4, vm0, $0xb8;
	[tilespmem:$0x10100] =	vst v63  }
0x404: {  	s17 =	simm.s32 $0x3900;
	s13 =	rddreg [dreg:$0x13]  }
0x405: {  	[hbm4b:s13+s3] =	stream.indirect_vreg.scatter [tilespmem:s17], [sflag:$0x1], $0x80, v4, vm0, $0xb8;
	[tilespmem:$0x10100] =	vst v63  }
0x406: {  	s16 =	simm.s32 $0x4100;
	s31 =	rddreg [dreg:$0x14]  }
0x407: {  	[hbm4b:s31+s3] =	stream.indirect_vreg.scatter [tilespmem:s16], [sflag:$0x1], $0x80, v4, vm0, $0xb8;
	[tilespmem:$0x10100] =	vst v63  }
0x408: {  	s15 =	rddreg [dreg:$0x15];
	s17 =	simm.s32 $0x4900  }
0x409: {  	[hbm4b:s15+s3] =	stream.indirect_vreg.scatter [tilespmem:s17], [sflag:$0x1], $0x80, v4, vm0, $0xb8;
	[tilespmem:$0x10100] =	vst v63  }
0x40a: {  	s18 =	simm.s32 $0x5100;
	s16 =	rddreg [dreg:$0x16]  }
0x40b: {  	[hbm4b:s16+s3] =	stream.indirect_vreg.scatter [tilespmem:s18], [sflag:$0x1], $0x80, v4, vm0, $0xb8;
	[tilespmem:$0x10100] =	vst v63  }
0x40c: {  	s6 =	smov.u32 s28;
	s28 =	simm.s32 $0x5900;
	s17 =	rddreg [dreg:$0x17]  }
0x40d: {  	[hbm4b:s17+s3] =	stream.indirect_vreg.scatter [tilespmem:s28], [sflag:$0x1], $0x80, v4, vm0, $0xb8;
	[tilespmem:$0x10100] =	vst v63  }
0x40e: {  	s1 =	simm.s32 $0x6100;
	s18 =	rddreg [dreg:$0x18]  }
0x40f: {  	[hbm4b:s18+s3] =	stream.indirect_vreg.scatter [tilespmem:s1], [sflag:$0x1], $0x80, v4, vm0, $0xb8;
	[tilespmem:$0x10100] =	vst v63  }
0x410: {  	s5 =	simm.s32 $0x6900;
	s0 =	rddreg [dreg:$0x19];
	v3 =	vperm.xlane v3, v2  }
0x411: {  	[hbm4b:s0+s3] =	stream.indirect_vreg.scatter [tilespmem:s5], [sflag:$0x1], $0x80, v4, vm0, $0xb8;
	[tilespmem:$0x10100] =	vst v63  }
0x412: {  	v3 =	vadd.s32 v1, v3;
	s28 =	simm.s32 $0x7100;
	s5 =	rddreg [dreg:$0x1a]  }
0x413: {  	[hbm4b:s5+s3] =	stream.indirect_vreg.scatter [tilespmem:s28], [sflag:$0x1], $0x80, v4, vm0, $0xb8;
	[tilespmem:$0x10100] =	vst v63  }
0x414: {  	s1 =	rddreg [dreg:$0x1b];
	s28 =	simm.s32 $0x7900  }
0x415: {  	[hbm4b:s1+s3] =	stream.indirect_vreg.scatter [tilespmem:s28], [sflag:$0x1], $0x80, v4, vm0, $0xb8;
	[tilespmem:$0x10100] =	vst v63  }
0x416: {  	s28 =	simm.s32 $0x8100  }
0x417: {  	[hbm4b:s14+s3] =	stream.indirect_vreg.scatter [tilespmem:s28], [sflag:$0x1], $0x80, v3, vm0, $0xb8;
	[tilespmem:$0x10100] =	vst v63  }
0x418: {  	s28 =	simm.s32 $0x8900  }
0x419: {  	[hbm4b:s2+s3] =	stream.indirect_vreg.scatter [tilespmem:s28], [sflag:$0x1], $0x80, v3, vm0, $0xb8;
	[tilespmem:$0x10100] =	vst v63  }
0x41a: {  	s28 =	simm.s32 $0x9100  }
0x41b: {  	[hbm4b:s9+s3] =	stream.indirect_vreg.scatter [tilespmem:s28], [sflag:$0x1], $0x80, v3, vm0, $0xb8;
	[tilespmem:$0x10100] =	vst v63  }
0x41c: {  	s28 =	simm.s32 $0x9900  }
0x41d: {  	[hbm4b:s10+s3] =	stream.indirect_vreg.scatter [tilespmem:s28], [sflag:$0x1], $0x80, v3, vm0, $0xb8;
	[tilespmem:$0x10100] =	vst v63  }
0x41e: {  	s28 =	simm.s32 $0xA100  }
0x41f: {  	[hbm4b:s11+s3] =	stream.indirect_vreg.scatter [tilespmem:s28], [sflag:$0x1], $0x80, v3, vm0, $0xb8;
	[tilespmem:$0x10100] =	vst v63  }
0x420: {  	s10 =	simm.s32 $0xA900  }
0x421: {  	[hbm4b:s8+s3] =	stream.indirect_vreg.scatter [tilespmem:s10], [sflag:$0x1], $0x80, v3, vm0, $0xb8;
	[tilespmem:$0x10100] =	vst v63  }
0x422: {  	s11 =	simm.s32 $0xB100  }
0x423: {  	[hbm4b:s12+s3] =	stream.indirect_vreg.scatter [tilespmem:s11], [sflag:$0x1], $0x80, v3, vm0, $0xb8;
	[tilespmem:$0x10100] =	vst v63  }
0x424: {  	s28 =	simm.s32 $0xB900  }
0x425: {  	[hbm4b:s13+s3] =	stream.indirect_vreg.scatter [tilespmem:s28], [sflag:$0x1], $0x80, v3, vm0, $0xb8;
	[tilespmem:$0x10100] =	vst v63  }
0x426: {  	s8 =	simm.s32 $0xC100  }
0x427: {  	[hbm4b:s31+s3] =	stream.indirect_vreg.scatter [tilespmem:s8], [sflag:$0x1], $0x80, v3, vm0, $0xb8;
	[tilespmem:$0x10100] =	vst v63  }
0x428: {  	s10 =	simm.s32 $0xC900  }
0x429: {  	[hbm4b:s15+s3] =	stream.indirect_vreg.scatter [tilespmem:s10], [sflag:$0x1], $0x80, v3, vm0, $0xb8;
	[tilespmem:$0x10100] =	vst v63  }
0x42a: {  	s11 =	simm.s32 $0xD100  }
0x42b: {  	[hbm4b:s16+s3] =	stream.indirect_vreg.scatter [tilespmem:s11], [sflag:$0x1], $0x80, v3, vm0, $0xb8;
	[tilespmem:$0x10100] =	vst v63  }
0x42c: {  	s28 =	simm.s32 $0xD900  }
0x42d: {  	[hbm4b:s17+s3] =	stream.indirect_vreg.scatter [tilespmem:s28], [sflag:$0x1], $0x80, v3, vm0, $0xb8;
	[tilespmem:$0x10100] =	vst v63  }
0x42e: {  	s8 =	simm.s32 $0xE100  }
0x42f: {  	[hbm4b:s18+s3] =	stream.indirect_vreg.scatter [tilespmem:s8], [sflag:$0x1], $0x80, v3, vm0, $0xb8;
	[tilespmem:$0x10100] =	vst v63  }
0x430: {  	s10 =	simm.s32 $0xE900  }
0x431: {  	[hbm4b:s0+s3] =	stream.indirect_vreg.scatter [tilespmem:s10], [sflag:$0x1], $0x80, v3, vm0, $0xb8;
	[tilespmem:$0x10100] =	vst v63  }
0x432: {  	s11 =	simm.s32 $0xF100  }
0x433: {  	[hbm4b:s5+s3] =	stream.indirect_vreg.scatter [tilespmem:s11], [sflag:$0x1], $0x80, v3, vm0, $0xb8;
	[tilespmem:$0x10100] =	vst v63  }
0x434: {  	s28 =	simm.s32 $0xF900  }
0x435: {  	[hbm4b:s1+s3] =	stream.indirect_vreg.scatter [tilespmem:s28], [sflag:$0x1], $0x80, v3, vm0, $0xb8;
	[tilespmem:$0x10100] =	vst v63  }
0x436: {  	_ =	swait.ge [sflag:s30], $0x10000  }
0x437: {  	[sflag:s30] =	ssyncset.done $0x0  }
0x438: {  	[sflag:s30] =	ssyncadd.s32 $0xFFFF0000  }
0x439: {  	v3 =	vld [tilespmem:$0xF0];
	_ =	sdelay $0x4  }
0x43a: {  	v62 =	vshll.u32 v3, $0x5  }
0x43b: {  	v3 =	vand.u32 $0x7, v3;
	v4 =	vand.u32 $0xFFFFFF00, v62  }
0x43c: {  	v3 =	vor.u32 v3, v4  }
0x43d: {  	v4 =	vperm.xlane v3, v0;
	_ =	sdelay $0x1  }
0x43e: {  	v4 =	vadd.s32 v1, v4;
	_ =	sdelay $0x2  }
0x43f: {  	s8 =	smov.u32 s0  }
0x440: {  	s10 =	smov.u32 s5;
	s0 =	simm.s32 $0x100;
	s5 =	rddreg [dreg:$0x0]  }
0x441: {  	[tilespmem:s0], [sflag:$0x1] =	stream.indirect_vreg.gather [hbm4b:s5+s3], $0x80, v4, vm0, $0xb8;
	[tilespmem:$0x10100] =	vst v63  }
0x442: {  	s11 =	smov.u32 s1;
	s1 =	simm.s32 $0x900;
	s0 =	rddreg [dreg:$0x8]  }
0x443: {  	[tilespmem:s1], [sflag:$0x1] =	stream.indirect_vreg.gather [hbm4b:s0+s3], $0x80, v4, vm0, $0xb8;
	[tilespmem:$0x10100] =	vst v63  }
0x444: {  	s28 =	simm.s32 $0x1100  }
0x445: {  	[tilespmem:s28], [sflag:$0x1] =	stream.indirect_vreg.gather [hbm4b:s29+s3], $0x80, v4, vm0, $0xb8;
	[tilespmem:$0x10100] =	vst v63  }
0x446: {  	s1 =	simm.s32 $0x1900  }
0x447: {  	[tilespmem:s1], [sflag:$0x1] =	stream.indirect_vreg.gather [hbm4b:s26+s3], $0x80, v4, vm0, $0xb8;
	[tilespmem:$0x10100] =	vst v63  }
0x448: {  	s28 =	simm.s32 $0x2100  }
0x449: {  	[tilespmem:s28], [sflag:$0x1] =	stream.indirect_vreg.gather [hbm4b:s4+s3], $0x80, v4, vm0, $0xb8;
	[tilespmem:$0x10100] =	vst v63  }
0x44a: {  	s28 =	simm.s32 $0x2900  }
0x44b: {  	[tilespmem:s28], [sflag:$0x1] =	stream.indirect_vreg.gather [hbm4b:s24+s3], $0x80, v4, vm0, $0xb8;
	[tilespmem:$0x10100] =	vst v63  }
0x44c: {  	s1 =	smov.u32 s4;
	s4 =	simm.s32 $0x3100  }
0x44d: {  	[tilespmem:s4], [sflag:$0x1] =	stream.indirect_vreg.gather [hbm4b:s22+s3], $0x80, v4, vm0, $0xb8;
	[tilespmem:$0x10100] =	vst v63  }
0x44e: {  	s28 =	simm.s32 $0x3900  }
0x44f: {  	[tilespmem:s28], [sflag:$0x1] =	stream.indirect_vreg.gather [hbm4b:s25+s3], $0x80, v4, vm0, $0xb8;
	[tilespmem:$0x10100] =	vst v63  }
0x450: {  	s4 =	simm.s32 $0x4100;
	s28 =	rddreg [dreg:$0x1f]  }
0x451: {  	[tilespmem:s4], [sflag:$0x1] =	stream.indirect_vreg.gather [hbm4b:s28+s3], $0x80, v4, vm0, $0xb8;
	[tilespmem:$0x10100] =	vst v63  }
0x452: {  	s4 =	simm.s32 $0x4900  }
0x453: {  	[tilespmem:s4], [sflag:$0x1] =	stream.indirect_vreg.gather [hbm4b:s23+s3], $0x80, v4, vm0, $0xb8;
	[tilespmem:$0x10100] =	vst v63  }
0x454: {  	s4 =	sld [smem:$0x7F8];
	_ =	sdelay $0x1  }
0x455: {  	s2 =	simm.s32 $0x5100  }
0x456: {  	[tilespmem:s2], [sflag:$0x1] =	stream.indirect_vreg.gather [hbm4b:s4+s3], $0x80, v4, vm0, $0xb8;
	[tilespmem:$0x10100] =	vst v63  }
0x457: {  	s2 =	simm.s32 $0x5900  }
0x458: {  	[tilespmem:s2], [sflag:$0x1] =	stream.indirect_vreg.gather [hbm4b:s21+s3], $0x80, v4, vm0, $0xb8;
	[tilespmem:$0x10100] =	vst v63  }
0x459: {  	s2 =	simm.s32 $0x6100  }
0x45a: {  	[tilespmem:s2], [sflag:$0x1] =	stream.indirect_vreg.gather [hbm4b:s20+s3], $0x80, v4, vm0, $0xb8;
	[tilespmem:$0x10100] =	vst v63  }
0x45b: {  	v3 =	vperm.xlane v3, v2;
	s2 =	simm.s32 $0x6900  }
0x45c: {  	[tilespmem:s2], [sflag:$0x1] =	stream.indirect_vreg.gather [hbm4b:s7+s3], $0x80, v4, vm0, $0xb8;
	[tilespmem:$0x10100] =	vst v63  }
0x45d: {  	v3 =	vadd.s32 v1, v3;
	s2 =	simm.s32 $0x7100  }
0x45e: {  	[tilespmem:s2], [sflag:$0x1] =	stream.indirect_vreg.gather [hbm4b:s6+s3], $0x80, v4, vm0, $0xb8;
	[tilespmem:$0x10100] =	vst v63  }
0x45f: {  	s2 =	simm.s32 $0x7900  }
0x460: {  	[tilespmem:s2], [sflag:$0x1] =	stream.indirect_vreg.gather [hbm4b:s19+s3], $0x80, v4, vm0, $0xb8;
	[tilespmem:$0x10100] =	vst v63  }
0x461: {  	s2 =	simm.s32 $0x8100  }
0x462: {  	[tilespmem:s2], [sflag:$0x1] =	stream.indirect_vreg.gather [hbm4b:s5+s3], $0x80, v3, vm0, $0xb8;
	[tilespmem:$0x10100] =	vst v63  }
0x463: {  	s5 =	simm.s32 $0x8900  }
0x464: {  	[tilespmem:s5], [sflag:$0x1] =	stream.indirect_vreg.gather [hbm4b:s0+s3], $0x80, v3, vm0, $0xb8;
	[tilespmem:$0x10100] =	vst v63  }
0x465: {  	s0 =	simm.s32 $0x9100  }
0x466: {  	[tilespmem:s0], [sflag:$0x1] =	stream.indirect_vreg.gather [hbm4b:s29+s3], $0x80, v3, vm0, $0xb8;
	[tilespmem:$0x10100] =	vst v63  }
0x467: {  	s5 =	simm.s32 $0x9900  }
0x468: {  	[tilespmem:s5], [sflag:$0x1] =	stream.indirect_vreg.gather [hbm4b:s26+s3], $0x80, v3, vm0, $0xb8;
	[tilespmem:$0x10100] =	vst v63  }
0x469: {  	s29 =	simm.s32 $0xA100  }
0x46a: {  	[tilespmem:s29], [sflag:$0x1] =	stream.indirect_vreg.gather [hbm4b:s1+s3], $0x80, v3, vm0, $0xb8;
	[tilespmem:$0x10100] =	vst v63  }
0x46b: {  	s26 =	simm.s32 $0xA900  }
0x46c: {  	[tilespmem:s26], [sflag:$0x1] =	stream.indirect_vreg.gather [hbm4b:s24+s3], $0x80, v3, vm0, $0xb8;
	[tilespmem:$0x10100] =	vst v63  }
0x46d: {  	s24 =	simm.s32 $0xB100  }
0x46e: {  	[tilespmem:s24], [sflag:$0x1] =	stream.indirect_vreg.gather [hbm4b:s22+s3], $0x80, v3, vm0, $0xb8;
	[tilespmem:$0x10100] =	vst v63  }
0x46f: {  	s26 =	simm.s32 $0xB900  }
0x470: {  	[tilespmem:s26], [sflag:$0x1] =	stream.indirect_vreg.gather [hbm4b:s25+s3], $0x80, v3, vm0, $0xb8;
	[tilespmem:$0x10100] =	vst v63  }
0x471: {  	s25 =	simm.s32 $0xC100  }
0x472: {  	[tilespmem:s25], [sflag:$0x1] =	stream.indirect_vreg.gather [hbm4b:s28+s3], $0x80, v3, vm0, $0xb8;
	[tilespmem:$0x10100] =	vst v63  }
0x473: {  	s0 =	simm.s32 $0xC900  }
0x474: {  	[tilespmem:s0], [sflag:$0x1] =	stream.indirect_vreg.gather [hbm4b:s23+s3], $0x80, v3, vm0, $0xb8;
	[tilespmem:$0x10100] =	vst v63  }
0x475: {  	s22 =	simm.s32 $0xD100  }
0x476: {  	[tilespmem:s22], [sflag:$0x1] =	stream.indirect_vreg.gather [hbm4b:s4+s3], $0x80, v3, vm0, $0xb8;
	[tilespmem:$0x10100] =	vst v63  }
0x477: {  	s28 =	simm.s32 $0xD900  }
0x478: {  	[tilespmem:s28], [sflag:$0x1] =	stream.indirect_vreg.gather [hbm4b:s21+s3], $0x80, v3, vm0, $0xb8;
	[tilespmem:$0x10100] =	vst v63  }
0x479: {  	s21 =	simm.s32 $0xE100  }
0x47a: {  	[tilespmem:s21], [sflag:$0x1] =	stream.indirect_vreg.gather [hbm4b:s20+s3], $0x80, v3, vm0, $0xb8;
	[tilespmem:$0x10100] =	vst v63  }
0x47b: {  	s20 =	simm.s32 $0xE900  }
0x47c: {  	[tilespmem:s20], [sflag:$0x1] =	stream.indirect_vreg.gather [hbm4b:s7+s3], $0x80, v3, vm0, $0xb8;
	[tilespmem:$0x10100] =	vst v63  }
0x47d: {  	s1 =	simm.s32 $0xF100  }
0x47e: {  	[tilespmem:s1], [sflag:$0x1] =	stream.indirect_vreg.gather [hbm4b:s6+s3], $0x80, v3, vm0, $0xb8;
	[tilespmem:$0x10100] =	vst v63  }
0x47f: {  	s4 =	simm.s32 $0xF900  }
0x480: {  	[tilespmem:s4], [sflag:$0x1] =	stream.indirect_vreg.gather [hbm4b:s19+s3], $0x80, v3, vm0, $0xb8;
	[tilespmem:$0x10100] =	vst v63  }
0x481: {  	_ =	swait.ge [sflag:s30], $0x10000  }
0x482: {  	[sflag:s30] =	ssyncset.done $0x0  }
0x483: {  	[sflag:s30] =	ssyncadd.s32 $0xFFFF0000  }
0x484: {  	v3 =	vld [tilespmem:$0x70];
	_ =	sdelay $0x4  }
0x485: {  	v63 =	vshll.u32 v3, $0x5  }
0x486: {  	v3 =	vand.u32 $0x7, v3;
	v4 =	vand.u32 $0xFFFFFF00, v63  }
0x487: {  	v3 =	vor.u32 v3, v4  }
0x488: {  	v4 =	vperm.xlane v3, v0;
	_ =	sdelay $0x1  }
0x489: {  	v4 =	vadd.s32 v1, v4;
	_ =	sdelay $0x3  }
0x48a: {  	s5 =	simm.s32 $0x100  }
0x48b: {  	[hbm4b:s14+s3] =	stream.indirect_vreg.scatter [tilespmem:s5], [sflag:$0x1], $0x80, v4, vm0, $0xb8;
	[tilespmem:$0x10100] =	vst v63  }
0x48c: {  	s7 =	simm.s32 $0x900;
	s19 =	rddreg [dreg:$0xd]  }
0x48d: {  	[hbm4b:s19+s3] =	stream.indirect_vreg.scatter [tilespmem:s7], [sflag:$0x1], $0x80, v4, vm0, $0xb8;
	[tilespmem:$0x10100] =	vst v63  }
0x48e: {  	s1 =	simm.s32 $0x1100  }
0x48f: {  	[hbm4b:s9+s3] =	stream.indirect_vreg.scatter [tilespmem:s1], [sflag:$0x1], $0x80, v4, vm0, $0xb8;
	[tilespmem:$0x10100] =	vst v63  }
0x490: {  	s5 =	simm.s32 $0x1900;
	s1 =	rddreg [dreg:$0xf]  }
0x491: {  	[hbm4b:s1+s3] =	stream.indirect_vreg.scatter [tilespmem:s5], [sflag:$0x1], $0x80, v4, vm0, $0xb8;
	[tilespmem:$0x10100] =	vst v63  }
0x492: {  	s7 =	simm.s32 $0x2100;
	s5 =	rddreg [dreg:$0x10]  }
0x493: {  	[hbm4b:s5+s3] =	stream.indirect_vreg.scatter [tilespmem:s7], [sflag:$0x1], $0x80, v4, vm0, $0xb8;
	[tilespmem:$0x10100] =	vst v63  }
0x494: {  	s0 =	rddreg [dreg:$0x11];
	s7 =	simm.s32 $0x2900  }
0x495: {  	[hbm4b:s0+s3] =	stream.indirect_vreg.scatter [tilespmem:s7], [sflag:$0x1], $0x80, v4, vm0, $0xb8;
	[tilespmem:$0x10100] =	vst v63  }
0x496: {  	s7 =	simm.s32 $0x3100  }
0x497: {  	[hbm4b:s12+s3] =	stream.indirect_vreg.scatter [tilespmem:s7], [sflag:$0x1], $0x80, v4, vm0, $0xb8;
	[tilespmem:$0x10100] =	vst v63  }
0x498: {  	s7 =	simm.s32 $0x3900  }
0x499: {  	[hbm4b:s13+s3] =	stream.indirect_vreg.scatter [tilespmem:s7], [sflag:$0x1], $0x80, v4, vm0, $0xb8;
	[tilespmem:$0x10100] =	vst v63  }
0x49a: {  	s7 =	simm.s32 $0x4100  }
0x49b: {  	[hbm4b:s31+s3] =	stream.indirect_vreg.scatter [tilespmem:s7], [sflag:$0x1], $0x80, v4, vm0, $0xb8;
	[tilespmem:$0x10100] =	vst v63  }
0x49c: {  	s7 =	simm.s32 $0x4900  }
0x49d: {  	[hbm4b:s15+s3] =	stream.indirect_vreg.scatter [tilespmem:s7], [sflag:$0x1], $0x80, v4, vm0, $0xb8;
	[tilespmem:$0x10100] =	vst v63  }
0x49e: {  	s7 =	simm.s32 $0x5100  }
0x49f: {  	[hbm4b:s16+s3] =	stream.indirect_vreg.scatter [tilespmem:s7], [sflag:$0x1], $0x80, v4, vm0, $0xb8;
	[tilespmem:$0x10100] =	vst v63  }
0x4a0: {  	s7 =	simm.s32 $0x5900  }
0x4a1: {  	[hbm4b:s17+s3] =	stream.indirect_vreg.scatter [tilespmem:s7], [sflag:$0x1], $0x80, v4, vm0, $0xb8;
	[tilespmem:$0x10100] =	vst v63  }
0x4a2: {  	s7 =	simm.s32 $0x6100  }
0x4a3: {  	[hbm4b:s18+s3] =	stream.indirect_vreg.scatter [tilespmem:s7], [sflag:$0x1], $0x80, v4, vm0, $0xb8;
	[tilespmem:$0x10100] =	vst v63  }
0x4a4: {  	v3 =	vperm.xlane v3, v2;
	s7 =	simm.s32 $0x6900  }
0x4a5: {  	[hbm4b:s8+s3] =	stream.indirect_vreg.scatter [tilespmem:s7], [sflag:$0x1], $0x80, v4, vm0, $0xb8;
	[tilespmem:$0x10100] =	vst v63  }
0x4a6: {  	v3 =	vadd.s32 v1, v3;
	s7 =	simm.s32 $0x7100  }
0x4a7: {  	[hbm4b:s10+s3] =	stream.indirect_vreg.scatter [tilespmem:s7], [sflag:$0x1], $0x80, v4, vm0, $0xb8;
	[tilespmem:$0x10100] =	vst v63  }
0x4a8: {  	s7 =	simm.s32 $0x7900  }
0x4a9: {  	[hbm4b:s11+s3] =	stream.indirect_vreg.scatter [tilespmem:s7], [sflag:$0x1], $0x80, v4, vm0, $0xb8;
	[tilespmem:$0x10100] =	vst v63  }
0x4aa: {  	s7 =	simm.s32 $0x8100  }
0x4ab: {  	[hbm4b:s14+s3] =	stream.indirect_vreg.scatter [tilespmem:s7], [sflag:$0x1], $0x80, v3, vm0, $0xb8;
	[tilespmem:$0x10100] =	vst v63  }
0x4ac: {  	s14 =	simm.s32 $0x8900  }
0x4ad: {  	[hbm4b:s19+s3] =	stream.indirect_vreg.scatter [tilespmem:s14], [sflag:$0x1], $0x80, v3, vm0, $0xb8;
	[tilespmem:$0x10100] =	vst v63  }
0x4ae: {  	s19 =	simm.s32 $0x9100  }
0x4af: {  	[hbm4b:s9+s3] =	stream.indirect_vreg.scatter [tilespmem:s19], [sflag:$0x1], $0x80, v3, vm0, $0xb8;
	[tilespmem:$0x10100] =	vst v63  }
0x4b0: {  	s19 =	simm.s32 $0x9900  }
0x4b1: {  	[hbm4b:s1+s3] =	stream.indirect_vreg.scatter [tilespmem:s19], [sflag:$0x1], $0x80, v3, vm0, $0xb8;
	[tilespmem:$0x10100] =	vst v63  }
0x4b2: {  	_ = 	snop  }
0x4b3: {  	[hbm4b:s5+s3] =	stream.indirect_vreg.scatter [tilespmem:s29], [sflag:$0x1], $0x80, v3, vm0, $0xb8;
	[tilespmem:$0x10100] =	vst v63  }
0x4b4: {  	s2 =	simm.s32 $0xA900  }
0x4b5: {  	[hbm4b:s0+s3] =	stream.indirect_vreg.scatter [tilespmem:s2], [sflag:$0x1], $0x80, v3, vm0, $0xb8;
	[tilespmem:$0x10100] =	vst v63  }
0x4b6: {  	_ = 	snop  }
0x4b7: {  	[hbm4b:s12+s3] =	stream.indirect_vreg.scatter [tilespmem:s24], [sflag:$0x1], $0x80, v3, vm0, $0xb8;
	[tilespmem:$0x10100] =	vst v63  }
0x4b8: {  	_ = 	snop  }
0x4b9: {  	[hbm4b:s13+s3] =	stream.indirect_vreg.scatter [tilespmem:s26], [sflag:$0x1], $0x80, v3, vm0, $0xb8;
	[tilespmem:$0x10100] =	vst v63  }
0x4ba: {  	_ = 	snop  }
0x4bb: {  	[hbm4b:s31+s3] =	stream.indirect_vreg.scatter [tilespmem:s25], [sflag:$0x1], $0x80, v3, vm0, $0xb8;
	[tilespmem:$0x10100] =	vst v63  }
0x4bc: {  	s23 =	simm.s32 $0xC900  }
0x4bd: {  	[hbm4b:s15+s3] =	stream.indirect_vreg.scatter [tilespmem:s23], [sflag:$0x1], $0x80, v3, vm0, $0xb8;
	[tilespmem:$0x10100] =	vst v63  }
0x4be: {  	_ = 	snop  }
0x4bf: {  	[hbm4b:s16+s3] =	stream.indirect_vreg.scatter [tilespmem:s22], [sflag:$0x1], $0x80, v3, vm0, $0xb8;
	[tilespmem:$0x10100] =	vst v63  }
0x4c0: {  	_ = 	snop  }
0x4c1: {  	[hbm4b:s17+s3] =	stream.indirect_vreg.scatter [tilespmem:s28], [sflag:$0x1], $0x80, v3, vm0, $0xb8;
	[tilespmem:$0x10100] =	vst v63  }
0x4c2: {  	_ = 	snop  }
0x4c3: {  	[hbm4b:s18+s3] =	stream.indirect_vreg.scatter [tilespmem:s21], [sflag:$0x1], $0x80, v3, vm0, $0xb8;
	[tilespmem:$0x10100] =	vst v63  }
0x4c4: {  	s7 =	rddreg [dreg:$0x1c]  }
0x4c5: {  	[hbm4b:s8+s3] =	stream.indirect_vreg.scatter [tilespmem:s20], [sflag:$0x1], $0x80, v3, vm0, $0xb8;
	[tilespmem:$0x10100] =	vst v63  }
0x4c6: {  	s6 =	simm.s32 $0xF100;
	p0 =	sne.s32 s7, $0x1  }
0x4c7: {  	[hbm4b:s10+s3] =	stream.indirect_vreg.scatter [tilespmem:s6], [sflag:$0x1], $0x80, v3, vm0, $0xb8;
	[tilespmem:$0x10100] =	vst v63  }
.Ltmp0:
0x4c8: {  	_ = 	snop;
	(pc) =	sbr.rel @p0 .LBB2_1-.Ltmp0, $4  }
0x4c9: {  	[hbm4b:s11+s3] =	stream.indirect_vreg.scatter [tilespmem:s4], [sflag:$0x1], $0x80, v3, vm0, $0xb8;
	[tilespmem:$0x10100] =	vst v63  }
0x4ca: {  	_ =	swait.ge [sflag:s30], $0x10000  }
0x4cb: {  	[sflag:s30] =	ssyncset.done $0x0  }
0x4cc: {  	s7 =	sadd.s32 $0xFFFFFFFF, s7;
	[sflag:s30] =	ssyncadd.s32 $0xFFFF0000  }
0x4cd: {  	_ =	sfence.sel $0x180000  }
0x4ce: {  	[bflag:$0x0] =	sbarrier.arrive $0xFFFF  }
0x4cf: {  	_ =	strace $0x9000004A  }
0x4d0: {  	s0 =	stileid.u32;
	[bflag:$0x2] =	sbarrier.arrive $0xFFFF  }
0x4d1: {  	p0 =	sne.s32 s0, $0x0;
	s0 =	rddreg [dreg:$0x3]  }
0x4d2: {  	s0 =	sadd.s32 @!p0 $0x100000, s0  }
0x4d3: {  	[sflag:s0] =	ssyncadd.tile.s32 @!p0 $0x1;
	_ =	shalt  }
.Lfunc_end2:
_tile_overlayer_lowered:
.L_overlay_start_2:
0x4d4: {  	(tag) =	ssettag $0x2  }
0x4d5: {  	s0 =	rddreg [dreg:$0x0];
	s2 =	stileid.u32  }
0x4d6: {  	s1 =	rddreg [dreg:$0x1];
	p0 =	sne.s32 s2, $0x0  }
0x4d7: {  	s3 =	rddreg [dreg:$0x2];
	[bflag:$0x3] =	sbarrier.arrive $0xFFFF;
	s2 =	simm.s32 @!p0 $0x1C02  }
0x4d8: {  	[timem:s3], [sflag:s2] =	dma.local @!p0 [hbm:s0], s1  }
0x4d9: {  	s0 =	simm.s32 @!p0 $0x2  }
0x4da: {  	_ =	swait.ge @!p0 [sflag:s0], s1  }
0x4db: {  	s1 =	ssub.s32 @!p0 $0x0, s1;
	[sflag:s0] =	ssyncset.done @!p0 $0x0  }
0x4dc: {  	[sflag:s0] =	ssyncadd.s32 @!p0 s1  }
0x4dd: {  	[bflag:$0x3] =	sbarrier.arrive $0xFFFF  }
0x4de: {  	_ =	shalt  }

// kernel: kernel.8.cloned.1.call-start
scs
__scs_entry_jumppad:
0x0: {  	(pc) =	sbr.rel $0x88, $3  }
0x1: {  	(tag) =	ssettag $0x0;
	lr =	simm.s32 $0x1  }
0x2: {  	[smem:$0x3F8C] =	sst lr;
	_ =	strace $0xD0000000  }
0x3: {  	_ = 	snop  }
0x4: {  	_ = 	snop  }
0x5: {  	_ = 	snop  }
0x6: {  	_ = 	snop  }
0x7: {  	_ = 	snop  }
__scs_overlays_trampoline_lowered:
0x8: {  	[smem:$0x3F9B] =	sst s0  }
0x9: {  	[smem:$0x3F9C] =	sst s1  }
0xa: {  	[smem:$0x3F9D] =	sst s2  }
0xb: {  	[smem:$0x3F9E] =	sst s3  }
0xc: {  	[smem:$0x3F9F] =	sst s4  }
0xd: {  	[smem:$0x3FA0] =	sst s5  }
0xe: {  	[smem:$0x3FA1] =	sst s6  }
0xf: {  	[smem:$0x3FA2] =	sst s7  }
0x10: {  	[smem:$0x3FA3] =	sst s8  }
0x11: {  	[smem:$0x3FA4] =	sst s9;
	s0 =	simm.s32 @!p0 $0x0  }
0x12: {  	s1 =	sld [smem:$0x3F8A];
	s0 =	simm.s32 @p0 $0x1  }
0x13: {  	[smem:$0x3FA5] =	sst s0;
	s0 =	simm.s32 @!p1 $0x0  }
0x14: {  	s2 =	sld [smem:$0x3F89];
	s0 =	simm.s32 @p1 $0x1  }
0x15: {  	[smem:$0x3FA6] =	sst s0;
	s0 =	simm.s32 @!p2 $0x0  }
0x16: {  	s3 =	sld [smem:$0x3FDB];
	s0 =	simm.s32 @p2 $0x1  }
0x17: {  	s4 =	simm.s32 $0x1BF5;
	[smem:$0x3FA8] =	sst s0  }
0x18: {  	s0 =	sld [smem:$0x3F8B];
	_ =	swait.ge [sflag:s4], $0x0  }
0x19: {  	s7 =	sld [smem:$0x3F8C]  }
0x1a: {  	s8 =	sadd.s32 $0xFFFFE003, lr  }
0x1b: {  	s9 =	sadd.s32 $0xFFFFFEF7, lr;
	s5 =	simm.s32 $0xFFFFFFFF;
	p2 =	slt.u32 s8, $0xFFFFF086  }
0x1c: {  	p1 =	slt.u32 s9, $0xF7A;
	s5 =	simm.s32 @!p2 $0x0  }
0x1d: {  	s5 =	simm.s32 @p1 $0x1;
	p0 =	seq.s32 s7, s2  }
0x1e: {  	s7 =	smul.u32 @!p0 $0xF7A, s2;
	p2 =	seq.s32 @!p0 s5, $0x0  }
0x1f: {  	s9 =	smul.u32 $0xF7A, s1;
	s8 =	simm.s32 @!p0 $0x1BF5;
	p2 =	por !p2, p0  }
0x20: {  	[sflag:s8] =	ssyncset.s32 @!p0 $0xFFFFF086;
	s6 =	sadd.s32 @!p0 s3, s7;
	s7 =	simm.s32 @!p0 $0x108  }
0x21: {  	s3 =	sadd.s32 s3, s9;
	s6 =	sadd.s32 @!p0 $0x88, s6;
	s7 =	simm.s32 @p2 $0x1082  }
0x22: {  	[simem:s7], [sflag:s8] =	dma.local @!p0 [hbm:s6], $0xF7A  }
0x23: {  	s9 =	sor.u32 $0xD0000000, s2;
	s6 =	simm.s32 $0x108;
	_ =	swait.ge @!p0 [sflag:s8], $0x0  }
0x24: {  	s3 =	sadd.s32 $0x88, s3;
	s6 =	simm.s32 @!p1 $0x1082;
	[sflag:s4] =	ssyncset.s32 $0xFFFFF086  }
0x25: {  	[simem:s6], [sflag:s4] =	dma.local [hbm:s3], $0xF7A  }
0x26: {  	[smem:$0x3F8C] =	sst s1;
	(tag) =	ssettag s2;
	_ =	strace s9  }
0x27: {  	s1 =	sld [smem:$0x3F9C]  }
0x28: {  	s2 =	sld [smem:$0x3F9D]  }
0x29: {  	s4 =	sld [smem:$0x3F9F]  }
0x2a: {  	p0 =	seq.s32 s5, $0x0;
	s5 =	sld [smem:$0x3FA0]  }
0x2b: {  	s6 =	sld [smem:$0x3FA1]  }
0x2c: {  	s7 =	sld [smem:$0x3FA2]  }
0x2d: {  	s3 =	simm.s32 $0x108;
	s8 =	sld [smem:$0x3FA3]  }
0x2e: {  	s3 =	simm.s32 @!p0 $0x1082;
	s9 =	sld [smem:$0x3FA4]  }
0x2f: {  	lr =	sadd.s32 s0, s3;
	s0 =	sld [smem:$0x3F9B]  }
0x30: {  	s3 =	sld [smem:$0x3F9E]  }
0x31: {  	[smem:$0x3FA7] =	sst s10  }
0x32: {  	s10 =	sld [smem:$0x3FA5];
	_ =	sdelay $0x3  }
0x33: {  	p0 =	seq.s32 s10, $0x1;
	s10 =	sld [smem:$0x3FA7];
	_ =	sdelay $0x3  }
0x34: {  	[smem:$0x3FA7] =	sst s10  }
0x35: {  	s10 =	sld [smem:$0x3FA6];
	_ =	sdelay $0x3  }
0x36: {  	p1 =	seq.s32 s10, $0x1;
	s10 =	sld [smem:$0x3FA7];
	_ =	sdelay $0x3  }
0x37: {  	[smem:$0x3FA7] =	sst s10  }
0x38: {  	s10 =	sld [smem:$0x3FA8]  }
0x39: {  	_ = 	snop;
	(pc) =	sbr.ind lr, $3  }
0x3a: {  	_ = 	snop  }
0x3b: {  	_ = 	snop  }
0x3c: {  	p2 =	seq.s32 s10, $0x1;
	s10 =	sld [smem:$0x3FA7]  }
0x3d: {  	_ =	shalt  }
0x3e: {  	_ =	shalt  }
0x3f: {  	_ =	shalt  }
0x40: {  	_ =	shalt  }
0x41: {  	_ =	shalt  }
0x42: {  	_ =	shalt  }
0x43: {  	_ =	shalt  }
0x44: {  	_ =	shalt  }
0x45: {  	_ =	shalt  }
0x46: {  	_ =	shalt  }
0x47: {  	_ =	shalt  }
0x48: {  	_ =	shalt  }
0x49: {  	_ =	shalt  }
0x4a: {  	_ =	shalt  }
0x4b: {  	_ =	shalt  }
0x4c: {  	_ =	shalt  }
0x4d: {  	_ =	shalt  }
0x4e: {  	_ =	shalt  }
0x4f: {  	_ =	shalt  }
0x50: {  	_ =	shalt  }
0x51: {  	_ =	shalt  }
0x52: {  	_ =	shalt  }
0x53: {  	_ =	shalt  }
0x54: {  	_ =	shalt  }
0x55: {  	_ =	shalt  }
0x56: {  	_ =	shalt  }
0x57: {  	_ =	shalt  }
0x58: {  	_ =	shalt  }
0x59: {  	_ =	shalt  }
0x5a: {  	_ =	shalt  }
0x5b: {  	_ =	shalt  }
0x5c: {  	_ =	shalt  }
0x5d: {  	_ =	shalt  }
0x5e: {  	_ =	shalt  }
0x5f: {  	_ =	shalt  }
0x60: {  	_ =	shalt  }
0x61: {  	_ =	shalt  }
0x62: {  	_ =	shalt  }
0x63: {  	_ =	shalt  }
0x64: {  	_ =	shalt  }
0x65: {  	_ =	shalt  }
0x66: {  	_ =	shalt  }
0x67: {  	_ =	shalt  }
0x68: {  	_ =	shalt  }
0x69: {  	_ =	shalt  }
0x6a: {  	_ =	shalt  }
0x6b: {  	_ =	shalt  }
0x6c: {  	_ =	shalt  }
0x6d: {  	_ =	shalt  }
0x6e: {  	_ =	shalt  }
0x6f: {  	_ =	shalt  }
0x70: {  	_ =	shalt  }
0x71: {  	_ =	shalt  }
0x72: {  	_ =	shalt  }
0x73: {  	_ =	shalt  }
0x74: {  	_ =	shalt  }
0x75: {  	_ =	shalt  }
0x76: {  	_ =	shalt  }
0x77: {  	_ =	shalt  }
0x78: {  	_ =	shalt  }
0x79: {  	_ =	shalt  }
0x7a: {  	_ =	shalt  }
0x7b: {  	_ =	shalt  }
0x7c: {  	_ =	shalt  }
0x7d: {  	_ =	shalt  }
0x7e: {  	_ =	shalt  }
0x7f: {  	_ =	shalt  }
0x80: {  	_ =	shalt  }
0x81: {  	_ =	shalt  }
0x82: {  	_ =	shalt  }
0x83: {  	_ =	shalt  }
0x84: {  	_ =	shalt  }
0x85: {  	_ =	shalt  }
0x86: {  	_ =	shalt  }
0x87: {  	_ =	shalt  }
.Lfunc_end0:
.L_simem_size_0:
called_computation_lowered:
.L_overlay_start_0:
0x88: {  	s2 =	sld [smem:$0x3FD9]  }
0x89: {  	s3 =	sld [smem:$0x3FFE];
	_ =	sdelay $0x1  }
0x8a: {  	s1 =	srdreg.scid  }
0x8b: {  	s0 =	sand.u32 $0x1, s1  }
0x8c: {  	s17 =	sshll.u32 s0, $0xA;
	s2 =	sadd.s32 s3, s2  }
0x8d: {  	s2 =	sadd.s32 s2, s17  }
0x8e: {  	[smem:$0x3FB3] =	sst s2  }
0x8f: {  	_ = 	snop  }
0x90: {  	s2 =	sld [smem:$0x3FC9];
	(tm) =	ssettm $0x1  }
0x91: {  	s18 =	sld [smem:$0x3FFB];
	_ =	sdelay $0x3  }
0x92: {  	_ =	strace s18  }
0x93: {  	s3 =	sld [smem:$0x3FFC];
	_ =	sdelay $0x3  }
0x94: {  	_ =	strace s3  }
0x95: {  	s3 =	sld [smem:$0x3FFD];
	_ =	sdelay $0x3  }
0x96: {  	_ =	strace s3  }
0x97: {  	_ =	strace $0x8FFFFFFF  }
0x98: {  	s19 =	sld [smem:$0x3FDB];
	_ =	sdelay $0x1  }
0x99: {  	s4 =	simm.s32 $_scs_section_size  }
0x9a: {  	s5 =	simm.s32 $_size__tile_overlayer_lowered;
	s6 =	simm.s32 $_tile_overlayer_lowered  }
0x9b: {  	s22 =	simm.s32 $0x1BFF;
	s21 =	sshll.u32 s6, $0x1;
	s3 =	sadd.s32 s4, s19  }
0x9c: {  	s7 =	simm.s32 $0x0;
	s20 =	sshll.u32 s5, $0x1;
	s5 =	sadd.s32 s21, s3  }
0x9d: {  	[timem:s7], [sflag:s22] =	dma.local [hbm:s5], s20  }
0x9e: {  	_ =	swait.ge [sflag:s22], s20  }
0x9f: {  	s4 =	ssub.s32 $0x0, s20;
	[sflag:s22] =	ssyncset.done $0x0  }
0xa0: {  	[sflag:s22] =	ssyncadd.s32 s4;
	_ =	sdelay $0x1  }
0xa1: {  	s23 =	simm.s32 $0x1B8B  }
0xa2: {  	_ =	swait.ge [sflag:s23], $0x1  }
0xa3: {  	[sflag:s23] =	ssyncset.done $0x0  }
0xa4: {  	s25 =	simm.s32 $0x1B8E;
	s24 =	sld [smem:$0x3FFE];
	[sflag:s23] =	ssyncadd.s32 $0xFFFFFFFF  }
0xa5: {  	s26 =	simm.s32 $execute0_lowered;
	[smem:$0x3FD2] =	sst s25  }
0xa6: {  	s5 =	sshll.u32 s26, $0x1;
	_ =	strace $0x80000046;
	[dreg:$0x1] =	wrdreg $0xFFFFFFFF  }
0xa7: {  	s28 =	simm.s32 $_size_execute0_lowered;
	s3 =	sadd.s32 s3, s5;
	[dreg:$0x0] =	wrdreg $0x0  }
0xa8: {  	s5 =	sshll.u32 s28, $0x1;
	[dreg:$0x2] =	wrdreg s3  }
0xa9: {  	[dreg:$0x3] =	wrdreg s5  }
0xaa: {  	[dreg:$0x4] =	wrdreg $0xC0  }
0xab: {  	_ =	task [dreg:s7], $0x5FFFF  }
0xac: {  	[dreg:$0x1] =	wrdreg $0xFFFFFFFF  }
0xad: {  	[dreg:$0x0] =	wrdreg $0x60  }
0xae: {  	[dreg:$0x2] =	wrdreg s24  }
0xaf: {  	[dreg:$0x3] =	wrdreg s2  }
0xb0: {  	[dreg:$0x4] =	wrdreg $0x9  }
0xb1: {  	_ =	task.clear_ibuf [dreg:s7], $0x5FFFF;
	_ =	strace $0x90000046  }
0xb2: {  	s29 =	simm.s32 $0x9;
	_ =	strace $0x80000048  }
0xb3: {  	_ =	swait.ge [sflag:s29], $0x1  }
0xb4: {  	[sflag:s29] =	ssyncadd.s32 $0xFFFFFFFF  }
0xb5: {  	_ =	strace $0x90000048  }
0xb6: {  	_ =	sfence  }
0xb7: {  	s30 =	sld [smem:$0x0];
	_ =	sdelay $0x2  }
0xb8: {  	s31 =	sshll.u32 s1, $0xD;
	s1 =	sshrl.u32 s1, $0x2  }
0xb9: {  	s3 =	sand.u32 $0x4000, s31;
	s1 =	sadd.s32 s1, s30  }
0xba: {  	s0 =	sor.u32 s3, s0;
	s1 =	sshll.u32 s1, $0x11  }
0xbb: {  	s0 =	sor.u32 s1, s0  }
0xbc: {  	s0 =	sadd.s32 $0x8F2B, s0  }
0xbd: {  	[sflag:s0] =	ssyncadd.remote.s32 $0x1  }
0xbe: {  	_ =	sfence.sel $0xFFFF  }
0xbf: {  	[dreg:$0x0] =	wrdreg $0xFFFFFFFF;
	(pc) =	sbr.abs _section_cstart, $3  }
0xc0: {  	[dreg:$0x1] =	wrdreg $0xFFFFFFFF  }
0xc1: {  	_ =	task.clear_ibuf [dreg:s7], $0x2FFFF;
	_ =	strace $0x9FFFFFFF  }
0xc2: {  	(tm) =	ssettm $0x7FFFFFFF  }
0xc3: {  	_ =	shalt  }
tec
execute0_lowered:
.L_overlay_start_1:
0x0: {  	(tag) =	ssettag $0x1  }
0x1: {  	s0 =	rddreg [dreg:$0x0]  }
0x2: {  	s1 =	rddreg [dreg:$0x1];
	s3 =	srdreg.scid;
	s2 =	simm.s32 $0x0  }
0x3: {  	s5 =	stileid.u32;
	s4 =	sand.u32 $0x1, s3;
	[smem:$0x7FF] =	sst s2  }
0x4: {  	s21 =	sshll.u32 s5, $0x8;
	s3 =	sadd.s32 $0x3A00, s0;
	s8 =	sadd.s32 $0x3F00, s0  }
0x5: {  	s9 =	sadd.s32 $0x4000, s0;
	s10 =	sadd.s32 $0x4100, s0;
	s11 =	sadd.s32 $0x4200, s0  }
0x6: {  	s12 =	sadd.s32 $0x4300, s0;
	s13 =	sadd.s32 $0x4400, s0;
	s14 =	sadd.s32 $0x4500, s0  }
0x7: {  	s15 =	sadd.s32 $0x4600, s0;
	s16 =	sadd.s32 $0x4700, s0;
	s22 =	sshll.u32 s4, $0x7  }
0x8: {  	s17 =	sadd.s32 $0x4800, s0;
	s18 =	sadd.s32 $0x4900, s0;
	s5 =	sor.u32 s22, s21  }
0x9: {  	_ =	strace $0x80000047;
	s6 =	sshrl.u32 s5, $0x3;
	s5 =	sshll.u32 s5, $0x9  }
0xa: {  	s4 =	ssub.s32 $0x2, s4;
	s1 =	sadd.s32 s1, s6;
	s19 =	sadd.s32 s5, s0  }
0xb: {  	s7 =	sshrl.u32 s4, $0x1;
	[dreg:$0x3] =	wrdreg s1;
	s23 =	sadd.s32 $0x186DA00, s19  }
0xc: {  	s21 =	simm.s32 $0x80;
	s24 =	sadd.s32 $0x186FA00, s19;
	[dreg:$0x4] =	wrdreg s23  }
0xd: {  	s20 =	ssub.s32 s4, s7;
	s25 =	sadd.s32 $0x1871A00, s19;
	[dreg:$0x5] =	wrdreg s24  }
0xe: {  	s4 =	sadd.s32 $0x3B00, s0;
	s26 =	sadd.s32 $0x1873A00, s19;
	[dreg:$0x6] =	wrdreg s25  }
0xf: {  	s7 =	sadd.s32 $0x3E00, s0;
	s28 =	sadd.s32 $0x1875A00, s19;
	[dreg:$0x7] =	wrdreg s26  }
0x10: {  	s5 =	sadd.s32 $0x3C00, s0;
	s29 =	sadd.s32 $0x1877A00, s19;
	[dreg:$0x8] =	wrdreg s28  }
0x11: {  	v2 =	vlaneseq.u32;
	s6 =	sadd.s32 $0x3D00, s0;
	s30 =	sadd.s32 $0x1879A00, s19;
	[dreg:$0x9] =	wrdreg s29  }
0x12: {  	vm0 =	vmmov $0xffff;
	v1 =	vshrl.u32 v2, $0x3;
	s0 =	simm.s32 $0x1;
	s31 =	sadd.s32 $0x187BA00, s19;
	[dreg:$0xa] =	wrdreg s30  }
0x13: {  	v0 =	vand.u32 $0x7, v2;
	v2 =	vor.u32 $0x8, v2;
	v1 =	vmul.u32 $0x8, v1;
	s19 =	smax.u32 s20, $0x1;
	s20 =	simm.s32 $0x2;
	[dreg:$0xb] =	wrdreg s31  }
.LBB2_1:
0x14: {  	s1 =	rddreg [dreg:$0x3]  }
0x15: {  	[tilespmem:s2], [sflag:$0x2] =	stream.linear.gather [hbm4b:s1+s2], $0x80, $0x38;
	[tilespmem:$0x10080] =	vst v63  }
0x16: {  	_ =	swait.ge [sflag:s20], $0x80  }
0x17: {  	[sflag:s20] =	ssyncset.done $0x0  }
0x18: {  	[sflag:s20] =	ssyncadd.s32 $0xFFFFFF80  }
0x19: {  	v3 =	vld [tilespmem:$0x0];
	_ =	sdelay $0x4  }
0x1a: {  	v4 =	vshll.u32 v3, $0x5  }
0x1b: {  	v3 =	vand.u32 $0x7, v3;
	v4 =	vand.u32 $0xFFFFFF00, v4  }
0x1c: {  	v3 =	vor.u32 v3, v4  }
0x1d: {  	v4 =	vperm.xlane v3, v0;
	_ =	sdelay $0x1  }
0x1e: {  	v4 =	vadd.s32 v1, v4;
	_ =	sdelay $0x4  }
0x1f: {  	[tilespmem:s21], [sflag:$0x1] =	stream.indirect_vreg.gather [hbm4b:s3+s2], $0x80, v4, vm0, $0xb8;
	[tilespmem:$0x10080] =	vst v63  }
0x20: {  	s31 =	simm.s32 $0x880  }
0x21: {  	[tilespmem:s31], [sflag:$0x1] =	stream.indirect_vreg.gather [hbm4b:s4+s2], $0x80, v4, vm0, $0xb8;
	[tilespmem:$0x10080] =	vst v63  }
0x22: {  	s22 =	simm.s32 $0x1080  }
0x23: {  	[tilespmem:s22], [sflag:$0x1] =	stream.indirect_vreg.gather [hbm4b:s5+s2], $0x80, v4, vm0, $0xb8;
	[tilespmem:$0x10080] =	vst v63  }
0x24: {  	s23 =	simm.s32 $0x1880  }
0x25: {  	[tilespmem:s23], [sflag:$0x1] =	stream.indirect_vreg.gather [hbm4b:s6+s2], $0x80, v4, vm0, $0xb8;
	[tilespmem:$0x10080] =	vst v63  }
0x26: {  	s24 =	simm.s32 $0x2080  }
0x27: {  	[tilespmem:s24], [sflag:$0x1] =	stream.indirect_vreg.gather [hbm4b:s7+s2], $0x80, v4, vm0, $0xb8;
	[tilespmem:$0x10080] =	vst v63  }
0x28: {  	s25 =	simm.s32 $0x2880  }
0x29: {  	[tilespmem:s25], [sflag:$0x1] =	stream.indirect_vreg.gather [hbm4b:s8+s2], $0x80, v4, vm0, $0xb8;
	[tilespmem:$0x10080] =	vst v63  }
0x2a: {  	s26 =	simm.s32 $0x3080  }
0x2b: {  	[tilespmem:s26], [sflag:$0x1] =	stream.indirect_vreg.gather [hbm4b:s9+s2], $0x80, v4, vm0, $0xb8;
	[tilespmem:$0x10080] =	vst v63  }
0x2c: {  	s28 =	simm.s32 $0x3880  }
0x2d: {  	[tilespmem:s28], [sflag:$0x1] =	stream.indirect_vreg.gather [hbm4b:s10+s2], $0x80, v4, vm0, $0xb8;
	[tilespmem:$0x10080] =	vst v63  }
0x2e: {  	s29 =	simm.s32 $0x4080  }
0x2f: {  	[tilespmem:s29], [sflag:$0x1] =	stream.indirect_vreg.gather [hbm4b:s11+s2], $0x80, v4, vm0, $0xb8;
	[tilespmem:$0x10080] =	vst v63  }
0x30: {  	s30 =	simm.s32 $0x4880  }
0x31: {  	[tilespmem:s30], [sflag:$0x1] =	stream.indirect_vreg.gather [hbm4b:s12+s2], $0x80, v4, vm0, $0xb8;
	[tilespmem:$0x10080] =	vst v63  }
0x32: {  	s31 =	simm.s32 $0x5080  }
0x33: {  	[tilespmem:s31], [sflag:$0x1] =	stream.indirect_vreg.gather [hbm4b:s13+s2], $0x80, v4, vm0, $0xb8;
	[tilespmem:$0x10080] =	vst v63  }
0x34: {  	s22 =	simm.s32 $0x5880  }
0x35: {  	[tilespmem:s22], [sflag:$0x1] =	stream.indirect_vreg.gather [hbm4b:s14+s2], $0x80, v4, vm0, $0xb8;
	[tilespmem:$0x10080] =	vst v63  }
0x36: {  	s23 =	simm.s32 $0x6080  }
0x37: {  	[tilespmem:s23], [sflag:$0x1] =	stream.indirect_vreg.gather [hbm4b:s15+s2], $0x80, v4, vm0, $0xb8;
	[tilespmem:$0x10080] =	vst v63  }
0x38: {  	v3 =	vperm.xlane v3, v2;
	s24 =	simm.s32 $0x6880  }
0x39: {  	[tilespmem:s24], [sflag:$0x1] =	stream.indirect_vreg.gather [hbm4b:s16+s2], $0x80, v4, vm0, $0xb8;
	[tilespmem:$0x10080] =	vst v63  }
0x3a: {  	v3 =	vadd.s32 v1, v3;
	s28 =	simm.s32 $0x7080  }
0x3b: {  	[tilespmem:s28], [sflag:$0x1] =	stream.indirect_vreg.gather [hbm4b:s17+s2], $0x80, v4, vm0, $0xb8;
	[tilespmem:$0x10080] =	vst v63  }
0x3c: {  	s29 =	simm.s32 $0x7880  }
0x3d: {  	[tilespmem:s29], [sflag:$0x1] =	stream.indirect_vreg.gather [hbm4b:s18+s2], $0x80, v4, vm0, $0xb8;
	[tilespmem:$0x10080] =	vst v63  }
0x3e: {  	s30 =	simm.s32 $0x8080  }
0x3f: {  	[tilespmem:s30], [sflag:$0x1] =	stream.indirect_vreg.gather [hbm4b:s3+s2], $0x80, v3, vm0, $0xb8;
	[tilespmem:$0x10080] =	vst v63  }
0x40: {  	s31 =	simm.s32 $0x8880  }
0x41: {  	[tilespmem:s31], [sflag:$0x1] =	stream.indirect_vreg.gather [hbm4b:s4+s2], $0x80, v3, vm0, $0xb8;
	[tilespmem:$0x10080] =	vst v63  }
0x42: {  	s24 =	simm.s32 $0x9080  }
0x43: {  	[tilespmem:s24], [sflag:$0x1] =	stream.indirect_vreg.gather [hbm4b:s5+s2], $0x80, v3, vm0, $0xb8;
	[tilespmem:$0x10080] =	vst v63  }
0x44: {  	s24 =	simm.s32 $0x9880  }
0x45: {  	[tilespmem:s24], [sflag:$0x1] =	stream.indirect_vreg.gather [hbm4b:s6+s2], $0x80, v3, vm0, $0xb8;
	[tilespmem:$0x10080] =	vst v63  }
0x46: {  	s24 =	simm.s32 $0xA080  }
0x47: {  	[tilespmem:s24], [sflag:$0x1] =	stream.indirect_vreg.gather [hbm4b:s7+s2], $0x80, v3, vm0, $0xb8;
	[tilespmem:$0x10080] =	vst v63  }
0x48: {  	s24 =	simm.s32 $0xA880  }
0x49: {  	[tilespmem:s24], [sflag:$0x1] =	stream.indirect_vreg.gather [hbm4b:s8+s2], $0x80, v3, vm0, $0xb8;
	[tilespmem:$0x10080] =	vst v63  }
0x4a: {  	s24 =	simm.s32 $0xB080  }
0x4b: {  	[tilespmem:s24], [sflag:$0x1] =	stream.indirect_vreg.gather [hbm4b:s9+s2], $0x80, v3, vm0, $0xb8;
	[tilespmem:$0x10080] =	vst v63  }
0x4c: {  	s24 =	simm.s32 $0xB880  }
0x4d: {  	[tilespmem:s24], [sflag:$0x1] =	stream.indirect_vreg.gather [hbm4b:s10+s2], $0x80, v3, vm0, $0xb8;
	[tilespmem:$0x10080] =	vst v63  }
0x4e: {  	s24 =	simm.s32 $0xC080  }
0x4f: {  	[tilespmem:s24], [sflag:$0x1] =	stream.indirect_vreg.gather [hbm4b:s11+s2], $0x80, v3, vm0, $0xb8;
	[tilespmem:$0x10080] =	vst v63  }
0x50: {  	s24 =	simm.s32 $0xC880  }
0x51: {  	[tilespmem:s24], [sflag:$0x1] =	stream.indirect_vreg.gather [hbm4b:s12+s2], $0x80, v3, vm0, $0xb8;
	[tilespmem:$0x10080] =	vst v63  }
0x52: {  	s24 =	simm.s32 $0xD080  }
0x53: {  	[tilespmem:s24], [sflag:$0x1] =	stream.indirect_vreg.gather [hbm4b:s13+s2], $0x80, v3, vm0, $0xb8;
	[tilespmem:$0x10080] =	vst v63  }
0x54: {  	s24 =	simm.s32 $0xD880  }
0x55: {  	[tilespmem:s24], [sflag:$0x1] =	stream.indirect_vreg.gather [hbm4b:s14+s2], $0x80, v3, vm0, $0xb8;
	[tilespmem:$0x10080] =	vst v63  }
0x56: {  	s24 =	simm.s32 $0xE080  }
0x57: {  	[tilespmem:s24], [sflag:$0x1] =	stream.indirect_vreg.gather [hbm4b:s15+s2], $0x80, v3, vm0, $0xb8;
	[tilespmem:$0x10080] =	vst v63  }
0x58: {  	s24 =	simm.s32 $0xE880  }
0x59: {  	[tilespmem:s24], [sflag:$0x1] =	stream.indirect_vreg.gather [hbm4b:s16+s2], $0x80, v3, vm0, $0xb8;
	[tilespmem:$0x10080] =	vst v63  }
0x5a: {  	s24 =	simm.s32 $0xF080  }
0x5b: {  	[tilespmem:s24], [sflag:$0x1] =	stream.indirect_vreg.gather [hbm4b:s17+s2], $0x80, v3, vm0, $0xb8;
	[tilespmem:$0x10080] =	vst v63  }
0x5c: {  	s24 =	simm.s32 $0xF880  }
0x5d: {  	[tilespmem:s24], [sflag:$0x1] =	stream.indirect_vreg.gather [hbm4b:s18+s2], $0x80, v3, vm0, $0xb8;
	[tilespmem:$0x10080] =	vst v63  }
0x5e: {  	_ =	swait.ge [sflag:s0], $0x10000  }
0x5f: {  	[sflag:s0] =	ssyncset.done $0x0  }
0x60: {  	s1 =	rddreg [dreg:$0x4];
	[sflag:s0] =	ssyncadd.s32 $0xFFFF0000  }
0x61: {  	[hbm4b:s1+s2] =	stream.linear.scatter [tilespmem:s21], [sflag:$0x2], $0x10000, $0x38;
	[tilespmem:$0x10080] =	vst v63  }
0x62: {  	_ =	swait.ge [sflag:s20], $0x10000  }
0x63: {  	[sflag:s20] =	ssyncset.done $0x0  }
0x64: {  	[sflag:s20] =	ssyncadd.s32 $0xFFFF0000  }
0x65: {  	v3 =	vld [tilespmem:$0x10];
	_ =	sdelay $0x4  }
0x66: {  	v57 =	vshll.u32 v3, $0x5  }
0x67: {  	v3 =	vand.u32 $0x7, v3;
	v4 =	vand.u32 $0xFFFFFF00, v57  }
0x68: {  	v3 =	vor.u32 v3, v4  }
0x69: {  	v4 =	vperm.xlane v3, v0;
	_ =	sdelay $0x1  }
0x6a: {  	v4 =	vadd.s32 v1, v4;
	_ =	sdelay $0x4  }
0x6b: {  	[tilespmem:s21], [sflag:$0x1] =	stream.indirect_vreg.gather [hbm4b:s3+s2], $0x80, v4, vm0, $0xb8;
	[tilespmem:$0x10080] =	vst v63  }
0x6c: {  	s1 =	simm.s32 $0x880  }
0x6d: {  	[tilespmem:s1], [sflag:$0x1] =	stream.indirect_vreg.gather [hbm4b:s4+s2], $0x80, v4, vm0, $0xb8;
	[tilespmem:$0x10080] =	vst v63  }
0x6e: {  	s1 =	simm.s32 $0x1080  }
0x6f: {  	[tilespmem:s1], [sflag:$0x1] =	stream.indirect_vreg.gather [hbm4b:s5+s2], $0x80, v4, vm0, $0xb8;
	[tilespmem:$0x10080] =	vst v63  }
0x70: {  	s1 =	simm.s32 $0x1880  }
0x71: {  	[tilespmem:s1], [sflag:$0x1] =	stream.indirect_vreg.gather [hbm4b:s6+s2], $0x80, v4, vm0, $0xb8;
	[tilespmem:$0x10080] =	vst v63  }
0x72: {  	s1 =	simm.s32 $0x2080  }
0x73: {  	[tilespmem:s1], [sflag:$0x1] =	stream.indirect_vreg.gather [hbm4b:s7+s2], $0x80, v4, vm0, $0xb8;
	[tilespmem:$0x10080] =	vst v63  }
0x74: {  	s1 =	simm.s32 $0x2880  }
0x75: {  	[tilespmem:s1], [sflag:$0x1] =	stream.indirect_vreg.gather [hbm4b:s8+s2], $0x80, v4, vm0, $0xb8;
	[tilespmem:$0x10080] =	vst v63  }
0x76: {  	s1 =	simm.s32 $0x3080  }
0x77: {  	[tilespmem:s1], [sflag:$0x1] =	stream.indirect_vreg.gather [hbm4b:s9+s2], $0x80, v4, vm0, $0xb8;
	[tilespmem:$0x10080] =	vst v63  }
0x78: {  	s1 =	simm.s32 $0x3880  }
0x79: {  	[tilespmem:s1], [sflag:$0x1] =	stream.indirect_vreg.gather [hbm4b:s10+s2], $0x80, v4, vm0, $0xb8;
	[tilespmem:$0x10080] =	vst v63  }
0x7a: {  	s1 =	simm.s32 $0x4080  }
0x7b: {  	[tilespmem:s1], [sflag:$0x1] =	stream.indirect_vreg.gather [hbm4b:s11+s2], $0x80, v4, vm0, $0xb8;
	[tilespmem:$0x10080] =	vst v63  }
0x7c: {  	s1 =	simm.s32 $0x4880  }
0x7d: {  	[tilespmem:s1], [sflag:$0x1] =	stream.indirect_vreg.gather [hbm4b:s12+s2], $0x80, v4, vm0, $0xb8;
	[tilespmem:$0x10080] =	vst v63  }
0x7e: {  	s25 =	simm.s32 $0x5080  }
0x7f: {  	[tilespmem:s25], [sflag:$0x1] =	stream.indirect_vreg.gather [hbm4b:s13+s2], $0x80, v4, vm0, $0xb8;
	[tilespmem:$0x10080] =	vst v63  }
0x80: {  	s26 =	simm.s32 $0x5880  }
0x81: {  	[tilespmem:s26], [sflag:$0x1] =	stream.indirect_vreg.gather [hbm4b:s14+s2], $0x80, v4, vm0, $0xb8;
	[tilespmem:$0x10080] =	vst v63  }
0x82: {  	s22 =	simm.s32 $0x6080  }
0x83: {  	[tilespmem:s22], [sflag:$0x1] =	stream.indirect_vreg.gather [hbm4b:s15+s2], $0x80, v4, vm0, $0xb8;
	[tilespmem:$0x10080] =	vst v63  }
0x84: {  	s23 =	simm.s32 $0x6880;
	v3 =	vperm.xlane v3, v2  }
0x85: {  	[tilespmem:s23], [sflag:$0x1] =	stream.indirect_vreg.gather [hbm4b:s16+s2], $0x80, v4, vm0, $0xb8;
	[tilespmem:$0x10080] =	vst v63  }
0x86: {  	s28 =	simm.s32 $0x7080;
	v3 =	vadd.s32 v1, v3  }
0x87: {  	[tilespmem:s28], [sflag:$0x1] =	stream.indirect_vreg.gather [hbm4b:s17+s2], $0x80, v4, vm0, $0xb8;
	[tilespmem:$0x10080] =	vst v63  }
0x88: {  	s29 =	simm.s32 $0x7880  }
0x89: {  	[tilespmem:s29], [sflag:$0x1] =	stream.indirect_vreg.gather [hbm4b:s18+s2], $0x80, v4, vm0, $0xb8;
	[tilespmem:$0x10080] =	vst v63  }
0x8a: {  	s30 =	simm.s32 $0x8080  }
0x8b: {  	[tilespmem:s30], [sflag:$0x1] =	stream.indirect_vreg.gather [hbm4b:s3+s2], $0x80, v3, vm0, $0xb8;
	[tilespmem:$0x10080] =	vst v63  }
0x8c: {  	s31 =	simm.s32 $0x8880  }
0x8d: {  	[tilespmem:s31], [sflag:$0x1] =	stream.indirect_vreg.gather [hbm4b:s4+s2], $0x80, v3, vm0, $0xb8;
	[tilespmem:$0x10080] =	vst v63  }
0x8e: {  	s30 =	simm.s32 $0x9080  }
0x8f: {  	[tilespmem:s30], [sflag:$0x1] =	stream.indirect_vreg.gather [hbm4b:s5+s2], $0x80, v3, vm0, $0xb8;
	[tilespmem:$0x10080] =	vst v63  }
0x90: {  	s31 =	simm.s32 $0x9880  }
0x91: {  	[tilespmem:s31], [sflag:$0x1] =	stream.indirect_vreg.gather [hbm4b:s6+s2], $0x80, v3, vm0, $0xb8;
	[tilespmem:$0x10080] =	vst v63  }
0x92: {  	s1 =	simm.s32 $0xA080  }
0x93: {  	[tilespmem:s1], [sflag:$0x1] =	stream.indirect_vreg.gather [hbm4b:s7+s2], $0x80, v3, vm0, $0xb8;
	[tilespmem:$0x10080] =	vst v63  }
0x94: {  	s1 =	simm.s32 $0xA880  }
0x95: {  	[tilespmem:s1], [sflag:$0x1] =	stream.indirect_vreg.gather [hbm4b:s8+s2], $0x80, v3, vm0, $0xb8;
	[tilespmem:$0x10080] =	vst v63  }
0x96: {  	s1 =	simm.s32 $0xB080  }
0x97: {  	[tilespmem:s1], [sflag:$0x1] =	stream.indirect_vreg.gather [hbm4b:s9+s2], $0x80, v3, vm0, $0xb8;
	[tilespmem:$0x10080] =	vst v63  }
0x98: {  	s1 =	simm.s32 $0xB880  }
0x99: {  	[tilespmem:s1], [sflag:$0x1] =	stream.indirect_vreg.gather [hbm4b:s10+s2], $0x80, v3, vm0, $0xb8;
	[tilespmem:$0x10080] =	vst v63  }
0x9a: {  	s1 =	simm.s32 $0xC080  }
0x9b: {  	[tilespmem:s1], [sflag:$0x1] =	stream.indirect_vreg.gather [hbm4b:s11+s2], $0x80, v3, vm0, $0xb8;
	[tilespmem:$0x10080] =	vst v63  }
0x9c: {  	s1 =	simm.s32 $0xC880  }
0x9d: {  	[tilespmem:s1], [sflag:$0x1] =	stream.indirect_vreg.gather [hbm4b:s12+s2], $0x80, v3, vm0, $0xb8;
	[tilespmem:$0x10080] =	vst v63  }
0x9e: {  	s1 =	simm.s32 $0xD080  }
0x9f: {  	[tilespmem:s1], [sflag:$0x1] =	stream.indirect_vreg.gather [hbm4b:s13+s2], $0x80, v3, vm0, $0xb8;
	[tilespmem:$0x10080] =	vst v63  }
0xa0: {  	s1 =	simm.s32 $0xD880  }
0xa1: {  	[tilespmem:s1], [sflag:$0x1] =	stream.indirect_vreg.gather [hbm4b:s14+s2], $0x80, v3, vm0, $0xb8;
	[tilespmem:$0x10080] =	vst v63  }
0xa2: {  	s1 =	simm.s32 $0xE080  }
0xa3: {  	[tilespmem:s1], [sflag:$0x1] =	stream.indirect_vreg.gather [hbm4b:s15+s2], $0x80, v3, vm0, $0xb8;
	[tilespmem:$0x10080] =	vst v63  }
0xa4: {  	s1 =	simm.s32 $0xE880  }
0xa5: {  	[tilespmem:s1], [sflag:$0x1] =	stream.indirect_vreg.gather [hbm4b:s16+s2], $0x80, v3, vm0, $0xb8;
	[tilespmem:$0x10080] =	vst v63  }
0xa6: {  	s1 =	simm.s32 $0xF080  }
0xa7: {  	[tilespmem:s1], [sflag:$0x1] =	stream.indirect_vreg.gather [hbm4b:s17+s2], $0x80, v3, vm0, $0xb8;
	[tilespmem:$0x10080] =	vst v63  }
0xa8: {  	s24 =	simm.s32 $0xF880  }
0xa9: {  	[tilespmem:s24], [sflag:$0x1] =	stream.indirect_vreg.gather [hbm4b:s18+s2], $0x80, v3, vm0, $0xb8;
	[tilespmem:$0x10080] =	vst v63  }
0xaa: {  	_ =	swait.ge [sflag:s0], $0x10000  }
0xab: {  	[sflag:s0] =	ssyncset.done $0x0  }
0xac: {  	s1 =	rddreg [dreg:$0x5];
	[sflag:s0] =	ssyncadd.s32 $0xFFFF0000  }
0xad: {  	[hbm4b:s1+s2] =	stream.linear.scatter [tilespmem:s21], [sflag:$0x2], $0x10000, $0x38;
	[tilespmem:$0x10080] =	vst v63  }
0xae: {  	_ =	swait.ge [sflag:s20], $0x10000  }
0xaf: {  	[sflag:s20] =	ssyncset.done $0x0  }
0xb0: {  	[sflag:s20] =	ssyncadd.s32 $0xFFFF0000  }
0xb1: {  	v3 =	vld [tilespmem:$0x20];
	_ =	sdelay $0x4  }
0xb2: {  	v58 =	vshll.u32 v3, $0x5  }
0xb3: {  	v3 =	vand.u32 $0x7, v3;
	v4 =	vand.u32 $0xFFFFFF00, v58  }
0xb4: {  	v3 =	vor.u32 v3, v4  }
0xb5: {  	v4 =	vperm.xlane v3, v0;
	_ =	sdelay $0x1  }
0xb6: {  	v4 =	vadd.s32 v1, v4;
	_ =	sdelay $0x4  }
0xb7: {  	[tilespmem:s21], [sflag:$0x1] =	stream.indirect_vreg.gather [hbm4b:s3+s2], $0x80, v4, vm0, $0xb8;
	[tilespmem:$0x10080] =	vst v63  }
0xb8: {  	s1 =	simm.s32 $0x880  }
0xb9: {  	[tilespmem:s1], [sflag:$0x1] =	stream.indirect_vreg.gather [hbm4b:s4+s2], $0x80, v4, vm0, $0xb8;
	[tilespmem:$0x10080] =	vst v63  }
0xba: {  	s1 =	simm.s32 $0x1080  }
0xbb: {  	[tilespmem:s1], [sflag:$0x1] =	stream.indirect_vreg.gather [hbm4b:s5+s2], $0x80, v4, vm0, $0xb8;
	[tilespmem:$0x10080] =	vst v63  }
0xbc: {  	s1 =	simm.s32 $0x1880  }
0xbd: {  	[tilespmem:s1], [sflag:$0x1] =	stream.indirect_vreg.gather [hbm4b:s6+s2], $0x80, v4, vm0, $0xb8;
	[tilespmem:$0x10080] =	vst v63  }
0xbe: {  	s1 =	simm.s32 $0x2080  }
0xbf: {  	[tilespmem:s1], [sflag:$0x1] =	stream.indirect_vreg.gather [hbm4b:s7+s2], $0x80, v4, vm0, $0xb8;
	[tilespmem:$0x10080] =	vst v63  }
0xc0: {  	s1 =	simm.s32 $0x2880  }
0xc1: {  	[tilespmem:s1], [sflag:$0x1] =	stream.indirect_vreg.gather [hbm4b:s8+s2], $0x80, v4, vm0, $0xb8;
	[tilespmem:$0x10080] =	vst v63  }
0xc2: {  	s1 =	simm.s32 $0x3080  }
0xc3: {  	[tilespmem:s1], [sflag:$0x1] =	stream.indirect_vreg.gather [hbm4b:s9+s2], $0x80, v4, vm0, $0xb8;
	[tilespmem:$0x10080] =	vst v63  }
0xc4: {  	s1 =	simm.s32 $0x3880  }
0xc5: {  	[tilespmem:s1], [sflag:$0x1] =	stream.indirect_vreg.gather [hbm4b:s10+s2], $0x80, v4, vm0, $0xb8;
	[tilespmem:$0x10080] =	vst v63  }
0xc6: {  	s1 =	simm.s32 $0x4080  }
0xc7: {  	[tilespmem:s1], [sflag:$0x1] =	stream.indirect_vreg.gather [hbm4b:s11+s2], $0x80, v4, vm0, $0xb8;
	[tilespmem:$0x10080] =	vst v63  }
0xc8: {  	s1 =	simm.s32 $0x4880  }
0xc9: {  	[tilespmem:s1], [sflag:$0x1] =	stream.indirect_vreg.gather [hbm4b:s12+s2], $0x80, v4, vm0, $0xb8;
	[tilespmem:$0x10080] =	vst v63  }
0xca: {  	s25 =	simm.s32 $0x5080  }
0xcb: {  	[tilespmem:s25], [sflag:$0x1] =	stream.indirect_vreg.gather [hbm4b:s13+s2], $0x80, v4, vm0, $0xb8;
	[tilespmem:$0x10080] =	vst v63  }
0xcc: {  	s26 =	simm.s32 $0x5880  }
0xcd: {  	[tilespmem:s26], [sflag:$0x1] =	stream.indirect_vreg.gather [hbm4b:s14+s2], $0x80, v4, vm0, $0xb8;
	[tilespmem:$0x10080] =	vst v63  }
0xce: {  	s1 =	simm.s32 $0x6080  }
0xcf: {  	[tilespmem:s1], [sflag:$0x1] =	stream.indirect_vreg.gather [hbm4b:s15+s2], $0x80, v4, vm0, $0xb8;
	[tilespmem:$0x10080] =	vst v63  }
0xd0: {  	v3 =	vperm.xlane v3, v2;
	s1 =	simm.s32 $0x6880  }
0xd1: {  	[tilespmem:s1], [sflag:$0x1] =	stream.indirect_vreg.gather [hbm4b:s16+s2], $0x80, v4, vm0, $0xb8;
	[tilespmem:$0x10080] =	vst v63  }
0xd2: {  	s28 =	simm.s32 $0x7080;
	v3 =	vadd.s32 v1, v3  }
0xd3: {  	[tilespmem:s28], [sflag:$0x1] =	stream.indirect_vreg.gather [hbm4b:s17+s2], $0x80, v4, vm0, $0xb8;
	[tilespmem:$0x10080] =	vst v63  }
0xd4: {  	s22 =	simm.s32 $0x7880  }
0xd5: {  	[tilespmem:s22], [sflag:$0x1] =	stream.indirect_vreg.gather [hbm4b:s18+s2], $0x80, v4, vm0, $0xb8;
	[tilespmem:$0x10080] =	vst v63  }
0xd6: {  	s23 =	simm.s32 $0x8080  }
0xd7: {  	[tilespmem:s23], [sflag:$0x1] =	stream.indirect_vreg.gather [hbm4b:s3+s2], $0x80, v3, vm0, $0xb8;
	[tilespmem:$0x10080] =	vst v63  }
0xd8: {  	s29 =	simm.s32 $0x8880  }
0xd9: {  	[tilespmem:s29], [sflag:$0x1] =	stream.indirect_vreg.gather [hbm4b:s4+s2], $0x80, v3, vm0, $0xb8;
	[tilespmem:$0x10080] =	vst v63  }
0xda: {  	s30 =	simm.s32 $0x9080  }
0xdb: {  	[tilespmem:s30], [sflag:$0x1] =	stream.indirect_vreg.gather [hbm4b:s5+s2], $0x80, v3, vm0, $0xb8;
	[tilespmem:$0x10080] =	vst v63  }
0xdc: {  	s31 =	simm.s32 $0x9880  }
0xdd: {  	[tilespmem:s31], [sflag:$0x1] =	stream.indirect_vreg.gather [hbm4b:s6+s2], $0x80, v3, vm0, $0xb8;
	[tilespmem:$0x10080] =	vst v63  }
0xde: {  	s31 =	simm.s32 $0xA080  }
0xdf: {  	[tilespmem:s31], [sflag:$0x1] =	stream.indirect_vreg.gather [hbm4b:s7+s2], $0x80, v3, vm0, $0xb8;
	[tilespmem:$0x10080] =	vst v63  }
0xe0: {  	s1 =	simm.s32 $0xA880  }
0xe1: {  	[tilespmem:s1], [sflag:$0x1] =	stream.indirect_vreg.gather [hbm4b:s8+s2], $0x80, v3, vm0, $0xb8;
	[tilespmem:$0x10080] =	vst v63  }
0xe2: {  	s1 =	simm.s32 $0xB080  }
0xe3: {  	[tilespmem:s1], [sflag:$0x1] =	stream.indirect_vreg.gather [hbm4b:s9+s2], $0x80, v3, vm0, $0xb8;
	[tilespmem:$0x10080] =	vst v63  }
0xe4: {  	s1 =	simm.s32 $0xB880  }
0xe5: {  	[tilespmem:s1], [sflag:$0x1] =	stream.indirect_vreg.gather [hbm4b:s10+s2], $0x80, v3, vm0, $0xb8;
	[tilespmem:$0x10080] =	vst v63  }
0xe6: {  	s1 =	simm.s32 $0xC080  }
0xe7: {  	[tilespmem:s1], [sflag:$0x1] =	stream.indirect_vreg.gather [hbm4b:s11+s2], $0x80, v3, vm0, $0xb8;
	[tilespmem:$0x10080] =	vst v63  }
0xe8: {  	s1 =	simm.s32 $0xC880  }
0xe9: {  	[tilespmem:s1], [sflag:$0x1] =	stream.indirect_vreg.gather [hbm4b:s12+s2], $0x80, v3, vm0, $0xb8;
	[tilespmem:$0x10080] =	vst v63  }
0xea: {  	s1 =	simm.s32 $0xD080  }
0xeb: {  	[tilespmem:s1], [sflag:$0x1] =	stream.indirect_vreg.gather [hbm4b:s13+s2], $0x80, v3, vm0, $0xb8;
	[tilespmem:$0x10080] =	vst v63  }
0xec: {  	s1 =	simm.s32 $0xD880  }
0xed: {  	[tilespmem:s1], [sflag:$0x1] =	stream.indirect_vreg.gather [hbm4b:s14+s2], $0x80, v3, vm0, $0xb8;
	[tilespmem:$0x10080] =	vst v63  }
0xee: {  	s1 =	simm.s32 $0xE080  }
0xef: {  	[tilespmem:s1], [sflag:$0x1] =	stream.indirect_vreg.gather [hbm4b:s15+s2], $0x80, v3, vm0, $0xb8;
	[tilespmem:$0x10080] =	vst v63  }
0xf0: {  	s1 =	simm.s32 $0xE880  }
0xf1: {  	[tilespmem:s1], [sflag:$0x1] =	stream.indirect_vreg.gather [hbm4b:s16+s2], $0x80, v3, vm0, $0xb8;
	[tilespmem:$0x10080] =	vst v63  }
0xf2: {  	s1 =	simm.s32 $0xF080  }
0xf3: {  	[tilespmem:s1], [sflag:$0x1] =	stream.indirect_vreg.gather [hbm4b:s17+s2], $0x80, v3, vm0, $0xb8;
	[tilespmem:$0x10080] =	vst v63  }
0xf4: {  	s24 =	simm.s32 $0xF880  }
0xf5: {  	[tilespmem:s24], [sflag:$0x1] =	stream.indirect_vreg.gather [hbm4b:s18+s2], $0x80, v3, vm0, $0xb8;
	[tilespmem:$0x10080] =	vst v63  }
0xf6: {  	_ =	swait.ge [sflag:s0], $0x10000  }
0xf7: {  	[sflag:s0] =	ssyncset.done $0x0  }
0xf8: {  	s1 =	rddreg [dreg:$0x6];
	[sflag:s0] =	ssyncadd.s32 $0xFFFF0000  }
0xf9: {  	[hbm4b:s1+s2] =	stream.linear.scatter [tilespmem:s21], [sflag:$0x2], $0x10000, $0x38;
	[tilespmem:$0x10080] =	vst v63  }
0xfa: {  	_ =	swait.ge [sflag:s20], $0x10000  }
0xfb: {  	[sflag:s20] =	ssyncset.done $0x0  }
0xfc: {  	[sflag:s20] =	ssyncadd.s32 $0xFFFF0000  }
0xfd: {  	v3 =	vld [tilespmem:$0x30];
	_ =	sdelay $0x4  }
0xfe: {  	v59 =	vshll.u32 v3, $0x5  }
0xff: {  	v3 =	vand.u32 $0x7, v3;
	v4 =	vand.u32 $0xFFFFFF00, v59  }
0x100: {  	v3 =	vor.u32 v3, v4  }
0x101: {  	v4 =	vperm.xlane v3, v0;
	_ =	sdelay $0x1  }
0x102: {  	v4 =	vadd.s32 v1, v4;
	_ =	sdelay $0x4  }
0x103: {  	[tilespmem:s21], [sflag:$0x1] =	stream.indirect_vreg.gather [hbm4b:s3+s2], $0x80, v4, vm0, $0xb8;
	[tilespmem:$0x10080] =	vst v63  }
0x104: {  	s1 =	simm.s32 $0x880  }
0x105: {  	[tilespmem:s1], [sflag:$0x1] =	stream.indirect_vreg.gather [hbm4b:s4+s2], $0x80, v4, vm0, $0xb8;
	[tilespmem:$0x10080] =	vst v63  }
0x106: {  	s1 =	simm.s32 $0x1080  }
0x107: {  	[tilespmem:s1], [sflag:$0x1] =	stream.indirect_vreg.gather [hbm4b:s5+s2], $0x80, v4, vm0, $0xb8;
	[tilespmem:$0x10080] =	vst v63  }
0x108: {  	s1 =	simm.s32 $0x1880  }
0x109: {  	[tilespmem:s1], [sflag:$0x1] =	stream.indirect_vreg.gather [hbm4b:s6+s2], $0x80, v4, vm0, $0xb8;
	[tilespmem:$0x10080] =	vst v63  }
0x10a: {  	s1 =	simm.s32 $0x2080  }
0x10b: {  	[tilespmem:s1], [sflag:$0x1] =	stream.indirect_vreg.gather [hbm4b:s7+s2], $0x80, v4, vm0, $0xb8;
	[tilespmem:$0x10080] =	vst v63  }
0x10c: {  	s1 =	simm.s32 $0x2880  }
0x10d: {  	[tilespmem:s1], [sflag:$0x1] =	stream.indirect_vreg.gather [hbm4b:s8+s2], $0x80, v4, vm0, $0xb8;
	[tilespmem:$0x10080] =	vst v63  }
0x10e: {  	s1 =	simm.s32 $0x3080  }
0x10f: {  	[tilespmem:s1], [sflag:$0x1] =	stream.indirect_vreg.gather [hbm4b:s9+s2], $0x80, v4, vm0, $0xb8;
	[tilespmem:$0x10080] =	vst v63  }
0x110: {  	s1 =	simm.s32 $0x3880  }
0x111: {  	[tilespmem:s1], [sflag:$0x1] =	stream.indirect_vreg.gather [hbm4b:s10+s2], $0x80, v4, vm0, $0xb8;
	[tilespmem:$0x10080] =	vst v63  }
0x112: {  	s1 =	simm.s32 $0x4080  }
0x113: {  	[tilespmem:s1], [sflag:$0x1] =	stream.indirect_vreg.gather [hbm4b:s11+s2], $0x80, v4, vm0, $0xb8;
	[tilespmem:$0x10080] =	vst v63  }
0x114: {  	s1 =	simm.s32 $0x4880  }
0x115: {  	[tilespmem:s1], [sflag:$0x1] =	stream.indirect_vreg.gather [hbm4b:s12+s2], $0x80, v4, vm0, $0xb8;
	[tilespmem:$0x10080] =	vst v63  }
0x116: {  	s25 =	simm.s32 $0x5080  }
0x117: {  	[tilespmem:s25], [sflag:$0x1] =	stream.indirect_vreg.gather [hbm4b:s13+s2], $0x80, v4, vm0, $0xb8;
	[tilespmem:$0x10080] =	vst v63  }
0x118: {  	s26 =	simm.s32 $0x5880  }
0x119: {  	[tilespmem:s26], [sflag:$0x1] =	stream.indirect_vreg.gather [hbm4b:s14+s2], $0x80, v4, vm0, $0xb8;
	[tilespmem:$0x10080] =	vst v63  }
0x11a: {  	s1 =	simm.s32 $0x6080  }
0x11b: {  	[tilespmem:s1], [sflag:$0x1] =	stream.indirect_vreg.gather [hbm4b:s15+s2], $0x80, v4, vm0, $0xb8;
	[tilespmem:$0x10080] =	vst v63  }
0x11c: {  	v3 =	vperm.xlane v3, v2;
	s1 =	simm.s32 $0x6880  }
0x11d: {  	[tilespmem:s1], [sflag:$0x1] =	stream.indirect_vreg.gather [hbm4b:s16+s2], $0x80, v4, vm0, $0xb8;
	[tilespmem:$0x10080] =	vst v63  }
0x11e: {  	v3 =	vadd.s32 v1, v3;
	s1 =	simm.s32 $0x7080  }
0x11f: {  	[tilespmem:s1], [sflag:$0x1] =	stream.indirect_vreg.gather [hbm4b:s17+s2], $0x80, v4, vm0, $0xb8;
	[tilespmem:$0x10080] =	vst v63  }
0x120: {  	s22 =	simm.s32 $0x7880  }
0x121: {  	[tilespmem:s22], [sflag:$0x1] =	stream.indirect_vreg.gather [hbm4b:s18+s2], $0x80, v4, vm0, $0xb8;
	[tilespmem:$0x10080] =	vst v63  }
0x122: {  	s23 =	simm.s32 $0x8080  }
0x123: {  	[tilespmem:s23], [sflag:$0x1] =	stream.indirect_vreg.gather [hbm4b:s3+s2], $0x80, v3, vm0, $0xb8;
	[tilespmem:$0x10080] =	vst v63  }
0x124: {  	s28 =	simm.s32 $0x8880  }
0x125: {  	[tilespmem:s28], [sflag:$0x1] =	stream.indirect_vreg.gather [hbm4b:s4+s2], $0x80, v3, vm0, $0xb8;
	[tilespmem:$0x10080] =	vst v63  }
0x126: {  	s29 =	simm.s32 $0x9080  }
0x127: {  	[tilespmem:s29], [sflag:$0x1] =	stream.indirect_vreg.gather [hbm4b:s5+s2], $0x80, v3, vm0, $0xb8;
	[tilespmem:$0x10080] =	vst v63  }
0x128: {  	s30 =	simm.s32 $0x9880  }
0x129: {  	[tilespmem:s30], [sflag:$0x1] =	stream.indirect_vreg.gather [hbm4b:s6+s2], $0x80, v3, vm0, $0xb8;
	[tilespmem:$0x10080] =	vst v63  }
0x12a: {  	s31 =	simm.s32 $0xA080  }
0x12b: {  	[tilespmem:s31], [sflag:$0x1] =	stream.indirect_vreg.gather [hbm4b:s7+s2], $0x80, v3, vm0, $0xb8;
	[tilespmem:$0x10080] =	vst v63  }
0x12c: {  	s1 =	simm.s32 $0xA880  }
0x12d: {  	[tilespmem:s1], [sflag:$0x1] =	stream.indirect_vreg.gather [hbm4b:s8+s2], $0x80, v3, vm0, $0xb8;
	[tilespmem:$0x10080] =	vst v63  }
0x12e: {  	s1 =	simm.s32 $0xB080  }
0x12f: {  	[tilespmem:s1], [sflag:$0x1] =	stream.indirect_vreg.gather [hbm4b:s9+s2], $0x80, v3, vm0, $0xb8;
	[tilespmem:$0x10080] =	vst v63  }
0x130: {  	s1 =	simm.s32 $0xB880  }
0x131: {  	[tilespmem:s1], [sflag:$0x1] =	stream.indirect_vreg.gather [hbm4b:s10+s2], $0x80, v3, vm0, $0xb8;
	[tilespmem:$0x10080] =	vst v63  }
0x132: {  	s1 =	simm.s32 $0xC080  }
0x133: {  	[tilespmem:s1], [sflag:$0x1] =	stream.indirect_vreg.gather [hbm4b:s11+s2], $0x80, v3, vm0, $0xb8;
	[tilespmem:$0x10080] =	vst v63  }
0x134: {  	s1 =	simm.s32 $0xC880  }
0x135: {  	[tilespmem:s1], [sflag:$0x1] =	stream.indirect_vreg.gather [hbm4b:s12+s2], $0x80, v3, vm0, $0xb8;
	[tilespmem:$0x10080] =	vst v63  }
0x136: {  	s1 =	simm.s32 $0xD080  }
0x137: {  	[tilespmem:s1], [sflag:$0x1] =	stream.indirect_vreg.gather [hbm4b:s13+s2], $0x80, v3, vm0, $0xb8;
	[tilespmem:$0x10080] =	vst v63  }
0x138: {  	s1 =	simm.s32 $0xD880  }
0x139: {  	[tilespmem:s1], [sflag:$0x1] =	stream.indirect_vreg.gather [hbm4b:s14+s2], $0x80, v3, vm0, $0xb8;
	[tilespmem:$0x10080] =	vst v63  }
0x13a: {  	s1 =	simm.s32 $0xE080  }
0x13b: {  	[tilespmem:s1], [sflag:$0x1] =	stream.indirect_vreg.gather [hbm4b:s15+s2], $0x80, v3, vm0, $0xb8;
	[tilespmem:$0x10080] =	vst v63  }
0x13c: {  	s1 =	simm.s32 $0xE880  }
0x13d: {  	[tilespmem:s1], [sflag:$0x1] =	stream.indirect_vreg.gather [hbm4b:s16+s2], $0x80, v3, vm0, $0xb8;
	[tilespmem:$0x10080] =	vst v63  }
0x13e: {  	s1 =	simm.s32 $0xF080  }
0x13f: {  	[tilespmem:s1], [sflag:$0x1] =	stream.indirect_vreg.gather [hbm4b:s17+s2], $0x80, v3, vm0, $0xb8;
	[tilespmem:$0x10080] =	vst v63  }
0x140: {  	s24 =	simm.s32 $0xF880  }
0x141: {  	[tilespmem:s24], [sflag:$0x1] =	stream.indirect_vreg.gather [hbm4b:s18+s2], $0x80, v3, vm0, $0xb8;
	[tilespmem:$0x10080] =	vst v63  }
0x142: {  	_ =	swait.ge [sflag:s0], $0x10000  }
0x143: {  	[sflag:s0] =	ssyncset.done $0x0  }
0x144: {  	s1 =	rddreg [dreg:$0x7];
	[sflag:s0] =	ssyncadd.s32 $0xFFFF0000  }
0x145: {  	[hbm4b:s1+s2] =	stream.linear.scatter [tilespmem:s21], [sflag:$0x2], $0x10000, $0x38;
	[tilespmem:$0x10080] =	vst v63  }
0x146: {  	_ =	swait.ge [sflag:s20], $0x10000  }
0x147: {  	[sflag:s20] =	ssyncset.done $0x0  }
0x148: {  	[sflag:s20] =	ssyncadd.s32 $0xFFFF0000  }
0x149: {  	v3 =	vld [tilespmem:$0x40];
	_ =	sdelay $0x4  }
0x14a: {  	v60 =	vshll.u32 v3, $0x5  }
0x14b: {  	v3 =	vand.u32 $0x7, v3;
	v4 =	vand.u32 $0xFFFFFF00, v60  }
0x14c: {  	v3 =	vor.u32 v3, v4  }
0x14d: {  	v4 =	vperm.xlane v3, v0;
	_ =	sdelay $0x1  }
0x14e: {  	v4 =	vadd.s32 v1, v4;
	_ =	sdelay $0x4  }
0x14f: {  	[tilespmem:s21], [sflag:$0x1] =	stream.indirect_vreg.gather [hbm4b:s3+s2], $0x80, v4, vm0, $0xb8;
	[tilespmem:$0x10080] =	vst v63  }
0x150: {  	s1 =	simm.s32 $0x880  }
0x151: {  	[tilespmem:s1], [sflag:$0x1] =	stream.indirect_vreg.gather [hbm4b:s4+s2], $0x80, v4, vm0, $0xb8;
	[tilespmem:$0x10080] =	vst v63  }
0x152: {  	s1 =	simm.s32 $0x1080  }
0x153: {  	[tilespmem:s1], [sflag:$0x1] =	stream.indirect_vreg.gather [hbm4b:s5+s2], $0x80, v4, vm0, $0xb8;
	[tilespmem:$0x10080] =	vst v63  }
0x154: {  	s1 =	simm.s32 $0x1880  }
0x155: {  	[tilespmem:s1], [sflag:$0x1] =	stream.indirect_vreg.gather [hbm4b:s6+s2], $0x80, v4, vm0, $0xb8;
	[tilespmem:$0x10080] =	vst v63  }
0x156: {  	s1 =	simm.s32 $0x2080  }
0x157: {  	[tilespmem:s1], [sflag:$0x1] =	stream.indirect_vreg.gather [hbm4b:s7+s2], $0x80, v4, vm0, $0xb8;
	[tilespmem:$0x10080] =	vst v63  }
0x158: {  	s1 =	simm.s32 $0x2880  }
0x159: {  	[tilespmem:s1], [sflag:$0x1] =	stream.indirect_vreg.gather [hbm4b:s8+s2], $0x80, v4, vm0, $0xb8;
	[tilespmem:$0x10080] =	vst v63  }
0x15a: {  	s1 =	simm.s32 $0x3080  }
0x15b: {  	[tilespmem:s1], [sflag:$0x1] =	stream.indirect_vreg.gather [hbm4b:s9+s2], $0x80, v4, vm0, $0xb8;
	[tilespmem:$0x10080] =	vst v63  }
0x15c: {  	s1 =	simm.s32 $0x3880  }
0x15d: {  	[tilespmem:s1], [sflag:$0x1] =	stream.indirect_vreg.gather [hbm4b:s10+s2], $0x80, v4, vm0, $0xb8;
	[tilespmem:$0x10080] =	vst v63  }
0x15e: {  	s1 =	simm.s32 $0x4080  }
0x15f: {  	[tilespmem:s1], [sflag:$0x1] =	stream.indirect_vreg.gather [hbm4b:s11+s2], $0x80, v4, vm0, $0xb8;
	[tilespmem:$0x10080] =	vst v63  }
0x160: {  	s1 =	simm.s32 $0x4880  }
0x161: {  	[tilespmem:s1], [sflag:$0x1] =	stream.indirect_vreg.gather [hbm4b:s12+s2], $0x80, v4, vm0, $0xb8;
	[tilespmem:$0x10080] =	vst v63  }
0x162: {  	s25 =	simm.s32 $0x5080  }
0x163: {  	[tilespmem:s25], [sflag:$0x1] =	stream.indirect_vreg.gather [hbm4b:s13+s2], $0x80, v4, vm0, $0xb8;
	[tilespmem:$0x10080] =	vst v63  }
0x164: {  	s26 =	simm.s32 $0x5880  }
0x165: {  	[tilespmem:s26], [sflag:$0x1] =	stream.indirect_vreg.gather [hbm4b:s14+s2], $0x80, v4, vm0, $0xb8;
	[tilespmem:$0x10080] =	vst v63  }
0x166: {  	s1 =	simm.s32 $0x6080  }
0x167: {  	[tilespmem:s1], [sflag:$0x1] =	stream.indirect_vreg.gather [hbm4b:s15+s2], $0x80, v4, vm0, $0xb8;
	[tilespmem:$0x10080] =	vst v63  }
0x168: {  	v3 =	vperm.xlane v3, v2;
	s1 =	simm.s32 $0x6880  }
0x169: {  	[tilespmem:s1], [sflag:$0x1] =	stream.indirect_vreg.gather [hbm4b:s16+s2], $0x80, v4, vm0, $0xb8;
	[tilespmem:$0x10080] =	vst v63  }
0x16a: {  	v3 =	vadd.s32 v1, v3;
	s1 =	simm.s32 $0x7080  }
0x16b: {  	[tilespmem:s1], [sflag:$0x1] =	stream.indirect_vreg.gather [hbm4b:s17+s2], $0x80, v4, vm0, $0xb8;
	[tilespmem:$0x10080] =	vst v63  }
0x16c: {  	s22 =	simm.s32 $0x7880  }
0x16d: {  	[tilespmem:s22], [sflag:$0x1] =	stream.indirect_vreg.gather [hbm4b:s18+s2], $0x80, v4, vm0, $0xb8;
	[tilespmem:$0x10080] =	vst v63  }
0x16e: {  	s23 =	simm.s32 $0x8080  }
0x16f: {  	[tilespmem:s23], [sflag:$0x1] =	stream.indirect_vreg.gather [hbm4b:s3+s2], $0x80, v3, vm0, $0xb8;
	[tilespmem:$0x10080] =	vst v63  }
0x170: {  	s28 =	simm.s32 $0x8880  }
0x171: {  	[tilespmem:s28], [sflag:$0x1] =	stream.indirect_vreg.gather [hbm4b:s4+s2], $0x80, v3, vm0, $0xb8;
	[tilespmem:$0x10080] =	vst v63  }
0x172: {  	s29 =	simm.s32 $0x9080  }
0x173: {  	[tilespmem:s29], [sflag:$0x1] =	stream.indirect_vreg.gather [hbm4b:s5+s2], $0x80, v3, vm0, $0xb8;
	[tilespmem:$0x10080] =	vst v63  }
0x174: {  	s30 =	simm.s32 $0x9880  }
0x175: {  	[tilespmem:s30], [sflag:$0x1] =	stream.indirect_vreg.gather [hbm4b:s6+s2], $0x80, v3, vm0, $0xb8;
	[tilespmem:$0x10080] =	vst v63  }
0x176: {  	s31 =	simm.s32 $0xA080  }
0x177: {  	[tilespmem:s31], [sflag:$0x1] =	stream.indirect_vreg.gather [hbm4b:s7+s2], $0x80, v3, vm0, $0xb8;
	[tilespmem:$0x10080] =	vst v63  }
0x178: {  	s1 =	simm.s32 $0xA880  }
0x179: {  	[tilespmem:s1], [sflag:$0x1] =	stream.indirect_vreg.gather [hbm4b:s8+s2], $0x80, v3, vm0, $0xb8;
	[tilespmem:$0x10080] =	vst v63  }
0x17a: {  	s1 =	simm.s32 $0xB080  }
0x17b: {  	[tilespmem:s1], [sflag:$0x1] =	stream.indirect_vreg.gather [hbm4b:s9+s2], $0x80, v3, vm0, $0xb8;
	[tilespmem:$0x10080] =	vst v63  }
0x17c: {  	s1 =	simm.s32 $0xB880  }
0x17d: {  	[tilespmem:s1], [sflag:$0x1] =	stream.indirect_vreg.gather [hbm4b:s10+s2], $0x80, v3, vm0, $0xb8;
	[tilespmem:$0x10080] =	vst v63  }
0x17e: {  	s1 =	simm.s32 $0xC080  }
0x17f: {  	[tilespmem:s1], [sflag:$0x1] =	stream.indirect_vreg.gather [hbm4b:s11+s2], $0x80, v3, vm0, $0xb8;
	[tilespmem:$0x10080] =	vst v63  }
0x180: {  	s1 =	simm.s32 $0xC880  }
0x181: {  	[tilespmem:s1], [sflag:$0x1] =	stream.indirect_vreg.gather [hbm4b:s12+s2], $0x80, v3, vm0, $0xb8;
	[tilespmem:$0x10080] =	vst v63  }
0x182: {  	s1 =	simm.s32 $0xD080  }
0x183: {  	[tilespmem:s1], [sflag:$0x1] =	stream.indirect_vreg.gather [hbm4b:s13+s2], $0x80, v3, vm0, $0xb8;
	[tilespmem:$0x10080] =	vst v63  }
0x184: {  	s1 =	simm.s32 $0xD880  }
0x185: {  	[tilespmem:s1], [sflag:$0x1] =	stream.indirect_vreg.gather [hbm4b:s14+s2], $0x80, v3, vm0, $0xb8;
	[tilespmem:$0x10080] =	vst v63  }
0x186: {  	s1 =	simm.s32 $0xE080  }
0x187: {  	[tilespmem:s1], [sflag:$0x1] =	stream.indirect_vreg.gather [hbm4b:s15+s2], $0x80, v3, vm0, $0xb8;
	[tilespmem:$0x10080] =	vst v63  }
0x188: {  	s1 =	simm.s32 $0xE880  }
0x189: {  	[tilespmem:s1], [sflag:$0x1] =	stream.indirect_vreg.gather [hbm4b:s16+s2], $0x80, v3, vm0, $0xb8;
	[tilespmem:$0x10080] =	vst v63  }
0x18a: {  	s1 =	simm.s32 $0xF080  }
0x18b: {  	[tilespmem:s1], [sflag:$0x1] =	stream.indirect_vreg.gather [hbm4b:s17+s2], $0x80, v3, vm0, $0xb8;
	[tilespmem:$0x10080] =	vst v63  }
0x18c: {  	s24 =	simm.s32 $0xF880  }
0x18d: {  	[tilespmem:s24], [sflag:$0x1] =	stream.indirect_vreg.gather [hbm4b:s18+s2], $0x80, v3, vm0, $0xb8;
	[tilespmem:$0x10080] =	vst v63  }
0x18e: {  	_ =	swait.ge [sflag:s0], $0x10000  }
0x18f: {  	[sflag:s0] =	ssyncset.done $0x0  }
0x190: {  	s1 =	rddreg [dreg:$0x8];
	[sflag:s0] =	ssyncadd.s32 $0xFFFF0000  }
0x191: {  	[hbm4b:s1+s2] =	stream.linear.scatter [tilespmem:s21], [sflag:$0x2], $0x10000, $0x38;
	[tilespmem:$0x10080] =	vst v63  }
0x192: {  	_ =	swait.ge [sflag:s20], $0x10000  }
0x193: {  	[sflag:s20] =	ssyncset.done $0x0  }
0x194: {  	[sflag:s20] =	ssyncadd.s32 $0xFFFF0000  }
0x195: {  	v3 =	vld [tilespmem:$0x50];
	_ =	sdelay $0x4  }
0x196: {  	v61 =	vshll.u32 v3, $0x5  }
0x197: {  	v3 =	vand.u32 $0x7, v3;
	v4 =	vand.u32 $0xFFFFFF00, v61  }
0x198: {  	v3 =	vor.u32 v3, v4  }
0x199: {  	v4 =	vperm.xlane v3, v0;
	_ =	sdelay $0x1  }
0x19a: {  	v4 =	vadd.s32 v1, v4;
	_ =	sdelay $0x4  }
0x19b: {  	[tilespmem:s21], [sflag:$0x1] =	stream.indirect_vreg.gather [hbm4b:s3+s2], $0x80, v4, vm0, $0xb8;
	[tilespmem:$0x10080] =	vst v63  }
0x19c: {  	s1 =	simm.s32 $0x880  }
0x19d: {  	[tilespmem:s1], [sflag:$0x1] =	stream.indirect_vreg.gather [hbm4b:s4+s2], $0x80, v4, vm0, $0xb8;
	[tilespmem:$0x10080] =	vst v63  }
0x19e: {  	s1 =	simm.s32 $0x1080  }
0x19f: {  	[tilespmem:s1], [sflag:$0x1] =	stream.indirect_vreg.gather [hbm4b:s5+s2], $0x80, v4, vm0, $0xb8;
	[tilespmem:$0x10080] =	vst v63  }
0x1a0: {  	s1 =	simm.s32 $0x1880  }
0x1a1: {  	[tilespmem:s1], [sflag:$0x1] =	stream.indirect_vreg.gather [hbm4b:s6+s2], $0x80, v4, vm0, $0xb8;
	[tilespmem:$0x10080] =	vst v63  }
0x1a2: {  	s1 =	simm.s32 $0x2080  }
0x1a3: {  	[tilespmem:s1], [sflag:$0x1] =	stream.indirect_vreg.gather [hbm4b:s7+s2], $0x80, v4, vm0, $0xb8;
	[tilespmem:$0x10080] =	vst v63  }
0x1a4: {  	s1 =	simm.s32 $0x2880  }
0x1a5: {  	[tilespmem:s1], [sflag:$0x1] =	stream.indirect_vreg.gather [hbm4b:s8+s2], $0x80, v4, vm0, $0xb8;
	[tilespmem:$0x10080] =	vst v63  }
0x1a6: {  	s1 =	simm.s32 $0x3080  }
0x1a7: {  	[tilespmem:s1], [sflag:$0x1] =	stream.indirect_vreg.gather [hbm4b:s9+s2], $0x80, v4, vm0, $0xb8;
	[tilespmem:$0x10080] =	vst v63  }
0x1a8: {  	s1 =	simm.s32 $0x3880  }
0x1a9: {  	[tilespmem:s1], [sflag:$0x1] =	stream.indirect_vreg.gather [hbm4b:s10+s2], $0x80, v4, vm0, $0xb8;
	[tilespmem:$0x10080] =	vst v63  }
0x1aa: {  	s1 =	simm.s32 $0x4080  }
0x1ab: {  	[tilespmem:s1], [sflag:$0x1] =	stream.indirect_vreg.gather [hbm4b:s11+s2], $0x80, v4, vm0, $0xb8;
	[tilespmem:$0x10080] =	vst v63  }
0x1ac: {  	s1 =	simm.s32 $0x4880  }
0x1ad: {  	[tilespmem:s1], [sflag:$0x1] =	stream.indirect_vreg.gather [hbm4b:s12+s2], $0x80, v4, vm0, $0xb8;
	[tilespmem:$0x10080] =	vst v63  }
0x1ae: {  	s25 =	simm.s32 $0x5080  }
0x1af: {  	[tilespmem:s25], [sflag:$0x1] =	stream.indirect_vreg.gather [hbm4b:s13+s2], $0x80, v4, vm0, $0xb8;
	[tilespmem:$0x10080] =	vst v63  }
0x1b0: {  	s26 =	simm.s32 $0x5880  }
0x1b1: {  	[tilespmem:s26], [sflag:$0x1] =	stream.indirect_vreg.gather [hbm4b:s14+s2], $0x80, v4, vm0, $0xb8;
	[tilespmem:$0x10080] =	vst v63  }
0x1b2: {  	s1 =	simm.s32 $0x6080  }
0x1b3: {  	[tilespmem:s1], [sflag:$0x1] =	stream.indirect_vreg.gather [hbm4b:s15+s2], $0x80, v4, vm0, $0xb8;
	[tilespmem:$0x10080] =	vst v63  }
0x1b4: {  	v3 =	vperm.xlane v3, v2;
	s1 =	simm.s32 $0x6880  }
0x1b5: {  	[tilespmem:s1], [sflag:$0x1] =	stream.indirect_vreg.gather [hbm4b:s16+s2], $0x80, v4, vm0, $0xb8;
	[tilespmem:$0x10080] =	vst v63  }
0x1b6: {  	v3 =	vadd.s32 v1, v3;
	s1 =	simm.s32 $0x7080  }
0x1b7: {  	[tilespmem:s1], [sflag:$0x1] =	stream.indirect_vreg.gather [hbm4b:s17+s2], $0x80, v4, vm0, $0xb8;
	[tilespmem:$0x10080] =	vst v63  }
0x1b8: {  	s22 =	simm.s32 $0x7880  }
0x1b9: {  	[tilespmem:s22], [sflag:$0x1] =	stream.indirect_vreg.gather [hbm4b:s18+s2], $0x80, v4, vm0, $0xb8;
	[tilespmem:$0x10080] =	vst v63  }
0x1ba: {  	s23 =	simm.s32 $0x8080  }
0x1bb: {  	[tilespmem:s23], [sflag:$0x1] =	stream.indirect_vreg.gather [hbm4b:s3+s2], $0x80, v3, vm0, $0xb8;
	[tilespmem:$0x10080] =	vst v63  }
0x1bc: {  	s28 =	simm.s32 $0x8880  }
0x1bd: {  	[tilespmem:s28], [sflag:$0x1] =	stream.indirect_vreg.gather [hbm4b:s4+s2], $0x80, v3, vm0, $0xb8;
	[tilespmem:$0x10080] =	vst v63  }
0x1be: {  	s29 =	simm.s32 $0x9080  }
0x1bf: {  	[tilespmem:s29], [sflag:$0x1] =	stream.indirect_vreg.gather [hbm4b:s5+s2], $0x80, v3, vm0, $0xb8;
	[tilespmem:$0x10080] =	vst v63  }
0x1c0: {  	s30 =	simm.s32 $0x9880  }
0x1c1: {  	[tilespmem:s30], [sflag:$0x1] =	stream.indirect_vreg.gather [hbm4b:s6+s2], $0x80, v3, vm0, $0xb8;
	[tilespmem:$0x10080] =	vst v63  }
0x1c2: {  	s31 =	simm.s32 $0xA080  }
0x1c3: {  	[tilespmem:s31], [sflag:$0x1] =	stream.indirect_vreg.gather [hbm4b:s7+s2], $0x80, v3, vm0, $0xb8;
	[tilespmem:$0x10080] =	vst v63  }
0x1c4: {  	s29 =	simm.s32 $0xA880  }
0x1c5: {  	[tilespmem:s29], [sflag:$0x1] =	stream.indirect_vreg.gather [hbm4b:s8+s2], $0x80, v3, vm0, $0xb8;
	[tilespmem:$0x10080] =	vst v63  }
0x1c6: {  	s29 =	simm.s32 $0xB080  }
0x1c7: {  	[tilespmem:s29], [sflag:$0x1] =	stream.indirect_vreg.gather [hbm4b:s9+s2], $0x80, v3, vm0, $0xb8;
	[tilespmem:$0x10080] =	vst v63  }
0x1c8: {  	s29 =	simm.s32 $0xB880  }
0x1c9: {  	[tilespmem:s29], [sflag:$0x1] =	stream.indirect_vreg.gather [hbm4b:s10+s2], $0x80, v3, vm0, $0xb8;
	[tilespmem:$0x10080] =	vst v63  }
0x1ca: {  	s29 =	simm.s32 $0xC080  }
0x1cb: {  	[tilespmem:s29], [sflag:$0x1] =	stream.indirect_vreg.gather [hbm4b:s11+s2], $0x80, v3, vm0, $0xb8;
	[tilespmem:$0x10080] =	vst v63  }
0x1cc: {  	s29 =	simm.s32 $0xC880  }
0x1cd: {  	[tilespmem:s29], [sflag:$0x1] =	stream.indirect_vreg.gather [hbm4b:s12+s2], $0x80, v3, vm0, $0xb8;
	[tilespmem:$0x10080] =	vst v63  }
0x1ce: {  	s29 =	simm.s32 $0xD080  }
0x1cf: {  	[tilespmem:s29], [sflag:$0x1] =	stream.indirect_vreg.gather [hbm4b:s13+s2], $0x80, v3, vm0, $0xb8;
	[tilespmem:$0x10080] =	vst v63  }
0x1d0: {  	s29 =	simm.s32 $0xD880  }
0x1d1: {  	[tilespmem:s29], [sflag:$0x1] =	stream.indirect_vreg.gather [hbm4b:s14+s2], $0x80, v3, vm0, $0xb8;
	[tilespmem:$0x10080] =	vst v63  }
0x1d2: {  	s29 =	simm.s32 $0xE080  }
0x1d3: {  	[tilespmem:s29], [sflag:$0x1] =	stream.indirect_vreg.gather [hbm4b:s15+s2], $0x80, v3, vm0, $0xb8;
	[tilespmem:$0x10080] =	vst v63  }
0x1d4: {  	s29 =	simm.s32 $0xE880  }
0x1d5: {  	[tilespmem:s29], [sflag:$0x1] =	stream.indirect_vreg.gather [hbm4b:s16+s2], $0x80, v3, vm0, $0xb8;
	[tilespmem:$0x10080] =	vst v63  }
0x1d6: {  	s29 =	simm.s32 $0xF080  }
0x1d7: {  	[tilespmem:s29], [sflag:$0x1] =	stream.indirect_vreg.gather [hbm4b:s17+s2], $0x80, v3, vm0, $0xb8;
	[tilespmem:$0x10080] =	vst v63  }
0x1d8: {  	s24 =	simm.s32 $0xF880  }
0x1d9: {  	[tilespmem:s24], [sflag:$0x1] =	stream.indirect_vreg.gather [hbm4b:s18+s2], $0x80, v3, vm0, $0xb8;
	[tilespmem:$0x10080] =	vst v63  }
0x1da: {  	_ =	swait.ge [sflag:s0], $0x10000  }
0x1db: {  	[sflag:s0] =	ssyncset.done $0x0  }
0x1dc: {  	s29 =	rddreg [dreg:$0x9];
	[sflag:s0] =	ssyncadd.s32 $0xFFFF0000  }
0x1dd: {  	[hbm4b:s29+s2] =	stream.linear.scatter [tilespmem:s21], [sflag:$0x2], $0x10000, $0x38;
	[tilespmem:$0x10080] =	vst v63  }
0x1de: {  	_ =	swait.ge [sflag:s20], $0x10000  }
0x1df: {  	[sflag:s20] =	ssyncset.done $0x0  }
0x1e0: {  	[sflag:s20] =	ssyncadd.s32 $0xFFFF0000  }
0x1e1: {  	v3 =	vld [tilespmem:$0x60];
	_ =	sdelay $0x4  }
0x1e2: {  	v62 =	vshll.u32 v3, $0x5  }
0x1e3: {  	v3 =	vand.u32 $0x7, v3;
	v4 =	vand.u32 $0xFFFFFF00, v62  }
0x1e4: {  	v3 =	vor.u32 v3, v4  }
0x1e5: {  	v4 =	vperm.xlane v3, v0;
	_ =	sdelay $0x1  }
0x1e6: {  	v4 =	vadd.s32 v1, v4;
	_ =	sdelay $0x4  }
0x1e7: {  	[tilespmem:s21], [sflag:$0x1] =	stream.indirect_vreg.gather [hbm4b:s3+s2], $0x80, v4, vm0, $0xb8;
	[tilespmem:$0x10080] =	vst v63  }
0x1e8: {  	s24 =	simm.s32 $0x880  }
0x1e9: {  	[tilespmem:s24], [sflag:$0x1] =	stream.indirect_vreg.gather [hbm4b:s4+s2], $0x80, v4, vm0, $0xb8;
	[tilespmem:$0x10080] =	vst v63  }
0x1ea: {  	s29 =	simm.s32 $0x1080  }
0x1eb: {  	[tilespmem:s29], [sflag:$0x1] =	stream.indirect_vreg.gather [hbm4b:s5+s2], $0x80, v4, vm0, $0xb8;
	[tilespmem:$0x10080] =	vst v63  }
0x1ec: {  	s24 =	simm.s32 $0x1880  }
0x1ed: {  	[tilespmem:s24], [sflag:$0x1] =	stream.indirect_vreg.gather [hbm4b:s6+s2], $0x80, v4, vm0, $0xb8;
	[tilespmem:$0x10080] =	vst v63  }
0x1ee: {  	s29 =	simm.s32 $0x2080  }
0x1ef: {  	[tilespmem:s29], [sflag:$0x1] =	stream.indirect_vreg.gather [hbm4b:s7+s2], $0x80, v4, vm0, $0xb8;
	[tilespmem:$0x10080] =	vst v63  }
0x1f0: {  	s24 =	simm.s32 $0x2880  }
0x1f1: {  	[tilespmem:s24], [sflag:$0x1] =	stream.indirect_vreg.gather [hbm4b:s8+s2], $0x80, v4, vm0, $0xb8;
	[tilespmem:$0x10080] =	vst v63  }
0x1f2: {  	s29 =	simm.s32 $0x3080  }
0x1f3: {  	[tilespmem:s29], [sflag:$0x1] =	stream.indirect_vreg.gather [hbm4b:s9+s2], $0x80, v4, vm0, $0xb8;
	[tilespmem:$0x10080] =	vst v63  }
0x1f4: {  	s24 =	simm.s32 $0x3880  }
0x1f5: {  	[tilespmem:s24], [sflag:$0x1] =	stream.indirect_vreg.gather [hbm4b:s10+s2], $0x80, v4, vm0, $0xb8;
	[tilespmem:$0x10080] =	vst v63  }
0x1f6: {  	s29 =	simm.s32 $0x4080  }
0x1f7: {  	[tilespmem:s29], [sflag:$0x1] =	stream.indirect_vreg.gather [hbm4b:s11+s2], $0x80, v4, vm0, $0xb8;
	[tilespmem:$0x10080] =	vst v63  }
0x1f8: {  	s24 =	simm.s32 $0x4880  }
0x1f9: {  	[tilespmem:s24], [sflag:$0x1] =	stream.indirect_vreg.gather [hbm4b:s12+s2], $0x80, v4, vm0, $0xb8;
	[tilespmem:$0x10080] =	vst v63  }
0x1fa: {  	s25 =	simm.s32 $0x5080  }
0x1fb: {  	[tilespmem:s25], [sflag:$0x1] =	stream.indirect_vreg.gather [hbm4b:s13+s2], $0x80, v4, vm0, $0xb8;
	[tilespmem:$0x10080] =	vst v63  }
0x1fc: {  	s26 =	simm.s32 $0x5880  }
0x1fd: {  	[tilespmem:s26], [sflag:$0x1] =	stream.indirect_vreg.gather [hbm4b:s14+s2], $0x80, v4, vm0, $0xb8;
	[tilespmem:$0x10080] =	vst v63  }
0x1fe: {  	s26 =	simm.s32 $0x6080  }
0x1ff: {  	[tilespmem:s26], [sflag:$0x1] =	stream.indirect_vreg.gather [hbm4b:s15+s2], $0x80, v4, vm0, $0xb8;
	[tilespmem:$0x10080] =	vst v63  }
0x200: {  	v3 =	vperm.xlane v3, v2;
	s29 =	simm.s32 $0x6880  }
0x201: {  	[tilespmem:s29], [sflag:$0x1] =	stream.indirect_vreg.gather [hbm4b:s16+s2], $0x80, v4, vm0, $0xb8;
	[tilespmem:$0x10080] =	vst v63  }
0x202: {  	v3 =	vadd.s32 v1, v3;
	s26 =	simm.s32 $0x7080  }
0x203: {  	[tilespmem:s26], [sflag:$0x1] =	stream.indirect_vreg.gather [hbm4b:s17+s2], $0x80, v4, vm0, $0xb8;
	[tilespmem:$0x10080] =	vst v63  }
0x204: {  	s22 =	simm.s32 $0x7880  }
0x205: {  	[tilespmem:s22], [sflag:$0x1] =	stream.indirect_vreg.gather [hbm4b:s18+s2], $0x80, v4, vm0, $0xb8;
	[tilespmem:$0x10080] =	vst v63  }
0x206: {  	s23 =	simm.s32 $0x8080  }
0x207: {  	[tilespmem:s23], [sflag:$0x1] =	stream.indirect_vreg.gather [hbm4b:s3+s2], $0x80, v3, vm0, $0xb8;
	[tilespmem:$0x10080] =	vst v63  }
0x208: {  	s28 =	simm.s32 $0x8880  }
0x209: {  	[tilespmem:s28], [sflag:$0x1] =	stream.indirect_vreg.gather [hbm4b:s4+s2], $0x80, v3, vm0, $0xb8;
	[tilespmem:$0x10080] =	vst v63  }
0x20a: {  	s28 =	simm.s32 $0x9080  }
0x20b: {  	[tilespmem:s28], [sflag:$0x1] =	stream.indirect_vreg.gather [hbm4b:s5+s2], $0x80, v3, vm0, $0xb8;
	[tilespmem:$0x10080] =	vst v63  }
0x20c: {  	s30 =	simm.s32 $0x9880  }
0x20d: {  	[tilespmem:s30], [sflag:$0x1] =	stream.indirect_vreg.gather [hbm4b:s6+s2], $0x80, v3, vm0, $0xb8;
	[tilespmem:$0x10080] =	vst v63  }
0x20e: {  	s31 =	simm.s32 $0xA080  }
0x20f: {  	[tilespmem:s31], [sflag:$0x1] =	stream.indirect_vreg.gather [hbm4b:s7+s2], $0x80, v3, vm0, $0xb8;
	[tilespmem:$0x10080] =	vst v63  }
0x210: {  	s1 =	simm.s32 $0xA880  }
0x211: {  	[tilespmem:s1], [sflag:$0x1] =	stream.indirect_vreg.gather [hbm4b:s8+s2], $0x80, v3, vm0, $0xb8;
	[tilespmem:$0x10080] =	vst v63  }
0x212: {  	s1 =	simm.s32 $0xB080  }
0x213: {  	[tilespmem:s1], [sflag:$0x1] =	stream.indirect_vreg.gather [hbm4b:s9+s2], $0x80, v3, vm0, $0xb8;
	[tilespmem:$0x10080] =	vst v63  }
0x214: {  	s1 =	simm.s32 $0xB880  }
0x215: {  	[tilespmem:s1], [sflag:$0x1] =	stream.indirect_vreg.gather [hbm4b:s10+s2], $0x80, v3, vm0, $0xb8;
	[tilespmem:$0x10080] =	vst v63  }
0x216: {  	s1 =	simm.s32 $0xC080  }
0x217: {  	[tilespmem:s1], [sflag:$0x1] =	stream.indirect_vreg.gather [hbm4b:s11+s2], $0x80, v3, vm0, $0xb8;
	[tilespmem:$0x10080] =	vst v63  }
0x218: {  	s1 =	simm.s32 $0xC880  }
0x219: {  	[tilespmem:s1], [sflag:$0x1] =	stream.indirect_vreg.gather [hbm4b:s12+s2], $0x80, v3, vm0, $0xb8;
	[tilespmem:$0x10080] =	vst v63  }
0x21a: {  	s1 =	simm.s32 $0xD080  }
0x21b: {  	[tilespmem:s1], [sflag:$0x1] =	stream.indirect_vreg.gather [hbm4b:s13+s2], $0x80, v3, vm0, $0xb8;
	[tilespmem:$0x10080] =	vst v63  }
0x21c: {  	s1 =	simm.s32 $0xD880  }
0x21d: {  	[tilespmem:s1], [sflag:$0x1] =	stream.indirect_vreg.gather [hbm4b:s14+s2], $0x80, v3, vm0, $0xb8;
	[tilespmem:$0x10080] =	vst v63  }
0x21e: {  	s1 =	simm.s32 $0xE080  }
0x21f: {  	[tilespmem:s1], [sflag:$0x1] =	stream.indirect_vreg.gather [hbm4b:s15+s2], $0x80, v3, vm0, $0xb8;
	[tilespmem:$0x10080] =	vst v63  }
0x220: {  	s1 =	simm.s32 $0xE880  }
0x221: {  	[tilespmem:s1], [sflag:$0x1] =	stream.indirect_vreg.gather [hbm4b:s16+s2], $0x80, v3, vm0, $0xb8;
	[tilespmem:$0x10080] =	vst v63  }
0x222: {  	s1 =	simm.s32 $0xF080  }
0x223: {  	[tilespmem:s1], [sflag:$0x1] =	stream.indirect_vreg.gather [hbm4b:s17+s2], $0x80, v3, vm0, $0xb8;
	[tilespmem:$0x10080] =	vst v63  }
0x224: {  	s1 =	simm.s32 $0xF880  }
0x225: {  	[tilespmem:s1], [sflag:$0x1] =	stream.indirect_vreg.gather [hbm4b:s18+s2], $0x80, v3, vm0, $0xb8;
	[tilespmem:$0x10080] =	vst v63  }
0x226: {  	_ =	swait.ge [sflag:s0], $0x10000  }
0x227: {  	[sflag:s0] =	ssyncset.done $0x0  }
0x228: {  	s1 =	rddreg [dreg:$0xa];
	[sflag:s0] =	ssyncadd.s32 $0xFFFF0000  }
0x229: {  	[hbm4b:s1+s2] =	stream.linear.scatter [tilespmem:s21], [sflag:$0x2], $0x10000, $0x38;
	[tilespmem:$0x10080] =	vst v63  }
0x22a: {  	_ =	swait.ge [sflag:s20], $0x10000  }
0x22b: {  	[sflag:s20] =	ssyncset.done $0x0  }
0x22c: {  	[sflag:s20] =	ssyncadd.s32 $0xFFFF0000  }
0x22d: {  	v3 =	vld [tilespmem:$0x70];
	_ =	sdelay $0x4  }
0x22e: {  	v63 =	vshll.u32 v3, $0x5  }
0x22f: {  	v3 =	vand.u32 $0x7, v3;
	v4 =	vand.u32 $0xFFFFFF00, v63  }
0x230: {  	v3 =	vor.u32 v3, v4  }
0x231: {  	v4 =	vperm.xlane v3, v0;
	_ =	sdelay $0x1  }
0x232: {  	v4 =	vadd.s32 v1, v4;
	_ =	sdelay $0x4  }
0x233: {  	[tilespmem:s21], [sflag:$0x1] =	stream.indirect_vreg.gather [hbm4b:s3+s2], $0x80, v4, vm0, $0xb8;
	[tilespmem:$0x10080] =	vst v63  }
0x234: {  	s1 =	simm.s32 $0x880  }
0x235: {  	[tilespmem:s1], [sflag:$0x1] =	stream.indirect_vreg.gather [hbm4b:s4+s2], $0x80, v4, vm0, $0xb8;
	[tilespmem:$0x10080] =	vst v63  }
0x236: {  	s1 =	simm.s32 $0x1080  }
0x237: {  	[tilespmem:s1], [sflag:$0x1] =	stream.indirect_vreg.gather [hbm4b:s5+s2], $0x80, v4, vm0, $0xb8;
	[tilespmem:$0x10080] =	vst v63  }
0x238: {  	s1 =	simm.s32 $0x1880  }
0x239: {  	[tilespmem:s1], [sflag:$0x1] =	stream.indirect_vreg.gather [hbm4b:s6+s2], $0x80, v4, vm0, $0xb8;
	[tilespmem:$0x10080] =	vst v63  }
0x23a: {  	s1 =	simm.s32 $0x2080  }
0x23b: {  	[tilespmem:s1], [sflag:$0x1] =	stream.indirect_vreg.gather [hbm4b:s7+s2], $0x80, v4, vm0, $0xb8;
	[tilespmem:$0x10080] =	vst v63  }
0x23c: {  	s1 =	simm.s32 $0x2880  }
0x23d: {  	[tilespmem:s1], [sflag:$0x1] =	stream.indirect_vreg.gather [hbm4b:s8+s2], $0x80, v4, vm0, $0xb8;
	[tilespmem:$0x10080] =	vst v63  }
0x23e: {  	s1 =	simm.s32 $0x3080  }
0x23f: {  	[tilespmem:s1], [sflag:$0x1] =	stream.indirect_vreg.gather [hbm4b:s9+s2], $0x80, v4, vm0, $0xb8;
	[tilespmem:$0x10080] =	vst v63  }
0x240: {  	s1 =	simm.s32 $0x3880  }
0x241: {  	[tilespmem:s1], [sflag:$0x1] =	stream.indirect_vreg.gather [hbm4b:s10+s2], $0x80, v4, vm0, $0xb8;
	[tilespmem:$0x10080] =	vst v63  }
0x242: {  	s1 =	simm.s32 $0x4080  }
0x243: {  	[tilespmem:s1], [sflag:$0x1] =	stream.indirect_vreg.gather [hbm4b:s11+s2], $0x80, v4, vm0, $0xb8;
	[tilespmem:$0x10080] =	vst v63  }
0x244: {  	s1 =	simm.s32 $0x4880  }
0x245: {  	[tilespmem:s1], [sflag:$0x1] =	stream.indirect_vreg.gather [hbm4b:s12+s2], $0x80, v4, vm0, $0xb8;
	[tilespmem:$0x10080] =	vst v63  }
0x246: {  	s24 =	simm.s32 $0x5080  }
0x247: {  	[tilespmem:s24], [sflag:$0x1] =	stream.indirect_vreg.gather [hbm4b:s13+s2], $0x80, v4, vm0, $0xb8;
	[tilespmem:$0x10080] =	vst v63  }
0x248: {  	s25 =	simm.s32 $0x5880  }
0x249: {  	[tilespmem:s25], [sflag:$0x1] =	stream.indirect_vreg.gather [hbm4b:s14+s2], $0x80, v4, vm0, $0xb8;
	[tilespmem:$0x10080] =	vst v63  }
0x24a: {  	s24 =	simm.s32 $0x6080  }
0x24b: {  	[tilespmem:s24], [sflag:$0x1] =	stream.indirect_vreg.gather [hbm4b:s15+s2], $0x80, v4, vm0, $0xb8;
	[tilespmem:$0x10080] =	vst v63  }
0x24c: {  	v3 =	vperm.xlane v3, v2;
	s25 =	simm.s32 $0x6880  }
0x24d: {  	[tilespmem:s25], [sflag:$0x1] =	stream.indirect_vreg.gather [hbm4b:s16+s2], $0x80, v4, vm0, $0xb8;
	[tilespmem:$0x10080] =	vst v63  }
0x24e: {  	s29 =	simm.s32 $0x7080;
	v3 =	vadd.s32 v1, v3  }
0x24f: {  	[tilespmem:s29], [sflag:$0x1] =	stream.indirect_vreg.gather [hbm4b:s17+s2], $0x80, v4, vm0, $0xb8;
	[tilespmem:$0x10080] =	vst v63  }
0x250: {  	s22 =	simm.s32 $0x7880  }
0x251: {  	[tilespmem:s22], [sflag:$0x1] =	stream.indirect_vreg.gather [hbm4b:s18+s2], $0x80, v4, vm0, $0xb8;
	[tilespmem:$0x10080] =	vst v63  }
0x252: {  	s23 =	simm.s32 $0x8080  }
0x253: {  	[tilespmem:s23], [sflag:$0x1] =	stream.indirect_vreg.gather [hbm4b:s3+s2], $0x80, v3, vm0, $0xb8;
	[tilespmem:$0x10080] =	vst v63  }
0x254: {  	s26 =	simm.s32 $0x8880  }
0x255: {  	[tilespmem:s26], [sflag:$0x1] =	stream.indirect_vreg.gather [hbm4b:s4+s2], $0x80, v3, vm0, $0xb8;
	[tilespmem:$0x10080] =	vst v63  }
0x256: {  	s28 =	simm.s32 $0x9080  }
0x257: {  	[tilespmem:s28], [sflag:$0x1] =	stream.indirect_vreg.gather [hbm4b:s5+s2], $0x80, v3, vm0, $0xb8;
	[tilespmem:$0x10080] =	vst v63  }
0x258: {  	s30 =	simm.s32 $0x9880  }
0x259: {  	[tilespmem:s30], [sflag:$0x1] =	stream.indirect_vreg.gather [hbm4b:s6+s2], $0x80, v3, vm0, $0xb8;
	[tilespmem:$0x10080] =	vst v63  }
0x25a: {  	s31 =	simm.s32 $0xA080  }
0x25b: {  	[tilespmem:s31], [sflag:$0x1] =	stream.indirect_vreg.gather [hbm4b:s7+s2], $0x80, v3, vm0, $0xb8;
	[tilespmem:$0x10080] =	vst v63  }
0x25c: {  	s29 =	simm.s32 $0xA880  }
0x25d: {  	[tilespmem:s29], [sflag:$0x1] =	stream.indirect_vreg.gather [hbm4b:s8+s2], $0x80, v3, vm0, $0xb8;
	[tilespmem:$0x10080] =	vst v63  }
0x25e: {  	s30 =	simm.s32 $0xB080  }
0x25f: {  	[tilespmem:s30], [sflag:$0x1] =	stream.indirect_vreg.gather [hbm4b:s9+s2], $0x80, v3, vm0, $0xb8;
	[tilespmem:$0x10080] =	vst v63  }
0x260: {  	s31 =	simm.s32 $0xB880  }
0x261: {  	[tilespmem:s31], [sflag:$0x1] =	stream.indirect_vreg.gather [hbm4b:s10+s2], $0x80, v3, vm0, $0xb8;
	[tilespmem:$0x10080] =	vst v63  }
0x262: {  	s22 =	simm.s32 $0xC080  }
0x263: {  	[tilespmem:s22], [sflag:$0x1] =	stream.indirect_vreg.gather [hbm4b:s11+s2], $0x80, v3, vm0, $0xb8;
	[tilespmem:$0x10080] =	vst v63  }
0x264: {  	s23 =	simm.s32 $0xC880  }
0x265: {  	[tilespmem:s23], [sflag:$0x1] =	stream.indirect_vreg.gather [hbm4b:s12+s2], $0x80, v3, vm0, $0xb8;
	[tilespmem:$0x10080] =	vst v63  }
0x266: {  	s24 =	simm.s32 $0xD080  }
0x267: {  	[tilespmem:s24], [sflag:$0x1] =	stream.indirect_vreg.gather [hbm4b:s13+s2], $0x80, v3, vm0, $0xb8;
	[tilespmem:$0x10080] =	vst v63  }
0x268: {  	s25 =	simm.s32 $0xD880  }
0x269: {  	[tilespmem:s25], [sflag:$0x1] =	stream.indirect_vreg.gather [hbm4b:s14+s2], $0x80, v3, vm0, $0xb8;
	[tilespmem:$0x10080] =	vst v63  }
0x26a: {  	s26 =	simm.s32 $0xE080  }
0x26b: {  	[tilespmem:s26], [sflag:$0x1] =	stream.indirect_vreg.gather [hbm4b:s15+s2], $0x80, v3, vm0, $0xb8;
	[tilespmem:$0x10080] =	vst v63  }
0x26c: {  	s28 =	simm.s32 $0xE880  }
0x26d: {  	[tilespmem:s28], [sflag:$0x1] =	stream.indirect_vreg.gather [hbm4b:s16+s2], $0x80, v3, vm0, $0xb8;
	[tilespmem:$0x10080] =	vst v63  }
0x26e: {  	s29 =	simm.s32 $0xF080  }
0x26f: {  	[tilespmem:s29], [sflag:$0x1] =	stream.indirect_vreg.gather [hbm4b:s17+s2], $0x80, v3, vm0, $0xb8;
	[tilespmem:$0x10080] =	vst v63  }
0x270: {  	s30 =	simm.s32 $0xF880  }
0x271: {  	[tilespmem:s30], [sflag:$0x1] =	stream.indirect_vreg.gather [hbm4b:s18+s2], $0x80, v3, vm0, $0xb8;
	[tilespmem:$0x10080] =	vst v63  }
0x272: {  	_ =	swait.ge [sflag:s0], $0x10000  }
0x273: {  	p0 =	sne.s32 s19, $0x1;
	[sflag:s0] =	ssyncset.done $0x0  }
.Ltmp0:
0x274: {  	s31 =	rddreg [dreg:$0xb];
	[sflag:s0] =	ssyncadd.s32 $0xFFFF0000;
	(pc) =	sbr.rel @p0 .LBB2_1-.Ltmp0, $4  }
0x275: {  	[hbm4b:s31+s2] =	stream.linear.scatter [tilespmem:s21], [sflag:$0x2], $0x10000, $0x38;
	[tilespmem:$0x10080] =	vst v63  }
0x276: {  	_ =	swait.ge [sflag:s20], $0x10000  }
0x277: {  	[sflag:s20] =	ssyncset.done $0x0  }
0x278: {  	s19 =	sadd.s32 $0xFFFFFFFF, s19;
	[sflag:s20] =	ssyncadd.s32 $0xFFFF0000  }
0x279: {  	_ =	sfence.sel $0x180000  }
0x27a: {  	[bflag:$0x0] =	sbarrier.arrive $0xFFFF  }
0x27b: {  	_ =	strace $0x90000047  }
0x27c: {  	s0 =	stileid.u32;
	[bflag:$0x2] =	sbarrier.arrive $0xFFFF  }
0x27d: {  	p0 =	sne.s32 s0, $0x0;
	s0 =	rddreg [dreg:$0x2]  }
0x27e: {  	s0 =	sadd.s32 @!p0 $0x100000, s0  }
0x27f: {  	[sflag:s0] =	ssyncadd.tile.s32 @!p0 $0x1;
	_ =	shalt  }
.Lfunc_end2:
_tile_overlayer_lowered:
.L_overlay_start_2:
0x280: {  	(tag) =	ssettag $0x2  }
0x281: {  	s0 =	rddreg [dreg:$0x0];
	s2 =	stileid.u32  }
0x282: {  	s1 =	rddreg [dreg:$0x1];
	p0 =	sne.s32 s2, $0x0  }
0x283: {  	s3 =	rddreg [dreg:$0x2];
	[bflag:$0x3] =	sbarrier.arrive $0xFFFF;
	s2 =	simm.s32 @!p0 $0x1C02  }
0x284: {  	[timem:s3], [sflag:s2] =	dma.local @!p0 [hbm:s0], s1  }
0x285: {  	s0 =	simm.s32 @!p0 $0x2  }
0x286: {  	_ =	swait.ge @!p0 [sflag:s0], s1  }
0x287: {  	s1 =	ssub.s32 @!p0 $0x0, s1;
	[sflag:s0] =	ssyncset.done @!p0 $0x0  }
0x288: {  	[sflag:s0] =	ssyncadd.s32 @!p0 s1  }
0x289: {  	[bflag:$0x3] =	sbarrier.arrive $0xFFFF  }
0x28a: {  	_ =	shalt  }

</sc_bundles>
